<compile_context>
chip_gen: v7x
topology: tpu7x:2x2x1
jax: 0.10.2.dev20260603
libtpu: 0.0.44.dev20260713+nightly
codegen_flags: <defaults>
</compile_context>

<pallas_src>
import jax
import jax.numpy as jnp
from jax import lax
from jax.experimental import pallas as pl
from jax.experimental.pallas import tpu as pltpu
from jax.experimental.pallas import tpu_sc as plsc

N = 10000
E = 320000
D = 128
NC = 2
NS = 16
NW = NC * NS
CHUNK = 128
GRP = 8
NGRP = 10
NPAIR = NGRP // 2
NCHUNK = NGRP * GRP
EP = NW * NCHUNK * CHUNK
N2 = 10240
RPT = N2 // NS

_mesh = plsc.VectorSubcoreMesh(core_axis_name="c", subcore_axis_name="s")


def _fill(ref, row):
    def fr(i, _):
        for j in range(D // 16):
            ref[i, pl.ds(j * 16, 16)] = row
        return 0
    lax.fori_loop(0, CHUNK, fr, 0)


def _sc_agg(with_deg):
    out_type = [jax.ShapeDtypeStruct((NC, N2, D), jnp.float32)]
    if with_deg:
        out_type.append(jax.ShapeDtypeStruct((NC, N2, D), jnp.float32))
    scratch = [
        pltpu.VMEM((GRP, 2, CHUNK), jnp.int32),
        pltpu.VMEM((GRP, 2, CHUNK), jnp.int32),
        pltpu.VMEM((CHUNK, D), jnp.float32),
        pltpu.VMEM((CHUNK, D), jnp.float32),
        pltpu.VMEM_SHARED((N2, D), jnp.float32),
        pltpu.SemaphoreType.DMA,
        pltpu.SemaphoreType.DMA,
        pltpu.SemaphoreType.DMA,
        pltpu.SemaphoreType.DMA,
    ]

    def body(xp, eidx, *rest):
        if with_deg:
            acc_out, deg_out, idxA, idxB, buf0, buf1, acc_sh, siA, siB, sg0, sg1 = rest
        else:
            acc_out, idxA, idxB, buf0, buf1, acc_sh, siA, siB, sg0, sg1 = rest
        cid = lax.axis_index("c")
        sid = lax.axis_index("s")
        wid = cid * NS + sid
        bufs = (buf0, buf1)
        sgs = (sg0, sg1)
        idxs = (idxA, idxB)
        sis = (siA, siB)

        def load_idx_async(g, which):
            pltpu.async_copy(eidx.at[wid, g], idxs[which], sis[which])

        def wait_idx(which):
            pltpu.make_async_copy(eidx.at[wid, 0], idxs[which], sis[which]).wait()

        def gather(ia, mi, p):
            pltpu.async_copy(xp.at[ia.at[mi, 0]], bufs[p], sgs[p])

        def wait_gather(ia, mi, p):
            pltpu.make_async_copy(xp.at[ia.at[mi, 0]], bufs[p], sgs[p]).wait()

        def zero_acc():
            _fill(buf0, jnp.zeros((16,), jnp.float32))
            for k in range(RPT // CHUNK):
                pltpu.sync_copy(buf0, acc_sh.at[pl.ds(sid * RPT + k * CHUNK, CHUNK)])
            plsc.subcore_barrier()

        def export(out):
            plsc.subcore_barrier()
            pltpu.sync_copy(acc_sh.at[pl.ds(sid * RPT, RPT)],
                            out.at[cid, pl.ds(sid * RPT, RPT)])

        zero_acc()
        pltpu.sync_copy(eidx.at[wid, 0], idxA)
        load_idx_async(1, 1)
        gather(idxA, 0, 0)
        gather(idxA, 1, 1)

        def pair(gg, _):
            g0 = 2 * gg
            for m in range(2 * GRP):
                p = m & 1
                ia, mi = (idxA, m) if m < GRP else (idxB, m - GRP)
                wait_gather(ia, mi, p)
                pltpu.sync_copy(bufs[p], acc_sh.at[ia.at[mi, 1]], add=True)
                if m == GRP - 2:
                    wait_idx(1)
                if m == GRP - 1:
                    @pl.when(gg < NPAIR - 1)
                    def _():
                        load_idx_async(g0 + 2, 0)
                m2 = m + 2
                if m2 < GRP:
                    gather(idxA, m2, p)
                elif m2 < 2 * GRP:
                    gather(idxB, m2 - GRP, p)
                elif m2 == 2 * GRP:
                    @pl.when(gg < NPAIR - 1)
                    def _():
                        wait_idx(0)
                        gather(idxA, 0, p)
                else:
                    @pl.when(gg < NPAIR - 1)
                    def _():
                        gather(idxA, 1, p)
                        load_idx_async(g0 + 3, 1)
            return 0
        lax.fori_loop(0, NPAIR, pair, 0)
        export(acc_out)

        if with_deg:
            zero_acc()
            _fill(buf0, jnp.ones((16,), jnp.float32))
            pltpu.sync_copy(eidx.at[wid, 0], idxA)
            load_idx_async(1, 1)

            def dpair(gg, _):
                g0 = 2 * gg
                for m in range(2 * GRP):
                    ia, mi = (idxA, m) if m < GRP else (idxB, m - GRP)
                    pltpu.sync_copy(buf0, acc_sh.at[ia.at[mi, 1]], add=True)
                    if m == GRP - 1:
                        wait_idx(1)
                        @pl.when(gg < NPAIR - 1)
                        def _():
                            load_idx_async(g0 + 2, 0)
                    if m == 2 * GRP - 1:
                        @pl.when(gg < NPAIR - 1)
                        def _():
                            load_idx_async(g0 + 3, 1)
                            wait_idx(0)
                return 0
            lax.fori_loop(0, NPAIR, dpair, 0)
            export(deg_out)

    return pl.kernel(body, out_type=out_type, mesh=_mesh,
                     scratch_types=scratch)


_sc_agg_deg = _sc_agg(True)
_sc_agg_only = _sc_agg(False)

_TC_R = 1280


def _tc_body(a_ref, dg_ref, x_ref, wl_ref, wr_ref, b_ref, o_ref):
    agg = a_ref[0] + a_ref[1]
    deg = dg_ref[0] + dg_ref[1]
    mean = agg / jnp.maximum(deg, 1.0)
    o_ref[...] = jnp.maximum(
        jnp.dot(mean, wl_ref[...], preferred_element_type=jnp.float32)
        + jnp.dot(x_ref[...], wr_ref[...], preferred_element_type=jnp.float32)
        + b_ref[...], 0.0)


def _tc_layer(a, dg, xp, wl, wr, b2d):
    return pl.pallas_call(
        _tc_body,
        grid=(N2 // _TC_R,),
        in_specs=[
            pl.BlockSpec((NC, _TC_R, D), lambda i: (0, i, 0)),
            pl.BlockSpec((NC, _TC_R, D), lambda i: (0, i, 0)),
            pl.BlockSpec((_TC_R, D), lambda i: (i, 0)),
            pl.BlockSpec((D, D), lambda i: (0, 0)),
            pl.BlockSpec((D, D), lambda i: (0, 0)),
            pl.BlockSpec((1, D), lambda i: (0, 0)),
        ],
        out_specs=pl.BlockSpec((_TC_R, D), lambda i: (i, 0)),
        out_shape=jax.ShapeDtypeStruct((N2, D), jnp.float32),
    )(a, dg, xp, wl, wr, b2d)


def kernel(x, edge_index, W_l1, W_r1, b1, W_l2, W_r2, b2):
    src = edge_index[0].astype(jnp.int32)
    dst = edge_index[1].astype(jnp.int32)
    npad = EP - E
    pad_src = (jnp.arange(npad, dtype=jnp.int32) * 97) % N
    pad_dst = N + (jnp.arange(npad, dtype=jnp.int32) % NW)
    srcp = jnp.concatenate([src, pad_src]).reshape(NW, NGRP, GRP, CHUNK)
    dstp = jnp.concatenate([dst, pad_dst]).reshape(NW, NGRP, GRP, CHUNK)
    eidx = jnp.stack([srcp, dstp], axis=3)
    xp = jnp.zeros((N2, D), jnp.float32).at[:N].set(x)

    a1, deg = _sc_agg_deg(xp, eidx)
    h = _tc_layer(a1, deg, xp, W_l1, W_r1, b1.reshape(1, D))
    (a2,) = _sc_agg_only(h, eidx)
    out = _tc_layer(a2, deg, h, W_l2, W_r2, b2.reshape(1, D))
    return out[:N]

# --- scband reference (transcript-rebuilt; emitter-appended) ---
"""Pipeline reference for scband-heterogeneous-graph-sage-78752520339773 (READ-ONLY COPY).

The authoritative reference and input builder live on the scoring server;
editing this copy changes nothing except your own understanding.
"""

import jax, jax.numpy as jnp
import numpy as np

N_NODES = 10000
N_EDGES = 320000
D = 128


def setup_inputs(seed: int = 0) -> dict:
    key = jax.random.key(seed)
    ks = jax.random.split(key, 8)
    x = jax.random.normal(ks[0], (N_NODES, D), dtype=jnp.float32)
    edge_index = jax.random.randint(ks[1], (2, N_EDGES), 0, N_NODES, dtype=jnp.int64)
    s = 1.0 / np.sqrt(D)
    W_l1 = jax.random.uniform(ks[2], (D, D), jnp.float32, -s, s)
    W_r1 = jax.random.uniform(ks[3], (D, D), jnp.float32, -s, s)
    b1 = jnp.zeros((D,), jnp.float32)
    W_l2 = jax.random.uniform(ks[4], (D, D), jnp.float32, -s, s)
    W_r2 = jax.random.uniform(ks[5], (D, D), jnp.float32, -s, s)
    b2 = jnp.zeros((D,), jnp.float32)
    return {"x": x, "edge_index": edge_index, "W_l1": W_l1, "W_r1": W_r1, "b1": b1, "W_l2": W_l2, "W_r2": W_r2, "b2": b2}


def _sage_layer(x, src, dst, W_l, W_r, b):
    # SAGEConv with mean aggregation: out = mean_agg(x[src] -> dst) @ W_l + x @ W_r + b
    msgs = jnp.take(x, src, axis=0)
    agg = jax.ops.segment_sum(msgs, dst, num_segments=N_NODES)
    deg = jax.ops.segment_sum(jnp.ones((src.shape[0], 1), x.dtype), dst, num_segments=N_NODES)
    mean = agg / jnp.clip(deg, 1.0)
    return mean @ W_l + x @ W_r + b


def reference(x, edge_index, W_l1, W_r1, b1, W_l2, W_r2, b2):
    src, dst = edge_index[0], edge_index[1]
    # layer 1 + relu (dropout is identity in eval mode)
    h = jax.nn.relu(_sage_layer(x, src, dst, W_l1, W_r1, b1))
    # layer 2 + relu
    out = jax.nn.relu(_sage_layer(h, src, dst, W_l2, W_r2, b2))
    return out

if __name__ == "__main__":
    import jax
    _d = setup_inputs()
    print(jax.jit(kernel)(*tuple(_d.values())))

</pallas_src>

<mosaic_0001>
#map = affine_map<(d0, d1) -> (0, 0)>
#map1 = affine_map<(d0, d1) -> (0, 0, 0, 0, 0)>
#map2 = affine_map<(d0, d1) -> (0, 0, 0)>
module attributes {stable_mosaic.version = 14 : i64} {
  func.func @body(%arg0: i32, %arg1: i32, %arg2: memref<10240x128xf32, #tpu.memory_space<hbm>>, %arg3: memref<32x10x8x2x128xi32, #tpu.memory_space<hbm>>, %arg4: memref<2x10240x128xf32, #tpu.memory_space<hbm>>, %arg5: memref<2x10240x128xf32, #tpu.memory_space<hbm>>, %arg6: memref<8x2x128xi32, #tpu.memory_space<vmem>>, %arg7: memref<8x2x128xi32, #tpu.memory_space<vmem>>, %arg8: memref<128x128xf32, #tpu.memory_space<vmem>>, %arg9: memref<128x128xf32, #tpu.memory_space<vmem>>, %arg10: memref<10240x128xf32, #tpu.memory_space<vmem_shared>>, %arg11: memref<!tpu.dma_semaphore, #tpu.memory_space<semaphore_mem>>, %arg12: memref<!tpu.dma_semaphore, #tpu.memory_space<semaphore_mem>>, %arg13: memref<!tpu.dma_semaphore, #tpu.memory_space<semaphore_mem>>, %arg14: memref<!tpu.dma_semaphore, #tpu.memory_space<semaphore_mem>>) attributes {dimension_semantics = [#tpu.dimension_semantics<core_parallel>, #tpu.dimension_semantics<subcore_parallel>], iteration_bounds = array<i64: 2, 16>, scalar_prefetch = 0 : i64, scratch_operands = 9 : i64, tpu.core_type = #tpu.core_type<sc_vector_subcore>, window_params = [{transform_indices = #map}, {transform_indices = #map1}, {transform_indices = #map2}, {transform_indices = #map2}]} {
    %mul3A = arith.constant 16 : i32
    %mul3A_0 = arith.muli %arg0, %mul3A : i32
    %add3A = arith.addi %mul3A_0, %arg1 : i32
    %broadcast_in_dim3A = arith.constant 0.000000e+00 : f32
    %broadcast_in_dim3A_1 = vector.broadcast %broadcast_in_dim3A : f32 to vector<16xf32>
    %scan3A = arith.constant 0 : i32
    %scan3A_2 = arith.constant 0 : i32
    %scan3A_3 = arith.constant 128 : i32
    %scan3A_4 = arith.addi %scan3A_2, %scan3A_3 : i32
    %scan3A_5 = arith.constant 1 : i32
    %scan3A_6 = scf.for %scan3A_129 = %scan3A_2 to %scan3A_4 step %scan3A_5 iter_args(%scan3A_130 = %scan3A) -> (i32)  : i32 {
      %swap3A = arith.index_cast %scan3A_129 : i32 to index
      %swap3A_131 = arith.constant 0 : index
      %swap3A_132 = tpu.vector_load %arg8[%swap3A, %swap3A_131] {strides = array<i32>} : memref<128x128xf32, #tpu.memory_space<vmem>>, vector<1x16xf32>,
      %swap3A_133 = vector.shape_cast %swap3A_132 : vector<1x16xf32> to vector<16xf32>
      %swap3A_134 = vector.shape_cast %broadcast_in_dim3A_1 : vector<16xf32> to vector<1x16xf32>
      tpu.vector_store %arg8[%swap3A, %swap3A_131], %swap3A_134 {strides = array<i32>} : memref<128x128xf32, #tpu.memory_space<vmem>>, vector<1x16xf32>,
      %swap3A_135 = arith.index_cast %scan3A_129 : i32 to index
      %swap3A_136 = arith.constant 16 : index
      %swap3A_137 = tpu.vector_load %arg8[%swap3A_135, %swap3A_136] {strides = array<i32>} : memref<128x128xf32, #tpu.memory_space<vmem>>, vector<1x16xf32>,
      %swap3A_138 = vector.shape_cast %swap3A_137 : vector<1x16xf32> to vector<16xf32>
      %swap3A_139 = vector.shape_cast %broadcast_in_dim3A_1 : vector<16xf32> to vector<1x16xf32>
      tpu.vector_store %arg8[%swap3A_135, %swap3A_136], %swap3A_139 {strides = array<i32>} : memref<128x128xf32, #tpu.memory_space<vmem>>, vector<1x16xf32>,
      %swap3A_140 = arith.index_cast %scan3A_129 : i32 to index
      %swap3A_141 = arith.constant 32 : index
      %swap3A_142 = tpu.vector_load %arg8[%swap3A_140, %swap3A_141] {strides = array<i32>} : memref<128x128xf32, #tpu.memory_space<vmem>>, vector<1x16xf32>,
      %swap3A_143 = vector.shape_cast %swap3A_142 : vector<1x16xf32> to vector<16xf32>
      %swap3A_144 = vector.shape_cast %broadcast_in_dim3A_1 : vector<16xf32> to vector<1x16xf32>
      tpu.vector_store %arg8[%swap3A_140, %swap3A_141], %swap3A_144 {strides = array<i32>} : memref<128x128xf32, #tpu.memory_space<vmem>>, vector<1x16xf32>,
      %swap3A_145 = arith.index_cast %scan3A_129 : i32 to index
      %swap3A_146 = arith.constant 48 : index
      %swap3A_147 = tpu.vector_load %arg8[%swap3A_145, %swap3A_146] {strides = array<i32>} : memref<128x128xf32, #tpu.memory_space<vmem>>, vector<1x16xf32>,
      %swap3A_148 = vector.shape_cast %swap3A_147 : vector<1x16xf32> to vector<16xf32>
      %swap3A_149 = vector.shape_cast %broadcast_in_dim3A_1 : vector<16xf32> to vector<1x16xf32>
      tpu.vector_store %arg8[%swap3A_145, %swap3A_146], %swap3A_149 {strides = array<i32>} : memref<128x128xf32, #tpu.memory_space<vmem>>, vector<1x16xf32>,
      %swap3A_150 = arith.index_cast %scan3A_129 : i32 to index
      %swap3A_151 = arith.constant 64 : index
      %swap3A_152 = tpu.vector_load %arg8[%swap3A_150, %swap3A_151] {strides = array<i32>} : memref<128x128xf32, #tpu.memory_space<vmem>>, vector<1x16xf32>,
      %swap3A_153 = vector.shape_cast %swap3A_152 : vector<1x16xf32> to vector<16xf32>
      %swap3A_154 = vector.shape_cast %broadcast_in_dim3A_1 : vector<16xf32> to vector<1x16xf32>
      tpu.vector_store %arg8[%swap3A_150, %swap3A_151], %swap3A_154 {strides = array<i32>} : memref<128x128xf32, #tpu.memory_space<vmem>>, vector<1x16xf32>,
      %swap3A_155 = arith.index_cast %scan3A_129 : i32 to index
      %swap3A_156 = arith.constant 80 : index
      %swap3A_157 = tpu.vector_load %arg8[%swap3A_155, %swap3A_156] {strides = array<i32>} : memref<128x128xf32, #tpu.memory_space<vmem>>, vector<1x16xf32>,
      %swap3A_158 = vector.shape_cast %swap3A_157 : vector<1x16xf32> to vector<16xf32>
      %swap3A_159 = vector.shape_cast %broadcast_in_dim3A_1 : vector<16xf32> to vector<1x16xf32>
      tpu.vector_store %arg8[%swap3A_155, %swap3A_156], %swap3A_159 {strides = array<i32>} : memref<128x128xf32, #tpu.memory_space<vmem>>, vector<1x16xf32>,
      %swap3A_160 = arith.index_cast %scan3A_129 : i32 to index
      %swap3A_161 = arith.constant 96 : index
      %swap3A_162 = tpu.vector_load %arg8[%swap3A_160, %swap3A_161] {strides = array<i32>} : memref<128x128xf32, #tpu.memory_space<vmem>>, vector<1x16xf32>,
      %swap3A_163 = vector.shape_cast %swap3A_162 : vector<1x16xf32> to vector<16xf32>
      %swap3A_164 = vector.shape_cast %broadcast_in_dim3A_1 : vector<16xf32> to vector<1x16xf32>
      tpu.vector_store %arg8[%swap3A_160, %swap3A_161], %swap3A_164 {strides = array<i32>} : memref<128x128xf32, #tpu.memory_space<vmem>>, vector<1x16xf32>,
      %swap3A_165 = arith.index_cast %scan3A_129 : i32 to index
      %swap3A_166 = arith.constant 112 : index
      %swap3A_167 = tpu.vector_load %arg8[%swap3A_165, %swap3A_166] {strides = array<i32>} : memref<128x128xf32, #tpu.memory_space<vmem>>, vector<1x16xf32>,
      %swap3A_168 = vector.shape_cast %swap3A_167 : vector<1x16xf32> to vector<16xf32>
      %swap3A_169 = vector.shape_cast %broadcast_in_dim3A_1 : vector<16xf32> to vector<1x16xf32>
      tpu.vector_store %arg8[%swap3A_165, %swap3A_166], %swap3A_169 {strides = array<i32>} : memref<128x128xf32, #tpu.memory_space<vmem>>, vector<1x16xf32>,
      %scan3A_170 = arith.constant 0 : i32
      scf.yield %scan3A_170 : i32
    }
    %scan3A_7 = arith.constant 128 : i32
    %mul3A_8 = arith.constant 640 : i32
    %mul3A_9 = arith.muli %arg1, %mul3A_8 : i32
    %add3A_10 = arith.constant 0 : i32
    %add3A_11 = arith.addi %mul3A_9, %add3A_10 : i32
    "tpu.region"() ({
      %run_scoped3A_129 = tpu.sem_alloc : memref<!tpu.dma_semaphore, #tpu.memory_space<semaphore_mem>>
      %dma_start3A_130 = arith.constant 0 : i32
      %dma_start3A_131 = tpu.memref_slice %arg10[%add3A_11, %dma_start3A_130] : memref<10240x128xf32, #tpu.memory_space<vmem_shared>> -> memref<128x128xf32, #tpu.memory_space<vmem_shared>>
      %dma_start3A_132 = arith.constant 0 : i32
      %dma_start3A_133 = tpu.memref_slice %arg10[%add3A_11, %dma_start3A_132] : memref<10240x128xf32, #tpu.memory_space<vmem_shared>> -> memref<128x128xf32, #tpu.memory_space<vmem_shared>>
      tpu.enqueue_dma source(%arg8 : memref<128x128xf32, #tpu.memory_space<vmem>>) target(%dma_start3A_133 : memref<128x128xf32, #tpu.memory_space<vmem_shared>>) target_semaphore(%run_scoped3A_129 : memref<!tpu.dma_semaphore, #tpu.memory_space<semaphore_mem>>)
      %dma_wait3A = arith.constant 0 : i32
      %dma_wait3A_134 = tpu.memref_slice %arg10[%add3A_11, %dma_wait3A] : memref<10240x128xf32, #tpu.memory_space<vmem_shared>> -> memref<128x128xf32, #tpu.memory_space<vmem_shared>>
      %dma_wait3A_135 = arith.constant 0 : i32
      %dma_wait3A_136 = tpu.memref_slice %arg10[%add3A_11, %dma_wait3A_135] : memref<10240x128xf32, #tpu.memory_space<vmem_shared>> -> memref<128x128xf32, #tpu.memory_space<vmem_shared>>
      tpu.wait_dma2 semaphore(%run_scoped3A_129 : memref<!tpu.dma_semaphore, #tpu.memory_space<semaphore_mem>>) src(%arg8 : memref<128x128xf32, #tpu.memory_space<vmem>>) dst(%dma_wait3A_136 : memref<128x128xf32, #tpu.memory_space<vmem_shared>>)
      tpu.yield
    }) : () -> ()
    %mul3A_12 = arith.constant 640 : i32
    %mul3A_13 = arith.muli %arg1, %mul3A_12 : i32
    %add3A_14 = arith.constant 128 : i32
    %add3A_15 = arith.addi %mul3A_13, %add3A_14 : i32
    "tpu.region"() ({
      %run_scoped3A_129 = tpu.sem_alloc : memref<!tpu.dma_semaphore, #tpu.memory_space<semaphore_mem>>
      %dma_start3A_130 = arith.constant 0 : i32
      %dma_start3A_131 = tpu.memref_slice %arg10[%add3A_15, %dma_start3A_130] : memref<10240x128xf32, #tpu.memory_space<vmem_shared>> -> memref<128x128xf32, #tpu.memory_space<vmem_shared>>
      %dma_start3A_132 = arith.constant 0 : i32
      %dma_start3A_133 = tpu.memref_slice %arg10[%add3A_15, %dma_start3A_132] : memref<10240x128xf32, #tpu.memory_space<vmem_shared>> -> memref<128x128xf32, #tpu.memory_space<vmem_shared>>
      tpu.enqueue_dma source(%arg8 : memref<128x128xf32, #tpu.memory_space<vmem>>) target(%dma_start3A_133 : memref<128x128xf32, #tpu.memory_space<vmem_shared>>) target_semaphore(%run_scoped3A_129 : memref<!tpu.dma_semaphore, #tpu.memory_space<semaphore_mem>>)
      %dma_wait3A = arith.constant 0 : i32
      %dma_wait3A_134 = tpu.memref_slice %arg10[%add3A_15, %dma_wait3A] : memref<10240x128xf32, #tpu.memory_space<vmem_shared>> -> memref<128x128xf32, #tpu.memory_space<vmem_shared>>
      %dma_wait3A_135 = arith.constant 0 : i32
      %dma_wait3A_136 = tpu.memref_slice %arg10[%add3A_15, %dma_wait3A_135] : memref<10240x128xf32, #tpu.memory_space<vmem_shared>> -> memref<128x128xf32, #tpu.memory_space<vmem_shared>>
      tpu.wait_dma2 semaphore(%run_scoped3A_129 : memref<!tpu.dma_semaphore, #tpu.memory_space<semaphore_mem>>) src(%arg8 : memref<128x128xf32, #tpu.memory_space<vmem>>) dst(%dma_wait3A_136 : memref<128x128xf32, #tpu.memory_space<vmem_shared>>)
      tpu.yield
    }) : () -> ()
    %mul3A_16 = arith.constant 640 : i32
    %mul3A_17 = arith.muli %arg1, %mul3A_16 : i32
    %add3A_18 = arith.constant 256 : i32
    %add3A_19 = arith.addi %mul3A_17, %add3A_18 : i32
    "tpu.region"() ({
      %run_scoped3A_129 = tpu.sem_alloc : memref<!tpu.dma_semaphore, #tpu.memory_space<semaphore_mem>>
      %dma_start3A_130 = arith.constant 0 : i32
      %dma_start3A_131 = tpu.memref_slice %arg10[%add3A_19, %dma_start3A_130] : memref<10240x128xf32, #tpu.memory_space<vmem_shared>> -> memref<128x128xf32, #tpu.memory_space<vmem_shared>>
      %dma_start3A_132 = arith.constant 0 : i32
      %dma_start3A_133 = tpu.memref_slice %arg10[%add3A_19, %dma_start3A_132] : memref<10240x128xf32, #tpu.memory_space<vmem_shared>> -> memref<128x128xf32, #tpu.memory_space<vmem_shared>>
      tpu.enqueue_dma source(%arg8 : memref<128x128xf32, #tpu.memory_space<vmem>>) target(%dma_start3A_133 : memref<128x128xf32, #tpu.memory_space<vmem_shared>>) target_semaphore(%run_scoped3A_129 : memref<!tpu.dma_semaphore, #tpu.memory_space<semaphore_mem>>)
      %dma_wait3A = arith.constant 0 : i32
      %dma_wait3A_134 = tpu.memref_slice %arg10[%add3A_19, %dma_wait3A] : memref<10240x128xf32, #tpu.memory_space<vmem_shared>> -> memref<128x128xf32, #tpu.memory_space<vmem_shared>>
      %dma_wait3A_135 = arith.constant 0 : i32
      %dma_wait3A_136 = tpu.memref_slice %arg10[%add3A_19, %dma_wait3A_135] : memref<10240x128xf32, #tpu.memory_space<vmem_shared>> -> memref<128x128xf32, #tpu.memory_space<vmem_shared>>
      tpu.wait_dma2 semaphore(%run_scoped3A_129 : memref<!tpu.dma_semaphore, #tpu.memory_space<semaphore_mem>>) src(%arg8 : memref<128x128xf32, #tpu.memory_space<vmem>>) dst(%dma_wait3A_136 : memref<128x128xf32, #tpu.memory_space<vmem_shared>>)
      tpu.yield
    }) : () -> ()
    %mul3A_20 = arith.constant 640 : i32
    %mul3A_21 = arith.muli %arg1, %mul3A_20 : i32
    %add3A_22 = arith.constant 384 : i32
    %add3A_23 = arith.addi %mul3A_21, %add3A_22 : i32
    "tpu.region"() ({
      %run_scoped3A_129 = tpu.sem_alloc : memref<!tpu.dma_semaphore, #tpu.memory_space<semaphore_mem>>
      %dma_start3A_130 = arith.constant 0 : i32
      %dma_start3A_131 = tpu.memref_slice %arg10[%add3A_23, %dma_start3A_130] : memref<10240x128xf32, #tpu.memory_space<vmem_shared>> -> memref<128x128xf32, #tpu.memory_space<vmem_shared>>
      %dma_start3A_132 = arith.constant 0 : i32
      %dma_start3A_133 = tpu.memref_slice %arg10[%add3A_23, %dma_start3A_132] : memref<10240x128xf32, #tpu.memory_space<vmem_shared>> -> memref<128x128xf32, #tpu.memory_space<vmem_shared>>
      tpu.enqueue_dma source(%arg8 : memref<128x128xf32, #tpu.memory_space<vmem>>) target(%dma_start3A_133 : memref<128x128xf32, #tpu.memory_space<vmem_shared>>) target_semaphore(%run_scoped3A_129 : memref<!tpu.dma_semaphore, #tpu.memory_space<semaphore_mem>>)
      %dma_wait3A = arith.constant 0 : i32
      %dma_wait3A_134 = tpu.memref_slice %arg10[%add3A_23, %dma_wait3A] : memref<10240x128xf32, #tpu.memory_space<vmem_shared>> -> memref<128x128xf32, #tpu.memory_space<vmem_shared>>
      %dma_wait3A_135 = arith.constant 0 : i32
      %dma_wait3A_136 = tpu.memref_slice %arg10[%add3A_23, %dma_wait3A_135] : memref<10240x128xf32, #tpu.memory_space<vmem_shared>> -> memref<128x128xf32, #tpu.memory_space<vmem_shared>>
      tpu.wait_dma2 semaphore(%run_scoped3A_129 : memref<!tpu.dma_semaphore, #tpu.memory_space<semaphore_mem>>) src(%arg8 : memref<128x128xf32, #tpu.memory_space<vmem>>) dst(%dma_wait3A_136 : memref<128x128xf32, #tpu.memory_space<vmem_shared>>)
      tpu.yield
    }) : () -> ()
    %mul3A_24 = arith.constant 640 : i32
    %mul3A_25 = arith.muli %arg1, %mul3A_24 : i32
    %add3A_26 = arith.constant 512 : i32
    %add3A_27 = arith.addi %mul3A_25, %add3A_26 : i32
    "tpu.region"() ({
      %run_scoped3A_129 = tpu.sem_alloc : memref<!tpu.dma_semaphore, #tpu.memory_space<semaphore_mem>>
      %dma_start3A_130 = arith.constant 0 : i32
      %dma_start3A_131 = tpu.memref_slice %arg10[%add3A_27, %dma_start3A_130] : memref<10240x128xf32, #tpu.memory_space<vmem_shared>> -> memref<128x128xf32, #tpu.memory_space<vmem_shared>>
      %dma_start3A_132 = arith.constant 0 : i32
      %dma_start3A_133 = tpu.memref_slice %arg10[%add3A_27, %dma_start3A_132] : memref<10240x128xf32, #tpu.memory_space<vmem_shared>> -> memref<128x128xf32, #tpu.memory_space<vmem_shared>>
      tpu.enqueue_dma source(%arg8 : memref<128x128xf32, #tpu.memory_space<vmem>>) target(%dma_start3A_133 : memref<128x128xf32, #tpu.memory_space<vmem_shared>>) target_semaphore(%run_scoped3A_129 : memref<!tpu.dma_semaphore, #tpu.memory_space<semaphore_mem>>)
      %dma_wait3A = arith.constant 0 : i32
      %dma_wait3A_134 = tpu.memref_slice %arg10[%add3A_27, %dma_wait3A] : memref<10240x128xf32, #tpu.memory_space<vmem_shared>> -> memref<128x128xf32, #tpu.memory_space<vmem_shared>>
      %dma_wait3A_135 = arith.constant 0 : i32
      %dma_wait3A_136 = tpu.memref_slice %arg10[%add3A_27, %dma_wait3A_135] : memref<10240x128xf32, #tpu.memory_space<vmem_shared>> -> memref<128x128xf32, #tpu.memory_space<vmem_shared>>
      tpu.wait_dma2 semaphore(%run_scoped3A_129 : memref<!tpu.dma_semaphore, #tpu.memory_space<semaphore_mem>>) src(%arg8 : memref<128x128xf32, #tpu.memory_space<vmem>>) dst(%dma_wait3A_136 : memref<128x128xf32, #tpu.memory_space<vmem_shared>>)
      tpu.yield
    }) : () -> ()
    %barrier3A = arith.constant 0 : index
    tpu.barrier barrier_id(%barrier3A)
    %run_scoped3A = arith.constant 0 : i32
    "tpu.region"() ({
      %run_scoped3A_129 = tpu.sem_alloc : memref<!tpu.dma_semaphore, #tpu.memory_space<semaphore_mem>>
      %dma_start3A_130 = arith.constant 0 : i32
      %dma_start3A_131 = arith.constant 0 : i32
      %dma_start3A_132 = arith.constant 0 : i32
      %dma_start3A_133 = tpu.memref_slice %arg3[%add3A, %run_scoped3A, %dma_start3A_130, %dma_start3A_131, %dma_start3A_132] : memref<32x10x8x2x128xi32, #tpu.memory_space<hbm>> -> memref<1x1x8x2x128xi32, #tpu.memory_space<hbm>>
      %dma_start3A_134 = tpu.memref_squeeze %dma_start3A_133 : memref<1x1x8x2x128xi32, #tpu.memory_space<hbm>> -> memref<8x2x128xi32, #tpu.memory_space<hbm>>
      %dma_start3A_135 = arith.constant 0 : i32
      %dma_start3A_136 = arith.constant 0 : i32
      %dma_start3A_137 = arith.constant 0 : i32
      %dma_start3A_138 = tpu.memref_slice %arg3[%add3A, %run_scoped3A, %dma_start3A_135, %dma_start3A_136, %dma_start3A_137] : memref<32x10x8x2x128xi32, #tpu.memory_space<hbm>> -> memref<1x1x8x2x128xi32, #tpu.memory_space<hbm>>
      %dma_start3A_139 = tpu.memref_squeeze %dma_start3A_138 : memref<1x1x8x2x128xi32, #tpu.memory_space<hbm>> -> memref<8x2x128xi32, #tpu.memory_space<hbm>>
      tpu.enqueue_dma source(%dma_start3A_139 : memref<8x2x128xi32, #tpu.memory_space<hbm>>) target(%arg6 : memref<8x2x128xi32, #tpu.memory_space<vmem>>) target_semaphore(%run_scoped3A_129 : memref<!tpu.dma_semaphore, #tpu.memory_space<semaphore_mem>>)
      %dma_wait3A = arith.constant 0 : i32
      %dma_wait3A_140 = arith.constant 0 : i32
      %dma_wait3A_141 = arith.constant 0 : i32
      %dma_wait3A_142 = tpu.memref_slice %arg3[%add3A, %run_scoped3A, %dma_wait3A, %dma_wait3A_140, %dma_wait3A_141] : memref<32x10x8x2x128xi32, #tpu.memory_space<hbm>> -> memref<1x1x8x2x128xi32, #tpu.memory_space<hbm>>
      %dma_wait3A_143 = tpu.memref_squeeze %dma_wait3A_142 : memref<1x1x8x2x128xi32, #tpu.memory_space<hbm>> -> memref<8x2x128xi32, #tpu.memory_space<hbm>>
      %dma_wait3A_144 = arith.constant 0 : i32
      %dma_wait3A_145 = arith.constant 0 : i32
      %dma_wait3A_146 = arith.constant 0 : i32
      %dma_wait3A_147 = tpu.memref_slice %arg3[%add3A, %run_scoped3A, %dma_wait3A_144, %dma_wait3A_145, %dma_wait3A_146] : memref<32x10x8x2x128xi32, #tpu.memory_space<hbm>> -> memref<1x1x8x2x128xi32, #tpu.memory_space<hbm>>
      %dma_wait3A_148 = tpu.memref_squeeze %dma_wait3A_147 : memref<1x1x8x2x128xi32, #tpu.memory_space<hbm>> -> memref<8x2x128xi32, #tpu.memory_space<hbm>>
      tpu.wait_dma2 semaphore(%run_scoped3A_129 : memref<!tpu.dma_semaphore, #tpu.memory_space<semaphore_mem>>) src(%dma_wait3A_148 : memref<8x2x128xi32, #tpu.memory_space<hbm>>) dst(%arg6 : memref<8x2x128xi32, #tpu.memory_space<vmem>>)
      tpu.yield
    }) : () -> ()
    %dma_start3A = arith.constant 1 : i32
    %dma_start3A_28 = arith.constant 0 : i32
    %dma_start3A_29 = arith.constant 0 : i32
    %dma_start3A_30 = arith.constant 0 : i32
    %dma_start3A_31 = tpu.memref_slice %arg3[%add3A, %dma_start3A, %dma_start3A_28, %dma_start3A_29, %dma_start3A_30] : memref<32x10x8x2x128xi32, #tpu.memory_space<hbm>> -> memref<1x1x8x2x128xi32, #tpu.memory_space<hbm>>
    %dma_start3A_32 = tpu.memref_squeeze %dma_start3A_31 : memref<1x1x8x2x128xi32, #tpu.memory_space<hbm>> -> memref<8x2x128xi32, #tpu.memory_space<hbm>>
    %dma_start3A_33 = arith.constant 0 : i32
    %dma_start3A_34 = arith.constant 0 : i32
    %dma_start3A_35 = arith.constant 0 : i32
    %dma_start3A_36 = tpu.memref_slice %arg3[%add3A, %dma_start3A, %dma_start3A_33, %dma_start3A_34, %dma_start3A_35] : memref<32x10x8x2x128xi32, #tpu.memory_space<hbm>> -> memref<1x1x8x2x128xi32, #tpu.memory_space<hbm>>
    %dma_start3A_37 = tpu.memref_squeeze %dma_start3A_36 : memref<1x1x8x2x128xi32, #tpu.memory_space<hbm>> -> memref<8x2x128xi32, #tpu.memory_space<hbm>>
    tpu.enqueue_dma source(%dma_start3A_37 : memref<8x2x128xi32, #tpu.memory_space<hbm>>) target(%arg7 : memref<8x2x128xi32, #tpu.memory_space<vmem>>) target_semaphore(%arg12 : memref<!tpu.dma_semaphore, #tpu.memory_space<semaphore_mem>>)
    %dma_start3A_38 = arith.constant 0 : i32
    %dma_start3A_39 = arith.constant 0 : i32
    %dma_start3A_40 = arith.constant 0 : i32
    %dma_start3A_41 = tpu.memref_slice %arg6[%dma_start3A_38, %dma_start3A_39, %dma_start3A_40] : memref<8x2x128xi32, #tpu.memory_space<vmem>> -> memref<1x1x128xi32, #tpu.memory_space<vmem>>
    %dma_start3A_42 = tpu.memref_squeeze %dma_start3A_41 : memref<1x1x128xi32, #tpu.memory_space<vmem>> -> memref<128xi32, #tpu.memory_space<vmem>>
    %dma_start3A_43 = arith.constant 0 : i32
    %dma_start3A_44 = arith.constant 0 : i32
    %dma_start3A_45 = tpu.memref_slice %arg2[%dma_start3A_43, %dma_start3A_44] : memref<10240x128xf32, #tpu.memory_space<hbm>> -> memref<10240x128xf32, #tpu.memory_space<hbm>>
    tpu.enqueue_indirect_dma source(%dma_start3A_45 : memref<10240x128xf32, #tpu.memory_space<hbm>>) target(%arg8 : memref<128x128xf32, #tpu.memory_space<vmem>>) offsets(%dma_start3A_42 : memref<128xi32, #tpu.memory_space<vmem>>) semaphore(%arg13 : memref<!tpu.dma_semaphore, #tpu.memory_space<semaphore_mem>>)
    %dma_start3A_46 = arith.constant 1 : i32
    %dma_start3A_47 = arith.constant 0 : i32
    %dma_start3A_48 = arith.constant 0 : i32
    %dma_start3A_49 = tpu.memref_slice %arg6[%dma_start3A_46, %dma_start3A_47, %dma_start3A_48] : memref<8x2x128xi32, #tpu.memory_space<vmem>> -> memref<1x1x128xi32, #tpu.memory_space<vmem>>
    %dma_start3A_50 = tpu.memref_squeeze %dma_start3A_49 : memref<1x1x128xi32, #tpu.memory_space<vmem>> -> memref<128xi32, #tpu.memory_space<vmem>>
    %dma_start3A_51 = arith.constant 0 : i32
    %dma_start3A_52 = arith.constant 0 : i32
    %dma_start3A_53 = tpu.memref_slice %arg2[%dma_start3A_51, %dma_start3A_52] : memref<10240x128xf32, #tpu.memory_space<hbm>> -> memref<10240x128xf32, #tpu.memory_space<hbm>>
    tpu.enqueue_indirect_dma source(%dma_start3A_53 : memref<10240x128xf32, #tpu.memory_space<hbm>>) target(%arg9 : memref<128x128xf32, #tpu.memory_space<vmem>>) offsets(%dma_start3A_50 : memref<128xi32, #tpu.memory_space<vmem>>) semaphore(%arg14 : memref<!tpu.dma_semaphore, #tpu.memory_space<semaphore_mem>>)
    %scan3A_54 = arith.constant 0 : i32
    %scan3A_55 = arith.constant 0 : i32
    %scan3A_56 = arith.constant 5 : i32
    %scan3A_57 = arith.addi %scan3A_55, %scan3A_56 : i32
    %scan3A_58 = arith.constant 1 : i32
    %scan3A_59 = scf.for %scan3A_129 = %scan3A_55 to %scan3A_57 step %scan3A_58 iter_args(%scan3A_130 = %scan3A_54) -> (i32)  : i32 {
      %mul3A_131 = arith.constant 2 : i32
      %mul3A_132 = arith.muli %mul3A_131, %scan3A_129 : i32
      %dma_wait3A = arith.constant 0 : i32
      %dma_wait3A_133 = arith.constant 0 : i32
      %dma_wait3A_134 = arith.constant 0 : i32
      %dma_wait3A_135 = tpu.memref_slice %arg6[%dma_wait3A, %dma_wait3A_133, %dma_wait3A_134] : memref<8x2x128xi32, #tpu.memory_space<vmem>> -> memref<1x1x128xi32, #tpu.memory_space<vmem>>
      %dma_wait3A_136 = tpu.memref_squeeze %dma_wait3A_135 : memref<1x1x128xi32, #tpu.memory_space<vmem>> -> memref<128xi32, #tpu.memory_space<vmem>>
      %dma_wait3A_137 = arith.constant 0 : i32
      %dma_wait3A_138 = arith.constant 0 : i32
      %dma_wait3A_139 = tpu.memref_slice %arg2[%dma_wait3A_137, %dma_wait3A_138] : memref<10240x128xf32, #tpu.memory_space<hbm>> -> memref<10240x128xf32, #tpu.memory_space<hbm>>
      tpu.wait_indirect_dma semaphore(%arg13 : memref<!tpu.dma_semaphore, #tpu.memory_space<semaphore_mem>>) src(%dma_wait3A_139 : memref<10240x128xf32, #tpu.memory_space<hbm>>) dst(%arg8 : memref<128x128xf32, #tpu.memory_space<vmem>>)
      %run_scoped3A_140 = arith.constant 0 : i32
      %run_scoped3A_141 = arith.constant 1 : i32
      "tpu.region"() ({
        %run_scoped3A_428 = tpu.sem_alloc : memref<!tpu.dma_semaphore, #tpu.memory_space<semaphore_mem>>
        %dma_start3A_429 = arith.constant 0 : i32
        %dma_start3A_430 = tpu.memref_slice %arg6[%run_scoped3A_140, %run_scoped3A_141, %dma_start3A_429] : memref<8x2x128xi32, #tpu.memory_space<vmem>> -> memref<1x1x128xi32, #tpu.memory_space<vmem>>
        %dma_start3A_431 = tpu.memref_squeeze %dma_start3A_430 : memref<1x1x128xi32, #tpu.memory_space<vmem>> -> memref<128xi32, #tpu.memory_space<vmem>>
        %dma_start3A_432 = arith.constant 0 : i32
        %dma_start3A_433 = arith.constant 0 : i32
        %dma_start3A_434 = tpu.memref_slice %arg10[%dma_start3A_432, %dma_start3A_433] : memref<10240x128xf32, #tpu.memory_space<vmem_shared>> -> memref<10240x128xf32, #tpu.memory_space<vmem_shared>>
        tpu.enqueue_indirect_dma source(%arg8 : memref<128x128xf32, #tpu.memory_space<vmem>>) target(%dma_start3A_434 : memref<10240x128xf32, #tpu.memory_space<vmem_shared>>) offsets(%dma_start3A_431 : memref<128xi32, #tpu.memory_space<vmem>>) semaphore(%run_scoped3A_428 : memref<!tpu.dma_semaphore, #tpu.memory_space<semaphore_mem>>) {add = true}
        %dma_wait3A_435 = arith.constant 0 : i32
        %dma_wait3A_436 = tpu.memref_slice %arg6[%run_scoped3A_140, %run_scoped3A_141, %dma_wait3A_435] : memref<8x2x128xi32, #tpu.memory_space<vmem>> -> memref<1x1x128xi32, #tpu.memory_space<vmem>>
        %dma_wait3A_437 = tpu.memref_squeeze %dma_wait3A_436 : memref<1x1x128xi32, #tpu.memory_space<vmem>> -> memref<128xi32, #tpu.memory_space<vmem>>
        %dma_wait3A_438 = arith.constant 0 : i32
        %dma_wait3A_439 = arith.constant 0 : i32
        %dma_wait3A_440 = tpu.memref_slice %arg10[%dma_wait3A_438, %dma_wait3A_439] : memref<10240x128xf32, #tpu.memory_space<vmem_shared>> -> memref<10240x128xf32, #tpu.memory_space<vmem_shared>>
        tpu.wait_indirect_dma semaphore(%run_scoped3A_428 : memref<!tpu.dma_semaphore, #tpu.memory_space<semaphore_mem>>) src(%arg8 : memref<128x128xf32, #tpu.memory_space<vmem>>) dst(%dma_wait3A_440 : memref<10240x128xf32, #tpu.memory_space<vmem_shared>>)
        tpu.yield
      }) : () -> ()
      %dma_start3A_142 = arith.constant 2 : i32
      %dma_start3A_143 = arith.constant 0 : i32
      %dma_start3A_144 = arith.constant 0 : i32
      %dma_start3A_145 = tpu.memref_slice %arg6[%dma_start3A_142, %dma_start3A_143, %dma_start3A_144] : memref<8x2x128xi32, #tpu.memory_space<vmem>> -> memref<1x1x128xi32, #tpu.memory_space<vmem>>
      %dma_start3A_146 = tpu.memref_squeeze %dma_start3A_145 : memref<1x1x128xi32, #tpu.memory_space<vmem>> -> memref<128xi32, #tpu.memory_space<vmem>>
      %dma_start3A_147 = arith.constant 0 : i32
      %dma_start3A_148 = arith.constant 0 : i32
      %dma_start3A_149 = tpu.memref_slice %arg2[%dma_start3A_147, %dma_start3A_148] : memref<10240x128xf32, #tpu.memory_space<hbm>> -> memref<10240x128xf32, #tpu.memory_space<hbm>>
      tpu.enqueue_indirect_dma source(%dma_start3A_149 : memref<10240x128xf32, #tpu.memory_space<hbm>>) target(%arg8 : memref<128x128xf32, #tpu.memory_space<vmem>>) offsets(%dma_start3A_146 : memref<128xi32, #tpu.memory_space<vmem>>) semaphore(%arg13 : memref<!tpu.dma_semaphore, #tpu.memory_space<semaphore_mem>>)
      %dma_wait3A_150 = arith.constant 1 : i32
      %dma_wait3A_151 = arith.constant 0 : i32
      %dma_wait3A_152 = arith.constant 0 : i32
      %dma_wait3A_153 = tpu.memref_slice %arg6[%dma_wait3A_150, %dma_wait3A_151, %dma_wait3A_152] : memref<8x2x128xi32, #tpu.memory_space<vmem>> -> memref<1x1x128xi32, #tpu.memory_space<vmem>>
      %dma_wait3A_154 = tpu.memref_squeeze %dma_wait3A_153 : memref<1x1x128xi32, #tpu.memory_space<vmem>> -> memref<128xi32, #tpu.memory_space<vmem>>
      %dma_wait3A_155 = arith.constant 0 : i32
      %dma_wait3A_156 = arith.constant 0 : i32
      %dma_wait3A_157 = tpu.memref_slice %arg2[%dma_wait3A_155, %dma_wait3A_156] : memref<10240x128xf32, #tpu.memory_space<hbm>> -> memref<10240x128xf32, #tpu.memory_space<hbm>>
      tpu.wait_indirect_dma semaphore(%arg14 : memref<!tpu.dma_semaphore, #tpu.memory_space<semaphore_mem>>) src(%dma_wait3A_157 : memref<10240x128xf32, #tpu.memory_space<hbm>>) dst(%arg9 : memref<128x128xf32, #tpu.memory_space<vmem>>)
      %run_scoped3A_158 = arith.constant 1 : i32
      %run_scoped3A_159 = arith.constant 1 : i32
      "tpu.region"() ({
        %run_scoped3A_428 = tpu.sem_alloc : memref<!tpu.dma_semaphore, #tpu.memory_space<semaphore_mem>>
        %dma_start3A_429 = arith.constant 0 : i32
        %dma_start3A_430 = tpu.memref_slice %arg6[%run_scoped3A_158, %run_scoped3A_159, %dma_start3A_429] : memref<8x2x128xi32, #tpu.memory_space<vmem>> -> memref<1x1x128xi32, #tpu.memory_space<vmem>>
        %dma_start3A_431 = tpu.memref_squeeze %dma_start3A_430 : memref<1x1x128xi32, #tpu.memory_space<vmem>> -> memref<128xi32, #tpu.memory_space<vmem>>
        %dma_start3A_432 = arith.constant 0 : i32
        %dma_start3A_433 = arith.constant 0 : i32
        %dma_start3A_434 = tpu.memref_slice %arg10[%dma_start3A_432, %dma_start3A_433] : memref<10240x128xf32, #tpu.memory_space<vmem_shared>> -> memref<10240x128xf32, #tpu.memory_space<vmem_shared>>
        tpu.enqueue_indirect_dma source(%arg9 : memref<128x128xf32, #tpu.memory_space<vmem>>) target(%dma_start3A_434 : memref<10240x128xf32, #tpu.memory_space<vmem_shared>>) offsets(%dma_start3A_431 : memref<128xi32, #tpu.memory_space<vmem>>) semaphore(%run_scoped3A_428 : memref<!tpu.dma_semaphore, #tpu.memory_space<semaphore_mem>>) {add = true}
        %dma_wait3A_435 = arith.constant 0 : i32
        %dma_wait3A_436 = tpu.memref_slice %arg6[%run_scoped3A_158, %run_scoped3A_159, %dma_wait3A_435] : memref<8x2x128xi32, #tpu.memory_space<vmem>> -> memref<1x1x128xi32, #tpu.memory_space<vmem>>
        %dma_wait3A_437 = tpu.memref_squeeze %dma_wait3A_436 : memref<1x1x128xi32, #tpu.memory_space<vmem>> -> memref<128xi32, #tpu.memory_space<vmem>>
        %dma_wait3A_438 = arith.constant 0 : i32
        %dma_wait3A_439 = arith.constant 0 : i32
        %dma_wait3A_440 = tpu.memref_slice %arg10[%dma_wait3A_438, %dma_wait3A_439] : memref<10240x128xf32, #tpu.memory_space<vmem_shared>> -> memref<10240x128xf32, #tpu.memory_space<vmem_shared>>
        tpu.wait_indirect_dma semaphore(%run_scoped3A_428 : memref<!tpu.dma_semaphore, #tpu.memory_space<semaphore_mem>>) src(%arg9 : memref<128x128xf32, #tpu.memory_space<vmem>>) dst(%dma_wait3A_440 : memref<10240x128xf32, #tpu.memory_space<vmem_shared>>)
        tpu.yield
      }) : () -> ()
      %dma_start3A_160 = arith.constant 3 : i32
      %dma_start3A_161 = arith.constant 0 : i32
      %dma_start3A_162 = arith.constant 0 : i32
      %dma_start3A_163 = tpu.memref_slice %arg6[%dma_start3A_160, %dma_start3A_161, %dma_start3A_162] : memref<8x2x128xi32, #tpu.memory_space<vmem>> -> memref<1x1x128xi32, #tpu.memory_space<vmem>>
      %dma_start3A_164 = tpu.memref_squeeze %dma_start3A_163 : memref<1x1x128xi32, #tpu.memory_space<vmem>> -> memref<128xi32, #tpu.memory_space<vmem>>
      %dma_start3A_165 = arith.constant 0 : i32
      %dma_start3A_166 = arith.constant 0 : i32
      %dma_start3A_167 = tpu.memref_slice %arg2[%dma_start3A_165, %dma_start3A_166] : memref<10240x128xf32, #tpu.memory_space<hbm>> -> memref<10240x128xf32, #tpu.memory_space<hbm>>
      tpu.enqueue_indirect_dma source(%dma_start3A_167 : memref<10240x128xf32, #tpu.memory_space<hbm>>) target(%arg9 : memref<128x128xf32, #tpu.memory_space<vmem>>) offsets(%dma_start3A_164 : memref<128xi32, #tpu.memory_space<vmem>>) semaphore(%arg14 : memref<!tpu.dma_semaphore, #tpu.memory_space<semaphore_mem>>)
      %dma_wait3A_168 = arith.constant 2 : i32
      %dma_wait3A_169 = arith.constant 0 : i32
      %dma_wait3A_170 = arith.constant 0 : i32
      %dma_wait3A_171 = tpu.memref_slice %arg6[%dma_wait3A_168, %dma_wait3A_169, %dma_wait3A_170] : memref<8x2x128xi32, #tpu.memory_space<vmem>> -> memref<1x1x128xi32, #tpu.memory_space<vmem>>
      %dma_wait3A_172 = tpu.memref_squeeze %dma_wait3A_171 : memref<1x1x128xi32, #tpu.memory_space<vmem>> -> memref<128xi32, #tpu.memory_space<vmem>>
      %dma_wait3A_173 = arith.constant 0 : i32
      %dma_wait3A_174 = arith.constant 0 : i32
      %dma_wait3A_175 = tpu.memref_slice %arg2[%dma_wait3A_173, %dma_wait3A_174] : memref<10240x128xf32, #tpu.memory_space<hbm>> -> memref<10240x128xf32, #tpu.memory_space<hbm>>
      tpu.wait_indirect_dma semaphore(%arg13 : memref<!tpu.dma_semaphore, #tpu.memory_space<semaphore_mem>>) src(%dma_wait3A_175 : memref<10240x128xf32, #tpu.memory_space<hbm>>) dst(%arg8 : memref<128x128xf32, #tpu.memory_space<vmem>>)
      %run_scoped3A_176 = arith.constant 2 : i32
      %run_scoped3A_177 = arith.constant 1 : i32
      "tpu.region"() ({
        %run_scoped3A_428 = tpu.sem_alloc : memref<!tpu.dma_semaphore, #tpu.memory_space<semaphore_mem>>
        %dma_start3A_429 = arith.constant 0 : i32
        %dma_start3A_430 = tpu.memref_slice %arg6[%run_scoped3A_176, %run_scoped3A_177, %dma_start3A_429] : memref<8x2x128xi32, #tpu.memory_space<vmem>> -> memref<1x1x128xi32, #tpu.memory_space<vmem>>
        %dma_start3A_431 = tpu.memref_squeeze %dma_start3A_430 : memref<1x1x128xi32, #tpu.memory_space<vmem>> -> memref<128xi32, #tpu.memory_space<vmem>>
        %dma_start3A_432 = arith.constant 0 : i32
        %dma_start3A_433 = arith.constant 0 : i32
        %dma_start3A_434 = tpu.memref_slice %arg10[%dma_start3A_432, %dma_start3A_433] : memref<10240x128xf32, #tpu.memory_space<vmem_shared>> -> memref<10240x128xf32, #tpu.memory_space<vmem_shared>>
        tpu.enqueue_indirect_dma source(%arg8 : memref<128x128xf32, #tpu.memory_space<vmem>>) target(%dma_start3A_434 : memref<10240x128xf32, #tpu.memory_space<vmem_shared>>) offsets(%dma_start3A_431 : memref<128xi32, #tpu.memory_space<vmem>>) semaphore(%run_scoped3A_428 : memref<!tpu.dma_semaphore, #tpu.memory_space<semaphore_mem>>) {add = true}
        %dma_wait3A_435 = arith.constant 0 : i32
        %dma_wait3A_436 = tpu.memref_slice %arg6[%run_scoped3A_176, %run_scoped3A_177, %dma_wait3A_435] : memref<8x2x128xi32, #tpu.memory_space<vmem>> -> memref<1x1x128xi32, #tpu.memory_space<vmem>>
        %dma_wait3A_437 = tpu.memref_squeeze %dma_wait3A_436 : memref<1x1x128xi32, #tpu.memory_space<vmem>> -> memref<128xi32, #tpu.memory_space<vmem>>
        %dma_wait3A_438 = arith.constant 0 : i32
        %dma_wait3A_439 = arith.constant 0 : i32
        %dma_wait3A_440 = tpu.memref_slice %arg10[%dma_wait3A_438, %dma_wait3A_439] : memref<10240x128xf32, #tpu.memory_space<vmem_shared>> -> memref<10240x128xf32, #tpu.memory_space<vmem_shared>>
        tpu.wait_indirect_dma semaphore(%run_scoped3A_428 : memref<!tpu.dma_semaphore, #tpu.memory_space<semaphore_mem>>) src(%arg8 : memref<128x128xf32, #tpu.memory_space<vmem>>) dst(%dma_wait3A_440 : memref<10240x128xf32, #tpu.memory_space<vmem_shared>>)
        tpu.yield
      }) : () -> ()
      %dma_start3A_178 = arith.constant 4 : i32
      %dma_start3A_179 = arith.constant 0 : i32
      %dma_start3A_180 = arith.constant 0 : i32
      %dma_start3A_181 = tpu.memref_slice %arg6[%dma_start3A_178, %dma_start3A_179, %dma_start3A_180] : memref<8x2x128xi32, #tpu.memory_space<vmem>> -> memref<1x1x128xi32, #tpu.memory_space<vmem>>
      %dma_start3A_182 = tpu.memref_squeeze %dma_start3A_181 : memref<1x1x128xi32, #tpu.memory_space<vmem>> -> memref<128xi32, #tpu.memory_space<vmem>>
      %dma_start3A_183 = arith.constant 0 : i32
      %dma_start3A_184 = arith.constant 0 : i32
      %dma_start3A_185 = tpu.memref_slice %arg2[%dma_start3A_183, %dma_start3A_184] : memref<10240x128xf32, #tpu.memory_space<hbm>> -> memref<10240x128xf32, #tpu.memory_space<hbm>>
      tpu.enqueue_indirect_dma source(%dma_start3A_185 : memref<10240x128xf32, #tpu.memory_space<hbm>>) target(%arg8 : memref<128x128xf32, #tpu.memory_space<vmem>>) offsets(%dma_start3A_182 : memref<128xi32, #tpu.memory_space<vmem>>) semaphore(%arg13 : memref<!tpu.dma_semaphore, #tpu.memory_space<semaphore_mem>>)
      %dma_wait3A_186 = arith.constant 3 : i32
      %dma_wait3A_187 = arith.constant 0 : i32
      %dma_wait3A_188 = arith.constant 0 : i32
      %dma_wait3A_189 = tpu.memref_slice %arg6[%dma_wait3A_186, %dma_wait3A_187, %dma_wait3A_188] : memref<8x2x128xi32, #tpu.memory_space<vmem>> -> memref<1x1x128xi32, #tpu.memory_space<vmem>>
      %dma_wait3A_190 = tpu.memref_squeeze %dma_wait3A_189 : memref<1x1x128xi32, #tpu.memory_space<vmem>> -> memref<128xi32, #tpu.memory_space<vmem>>
      %dma_wait3A_191 = arith.constant 0 : i32
      %dma_wait3A_192 = arith.constant 0 : i32
      %dma_wait3A_193 = tpu.memref_slice %arg2[%dma_wait3A_191, %dma_wait3A_192] : memref<10240x128xf32, #tpu.memory_space<hbm>> -> memref<10240x128xf32, #tpu.memory_space<hbm>>
      tpu.wait_indirect_dma semaphore(%arg14 : memref<!tpu.dma_semaphore, #tpu.memory_space<semaphore_mem>>) src(%dma_wait3A_193 : memref<10240x128xf32, #tpu.memory_space<hbm>>) dst(%arg9 : memref<128x128xf32, #tpu.memory_space<vmem>>)
      %run_scoped3A_194 = arith.constant 3 : i32
      %run_scoped3A_195 = arith.constant 1 : i32
      "tpu.region"() ({
        %run_scoped3A_428 = tpu.sem_alloc : memref<!tpu.dma_semaphore, #tpu.memory_space<semaphore_mem>>
        %dma_start3A_429 = arith.constant 0 : i32
        %dma_start3A_430 = tpu.memref_slice %arg6[%run_scoped3A_194, %run_scoped3A_195, %dma_start3A_429] : memref<8x2x128xi32, #tpu.memory_space<vmem>> -> memref<1x1x128xi32, #tpu.memory_space<vmem>>
        %dma_start3A_431 = tpu.memref_squeeze %dma_start3A_430 : memref<1x1x128xi32, #tpu.memory_space<vmem>> -> memref<128xi32, #tpu.memory_space<vmem>>
        %dma_start3A_432 = arith.constant 0 : i32
        %dma_start3A_433 = arith.constant 0 : i32
        %dma_start3A_434 = tpu.memref_slice %arg10[%dma_start3A_432, %dma_start3A_433] : memref<10240x128xf32, #tpu.memory_space<vmem_shared>> -> memref<10240x128xf32, #tpu.memory_space<vmem_shared>>
        tpu.enqueue_indirect_dma source(%arg9 : memref<128x128xf32, #tpu.memory_space<vmem>>) target(%dma_start3A_434 : memref<10240x128xf32, #tpu.memory_space<vmem_shared>>) offsets(%dma_start3A_431 : memref<128xi32, #tpu.memory_space<vmem>>) semaphore(%run_scoped3A_428 : memref<!tpu.dma_semaphore, #tpu.memory_space<semaphore_mem>>) {add = true}
        %dma_wait3A_435 = arith.constant 0 : i32
        %dma_wait3A_436 = tpu.memref_slice %arg6[%run_scoped3A_194, %run_scoped3A_195, %dma_wait3A_435] : memref<8x2x128xi32, #tpu.memory_space<vmem>> -> memref<1x1x128xi32, #tpu.memory_space<vmem>>
        %dma_wait3A_437 = tpu.memref_squeeze %dma_wait3A_436 : memref<1x1x128xi32, #tpu.memory_space<vmem>> -> memref<128xi32, #tpu.memory_space<vmem>>
        %dma_wait3A_438 = arith.constant 0 : i32
        %dma_wait3A_439 = arith.constant 0 : i32
        %dma_wait3A_440 = tpu.memref_slice %arg10[%dma_wait3A_438, %dma_wait3A_439] : memref<10240x128xf32, #tpu.memory_space<vmem_shared>> -> memref<10240x128xf32, #tpu.memory_space<vmem_shared>>
        tpu.wait_indirect_dma semaphore(%run_scoped3A_428 : memref<!tpu.dma_semaphore, #tpu.memory_space<semaphore_mem>>) src(%arg9 : memref<128x128xf32, #tpu.memory_space<vmem>>) dst(%dma_wait3A_440 : memref<10240x128xf32, #tpu.memory_space<vmem_shared>>)
        tpu.yield
      }) : () -> ()
      %dma_start3A_196 = arith.constant 5 : i32
      %dma_start3A_197 = arith.constant 0 : i32
      %dma_start3A_198 = arith.constant 0 : i32
      %dma_start3A_199 = tpu.memref_slice %arg6[%dma_start3A_196, %dma_start3A_197, %dma_start3A_198] : memref<8x2x128xi32, #tpu.memory_space<vmem>> -> memref<1x1x128xi32, #tpu.memory_space<vmem>>
      %dma_start3A_200 = tpu.memref_squeeze %dma_start3A_199 : memref<1x1x128xi32, #tpu.memory_space<vmem>> -> memref<128xi32, #tpu.memory_space<vmem>>
      %dma_start3A_201 = arith.constant 0 : i32
      %dma_start3A_202 = arith.constant 0 : i32
      %dma_start3A_203 = tpu.memref_slice %arg2[%dma_start3A_201, %dma_start3A_202] : memref<10240x128xf32, #tpu.memory_space<hbm>> -> memref<10240x128xf32, #tpu.memory_space<hbm>>
      tpu.enqueue_indirect_dma source(%dma_start3A_203 : memref<10240x128xf32, #tpu.memory_space<hbm>>) target(%arg9 : memref<128x128xf32, #tpu.memory_space<vmem>>) offsets(%dma_start3A_200 : memref<128xi32, #tpu.memory_space<vmem>>) semaphore(%arg14 : memref<!tpu.dma_semaphore, #tpu.memory_space<semaphore_mem>>)
      %dma_wait3A_204 = arith.constant 4 : i32
      %dma_wait3A_205 = arith.constant 0 : i32
      %dma_wait3A_206 = arith.constant 0 : i32
      %dma_wait3A_207 = tpu.memref_slice %arg6[%dma_wait3A_204, %dma_wait3A_205, %dma_wait3A_206] : memref<8x2x128xi32, #tpu.memory_space<vmem>> -> memref<1x1x128xi32, #tpu.memory_space<vmem>>
      %dma_wait3A_208 = tpu.memref_squeeze %dma_wait3A_207 : memref<1x1x128xi32, #tpu.memory_space<vmem>> -> memref<128xi32, #tpu.memory_space<vmem>>
      %dma_wait3A_209 = arith.constant 0 : i32
      %dma_wait3A_210 = arith.constant 0 : i32
      %dma_wait3A_211 = tpu.memref_slice %arg2[%dma_wait3A_209, %dma_wait3A_210] : memref<10240x128xf32, #tpu.memory_space<hbm>> -> memref<10240x128xf32, #tpu.memory_space<hbm>>
      tpu.wait_indirect_dma semaphore(%arg13 : memref<!tpu.dma_semaphore, #tpu.memory_space<semaphore_mem>>) src(%dma_wait3A_211 : memref<10240x128xf32, #tpu.memory_space<hbm>>) dst(%arg8 : memref<128x128xf32, #tpu.memory_space<vmem>>)
      %run_scoped3A_212 = arith.constant 4 : i32
      %run_scoped3A_213 = arith.constant 1 : i32
      "tpu.region"() ({
        %run_scoped3A_428 = tpu.sem_alloc : memref<!tpu.dma_semaphore, #tpu.memory_space<semaphore_mem>>
        %dma_start3A_429 = arith.constant 0 : i32
        %dma_start3A_430 = tpu.memref_slice %arg6[%run_scoped3A_212, %run_scoped3A_213, %dma_start3A_429] : memref<8x2x128xi32, #tpu.memory_space<vmem>> -> memref<1x1x128xi32, #tpu.memory_space<vmem>>
        %dma_start3A_431 = tpu.memref_squeeze %dma_start3A_430 : memref<1x1x128xi32, #tpu.memory_space<vmem>> -> memref<128xi32, #tpu.memory_space<vmem>>
        %dma_start3A_432 = arith.constant 0 : i32
        %dma_start3A_433 = arith.constant 0 : i32
        %dma_start3A_434 = tpu.memref_slice %arg10[%dma_start3A_432, %dma_start3A_433] : memref<10240x128xf32, #tpu.memory_space<vmem_shared>> -> memref<10240x128xf32, #tpu.memory_space<vmem_shared>>
        tpu.enqueue_indirect_dma source(%arg8 : memref<128x128xf32, #tpu.memory_space<vmem>>) target(%dma_start3A_434 : memref<10240x128xf32, #tpu.memory_space<vmem_shared>>) offsets(%dma_start3A_431 : memref<128xi32, #tpu.memory_space<vmem>>) semaphore(%run_scoped3A_428 : memref<!tpu.dma_semaphore, #tpu.memory_space<semaphore_mem>>) {add = true}
        %dma_wait3A_435 = arith.constant 0 : i32
        %dma_wait3A_436 = tpu.memref_slice %arg6[%run_scoped3A_212, %run_scoped3A_213, %dma_wait3A_435] : memref<8x2x128xi32, #tpu.memory_space<vmem>> -> memref<1x1x128xi32, #tpu.memory_space<vmem>>
        %dma_wait3A_437 = tpu.memref_squeeze %dma_wait3A_436 : memref<1x1x128xi32, #tpu.memory_space<vmem>> -> memref<128xi32, #tpu.memory_space<vmem>>
        %dma_wait3A_438 = arith.constant 0 : i32
        %dma_wait3A_439 = arith.constant 0 : i32
        %dma_wait3A_440 = tpu.memref_slice %arg10[%dma_wait3A_438, %dma_wait3A_439] : memref<10240x128xf32, #tpu.memory_space<vmem_shared>> -> memref<10240x128xf32, #tpu.memory_space<vmem_shared>>
        tpu.wait_indirect_dma semaphore(%run_scoped3A_428 : memref<!tpu.dma_semaphore, #tpu.memory_space<semaphore_mem>>) src(%arg8 : memref<128x128xf32, #tpu.memory_space<vmem>>) dst(%dma_wait3A_440 : memref<10240x128xf32, #tpu.memory_space<vmem_shared>>)
        tpu.yield
      }) : () -> ()
      %dma_start3A_214 = arith.constant 6 : i32
      %dma_start3A_215 = arith.constant 0 : i32
      %dma_start3A_216 = arith.constant 0 : i32
      %dma_start3A_217 = tpu.memref_slice %arg6[%dma_start3A_214, %dma_start3A_215, %dma_start3A_216] : memref<8x2x128xi32, #tpu.memory_space<vmem>> -> memref<1x1x128xi32, #tpu.memory_space<vmem>>
      %dma_start3A_218 = tpu.memref_squeeze %dma_start3A_217 : memref<1x1x128xi32, #tpu.memory_space<vmem>> -> memref<128xi32, #tpu.memory_space<vmem>>
      %dma_start3A_219 = arith.constant 0 : i32
      %dma_start3A_220 = arith.constant 0 : i32
      %dma_start3A_221 = tpu.memref_slice %arg2[%dma_start3A_219, %dma_start3A_220] : memref<10240x128xf32, #tpu.memory_space<hbm>> -> memref<10240x128xf32, #tpu.memory_space<hbm>>
      tpu.enqueue_indirect_dma source(%dma_start3A_221 : memref<10240x128xf32, #tpu.memory_space<hbm>>) target(%arg8 : memref<128x128xf32, #tpu.memory_space<vmem>>) offsets(%dma_start3A_218 : memref<128xi32, #tpu.memory_space<vmem>>) semaphore(%arg13 : memref<!tpu.dma_semaphore, #tpu.memory_space<semaphore_mem>>)
      %dma_wait3A_222 = arith.constant 5 : i32
      %dma_wait3A_223 = arith.constant 0 : i32
      %dma_wait3A_224 = arith.constant 0 : i32
      %dma_wait3A_225 = tpu.memref_slice %arg6[%dma_wait3A_222, %dma_wait3A_223, %dma_wait3A_224] : memref<8x2x128xi32, #tpu.memory_space<vmem>> -> memref<1x1x128xi32, #tpu.memory_space<vmem>>
      %dma_wait3A_226 = tpu.memref_squeeze %dma_wait3A_225 : memref<1x1x128xi32, #tpu.memory_space<vmem>> -> memref<128xi32, #tpu.memory_space<vmem>>
      %dma_wait3A_227 = arith.constant 0 : i32
      %dma_wait3A_228 = arith.constant 0 : i32
      %dma_wait3A_229 = tpu.memref_slice %arg2[%dma_wait3A_227, %dma_wait3A_228] : memref<10240x128xf32, #tpu.memory_space<hbm>> -> memref<10240x128xf32, #tpu.memory_space<hbm>>
      tpu.wait_indirect_dma semaphore(%arg14 : memref<!tpu.dma_semaphore, #tpu.memory_space<semaphore_mem>>) src(%dma_wait3A_229 : memref<10240x128xf32, #tpu.memory_space<hbm>>) dst(%arg9 : memref<128x128xf32, #tpu.memory_space<vmem>>)
      %run_scoped3A_230 = arith.constant 5 : i32
      %run_scoped3A_231 = arith.constant 1 : i32
      "tpu.region"() ({
        %run_scoped3A_428 = tpu.sem_alloc : memref<!tpu.dma_semaphore, #tpu.memory_space<semaphore_mem>>
        %dma_start3A_429 = arith.constant 0 : i32
        %dma_start3A_430 = tpu.memref_slice %arg6[%run_scoped3A_230, %run_scoped3A_231, %dma_start3A_429] : memref<8x2x128xi32, #tpu.memory_space<vmem>> -> memref<1x1x128xi32, #tpu.memory_space<vmem>>
        %dma_start3A_431 = tpu.memref_squeeze %dma_start3A_430 : memref<1x1x128xi32, #tpu.memory_space<vmem>> -> memref<128xi32, #tpu.memory_space<vmem>>
        %dma_start3A_432 = arith.constant 0 : i32
        %dma_start3A_433 = arith.constant 0 : i32
        %dma_start3A_434 = tpu.memref_slice %arg10[%dma_start3A_432, %dma_start3A_433] : memref<10240x128xf32, #tpu.memory_space<vmem_shared>> -> memref<10240x128xf32, #tpu.memory_space<vmem_shared>>
        tpu.enqueue_indirect_dma source(%arg9 : memref<128x128xf32, #tpu.memory_space<vmem>>) target(%dma_start3A_434 : memref<10240x128xf32, #tpu.memory_space<vmem_shared>>) offsets(%dma_start3A_431 : memref<128xi32, #tpu.memory_space<vmem>>) semaphore(%run_scoped3A_428 : memref<!tpu.dma_semaphore, #tpu.memory_space<semaphore_mem>>) {add = true}
        %dma_wait3A_435 = arith.constant 0 : i32
        %dma_wait3A_436 = tpu.memref_slice %arg6[%run_scoped3A_230, %run_scoped3A_231, %dma_wait3A_435] : memref<8x2x128xi32, #tpu.memory_space<vmem>> -> memref<1x1x128xi32, #tpu.memory_space<vmem>>
        %dma_wait3A_437 = tpu.memref_squeeze %dma_wait3A_436 : memref<1x1x128xi32, #tpu.memory_space<vmem>> -> memref<128xi32, #tpu.memory_space<vmem>>
        %dma_wait3A_438 = arith.constant 0 : i32
        %dma_wait3A_439 = arith.constant 0 : i32
        %dma_wait3A_440 = tpu.memref_slice %arg10[%dma_wait3A_438, %dma_wait3A_439] : memref<10240x128xf32, #tpu.memory_space<vmem_shared>> -> memref<10240x128xf32, #tpu.memory_space<vmem_shared>>
        tpu.wait_indirect_dma semaphore(%run_scoped3A_428 : memref<!tpu.dma_semaphore, #tpu.memory_space<semaphore_mem>>) src(%arg9 : memref<128x128xf32, #tpu.memory_space<vmem>>) dst(%dma_wait3A_440 : memref<10240x128xf32, #tpu.memory_space<vmem_shared>>)
        tpu.yield
      }) : () -> ()
      %dma_start3A_232 = arith.constant 7 : i32
      %dma_start3A_233 = arith.constant 0 : i32
      %dma_start3A_234 = arith.constant 0 : i32
      %dma_start3A_235 = tpu.memref_slice %arg6[%dma_start3A_232, %dma_start3A_233, %dma_start3A_234] : memref<8x2x128xi32, #tpu.memory_space<vmem>> -> memref<1x1x128xi32, #tpu.memory_space<vmem>>
      %dma_start3A_236 = tpu.memref_squeeze %dma_start3A_235 : memref<1x1x128xi32, #tpu.memory_space<vmem>> -> memref<128xi32, #tpu.memory_space<vmem>>
      %dma_start3A_237 = arith.constant 0 : i32
      %dma_start3A_238 = arith.constant 0 : i32
      %dma_start3A_239 = tpu.memref_slice %arg2[%dma_start3A_237, %dma_start3A_238] : memref<10240x128xf32, #tpu.memory_space<hbm>> -> memref<10240x128xf32, #tpu.memory_space<hbm>>
      tpu.enqueue_indirect_dma source(%dma_start3A_239 : memref<10240x128xf32, #tpu.memory_space<hbm>>) target(%arg9 : memref<128x128xf32, #tpu.memory_space<vmem>>) offsets(%dma_start3A_236 : memref<128xi32, #tpu.memory_space<vmem>>) semaphore(%arg14 : memref<!tpu.dma_semaphore, #tpu.memory_space<semaphore_mem>>)
      %dma_wait3A_240 = arith.constant 6 : i32
      %dma_wait3A_241 = arith.constant 0 : i32
      %dma_wait3A_242 = arith.constant 0 : i32
      %dma_wait3A_243 = tpu.memref_slice %arg6[%dma_wait3A_240, %dma_wait3A_241, %dma_wait3A_242] : memref<8x2x128xi32, #tpu.memory_space<vmem>> -> memref<1x1x128xi32, #tpu.memory_space<vmem>>
      %dma_wait3A_244 = tpu.memref_squeeze %dma_wait3A_243 : memref<1x1x128xi32, #tpu.memory_space<vmem>> -> memref<128xi32, #tpu.memory_space<vmem>>
      %dma_wait3A_245 = arith.constant 0 : i32
      %dma_wait3A_246 = arith.constant 0 : i32
      %dma_wait3A_247 = tpu.memref_slice %arg2[%dma_wait3A_245, %dma_wait3A_246] : memref<10240x128xf32, #tpu.memory_space<hbm>> -> memref<10240x128xf32, #tpu.memory_space<hbm>>
      tpu.wait_indirect_dma semaphore(%arg13 : memref<!tpu.dma_semaphore, #tpu.memory_space<semaphore_mem>>) src(%dma_wait3A_247 : memref<10240x128xf32, #tpu.memory_space<hbm>>) dst(%arg8 : memref<128x128xf32, #tpu.memory_space<vmem>>)
      %run_scoped3A_248 = arith.constant 6 : i32
      %run_scoped3A_249 = arith.constant 1 : i32
      "tpu.region"() ({
        %run_scoped3A_428 = tpu.sem_alloc : memref<!tpu.dma_semaphore, #tpu.memory_space<semaphore_mem>>
        %dma_start3A_429 = arith.constant 0 : i32
        %dma_start3A_430 = tpu.memref_slice %arg6[%run_scoped3A_248, %run_scoped3A_249, %dma_start3A_429] : memref<8x2x128xi32, #tpu.memory_space<vmem>> -> memref<1x1x128xi32, #tpu.memory_space<vmem>>
        %dma_start3A_431 = tpu.memref_squeeze %dma_start3A_430 : memref<1x1x128xi32, #tpu.memory_space<vmem>> -> memref<128xi32, #tpu.memory_space<vmem>>
        %dma_start3A_432 = arith.constant 0 : i32
        %dma_start3A_433 = arith.constant 0 : i32
        %dma_start3A_434 = tpu.memref_slice %arg10[%dma_start3A_432, %dma_start3A_433] : memref<10240x128xf32, #tpu.memory_space<vmem_shared>> -> memref<10240x128xf32, #tpu.memory_space<vmem_shared>>
        tpu.enqueue_indirect_dma source(%arg8 : memref<128x128xf32, #tpu.memory_space<vmem>>) target(%dma_start3A_434 : memref<10240x128xf32, #tpu.memory_space<vmem_shared>>) offsets(%dma_start3A_431 : memref<128xi32, #tpu.memory_space<vmem>>) semaphore(%run_scoped3A_428 : memref<!tpu.dma_semaphore, #tpu.memory_space<semaphore_mem>>) {add = true}
        %dma_wait3A_435 = arith.constant 0 : i32
        %dma_wait3A_436 = tpu.memref_slice %arg6[%run_scoped3A_248, %run_scoped3A_249, %dma_wait3A_435] : memref<8x2x128xi32, #tpu.memory_space<vmem>> -> memref<1x1x128xi32, #tpu.memory_space<vmem>>
        %dma_wait3A_437 = tpu.memref_squeeze %dma_wait3A_436 : memref<1x1x128xi32, #tpu.memory_space<vmem>> -> memref<128xi32, #tpu.memory_space<vmem>>
        %dma_wait3A_438 = arith.constant 0 : i32
        %dma_wait3A_439 = arith.constant 0 : i32
        %dma_wait3A_440 = tpu.memref_slice %arg10[%dma_wait3A_438, %dma_wait3A_439] : memref<10240x128xf32, #tpu.memory_space<vmem_shared>> -> memref<10240x128xf32, #tpu.memory_space<vmem_shared>>
        tpu.wait_indirect_dma semaphore(%run_scoped3A_428 : memref<!tpu.dma_semaphore, #tpu.memory_space<semaphore_mem>>) src(%arg8 : memref<128x128xf32, #tpu.memory_space<vmem>>) dst(%dma_wait3A_440 : memref<10240x128xf32, #tpu.memory_space<vmem_shared>>)
        tpu.yield
      }) : () -> ()
      %dma_wait3A_250 = arith.constant 0 : i32
      %dma_wait3A_251 = arith.constant 0 : i32
      %dma_wait3A_252 = arith.constant 0 : i32
      %dma_wait3A_253 = arith.constant 0 : i32
      %dma_wait3A_254 = tpu.memref_slice %arg3[%add3A, %dma_wait3A_250, %dma_wait3A_251, %dma_wait3A_252, %dma_wait3A_253] : memref<32x10x8x2x128xi32, #tpu.memory_space<hbm>> -> memref<1x1x8x2x128xi32, #tpu.memory_space<hbm>>
      %dma_wait3A_255 = tpu.memref_squeeze %dma_wait3A_254 : memref<1x1x8x2x128xi32, #tpu.memory_space<hbm>> -> memref<8x2x128xi32, #tpu.memory_space<hbm>>
      %dma_wait3A_256 = arith.constant 0 : i32
      %dma_wait3A_257 = arith.constant 0 : i32
      %dma_wait3A_258 = arith.constant 0 : i32
      %dma_wait3A_259 = tpu.memref_slice %arg3[%add3A, %dma_wait3A_250, %dma_wait3A_256, %dma_wait3A_257, %dma_wait3A_258] : memref<32x10x8x2x128xi32, #tpu.memory_space<hbm>> -> memref<1x1x8x2x128xi32, #tpu.memory_space<hbm>>
      %dma_wait3A_260 = tpu.memref_squeeze %dma_wait3A_259 : memref<1x1x8x2x128xi32, #tpu.memory_space<hbm>> -> memref<8x2x128xi32, #tpu.memory_space<hbm>>
      tpu.wait_dma2 semaphore(%arg12 : memref<!tpu.dma_semaphore, #tpu.memory_space<semaphore_mem>>) src(%dma_wait3A_260 : memref<8x2x128xi32, #tpu.memory_space<hbm>>) dst(%arg7 : memref<8x2x128xi32, #tpu.memory_space<vmem>>)
      %dma_start3A_261 = arith.constant 0 : i32
      %dma_start3A_262 = arith.constant 0 : i32
      %dma_start3A_263 = arith.constant 0 : i32
      %dma_start3A_264 = tpu.memref_slice %arg7[%dma_start3A_261, %dma_start3A_262, %dma_start3A_263] : memref<8x2x128xi32, #tpu.memory_space<vmem>> -> memref<1x1x128xi32, #tpu.memory_space<vmem>>
      %dma_start3A_265 = tpu.memref_squeeze %dma_start3A_264 : memref<1x1x128xi32, #tpu.memory_space<vmem>> -> memref<128xi32, #tpu.memory_space<vmem>>
      %dma_start3A_266 = arith.constant 0 : i32
      %dma_start3A_267 = arith.constant 0 : i32
      %dma_start3A_268 = tpu.memref_slice %arg2[%dma_start3A_266, %dma_start3A_267] : memref<10240x128xf32, #tpu.memory_space<hbm>> -> memref<10240x128xf32, #tpu.memory_space<hbm>>
      tpu.enqueue_indirect_dma source(%dma_start3A_268 : memref<10240x128xf32, #tpu.memory_space<hbm>>) target(%arg8 : memref<128x128xf32, #tpu.memory_space<vmem>>) offsets(%dma_start3A_265 : memref<128xi32, #tpu.memory_space<vmem>>) semaphore(%arg13 : memref<!tpu.dma_semaphore, #tpu.memory_space<semaphore_mem>>)
      %dma_wait3A_269 = arith.constant 7 : i32
      %dma_wait3A_270 = arith.constant 0 : i32
      %dma_wait3A_271 = arith.constant 0 : i32
      %dma_wait3A_272 = tpu.memref_slice %arg6[%dma_wait3A_269, %dma_wait3A_270, %dma_wait3A_271] : memref<8x2x128xi32, #tpu.memory_space<vmem>> -> memref<1x1x128xi32, #tpu.memory_space<vmem>>
      %dma_wait3A_273 = tpu.memref_squeeze %dma_wait3A_272 : memref<1x1x128xi32, #tpu.memory_space<vmem>> -> memref<128xi32, #tpu.memory_space<vmem>>
      %dma_wait3A_274 = arith.constant 0 : i32
      %dma_wait3A_275 = arith.constant 0 : i32
      %dma_wait3A_276 = tpu.memref_slice %arg2[%dma_wait3A_274, %dma_wait3A_275] : memref<10240x128xf32, #tpu.memory_space<hbm>> -> memref<10240x128xf32, #tpu.memory_space<hbm>>
      tpu.wait_indirect_dma semaphore(%arg14 : memref<!tpu.dma_semaphore, #tpu.memory_space<semaphore_mem>>) src(%dma_wait3A_276 : memref<10240x128xf32, #tpu.memory_space<hbm>>) dst(%arg9 : memref<128x128xf32, #tpu.memory_space<vmem>>)
      %run_scoped3A_277 = arith.constant 7 : i32
      %run_scoped3A_278 = arith.constant 1 : i32
      "tpu.region"() ({
        %run_scoped3A_428 = tpu.sem_alloc : memref<!tpu.dma_semaphore, #tpu.memory_space<semaphore_mem>>
        %dma_start3A_429 = arith.constant 0 : i32
        %dma_start3A_430 = tpu.memref_slice %arg6[%run_scoped3A_277, %run_scoped3A_278, %dma_start3A_429] : memref<8x2x128xi32, #tpu.memory_space<vmem>> -> memref<1x1x128xi32, #tpu.memory_space<vmem>>
        %dma_start3A_431 = tpu.memref_squeeze %dma_start3A_430 : memref<1x1x128xi32, #tpu.memory_space<vmem>> -> memref<128xi32, #tpu.memory_space<vmem>>
        %dma_start3A_432 = arith.constant 0 : i32
        %dma_start3A_433 = arith.constant 0 : i32
        %dma_start3A_434 = tpu.memref_slice %arg10[%dma_start3A_432, %dma_start3A_433] : memref<10240x128xf32, #tpu.memory_space<vmem_shared>> -> memref<10240x128xf32, #tpu.memory_space<vmem_shared>>
        tpu.enqueue_indirect_dma source(%arg9 : memref<128x128xf32, #tpu.memory_space<vmem>>) target(%dma_start3A_434 : memref<10240x128xf32, #tpu.memory_space<vmem_shared>>) offsets(%dma_start3A_431 : memref<128xi32, #tpu.memory_space<vmem>>) semaphore(%run_scoped3A_428 : memref<!tpu.dma_semaphore, #tpu.memory_space<semaphore_mem>>) {add = true}
        %dma_wait3A_435 = arith.constant 0 : i32
        %dma_wait3A_436 = tpu.memref_slice %arg6[%run_scoped3A_277, %run_scoped3A_278, %dma_wait3A_435] : memref<8x2x128xi32, #tpu.memory_space<vmem>> -> memref<1x1x128xi32, #tpu.memory_space<vmem>>
        %dma_wait3A_437 = tpu.memref_squeeze %dma_wait3A_436 : memref<1x1x128xi32, #tpu.memory_space<vmem>> -> memref<128xi32, #tpu.memory_space<vmem>>
        %dma_wait3A_438 = arith.constant 0 : i32
        %dma_wait3A_439 = arith.constant 0 : i32
        %dma_wait3A_440 = tpu.memref_slice %arg10[%dma_wait3A_438, %dma_wait3A_439] : memref<10240x128xf32, #tpu.memory_space<vmem_shared>> -> memref<10240x128xf32, #tpu.memory_space<vmem_shared>>
        tpu.wait_indirect_dma semaphore(%run_scoped3A_428 : memref<!tpu.dma_semaphore, #tpu.memory_space<semaphore_mem>>) src(%arg9 : memref<128x128xf32, #tpu.memory_space<vmem>>) dst(%dma_wait3A_440 : memref<10240x128xf32, #tpu.memory_space<vmem_shared>>)
        tpu.yield
      }) : () -> ()
      %lt3A = arith.constant 4 : i32
      %lt3A_279 = arith.cmpi slt, %scan3A_129, %lt3A : i32
      %convert_element_type3A = arith.extui %lt3A_279 : i1 to i32
      %cond3A = arith.constant 0 : i32
      %cond3A_280 = arith.cmpi ne, %convert_element_type3A, %cond3A : i32
      scf.if %cond3A_280 {
        %add3A_428 = arith.constant 2 : i32
        %add3A_429 = arith.addi %mul3A_132, %add3A_428 : i32
        %dma_start3A_430 = arith.constant 0 : i32
        %dma_start3A_431 = arith.constant 0 : i32
        %dma_start3A_432 = arith.constant 0 : i32
        %dma_start3A_433 = tpu.memref_slice %arg3[%add3A, %add3A_429, %dma_start3A_430, %dma_start3A_431, %dma_start3A_432] : memref<32x10x8x2x128xi32, #tpu.memory_space<hbm>> -> memref<1x1x8x2x128xi32, #tpu.memory_space<hbm>>
        %dma_start3A_434 = tpu.memref_squeeze %dma_start3A_433 : memref<1x1x8x2x128xi32, #tpu.memory_space<hbm>> -> memref<8x2x128xi32, #tpu.memory_space<hbm>>
        %dma_start3A_435 = arith.constant 0 : i32
        %dma_start3A_436 = arith.constant 0 : i32
        %dma_start3A_437 = arith.constant 0 : i32
        %dma_start3A_438 = tpu.memref_slice %arg3[%add3A, %add3A_429, %dma_start3A_435, %dma_start3A_436, %dma_start3A_437] : memref<32x10x8x2x128xi32, #tpu.memory_space<hbm>> -> memref<1x1x8x2x128xi32, #tpu.memory_space<hbm>>
        %dma_start3A_439 = tpu.memref_squeeze %dma_start3A_438 : memref<1x1x8x2x128xi32, #tpu.memory_space<hbm>> -> memref<8x2x128xi32, #tpu.memory_space<hbm>>
        tpu.enqueue_dma source(%dma_start3A_439 : memref<8x2x128xi32, #tpu.memory_space<hbm>>) target(%arg6 : memref<8x2x128xi32, #tpu.memory_space<vmem>>) target_semaphore(%arg11 : memref<!tpu.dma_semaphore, #tpu.memory_space<semaphore_mem>>)
      } else {
      }
      %dma_start3A_281 = arith.constant 1 : i32
      %dma_start3A_282 = arith.constant 0 : i32
      %dma_start3A_283 = arith.constant 0 : i32
      %dma_start3A_284 = tpu.memref_slice %arg7[%dma_start3A_281, %dma_start3A_282, %dma_start3A_283] : memref<8x2x128xi32, #tpu.memory_space<vmem>> -> memref<1x1x128xi32, #tpu.memory_space<vmem>>
      %dma_start3A_285 = tpu.memref_squeeze %dma_start3A_284 : memref<1x1x128xi32, #tpu.memory_space<vmem>> -> memref<128xi32, #tpu.memory_space<vmem>>
      %dma_start3A_286 = arith.constant 0 : i32
      %dma_start3A_287 = arith.constant 0 : i32
      %dma_start3A_288 = tpu.memref_slice %arg2[%dma_start3A_286, %dma_start3A_287] : memref<10240x128xf32, #tpu.memory_space<hbm>> -> memref<10240x128xf32, #tpu.memory_space<hbm>>
      tpu.enqueue_indirect_dma source(%dma_start3A_288 : memref<10240x128xf32, #tpu.memory_space<hbm>>) target(%arg9 : memref<128x128xf32, #tpu.memory_space<vmem>>) offsets(%dma_start3A_285 : memref<128xi32, #tpu.memory_space<vmem>>) semaphore(%arg14 : memref<!tpu.dma_semaphore, #tpu.memory_space<semaphore_mem>>)
      %dma_wait3A_289 = arith.constant 0 : i32
      %dma_wait3A_290 = arith.constant 0 : i32
      %dma_wait3A_291 = arith.constant 0 : i32
      %dma_wait3A_292 = tpu.memref_slice %arg7[%dma_wait3A_289, %dma_wait3A_290, %dma_wait3A_291] : memref<8x2x128xi32, #tpu.memory_space<vmem>> -> memref<1x1x128xi32, #tpu.memory_space<vmem>>
      %dma_wait3A_293 = tpu.memref_squeeze %dma_wait3A_292 : memref<1x1x128xi32, #tpu.memory_space<vmem>> -> memref<128xi32, #tpu.memory_space<vmem>>
      %dma_wait3A_294 = arith.constant 0 : i32
      %dma_wait3A_295 = arith.constant 0 : i32
      %dma_wait3A_296 = tpu.memref_slice %arg2[%dma_wait3A_294, %dma_wait3A_295] : memref<10240x128xf32, #tpu.memory_space<hbm>> -> memref<10240x128xf32, #tpu.memory_space<hbm>>
      tpu.wait_indirect_dma semaphore(%arg13 : memref<!tpu.dma_semaphore, #tpu.memory_space<semaphore_mem>>) src(%dma_wait3A_296 : memref<10240x128xf32, #tpu.memory_space<hbm>>) dst(%arg8 : memref<128x128xf32, #tpu.memory_space<vmem>>)
      %run_scoped3A_297 = arith.constant 0 : i32
      %run_scoped3A_298 = arith.constant 1 : i32
      "tpu.region"() ({
        %run_scoped3A_428 = tpu.sem_alloc : memref<!tpu.dma_semaphore, #tpu.memory_space<semaphore_mem>>
        %dma_start3A_429 = arith.constant 0 : i32
        %dma_start3A_430 = tpu.memref_slice %arg7[%run_scoped3A_297, %run_scoped3A_298, %dma_start3A_429] : memref<8x2x128xi32, #tpu.memory_space<vmem>> -> memref<1x1x128xi32, #tpu.memory_space<vmem>>
        %dma_start3A_431 = tpu.memref_squeeze %dma_start3A_430 : memref<1x1x128xi32, #tpu.memory_space<vmem>> -> memref<128xi32, #tpu.memory_space<vmem>>
        %dma_start3A_432 = arith.constant 0 : i32
        %dma_start3A_433 = arith.constant 0 : i32
        %dma_start3A_434 = tpu.memref_slice %arg10[%dma_start3A_432, %dma_start3A_433] : memref<10240x128xf32, #tpu.memory_space<vmem_shared>> -> memref<10240x128xf32, #tpu.memory_space<vmem_shared>>
        tpu.enqueue_indirect_dma source(%arg8 : memref<128x128xf32, #tpu.memory_space<vmem>>) target(%dma_start3A_434 : memref<10240x128xf32, #tpu.memory_space<vmem_shared>>) offsets(%dma_start3A_431 : memref<128xi32, #tpu.memory_space<vmem>>) semaphore(%run_scoped3A_428 : memref<!tpu.dma_semaphore, #tpu.memory_space<semaphore_mem>>) {add = true}
        %dma_wait3A_435 = arith.constant 0 : i32
        %dma_wait3A_436 = tpu.memref_slice %arg7[%run_scoped3A_297, %run_scoped3A_298, %dma_wait3A_435] : memref<8x2x128xi32, #tpu.memory_space<vmem>> -> memref<1x1x128xi32, #tpu.memory_space<vmem>>
        %dma_wait3A_437 = tpu.memref_squeeze %dma_wait3A_436 : memref<1x1x128xi32, #tpu.memory_space<vmem>> -> memref<128xi32, #tpu.memory_space<vmem>>
        %dma_wait3A_438 = arith.constant 0 : i32
        %dma_wait3A_439 = arith.constant 0 : i32
        %dma_wait3A_440 = tpu.memref_slice %arg10[%dma_wait3A_438, %dma_wait3A_439] : memref<10240x128xf32, #tpu.memory_space<vmem_shared>> -> memref<10240x128xf32, #tpu.memory_space<vmem_shared>>
        tpu.wait_indirect_dma semaphore(%run_scoped3A_428 : memref<!tpu.dma_semaphore, #tpu.memory_space<semaphore_mem>>) src(%arg8 : memref<128x128xf32, #tpu.memory_space<vmem>>) dst(%dma_wait3A_440 : memref<10240x128xf32, #tpu.memory_space<vmem_shared>>)
        tpu.yield
      }) : () -> ()
      %dma_start3A_299 = arith.constant 2 : i32
      %dma_start3A_300 = arith.constant 0 : i32
      %dma_start3A_301 = arith.constant 0 : i32
      %dma_start3A_302 = tpu.memref_slice %arg7[%dma_start3A_299, %dma_start3A_300, %dma_start3A_301] : memref<8x2x128xi32, #tpu.memory_space<vmem>> -> memref<1x1x128xi32, #tpu.memory_space<vmem>>
      %dma_start3A_303 = tpu.memref_squeeze %dma_start3A_302 : memref<1x1x128xi32, #tpu.memory_space<vmem>> -> memref<128xi32, #tpu.memory_space<vmem>>
      %dma_start3A_304 = arith.constant 0 : i32
      %dma_start3A_305 = arith.constant 0 : i32
      %dma_start3A_306 = tpu.memref_slice %arg2[%dma_start3A_304, %dma_start3A_305] : memref<10240x128xf32, #tpu.memory_space<hbm>> -> memref<10240x128xf32, #tpu.memory_space<hbm>>
      tpu.enqueue_indirect_dma source(%dma_start3A_306 : memref<10240x128xf32, #tpu.memory_space<hbm>>) target(%arg8 : memref<128x128xf32, #tpu.memory_space<vmem>>) offsets(%dma_start3A_303 : memref<128xi32, #tpu.memory_space<vmem>>) semaphore(%arg13 : memref<!tpu.dma_semaphore, #tpu.memory_space<semaphore_mem>>)
      %dma_wait3A_307 = arith.constant 1 : i32
      %dma_wait3A_308 = arith.constant 0 : i32
      %dma_wait3A_309 = arith.constant 0 : i32
      %dma_wait3A_310 = tpu.memref_slice %arg7[%dma_wait3A_307, %dma_wait3A_308, %dma_wait3A_309] : memref<8x2x128xi32, #tpu.memory_space<vmem>> -> memref<1x1x128xi32, #tpu.memory_space<vmem>>
      %dma_wait3A_311 = tpu.memref_squeeze %dma_wait3A_310 : memref<1x1x128xi32, #tpu.memory_space<vmem>> -> memref<128xi32, #tpu.memory_space<vmem>>
      %dma_wait3A_312 = arith.constant 0 : i32
      %dma_wait3A_313 = arith.constant 0 : i32
      %dma_wait3A_314 = tpu.memref_slice %arg2[%dma_wait3A_312, %dma_wait3A_313] : memref<10240x128xf32, #tpu.memory_space<hbm>> -> memref<10240x128xf32, #tpu.memory_space<hbm>>
      tpu.wait_indirect_dma semaphore(%arg14 : memref<!tpu.dma_semaphore, #tpu.memory_space<semaphore_mem>>) src(%dma_wait3A_314 : memref<10240x128xf32, #tpu.memory_space<hbm>>) dst(%arg9 : memref<128x128xf32, #tpu.memory_space<vmem>>)
      %run_scoped3A_315 = arith.constant 1 : i32
      %run_scoped3A_316 = arith.constant 1 : i32
      "tpu.region"() ({
        %run_scoped3A_428 = tpu.sem_alloc : memref<!tpu.dma_semaphore, #tpu.memory_space<semaphore_mem>>
        %dma_start3A_429 = arith.constant 0 : i32
        %dma_start3A_430 = tpu.memref_slice %arg7[%run_scoped3A_315, %run_scoped3A_316, %dma_start3A_429] : memref<8x2x128xi32, #tpu.memory_space<vmem>> -> memref<1x1x128xi32, #tpu.memory_space<vmem>>
        %dma_start3A_431 = tpu.memref_squeeze %dma_start3A_430 : memref<1x1x128xi32, #tpu.memory_space<vmem>> -> memref<128xi32, #tpu.memory_space<vmem>>
        %dma_start3A_432 = arith.constant 0 : i32
        %dma_start3A_433 = arith.constant 0 : i32
        %dma_start3A_434 = tpu.memref_slice %arg10[%dma_start3A_432, %dma_start3A_433] : memref<10240x128xf32, #tpu.memory_space<vmem_shared>> -> memref<10240x128xf32, #tpu.memory_space<vmem_shared>>
        tpu.enqueue_indirect_dma source(%arg9 : memref<128x128xf32, #tpu.memory_space<vmem>>) target(%dma_start3A_434 : memref<10240x128xf32, #tpu.memory_space<vmem_shared>>) offsets(%dma_start3A_431 : memref<128xi32, #tpu.memory_space<vmem>>) semaphore(%run_scoped3A_428 : memref<!tpu.dma_semaphore, #tpu.memory_space<semaphore_mem>>) {add = true}
        %dma_wait3A_435 = arith.constant 0 : i32
        %dma_wait3A_436 = tpu.memref_slice %arg7[%run_scoped3A_315, %run_scoped3A_316, %dma_wait3A_435] : memref<8x2x128xi32, #tpu.memory_space<vmem>> -> memref<1x1x128xi32, #tpu.memory_space<vmem>>
        %dma_wait3A_437 = tpu.memref_squeeze %dma_wait3A_436 : memref<1x1x128xi32, #tpu.memory_space<vmem>> -> memref<128xi32, #tpu.memory_space<vmem>>
        %dma_wait3A_438 = arith.constant 0 : i32
        %dma_wait3A_439 = arith.constant 0 : i32
        %dma_wait3A_440 = tpu.memref_slice %arg10[%dma_wait3A_438, %dma_wait3A_439] : memref<10240x128xf32, #tpu.memory_space<vmem_shared>> -> memref<10240x128xf32, #tpu.memory_space<vmem_shared>>
        tpu.wait_indirect_dma semaphore(%run_scoped3A_428 : memref<!tpu.dma_semaphore, #tpu.memory_space<semaphore_mem>>) src(%arg9 : memref<128x128xf32, #tpu.memory_space<vmem>>) dst(%dma_wait3A_440 : memref<10240x128xf32, #tpu.memory_space<vmem_shared>>)
        tpu.yield
      }) : () -> ()
      %dma_start3A_317 = arith.constant 3 : i32
      %dma_start3A_318 = arith.constant 0 : i32
      %dma_start3A_319 = arith.constant 0 : i32
      %dma_start3A_320 = tpu.memref_slice %arg7[%dma_start3A_317, %dma_start3A_318, %dma_start3A_319] : memref<8x2x128xi32, #tpu.memory_space<vmem>> -> memref<1x1x128xi32, #tpu.memory_space<vmem>>
      %dma_start3A_321 = tpu.memref_squeeze %dma_start3A_320 : memref<1x1x128xi32, #tpu.memory_space<vmem>> -> memref<128xi32, #tpu.memory_space<vmem>>
      %dma_start3A_322 = arith.constant 0 : i32
      %dma_start3A_323 = arith.constant 0 : i32
      %dma_start3A_324 = tpu.memref_slice %arg2[%dma_start3A_322, %dma_start3A_323] : memref<10240x128xf32, #tpu.memory_space<hbm>> -> memref<10240x128xf32, #tpu.memory_space<hbm>>
      tpu.enqueue_indirect_dma source(%dma_start3A_324 : memref<10240x128xf32, #tpu.memory_space<hbm>>) target(%arg9 : memref<128x128xf32, #tpu.memory_space<vmem>>) offsets(%dma_start3A_321 : memref<128xi32, #tpu.memory_space<vmem>>) semaphore(%arg14 : memref<!tpu.dma_semaphore, #tpu.memory_space<semaphore_mem>>)
      %dma_wait3A_325 = arith.constant 2 : i32
      %dma_wait3A_326 = arith.constant 0 : i32
      %dma_wait3A_327 = arith.constant 0 : i32
      %dma_wait3A_328 = tpu.memref_slice %arg7[%dma_wait3A_325, %dma_wait3A_326, %dma_wait3A_327] : memref<8x2x128xi32, #tpu.memory_space<vmem>> -> memref<1x1x128xi32, #tpu.memory_space<vmem>>
      %dma_wait3A_329 = tpu.memref_squeeze %dma_wait3A_328 : memref<1x1x128xi32, #tpu.memory_space<vmem>> -> memref<128xi32, #tpu.memory_space<vmem>>
      %dma_wait3A_330 = arith.constant 0 : i32
      %dma_wait3A_331 = arith.constant 0 : i32
      %dma_wait3A_332 = tpu.memref_slice %arg2[%dma_wait3A_330, %dma_wait3A_331] : memref<10240x128xf32, #tpu.memory_space<hbm>> -> memref<10240x128xf32, #tpu.memory_space<hbm>>
      tpu.wait_indirect_dma semaphore(%arg13 : memref<!tpu.dma_semaphore, #tpu.memory_space<semaphore_mem>>) src(%dma_wait3A_332 : memref<10240x128xf32, #tpu.memory_space<hbm>>) dst(%arg8 : memref<128x128xf32, #tpu.memory_space<vmem>>)
      %run_scoped3A_333 = arith.constant 2 : i32
      %run_scoped3A_334 = arith.constant 1 : i32
      "tpu.region"() ({
        %run_scoped3A_428 = tpu.sem_alloc : memref<!tpu.dma_semaphore, #tpu.memory_space<semaphore_mem>>
        %dma_start3A_429 = arith.constant 0 : i32
        %dma_start3A_430 = tpu.memref_slice %arg7[%run_scoped3A_333, %run_scoped3A_334, %dma_start3A_429] : memref<8x2x128xi32, #tpu.memory_space<vmem>> -> memref<1x1x128xi32, #tpu.memory_space<vmem>>
        %dma_start3A_431 = tpu.memref_squeeze %dma_start3A_430 : memref<1x1x128xi32, #tpu.memory_space<vmem>> -> memref<128xi32, #tpu.memory_space<vmem>>
        %dma_start3A_432 = arith.constant 0 : i32
        %dma_start3A_433 = arith.constant 0 : i32
        %dma_start3A_434 = tpu.memref_slice %arg10[%dma_start3A_432, %dma_start3A_433] : memref<10240x128xf32, #tpu.memory_space<vmem_shared>> -> memref<10240x128xf32, #tpu.memory_space<vmem_shared>>
        tpu.enqueue_indirect_dma source(%arg8 : memref<128x128xf32, #tpu.memory_space<vmem>>) target(%dma_start3A_434 : memref<10240x128xf32, #tpu.memory_space<vmem_shared>>) offsets(%dma_start3A_431 : memref<128xi32, #tpu.memory_space<vmem>>) semaphore(%run_scoped3A_428 : memref<!tpu.dma_semaphore, #tpu.memory_space<semaphore_mem>>) {add = true}
        %dma_wait3A_435 = arith.constant 0 : i32
        %dma_wait3A_436 = tpu.memref_slice %arg7[%run_scoped3A_333, %run_scoped3A_334, %dma_wait3A_435] : memref<8x2x128xi32, #tpu.memory_space<vmem>> -> memref<1x1x128xi32, #tpu.memory_space<vmem>>
        %dma_wait3A_437 = tpu.memref_squeeze %dma_wait3A_436 : memref<1x1x128xi32, #tpu.memory_space<vmem>> -> memref<128xi32, #tpu.memory_space<vmem>>
        %dma_wait3A_438 = arith.constant 0 : i32
        %dma_wait3A_439 = arith.constant 0 : i32
        %dma_wait3A_440 = tpu.memref_slice %arg10[%dma_wait3A_438, %dma_wait3A_439] : memref<10240x128xf32, #tpu.memory_space<vmem_shared>> -> memref<10240x128xf32, #tpu.memory_space<vmem_shared>>
        tpu.wait_indirect_dma semaphore(%run_scoped3A_428 : memref<!tpu.dma_semaphore, #tpu.memory_space<semaphore_mem>>) src(%arg8 : memref<128x128xf32, #tpu.memory_space<vmem>>) dst(%dma_wait3A_440 : memref<10240x128xf32, #tpu.memory_space<vmem_shared>>)
        tpu.yield
      }) : () -> ()
      %dma_start3A_335 = arith.constant 4 : i32
      %dma_start3A_336 = arith.constant 0 : i32
      %dma_start3A_337 = arith.constant 0 : i32
      %dma_start3A_338 = tpu.memref_slice %arg7[%dma_start3A_335, %dma_start3A_336, %dma_start3A_337] : memref<8x2x128xi32, #tpu.memory_space<vmem>> -> memref<1x1x128xi32, #tpu.memory_space<vmem>>
      %dma_start3A_339 = tpu.memref_squeeze %dma_start3A_338 : memref<1x1x128xi32, #tpu.memory_space<vmem>> -> memref<128xi32, #tpu.memory_space<vmem>>
      %dma_start3A_340 = arith.constant 0 : i32
      %dma_start3A_341 = arith.constant 0 : i32
      %dma_start3A_342 = tpu.memref_slice %arg2[%dma_start3A_340, %dma_start3A_341] : memref<10240x128xf32, #tpu.memory_space<hbm>> -> memref<10240x128xf32, #tpu.memory_space<hbm>>
      tpu.enqueue_indirect_dma source(%dma_start3A_342 : memref<10240x128xf32, #tpu.memory_space<hbm>>) target(%arg8 : memref<128x128xf32, #tpu.memory_space<vmem>>) offsets(%dma_start3A_339 : memref<128xi32, #tpu.memory_space<vmem>>) semaphore(%arg13 : memref<!tpu.dma_semaphore, #tpu.memory_space<semaphore_mem>>)
      %dma_wait3A_343 = arith.constant 3 : i32
      %dma_wait3A_344 = arith.constant 0 : i32
      %dma_wait3A_345 = arith.constant 0 : i32
      %dma_wait3A_346 = tpu.memref_slice %arg7[%dma_wait3A_343, %dma_wait3A_344, %dma_wait3A_345] : memref<8x2x128xi32, #tpu.memory_space<vmem>> -> memref<1x1x128xi32, #tpu.memory_space<vmem>>
      %dma_wait3A_347 = tpu.memref_squeeze %dma_wait3A_346 : memref<1x1x128xi32, #tpu.memory_space<vmem>> -> memref<128xi32, #tpu.memory_space<vmem>>
      %dma_wait3A_348 = arith.constant 0 : i32
      %dma_wait3A_349 = arith.constant 0 : i32
      %dma_wait3A_350 = tpu.memref_slice %arg2[%dma_wait3A_348, %dma_wait3A_349] : memref<10240x128xf32, #tpu.memory_space<hbm>> -> memref<10240x128xf32, #tpu.memory_space<hbm>>
      tpu.wait_indirect_dma semaphore(%arg14 : memref<!tpu.dma_semaphore, #tpu.memory_space<semaphore_mem>>) src(%dma_wait3A_350 : memref<10240x128xf32, #tpu.memory_space<hbm>>) dst(%arg9 : memref<128x128xf32, #tpu.memory_space<vmem>>)
      %run_scoped3A_351 = arith.constant 3 : i32
      %run_scoped3A_352 = arith.constant 1 : i32
      "tpu.region"() ({
        %run_scoped3A_428 = tpu.sem_alloc : memref<!tpu.dma_semaphore, #tpu.memory_space<semaphore_mem>>
        %dma_start3A_429 = arith.constant 0 : i32
        %dma_start3A_430 = tpu.memref_slice %arg7[%run_scoped3A_351, %run_scoped3A_352, %dma_start3A_429] : memref<8x2x128xi32, #tpu.memory_space<vmem>> -> memref<1x1x128xi32, #tpu.memory_space<vmem>>
        %dma_start3A_431 = tpu.memref_squeeze %dma_start3A_430 : memref<1x1x128xi32, #tpu.memory_space<vmem>> -> memref<128xi32, #tpu.memory_space<vmem>>
        %dma_start3A_432 = arith.constant 0 : i32
        %dma_start3A_433 = arith.constant 0 : i32
        %dma_start3A_434 = tpu.memref_slice %arg10[%dma_start3A_432, %dma_start3A_433] : memref<10240x128xf32, #tpu.memory_space<vmem_shared>> -> memref<10240x128xf32, #tpu.memory_space<vmem_shared>>
        tpu.enqueue_indirect_dma source(%arg9 : memref<128x128xf32, #tpu.memory_space<vmem>>) target(%dma_start3A_434 : memref<10240x128xf32, #tpu.memory_space<vmem_shared>>) offsets(%dma_start3A_431 : memref<128xi32, #tpu.memory_space<vmem>>) semaphore(%run_scoped3A_428 : memref<!tpu.dma_semaphore, #tpu.memory_space<semaphore_mem>>) {add = true}
        %dma_wait3A_435 = arith.constant 0 : i32
        %dma_wait3A_436 = tpu.memref_slice %arg7[%run_scoped3A_351, %run_scoped3A_352, %dma_wait3A_435] : memref<8x2x128xi32, #tpu.memory_space<vmem>> -> memref<1x1x128xi32, #tpu.memory_space<vmem>>
        %dma_wait3A_437 = tpu.memref_squeeze %dma_wait3A_436 : memref<1x1x128xi32, #tpu.memory_space<vmem>> -> memref<128xi32, #tpu.memory_space<vmem>>
        %dma_wait3A_438 = arith.constant 0 : i32
        %dma_wait3A_439 = arith.constant 0 : i32
        %dma_wait3A_440 = tpu.memref_slice %arg10[%dma_wait3A_438, %dma_wait3A_439] : memref<10240x128xf32, #tpu.memory_space<vmem_shared>> -> memref<10240x128xf32, #tpu.memory_space<vmem_shared>>
        tpu.wait_indirect_dma semaphore(%run_scoped3A_428 : memref<!tpu.dma_semaphore, #tpu.memory_space<semaphore_mem>>) src(%arg9 : memref<128x128xf32, #tpu.memory_space<vmem>>) dst(%dma_wait3A_440 : memref<10240x128xf32, #tpu.memory_space<vmem_shared>>)
        tpu.yield
      }) : () -> ()
      %dma_start3A_353 = arith.constant 5 : i32
      %dma_start3A_354 = arith.constant 0 : i32
      %dma_start3A_355 = arith.constant 0 : i32
      %dma_start3A_356 = tpu.memref_slice %arg7[%dma_start3A_353, %dma_start3A_354, %dma_start3A_355] : memref<8x2x128xi32, #tpu.memory_space<vmem>> -> memref<1x1x128xi32, #tpu.memory_space<vmem>>
      %dma_start3A_357 = tpu.memref_squeeze %dma_start3A_356 : memref<1x1x128xi32, #tpu.memory_space<vmem>> -> memref<128xi32, #tpu.memory_space<vmem>>
      %dma_start3A_358 = arith.constant 0 : i32
      %dma_start3A_359 = arith.constant 0 : i32
      %dma_start3A_360 = tpu.memref_slice %arg2[%dma_start3A_358, %dma_start3A_359] : memref<10240x128xf32, #tpu.memory_space<hbm>> -> memref<10240x128xf32, #tpu.memory_space<hbm>>
      tpu.enqueue_indirect_dma source(%dma_start3A_360 : memref<10240x128xf32, #tpu.memory_space<hbm>>) target(%arg9 : memref<128x128xf32, #tpu.memory_space<vmem>>) offsets(%dma_start3A_357 : memref<128xi32, #tpu.memory_space<vmem>>) semaphore(%arg14 : memref<!tpu.dma_semaphore, #tpu.memory_space<semaphore_mem>>)
      %dma_wait3A_361 = arith.constant 4 : i32
      %dma_wait3A_362 = arith.constant 0 : i32
      %dma_wait3A_363 = arith.constant 0 : i32
      %dma_wait3A_364 = tpu.memref_slice %arg7[%dma_wait3A_361, %dma_wait3A_362, %dma_wait3A_363] : memref<8x2x128xi32, #tpu.memory_space<vmem>> -> memref<1x1x128xi32, #tpu.memory_space<vmem>>
      %dma_wait3A_365 = tpu.memref_squeeze %dma_wait3A_364 : memref<1x1x128xi32, #tpu.memory_space<vmem>> -> memref<128xi32, #tpu.memory_space<vmem>>
      %dma_wait3A_366 = arith.constant 0 : i32
      %dma_wait3A_367 = arith.constant 0 : i32
      %dma_wait3A_368 = tpu.memref_slice %arg2[%dma_wait3A_366, %dma_wait3A_367] : memref<10240x128xf32, #tpu.memory_space<hbm>> -> memref<10240x128xf32, #tpu.memory_space<hbm>>
      tpu.wait_indirect_dma semaphore(%arg13 : memref<!tpu.dma_semaphore, #tpu.memory_space<semaphore_mem>>) src(%dma_wait3A_368 : memref<10240x128xf32, #tpu.memory_space<hbm>>) dst(%arg8 : memref<128x128xf32, #tpu.memory_space<vmem>>)
      %run_scoped3A_369 = arith.constant 4 : i32
      %run_scoped3A_370 = arith.constant 1 : i32
      "tpu.region"() ({
        %run_scoped3A_428 = tpu.sem_alloc : memref<!tpu.dma_semaphore, #tpu.memory_space<semaphore_mem>>
        %dma_start3A_429 = arith.constant 0 : i32
        %dma_start3A_430 = tpu.memref_slice %arg7[%run_scoped3A_369, %run_scoped3A_370, %dma_start3A_429] : memref<8x2x128xi32, #tpu.memory_space<vmem>> -> memref<1x1x128xi32, #tpu.memory_space<vmem>>
        %dma_start3A_431 = tpu.memref_squeeze %dma_start3A_430 : memref<1x1x128xi32, #tpu.memory_space<vmem>> -> memref<128xi32, #tpu.memory_space<vmem>>
        %dma_start3A_432 = arith.constant 0 : i32
        %dma_start3A_433 = arith.constant 0 : i32
        %dma_start3A_434 = tpu.memref_slice %arg10[%dma_start3A_432, %dma_start3A_433] : memref<10240x128xf32, #tpu.memory_space<vmem_shared>> -> memref<10240x128xf32, #tpu.memory_space<vmem_shared>>
        tpu.enqueue_indirect_dma source(%arg8 : memref<128x128xf32, #tpu.memory_space<vmem>>) target(%dma_start3A_434 : memref<10240x128xf32, #tpu.memory_space<vmem_shared>>) offsets(%dma_start3A_431 : memref<128xi32, #tpu.memory_space<vmem>>) semaphore(%run_scoped3A_428 : memref<!tpu.dma_semaphore, #tpu.memory_space<semaphore_mem>>) {add = true}
        %dma_wait3A_435 = arith.constant 0 : i32
        %dma_wait3A_436 = tpu.memref_slice %arg7[%run_scoped3A_369, %run_scoped3A_370, %dma_wait3A_435] : memref<8x2x128xi32, #tpu.memory_space<vmem>> -> memref<1x1x128xi32, #tpu.memory_space<vmem>>
        %dma_wait3A_437 = tpu.memref_squeeze %dma_wait3A_436 : memref<1x1x128xi32, #tpu.memory_space<vmem>> -> memref<128xi32, #tpu.memory_space<vmem>>
        %dma_wait3A_438 = arith.constant 0 : i32
        %dma_wait3A_439 = arith.constant 0 : i32
        %dma_wait3A_440 = tpu.memref_slice %arg10[%dma_wait3A_438, %dma_wait3A_439] : memref<10240x128xf32, #tpu.memory_space<vmem_shared>> -> memref<10240x128xf32, #tpu.memory_space<vmem_shared>>
        tpu.wait_indirect_dma semaphore(%run_scoped3A_428 : memref<!tpu.dma_semaphore, #tpu.memory_space<semaphore_mem>>) src(%arg8 : memref<128x128xf32, #tpu.memory_space<vmem>>) dst(%dma_wait3A_440 : memref<10240x128xf32, #tpu.memory_space<vmem_shared>>)
        tpu.yield
      }) : () -> ()
      %dma_start3A_371 = arith.constant 6 : i32
      %dma_start3A_372 = arith.constant 0 : i32
      %dma_start3A_373 = arith.constant 0 : i32
      %dma_start3A_374 = tpu.memref_slice %arg7[%dma_start3A_371, %dma_start3A_372, %dma_start3A_373] : memref<8x2x128xi32, #tpu.memory_space<vmem>> -> memref<1x1x128xi32, #tpu.memory_space<vmem>>
      %dma_start3A_375 = tpu.memref_squeeze %dma_start3A_374 : memref<1x1x128xi32, #tpu.memory_space<vmem>> -> memref<128xi32, #tpu.memory_space<vmem>>
      %dma_start3A_376 = arith.constant 0 : i32
      %dma_start3A_377 = arith.constant 0 : i32
      %dma_start3A_378 = tpu.memref_slice %arg2[%dma_start3A_376, %dma_start3A_377] : memref<10240x128xf32, #tpu.memory_space<hbm>> -> memref<10240x128xf32, #tpu.memory_space<hbm>>
      tpu.enqueue_indirect_dma source(%dma_start3A_378 : memref<10240x128xf32, #tpu.memory_space<hbm>>) target(%arg8 : memref<128x128xf32, #tpu.memory_space<vmem>>) offsets(%dma_start3A_375 : memref<128xi32, #tpu.memory_space<vmem>>) semaphore(%arg13 : memref<!tpu.dma_semaphore, #tpu.memory_space<semaphore_mem>>)
      %dma_wait3A_379 = arith.constant 5 : i32
      %dma_wait3A_380 = arith.constant 0 : i32
      %dma_wait3A_381 = arith.constant 0 : i32
      %dma_wait3A_382 = tpu.memref_slice %arg7[%dma_wait3A_379, %dma_wait3A_380, %dma_wait3A_381] : memref<8x2x128xi32, #tpu.memory_space<vmem>> -> memref<1x1x128xi32, #tpu.memory_space<vmem>>
      %dma_wait3A_383 = tpu.memref_squeeze %dma_wait3A_382 : memref<1x1x128xi32, #tpu.memory_space<vmem>> -> memref<128xi32, #tpu.memory_space<vmem>>
      %dma_wait3A_384 = arith.constant 0 : i32
      %dma_wait3A_385 = arith.constant 0 : i32
      %dma_wait3A_386 = tpu.memref_slice %arg2[%dma_wait3A_384, %dma_wait3A_385] : memref<10240x128xf32, #tpu.memory_space<hbm>> -> memref<10240x128xf32, #tpu.memory_space<hbm>>
      tpu.wait_indirect_dma semaphore(%arg14 : memref<!tpu.dma_semaphore, #tpu.memory_space<semaphore_mem>>) src(%dma_wait3A_386 : memref<10240x128xf32, #tpu.memory_space<hbm>>) dst(%arg9 : memref<128x128xf32, #tpu.memory_space<vmem>>)
      %run_scoped3A_387 = arith.constant 5 : i32
      %run_scoped3A_388 = arith.constant 1 : i32
      "tpu.region"() ({
        %run_scoped3A_428 = tpu.sem_alloc : memref<!tpu.dma_semaphore, #tpu.memory_space<semaphore_mem>>
        %dma_start3A_429 = arith.constant 0 : i32
        %dma_start3A_430 = tpu.memref_slice %arg7[%run_scoped3A_387, %run_scoped3A_388, %dma_start3A_429] : memref<8x2x128xi32, #tpu.memory_space<vmem>> -> memref<1x1x128xi32, #tpu.memory_space<vmem>>
        %dma_start3A_431 = tpu.memref_squeeze %dma_start3A_430 : memref<1x1x128xi32, #tpu.memory_space<vmem>> -> memref<128xi32, #tpu.memory_space<vmem>>
        %dma_start3A_432 = arith.constant 0 : i32
        %dma_start3A_433 = arith.constant 0 : i32
        %dma_start3A_434 = tpu.memref_slice %arg10[%dma_start3A_432, %dma_start3A_433] : memref<10240x128xf32, #tpu.memory_space<vmem_shared>> -> memref<10240x128xf32, #tpu.memory_space<vmem_shared>>
        tpu.enqueue_indirect_dma source(%arg9 : memref<128x128xf32, #tpu.memory_space<vmem>>) target(%dma_start3A_434 : memref<10240x128xf32, #tpu.memory_space<vmem_shared>>) offsets(%dma_start3A_431 : memref<128xi32, #tpu.memory_space<vmem>>) semaphore(%run_scoped3A_428 : memref<!tpu.dma_semaphore, #tpu.memory_space<semaphore_mem>>) {add = true}
        %dma_wait3A_435 = arith.constant 0 : i32
        %dma_wait3A_436 = tpu.memref_slice %arg7[%run_scoped3A_387, %run_scoped3A_388, %dma_wait3A_435] : memref<8x2x128xi32, #tpu.memory_space<vmem>> -> memref<1x1x128xi32, #tpu.memory_space<vmem>>
        %dma_wait3A_437 = tpu.memref_squeeze %dma_wait3A_436 : memref<1x1x128xi32, #tpu.memory_space<vmem>> -> memref<128xi32, #tpu.memory_space<vmem>>
        %dma_wait3A_438 = arith.constant 0 : i32
        %dma_wait3A_439 = arith.constant 0 : i32
        %dma_wait3A_440 = tpu.memref_slice %arg10[%dma_wait3A_438, %dma_wait3A_439] : memref<10240x128xf32, #tpu.memory_space<vmem_shared>> -> memref<10240x128xf32, #tpu.memory_space<vmem_shared>>
        tpu.wait_indirect_dma semaphore(%run_scoped3A_428 : memref<!tpu.dma_semaphore, #tpu.memory_space<semaphore_mem>>) src(%arg9 : memref<128x128xf32, #tpu.memory_space<vmem>>) dst(%dma_wait3A_440 : memref<10240x128xf32, #tpu.memory_space<vmem_shared>>)
        tpu.yield
      }) : () -> ()
      %dma_start3A_389 = arith.constant 7 : i32
      %dma_start3A_390 = arith.constant 0 : i32
      %dma_start3A_391 = arith.constant 0 : i32
      %dma_start3A_392 = tpu.memref_slice %arg7[%dma_start3A_389, %dma_start3A_390, %dma_start3A_391] : memref<8x2x128xi32, #tpu.memory_space<vmem>> -> memref<1x1x128xi32, #tpu.memory_space<vmem>>
      %dma_start3A_393 = tpu.memref_squeeze %dma_start3A_392 : memref<1x1x128xi32, #tpu.memory_space<vmem>> -> memref<128xi32, #tpu.memory_space<vmem>>
      %dma_start3A_394 = arith.constant 0 : i32
      %dma_start3A_395 = arith.constant 0 : i32
      %dma_start3A_396 = tpu.memref_slice %arg2[%dma_start3A_394, %dma_start3A_395] : memref<10240x128xf32, #tpu.memory_space<hbm>> -> memref<10240x128xf32, #tpu.memory_space<hbm>>
      tpu.enqueue_indirect_dma source(%dma_start3A_396 : memref<10240x128xf32, #tpu.memory_space<hbm>>) target(%arg9 : memref<128x128xf32, #tpu.memory_space<vmem>>) offsets(%dma_start3A_393 : memref<128xi32, #tpu.memory_space<vmem>>) semaphore(%arg14 : memref<!tpu.dma_semaphore, #tpu.memory_space<semaphore_mem>>)
      %dma_wait3A_397 = arith.constant 6 : i32
      %dma_wait3A_398 = arith.constant 0 : i32
      %dma_wait3A_399 = arith.constant 0 : i32
      %dma_wait3A_400 = tpu.memref_slice %arg7[%dma_wait3A_397, %dma_wait3A_398, %dma_wait3A_399] : memref<8x2x128xi32, #tpu.memory_space<vmem>> -> memref<1x1x128xi32, #tpu.memory_space<vmem>>
      %dma_wait3A_401 = tpu.memref_squeeze %dma_wait3A_400 : memref<1x1x128xi32, #tpu.memory_space<vmem>> -> memref<128xi32, #tpu.memory_space<vmem>>
      %dma_wait3A_402 = arith.constant 0 : i32
      %dma_wait3A_403 = arith.constant 0 : i32
      %dma_wait3A_404 = tpu.memref_slice %arg2[%dma_wait3A_402, %dma_wait3A_403] : memref<10240x128xf32, #tpu.memory_space<hbm>> -> memref<10240x128xf32, #tpu.memory_space<hbm>>
      tpu.wait_indirect_dma semaphore(%arg13 : memref<!tpu.dma_semaphore, #tpu.memory_space<semaphore_mem>>) src(%dma_wait3A_404 : memref<10240x128xf32, #tpu.memory_space<hbm>>) dst(%arg8 : memref<128x128xf32, #tpu.memory_space<vmem>>)
      %run_scoped3A_405 = arith.constant 6 : i32
      %run_scoped3A_406 = arith.constant 1 : i32
      "tpu.region"() ({
        %run_scoped3A_428 = tpu.sem_alloc : memref<!tpu.dma_semaphore, #tpu.memory_space<semaphore_mem>>
        %dma_start3A_429 = arith.constant 0 : i32
        %dma_start3A_430 = tpu.memref_slice %arg7[%run_scoped3A_405, %run_scoped3A_406, %dma_start3A_429] : memref<8x2x128xi32, #tpu.memory_space<vmem>> -> memref<1x1x128xi32, #tpu.memory_space<vmem>>
        %dma_start3A_431 = tpu.memref_squeeze %dma_start3A_430 : memref<1x1x128xi32, #tpu.memory_space<vmem>> -> memref<128xi32, #tpu.memory_space<vmem>>
        %dma_start3A_432 = arith.constant 0 : i32
        %dma_start3A_433 = arith.constant 0 : i32
        %dma_start3A_434 = tpu.memref_slice %arg10[%dma_start3A_432, %dma_start3A_433] : memref<10240x128xf32, #tpu.memory_space<vmem_shared>> -> memref<10240x128xf32, #tpu.memory_space<vmem_shared>>
        tpu.enqueue_indirect_dma source(%arg8 : memref<128x128xf32, #tpu.memory_space<vmem>>) target(%dma_start3A_434 : memref<10240x128xf32, #tpu.memory_space<vmem_shared>>) offsets(%dma_start3A_431 : memref<128xi32, #tpu.memory_space<vmem>>) semaphore(%run_scoped3A_428 : memref<!tpu.dma_semaphore, #tpu.memory_space<semaphore_mem>>) {add = true}
        %dma_wait3A_435 = arith.constant 0 : i32
        %dma_wait3A_436 = tpu.memref_slice %arg7[%run_scoped3A_405, %run_scoped3A_406, %dma_wait3A_435] : memref<8x2x128xi32, #tpu.memory_space<vmem>> -> memref<1x1x128xi32, #tpu.memory_space<vmem>>
        %dma_wait3A_437 = tpu.memref_squeeze %dma_wait3A_436 : memref<1x1x128xi32, #tpu.memory_space<vmem>> -> memref<128xi32, #tpu.memory_space<vmem>>
        %dma_wait3A_438 = arith.constant 0 : i32
        %dma_wait3A_439 = arith.constant 0 : i32
        %dma_wait3A_440 = tpu.memref_slice %arg10[%dma_wait3A_438, %dma_wait3A_439] : memref<10240x128xf32, #tpu.memory_space<vmem_shared>> -> memref<10240x128xf32, #tpu.memory_space<vmem_shared>>
        tpu.wait_indirect_dma semaphore(%run_scoped3A_428 : memref<!tpu.dma_semaphore, #tpu.memory_space<semaphore_mem>>) src(%arg8 : memref<128x128xf32, #tpu.memory_space<vmem>>) dst(%dma_wait3A_440 : memref<10240x128xf32, #tpu.memory_space<vmem_shared>>)
        tpu.yield
      }) : () -> ()
      %lt3A_407 = arith.constant 4 : i32
      %lt3A_408 = arith.cmpi slt, %scan3A_129, %lt3A_407 : i32
      %convert_element_type3A_409 = arith.extui %lt3A_408 : i1 to i32
      %cond3A_410 = arith.constant 0 : i32
      %cond3A_411 = arith.cmpi ne, %convert_element_type3A_409, %cond3A_410 : i32
      scf.if %cond3A_411 {
        %dma_wait3A_428 = arith.constant 0 : i32
        %dma_wait3A_429 = arith.constant 0 : i32
        %dma_wait3A_430 = arith.constant 0 : i32
        %dma_wait3A_431 = arith.constant 0 : i32
        %dma_wait3A_432 = tpu.memref_slice %arg3[%add3A, %dma_wait3A_428, %dma_wait3A_429, %dma_wait3A_430, %dma_wait3A_431] : memref<32x10x8x2x128xi32, #tpu.memory_space<hbm>> -> memref<1x1x8x2x128xi32, #tpu.memory_space<hbm>>
        %dma_wait3A_433 = tpu.memref_squeeze %dma_wait3A_432 : memref<1x1x8x2x128xi32, #tpu.memory_space<hbm>> -> memref<8x2x128xi32, #tpu.memory_space<hbm>>
        %dma_wait3A_434 = arith.constant 0 : i32
        %dma_wait3A_435 = arith.constant 0 : i32
        %dma_wait3A_436 = arith.constant 0 : i32
        %dma_wait3A_437 = tpu.memref_slice %arg3[%add3A, %dma_wait3A_428, %dma_wait3A_434, %dma_wait3A_435, %dma_wait3A_436] : memref<32x10x8x2x128xi32, #tpu.memory_space<hbm>> -> memref<1x1x8x2x128xi32, #tpu.memory_space<hbm>>
        %dma_wait3A_438 = tpu.memref_squeeze %dma_wait3A_437 : memref<1x1x8x2x128xi32, #tpu.memory_space<hbm>> -> memref<8x2x128xi32, #tpu.memory_space<hbm>>
        tpu.wait_dma2 semaphore(%arg11 : memref<!tpu.dma_semaphore, #tpu.memory_space<semaphore_mem>>) src(%dma_wait3A_438 : memref<8x2x128xi32, #tpu.memory_space<hbm>>) dst(%arg6 : memref<8x2x128xi32, #tpu.memory_space<vmem>>)
        %dma_start3A_439 = arith.constant 0 : i32
        %dma_start3A_440 = arith.constant 0 : i32
        %dma_start3A_441 = arith.constant 0 : i32
        %dma_start3A_442 = tpu.memref_slice %arg6[%dma_start3A_439, %dma_start3A_440, %dma_start3A_441] : memref<8x2x128xi32, #tpu.memory_space<vmem>> -> memref<1x1x128xi32, #tpu.memory_space<vmem>>
        %dma_start3A_443 = tpu.memref_squeeze %dma_start3A_442 : memref<1x1x128xi32, #tpu.memory_space<vmem>> -> memref<128xi32, #tpu.memory_space<vmem>>
        %dma_start3A_444 = arith.constant 0 : i32
        %dma_start3A_445 = arith.constant 0 : i32
        %dma_start3A_446 = tpu.memref_slice %arg2[%dma_start3A_444, %dma_start3A_445] : memref<10240x128xf32, #tpu.memory_space<hbm>> -> memref<10240x128xf32, #tpu.memory_space<hbm>>
        tpu.enqueue_indirect_dma source(%dma_start3A_446 : memref<10240x128xf32, #tpu.memory_space<hbm>>) target(%arg8 : memref<128x128xf32, #tpu.memory_space<vmem>>) offsets(%dma_start3A_443 : memref<128xi32, #tpu.memory_space<vmem>>) semaphore(%arg13 : memref<!tpu.dma_semaphore, #tpu.memory_space<semaphore_mem>>)
      } else {
      }
      %dma_wait3A_412 = arith.constant 7 : i32
      %dma_wait3A_413 = arith.constant 0 : i32
      %dma_wait3A_414 = arith.constant 0 : i32
      %dma_wait3A_415 = tpu.memref_slice %arg7[%dma_wait3A_412, %dma_wait3A_413, %dma_wait3A_414] : memref<8x2x128xi32, #tpu.memory_space<vmem>> -> memref<1x1x128xi32, #tpu.memory_space<vmem>>
      %dma_wait3A_416 = tpu.memref_squeeze %dma_wait3A_415 : memref<1x1x128xi32, #tpu.memory_space<vmem>> -> memref<128xi32, #tpu.memory_space<vmem>>
      %dma_wait3A_417 = arith.constant 0 : i32
      %dma_wait3A_418 = arith.constant 0 : i32
      %dma_wait3A_419 = tpu.memref_slice %arg2[%dma_wait3A_417, %dma_wait3A_418] : memref<10240x128xf32, #tpu.memory_space<hbm>> -> memref<10240x128xf32, #tpu.memory_space<hbm>>
      tpu.wait_indirect_dma semaphore(%arg14 : memref<!tpu.dma_semaphore, #tpu.memory_space<semaphore_mem>>) src(%dma_wait3A_419 : memref<10240x128xf32, #tpu.memory_space<hbm>>) dst(%arg9 : memref<128x128xf32, #tpu.memory_space<vmem>>)
      %run_scoped3A_420 = arith.constant 7 : i32
      %run_scoped3A_421 = arith.constant 1 : i32
      "tpu.region"() ({
        %run_scoped3A_428 = tpu.sem_alloc : memref<!tpu.dma_semaphore, #tpu.memory_space<semaphore_mem>>
        %dma_start3A_429 = arith.constant 0 : i32
        %dma_start3A_430 = tpu.memref_slice %arg7[%run_scoped3A_420, %run_scoped3A_421, %dma_start3A_429] : memref<8x2x128xi32, #tpu.memory_space<vmem>> -> memref<1x1x128xi32, #tpu.memory_space<vmem>>
        %dma_start3A_431 = tpu.memref_squeeze %dma_start3A_430 : memref<1x1x128xi32, #tpu.memory_space<vmem>> -> memref<128xi32, #tpu.memory_space<vmem>>
        %dma_start3A_432 = arith.constant 0 : i32
        %dma_start3A_433 = arith.constant 0 : i32
        %dma_start3A_434 = tpu.memref_slice %arg10[%dma_start3A_432, %dma_start3A_433] : memref<10240x128xf32, #tpu.memory_space<vmem_shared>> -> memref<10240x128xf32, #tpu.memory_space<vmem_shared>>
        tpu.enqueue_indirect_dma source(%arg9 : memref<128x128xf32, #tpu.memory_space<vmem>>) target(%dma_start3A_434 : memref<10240x128xf32, #tpu.memory_space<vmem_shared>>) offsets(%dma_start3A_431 : memref<128xi32, #tpu.memory_space<vmem>>) semaphore(%run_scoped3A_428 : memref<!tpu.dma_semaphore, #tpu.memory_space<semaphore_mem>>) {add = true}
        %dma_wait3A_435 = arith.constant 0 : i32
        %dma_wait3A_436 = tpu.memref_slice %arg7[%run_scoped3A_420, %run_scoped3A_421, %dma_wait3A_435] : memref<8x2x128xi32, #tpu.memory_space<vmem>> -> memref<1x1x128xi32, #tpu.memory_space<vmem>>
        %dma_wait3A_437 = tpu.memref_squeeze %dma_wait3A_436 : memref<1x1x128xi32, #tpu.memory_space<vmem>> -> memref<128xi32, #tpu.memory_space<vmem>>
        %dma_wait3A_438 = arith.constant 0 : i32
        %dma_wait3A_439 = arith.constant 0 : i32
        %dma_wait3A_440 = tpu.memref_slice %arg10[%dma_wait3A_438, %dma_wait3A_439] : memref<10240x128xf32, #tpu.memory_space<vmem_shared>> -> memref<10240x128xf32, #tpu.memory_space<vmem_shared>>
        tpu.wait_indirect_dma semaphore(%run_scoped3A_428 : memref<!tpu.dma_semaphore, #tpu.memory_space<semaphore_mem>>) src(%arg9 : memref<128x128xf32, #tpu.memory_space<vmem>>) dst(%dma_wait3A_440 : memref<10240x128xf32, #tpu.memory_space<vmem_shared>>)
        tpu.yield
      }) : () -> ()
      %lt3A_422 = arith.constant 4 : i32
      %lt3A_423 = arith.cmpi slt, %scan3A_129, %lt3A_422 : i32
      %convert_element_type3A_424 = arith.extui %lt3A_423 : i1 to i32
      %cond3A_425 = arith.constant 0 : i32
      %cond3A_426 = arith.cmpi ne, %convert_element_type3A_424, %cond3A_425 : i32
      scf.if %cond3A_426 {
        %dma_start3A_428 = arith.constant 1 : i32
        %dma_start3A_429 = arith.constant 0 : i32
        %dma_start3A_430 = arith.constant 0 : i32
        %dma_start3A_431 = tpu.memref_slice %arg6[%dma_start3A_428, %dma_start3A_429, %dma_start3A_430] : memref<8x2x128xi32, #tpu.memory_space<vmem>> -> memref<1x1x128xi32, #tpu.memory_space<vmem>>
        %dma_start3A_432 = tpu.memref_squeeze %dma_start3A_431 : memref<1x1x128xi32, #tpu.memory_space<vmem>> -> memref<128xi32, #tpu.memory_space<vmem>>
        %dma_start3A_433 = arith.constant 0 : i32
        %dma_start3A_434 = arith.constant 0 : i32
        %dma_start3A_435 = tpu.memref_slice %arg2[%dma_start3A_433, %dma_start3A_434] : memref<10240x128xf32, #tpu.memory_space<hbm>> -> memref<10240x128xf32, #tpu.memory_space<hbm>>
        tpu.enqueue_indirect_dma source(%dma_start3A_435 : memref<10240x128xf32, #tpu.memory_space<hbm>>) target(%arg9 : memref<128x128xf32, #tpu.memory_space<vmem>>) offsets(%dma_start3A_432 : memref<128xi32, #tpu.memory_space<vmem>>) semaphore(%arg14 : memref<!tpu.dma_semaphore, #tpu.memory_space<semaphore_mem>>)
        %add3A_436 = arith.constant 3 : i32
        %add3A_437 = arith.addi %mul3A_132, %add3A_436 : i32
        %dma_start3A_438 = arith.constant 0 : i32
        %dma_start3A_439 = arith.constant 0 : i32
        %dma_start3A_440 = arith.constant 0 : i32
        %dma_start3A_441 = tpu.memref_slice %arg3[%add3A, %add3A_437, %dma_start3A_438, %dma_start3A_439, %dma_start3A_440] : memref<32x10x8x2x128xi32, #tpu.memory_space<hbm>> -> memref<1x1x8x2x128xi32, #tpu.memory_space<hbm>>
        %dma_start3A_442 = tpu.memref_squeeze %dma_start3A_441 : memref<1x1x8x2x128xi32, #tpu.memory_space<hbm>> -> memref<8x2x128xi32, #tpu.memory_space<hbm>>
        %dma_start3A_443 = arith.constant 0 : i32
        %dma_start3A_444 = arith.constant 0 : i32
        %dma_start3A_445 = arith.constant 0 : i32
        %dma_start3A_446 = tpu.memref_slice %arg3[%add3A, %add3A_437, %dma_start3A_443, %dma_start3A_444, %dma_start3A_445] : memref<32x10x8x2x128xi32, #tpu.memory_space<hbm>> -> memref<1x1x8x2x128xi32, #tpu.memory_space<hbm>>
        %dma_start3A_447 = tpu.memref_squeeze %dma_start3A_446 : memref<1x1x8x2x128xi32, #tpu.memory_space<hbm>> -> memref<8x2x128xi32, #tpu.memory_space<hbm>>
        tpu.enqueue_dma source(%dma_start3A_447 : memref<8x2x128xi32, #tpu.memory_space<hbm>>) target(%arg7 : memref<8x2x128xi32, #tpu.memory_space<vmem>>) target_semaphore(%arg12 : memref<!tpu.dma_semaphore, #tpu.memory_space<semaphore_mem>>)
      } else {
      }
      %scan3A_427 = arith.constant 0 : i32
      scf.yield %scan3A_427 : i32
    }
    %scan3A_60 = arith.constant 5 : i32
    %barrier3A_61 = arith.constant 0 : index
    tpu.barrier barrier_id(%barrier3A_61)
    %mul3A_62 = arith.constant 640 : i32
    %mul3A_63 = arith.muli %arg1, %mul3A_62 : i32
    %mul3A_64 = arith.constant 640 : i32
    %mul3A_65 = arith.muli %arg1, %mul3A_64 : i32
    "tpu.region"() ({
      %run_scoped3A_129 = tpu.sem_alloc : memref<!tpu.dma_semaphore, #tpu.memory_space<semaphore_mem>>
      %dma_start3A_130 = arith.constant 0 : i32
      %dma_start3A_131 = tpu.memref_slice %arg4[%arg0, %mul3A_65, %dma_start3A_130] : memref<2x10240x128xf32, #tpu.memory_space<hbm>> -> memref<1x640x128xf32, #tpu.memory_space<hbm>>
      %dma_start3A_132 = tpu.memref_squeeze %dma_start3A_131 : memref<1x640x128xf32, #tpu.memory_space<hbm>> -> memref<640x128xf32, #tpu.memory_space<hbm>>
      %dma_start3A_133 = arith.constant 0 : i32
      %dma_start3A_134 = tpu.memref_slice %arg10[%mul3A_63, %dma_start3A_133] : memref<10240x128xf32, #tpu.memory_space<vmem_shared>> -> memref<640x128xf32, #tpu.memory_space<vmem_shared>>
      tpu.enqueue_dma source(%dma_start3A_134 : memref<640x128xf32, #tpu.memory_space<vmem_shared>>) target(%dma_start3A_132 : memref<640x128xf32, #tpu.memory_space<hbm>>) target_semaphore(%run_scoped3A_129 : memref<!tpu.dma_semaphore, #tpu.memory_space<semaphore_mem>>)
      %dma_wait3A = arith.constant 0 : i32
      %dma_wait3A_135 = tpu.memref_slice %arg4[%arg0, %mul3A_65, %dma_wait3A] : memref<2x10240x128xf32, #tpu.memory_space<hbm>> -> memref<1x640x128xf32, #tpu.memory_space<hbm>>
      %dma_wait3A_136 = tpu.memref_squeeze %dma_wait3A_135 : memref<1x640x128xf32, #tpu.memory_space<hbm>> -> memref<640x128xf32, #tpu.memory_space<hbm>>
      %dma_wait3A_137 = arith.constant 0 : i32
      %dma_wait3A_138 = tpu.memref_slice %arg10[%mul3A_63, %dma_wait3A_137] : memref<10240x128xf32, #tpu.memory_space<vmem_shared>> -> memref<640x128xf32, #tpu.memory_space<vmem_shared>>
      tpu.wait_dma2 semaphore(%run_scoped3A_129 : memref<!tpu.dma_semaphore, #tpu.memory_space<semaphore_mem>>) src(%dma_wait3A_138 : memref<640x128xf32, #tpu.memory_space<vmem_shared>>) dst(%dma_wait3A_136 : memref<640x128xf32, #tpu.memory_space<hbm>>)
      tpu.yield
    }) : () -> ()
    %broadcast_in_dim3A_66 = arith.constant 0.000000e+00 : f32
    %broadcast_in_dim3A_67 = vector.broadcast %broadcast_in_dim3A_66 : f32 to vector<16xf32>
    %scan3A_68 = arith.constant 0 : i32
    %scan3A_69 = arith.constant 0 : i32
    %scan3A_70 = arith.constant 128 : i32
    %scan3A_71 = arith.addi %scan3A_69, %scan3A_70 : i32
    %scan3A_72 = arith.constant 1 : i32
    %scan3A_73 = scf.for %scan3A_129 = %scan3A_69 to %scan3A_71 step %scan3A_72 iter_args(%scan3A_130 = %scan3A_68) -> (i32)  : i32 {
      %swap3A = arith.index_cast %scan3A_129 : i32 to index
      %swap3A_131 = arith.constant 0 : index
      %swap3A_132 = tpu.vector_load %arg8[%swap3A, %swap3A_131] {strides = array<i32>} : memref<128x128xf32, #tpu.memory_space<vmem>>, vector<1x16xf32>,
      %swap3A_133 = vector.shape_cast %swap3A_132 : vector<1x16xf32> to vector<16xf32>
      %swap3A_134 = vector.shape_cast %broadcast_in_dim3A_67 : vector<16xf32> to vector<1x16xf32>
      tpu.vector_store %arg8[%swap3A, %swap3A_131], %swap3A_134 {strides = array<i32>} : memref<128x128xf32, #tpu.memory_space<vmem>>, vector<1x16xf32>,
      %swap3A_135 = arith.index_cast %scan3A_129 : i32 to index
      %swap3A_136 = arith.constant 16 : index
      %swap3A_137 = tpu.vector_load %arg8[%swap3A_135, %swap3A_136] {strides = array<i32>} : memref<128x128xf32, #tpu.memory_space<vmem>>, vector<1x16xf32>,
      %swap3A_138 = vector.shape_cast %swap3A_137 : vector<1x16xf32> to vector<16xf32>
      %swap3A_139 = vector.shape_cast %broadcast_in_dim3A_67 : vector<16xf32> to vector<1x16xf32>
      tpu.vector_store %arg8[%swap3A_135, %swap3A_136], %swap3A_139 {strides = array<i32>} : memref<128x128xf32, #tpu.memory_space<vmem>>, vector<1x16xf32>,
      %swap3A_140 = arith.index_cast %scan3A_129 : i32 to index
      %swap3A_141 = arith.constant 32 : index
      %swap3A_142 = tpu.vector_load %arg8[%swap3A_140, %swap3A_141] {strides = array<i32>} : memref<128x128xf32, #tpu.memory_space<vmem>>, vector<1x16xf32>,
      %swap3A_143 = vector.shape_cast %swap3A_142 : vector<1x16xf32> to vector<16xf32>
      %swap3A_144 = vector.shape_cast %broadcast_in_dim3A_67 : vector<16xf32> to vector<1x16xf32>
      tpu.vector_store %arg8[%swap3A_140, %swap3A_141], %swap3A_144 {strides = array<i32>} : memref<128x128xf32, #tpu.memory_space<vmem>>, vector<1x16xf32>,
      %swap3A_145 = arith.index_cast %scan3A_129 : i32 to index
      %swap3A_146 = arith.constant 48 : index
      %swap3A_147 = tpu.vector_load %arg8[%swap3A_145, %swap3A_146] {strides = array<i32>} : memref<128x128xf32, #tpu.memory_space<vmem>>, vector<1x16xf32>,
      %swap3A_148 = vector.shape_cast %swap3A_147 : vector<1x16xf32> to vector<16xf32>
      %swap3A_149 = vector.shape_cast %broadcast_in_dim3A_67 : vector<16xf32> to vector<1x16xf32>
      tpu.vector_store %arg8[%swap3A_145, %swap3A_146], %swap3A_149 {strides = array<i32>} : memref<128x128xf32, #tpu.memory_space<vmem>>, vector<1x16xf32>,
      %swap3A_150 = arith.index_cast %scan3A_129 : i32 to index
      %swap3A_151 = arith.constant 64 : index
      %swap3A_152 = tpu.vector_load %arg8[%swap3A_150, %swap3A_151] {strides = array<i32>} : memref<128x128xf32, #tpu.memory_space<vmem>>, vector<1x16xf32>,
      %swap3A_153 = vector.shape_cast %swap3A_152 : vector<1x16xf32> to vector<16xf32>
      %swap3A_154 = vector.shape_cast %broadcast_in_dim3A_67 : vector<16xf32> to vector<1x16xf32>
      tpu.vector_store %arg8[%swap3A_150, %swap3A_151], %swap3A_154 {strides = array<i32>} : memref<128x128xf32, #tpu.memory_space<vmem>>, vector<1x16xf32>,
      %swap3A_155 = arith.index_cast %scan3A_129 : i32 to index
      %swap3A_156 = arith.constant 80 : index
      %swap3A_157 = tpu.vector_load %arg8[%swap3A_155, %swap3A_156] {strides = array<i32>} : memref<128x128xf32, #tpu.memory_space<vmem>>, vector<1x16xf32>,
      %swap3A_158 = vector.shape_cast %swap3A_157 : vector<1x16xf32> to vector<16xf32>
      %swap3A_159 = vector.shape_cast %broadcast_in_dim3A_67 : vector<16xf32> to vector<1x16xf32>
      tpu.vector_store %arg8[%swap3A_155, %swap3A_156], %swap3A_159 {strides = array<i32>} : memref<128x128xf32, #tpu.memory_space<vmem>>, vector<1x16xf32>,
      %swap3A_160 = arith.index_cast %scan3A_129 : i32 to index
      %swap3A_161 = arith.constant 96 : index
      %swap3A_162 = tpu.vector_load %arg8[%swap3A_160, %swap3A_161] {strides = array<i32>} : memref<128x128xf32, #tpu.memory_space<vmem>>, vector<1x16xf32>,
      %swap3A_163 = vector.shape_cast %swap3A_162 : vector<1x16xf32> to vector<16xf32>
      %swap3A_164 = vector.shape_cast %broadcast_in_dim3A_67 : vector<16xf32> to vector<1x16xf32>
      tpu.vector_store %arg8[%swap3A_160, %swap3A_161], %swap3A_164 {strides = array<i32>} : memref<128x128xf32, #tpu.memory_space<vmem>>, vector<1x16xf32>,
      %swap3A_165 = arith.index_cast %scan3A_129 : i32 to index
      %swap3A_166 = arith.constant 112 : index
      %swap3A_167 = tpu.vector_load %arg8[%swap3A_165, %swap3A_166] {strides = array<i32>} : memref<128x128xf32, #tpu.memory_space<vmem>>, vector<1x16xf32>,
      %swap3A_168 = vector.shape_cast %swap3A_167 : vector<1x16xf32> to vector<16xf32>
      %swap3A_169 = vector.shape_cast %broadcast_in_dim3A_67 : vector<16xf32> to vector<1x16xf32>
      tpu.vector_store %arg8[%swap3A_165, %swap3A_166], %swap3A_169 {strides = array<i32>} : memref<128x128xf32, #tpu.memory_space<vmem>>, vector<1x16xf32>,
      %scan3A_170 = arith.constant 0 : i32
      scf.yield %scan3A_170 : i32
    }
    %scan3A_74 = arith.constant 128 : i32
    %mul3A_75 = arith.constant 640 : i32
    %mul3A_76 = arith.muli %arg1, %mul3A_75 : i32
    %add3A_77 = arith.constant 0 : i32
    %add3A_78 = arith.addi %mul3A_76, %add3A_77 : i32
    "tpu.region"() ({
      %run_scoped3A_129 = tpu.sem_alloc : memref<!tpu.dma_semaphore, #tpu.memory_space<semaphore_mem>>
      %dma_start3A_130 = arith.constant 0 : i32
      %dma_start3A_131 = tpu.memref_slice %arg10[%add3A_78, %dma_start3A_130] : memref<10240x128xf32, #tpu.memory_space<vmem_shared>> -> memref<128x128xf32, #tpu.memory_space<vmem_shared>>
      %dma_start3A_132 = arith.constant 0 : i32
      %dma_start3A_133 = tpu.memref_slice %arg10[%add3A_78, %dma_start3A_132] : memref<10240x128xf32, #tpu.memory_space<vmem_shared>> -> memref<128x128xf32, #tpu.memory_space<vmem_shared>>
      tpu.enqueue_dma source(%arg8 : memref<128x128xf32, #tpu.memory_space<vmem>>) target(%dma_start3A_133 : memref<128x128xf32, #tpu.memory_space<vmem_shared>>) target_semaphore(%run_scoped3A_129 : memref<!tpu.dma_semaphore, #tpu.memory_space<semaphore_mem>>)
      %dma_wait3A = arith.constant 0 : i32
      %dma_wait3A_134 = tpu.memref_slice %arg10[%add3A_78, %dma_wait3A] : memref<10240x128xf32, #tpu.memory_space<vmem_shared>> -> memref<128x128xf32, #tpu.memory_space<vmem_shared>>
      %dma_wait3A_135 = arith.constant 0 : i32
      %dma_wait3A_136 = tpu.memref_slice %arg10[%add3A_78, %dma_wait3A_135] : memref<10240x128xf32, #tpu.memory_space<vmem_shared>> -> memref<128x128xf32, #tpu.memory_space<vmem_shared>>
      tpu.wait_dma2 semaphore(%run_scoped3A_129 : memref<!tpu.dma_semaphore, #tpu.memory_space<semaphore_mem>>) src(%arg8 : memref<128x128xf32, #tpu.memory_space<vmem>>) dst(%dma_wait3A_136 : memref<128x128xf32, #tpu.memory_space<vmem_shared>>)
      tpu.yield
    }) : () -> ()
    %mul3A_79 = arith.constant 640 : i32
    %mul3A_80 = arith.muli %arg1, %mul3A_79 : i32
    %add3A_81 = arith.constant 128 : i32
    %add3A_82 = arith.addi %mul3A_80, %add3A_81 : i32
    "tpu.region"() ({
      %run_scoped3A_129 = tpu.sem_alloc : memref<!tpu.dma_semaphore, #tpu.memory_space<semaphore_mem>>
      %dma_start3A_130 = arith.constant 0 : i32
      %dma_start3A_131 = tpu.memref_slice %arg10[%add3A_82, %dma_start3A_130] : memref<10240x128xf32, #tpu.memory_space<vmem_shared>> -> memref<128x128xf32, #tpu.memory_space<vmem_shared>>
      %dma_start3A_132 = arith.constant 0 : i32
      %dma_start3A_133 = tpu.memref_slice %arg10[%add3A_82, %dma_start3A_132] : memref<10240x128xf32, #tpu.memory_space<vmem_shared>> -> memref<128x128xf32, #tpu.memory_space<vmem_shared>>
      tpu.enqueue_dma source(%arg8 : memref<128x128xf32, #tpu.memory_space<vmem>>) target(%dma_start3A_133 : memref<128x128xf32, #tpu.memory_space<vmem_shared>>) target_semaphore(%run_scoped3A_129 : memref<!tpu.dma_semaphore, #tpu.memory_space<semaphore_mem>>)
      %dma_wait3A = arith.constant 0 : i32
      %dma_wait3A_134 = tpu.memref_slice %arg10[%add3A_82, %dma_wait3A] : memref<10240x128xf32, #tpu.memory_space<vmem_shared>> -> memref<128x128xf32, #tpu.memory_space<vmem_shared>>
      %dma_wait3A_135 = arith.constant 0 : i32
      %dma_wait3A_136 = tpu.memref_slice %arg10[%add3A_82, %dma_wait3A_135] : memref<10240x128xf32, #tpu.memory_space<vmem_shared>> -> memref<128x128xf32, #tpu.memory_space<vmem_shared>>
      tpu.wait_dma2 semaphore(%run_scoped3A_129 : memref<!tpu.dma_semaphore, #tpu.memory_space<semaphore_mem>>) src(%arg8 : memref<128x128xf32, #tpu.memory_space<vmem>>) dst(%dma_wait3A_136 : memref<128x128xf32, #tpu.memory_space<vmem_shared>>)
      tpu.yield
    }) : () -> ()
    %mul3A_83 = arith.constant 640 : i32
    %mul3A_84 = arith.muli %arg1, %mul3A_83 : i32
    %add3A_85 = arith.constant 256 : i32
    %add3A_86 = arith.addi %mul3A_84, %add3A_85 : i32
    "tpu.region"() ({
      %run_scoped3A_129 = tpu.sem_alloc : memref<!tpu.dma_semaphore, #tpu.memory_space<semaphore_mem>>
      %dma_start3A_130 = arith.constant 0 : i32
      %dma_start3A_131 = tpu.memref_slice %arg10[%add3A_86, %dma_start3A_130] : memref<10240x128xf32, #tpu.memory_space<vmem_shared>> -> memref<128x128xf32, #tpu.memory_space<vmem_shared>>
      %dma_start3A_132 = arith.constant 0 : i32
      %dma_start3A_133 = tpu.memref_slice %arg10[%add3A_86, %dma_start3A_132] : memref<10240x128xf32, #tpu.memory_space<vmem_shared>> -> memref<128x128xf32, #tpu.memory_space<vmem_shared>>
      tpu.enqueue_dma source(%arg8 : memref<128x128xf32, #tpu.memory_space<vmem>>) target(%dma_start3A_133 : memref<128x128xf32, #tpu.memory_space<vmem_shared>>) target_semaphore(%run_scoped3A_129 : memref<!tpu.dma_semaphore, #tpu.memory_space<semaphore_mem>>)
      %dma_wait3A = arith.constant 0 : i32
      %dma_wait3A_134 = tpu.memref_slice %arg10[%add3A_86, %dma_wait3A] : memref<10240x128xf32, #tpu.memory_space<vmem_shared>> -> memref<128x128xf32, #tpu.memory_space<vmem_shared>>
      %dma_wait3A_135 = arith.constant 0 : i32
      %dma_wait3A_136 = tpu.memref_slice %arg10[%add3A_86, %dma_wait3A_135] : memref<10240x128xf32, #tpu.memory_space<vmem_shared>> -> memref<128x128xf32, #tpu.memory_space<vmem_shared>>
      tpu.wait_dma2 semaphore(%run_scoped3A_129 : memref<!tpu.dma_semaphore, #tpu.memory_space<semaphore_mem>>) src(%arg8 : memref<128x128xf32, #tpu.memory_space<vmem>>) dst(%dma_wait3A_136 : memref<128x128xf32, #tpu.memory_space<vmem_shared>>)
      tpu.yield
    }) : () -> ()
    %mul3A_87 = arith.constant 640 : i32
    %mul3A_88 = arith.muli %arg1, %mul3A_87 : i32
    %add3A_89 = arith.constant 384 : i32
    %add3A_90 = arith.addi %mul3A_88, %add3A_89 : i32
    "tpu.region"() ({
      %run_scoped3A_129 = tpu.sem_alloc : memref<!tpu.dma_semaphore, #tpu.memory_space<semaphore_mem>>
      %dma_start3A_130 = arith.constant 0 : i32
      %dma_start3A_131 = tpu.memref_slice %arg10[%add3A_90, %dma_start3A_130] : memref<10240x128xf32, #tpu.memory_space<vmem_shared>> -> memref<128x128xf32, #tpu.memory_space<vmem_shared>>
      %dma_start3A_132 = arith.constant 0 : i32
      %dma_start3A_133 = tpu.memref_slice %arg10[%add3A_90, %dma_start3A_132] : memref<10240x128xf32, #tpu.memory_space<vmem_shared>> -> memref<128x128xf32, #tpu.memory_space<vmem_shared>>
      tpu.enqueue_dma source(%arg8 : memref<128x128xf32, #tpu.memory_space<vmem>>) target(%dma_start3A_133 : memref<128x128xf32, #tpu.memory_space<vmem_shared>>) target_semaphore(%run_scoped3A_129 : memref<!tpu.dma_semaphore, #tpu.memory_space<semaphore_mem>>)
      %dma_wait3A = arith.constant 0 : i32
      %dma_wait3A_134 = tpu.memref_slice %arg10[%add3A_90, %dma_wait3A] : memref<10240x128xf32, #tpu.memory_space<vmem_shared>> -> memref<128x128xf32, #tpu.memory_space<vmem_shared>>
      %dma_wait3A_135 = arith.constant 0 : i32
      %dma_wait3A_136 = tpu.memref_slice %arg10[%add3A_90, %dma_wait3A_135] : memref<10240x128xf32, #tpu.memory_space<vmem_shared>> -> memref<128x128xf32, #tpu.memory_space<vmem_shared>>
      tpu.wait_dma2 semaphore(%run_scoped3A_129 : memref<!tpu.dma_semaphore, #tpu.memory_space<semaphore_mem>>) src(%arg8 : memref<128x128xf32, #tpu.memory_space<vmem>>) dst(%dma_wait3A_136 : memref<128x128xf32, #tpu.memory_space<vmem_shared>>)
      tpu.yield
    }) : () -> ()
    %mul3A_91 = arith.constant 640 : i32
    %mul3A_92 = arith.muli %arg1, %mul3A_91 : i32
    %add3A_93 = arith.constant 512 : i32
    %add3A_94 = arith.addi %mul3A_92, %add3A_93 : i32
    "tpu.region"() ({
      %run_scoped3A_129 = tpu.sem_alloc : memref<!tpu.dma_semaphore, #tpu.memory_space<semaphore_mem>>
      %dma_start3A_130 = arith.constant 0 : i32
      %dma_start3A_131 = tpu.memref_slice %arg10[%add3A_94, %dma_start3A_130] : memref<10240x128xf32, #tpu.memory_space<vmem_shared>> -> memref<128x128xf32, #tpu.memory_space<vmem_shared>>
      %dma_start3A_132 = arith.constant 0 : i32
      %dma_start3A_133 = tpu.memref_slice %arg10[%add3A_94, %dma_start3A_132] : memref<10240x128xf32, #tpu.memory_space<vmem_shared>> -> memref<128x128xf32, #tpu.memory_space<vmem_shared>>
      tpu.enqueue_dma source(%arg8 : memref<128x128xf32, #tpu.memory_space<vmem>>) target(%dma_start3A_133 : memref<128x128xf32, #tpu.memory_space<vmem_shared>>) target_semaphore(%run_scoped3A_129 : memref<!tpu.dma_semaphore, #tpu.memory_space<semaphore_mem>>)
      %dma_wait3A = arith.constant 0 : i32
      %dma_wait3A_134 = tpu.memref_slice %arg10[%add3A_94, %dma_wait3A] : memref<10240x128xf32, #tpu.memory_space<vmem_shared>> -> memref<128x128xf32, #tpu.memory_space<vmem_shared>>
      %dma_wait3A_135 = arith.constant 0 : i32
      %dma_wait3A_136 = tpu.memref_slice %arg10[%add3A_94, %dma_wait3A_135] : memref<10240x128xf32, #tpu.memory_space<vmem_shared>> -> memref<128x128xf32, #tpu.memory_space<vmem_shared>>
      tpu.wait_dma2 semaphore(%run_scoped3A_129 : memref<!tpu.dma_semaphore, #tpu.memory_space<semaphore_mem>>) src(%arg8 : memref<128x128xf32, #tpu.memory_space<vmem>>) dst(%dma_wait3A_136 : memref<128x128xf32, #tpu.memory_space<vmem_shared>>)
      tpu.yield
    }) : () -> ()
    %barrier3A_95 = arith.constant 0 : index
    tpu.barrier barrier_id(%barrier3A_95)
    %broadcast_in_dim3A_96 = arith.constant 1.000000e+00 : f32
    %broadcast_in_dim3A_97 = vector.broadcast %broadcast_in_dim3A_96 : f32 to vector<16xf32>
    %scan3A_98 = arith.constant 0 : i32
    %scan3A_99 = arith.constant 0 : i32
    %scan3A_100 = arith.constant 128 : i32
    %scan3A_101 = arith.addi %scan3A_99, %scan3A_100 : i32
    %scan3A_102 = arith.constant 1 : i32
    %scan3A_103 = scf.for %scan3A_129 = %scan3A_99 to %scan3A_101 step %scan3A_102 iter_args(%scan3A_130 = %scan3A_98) -> (i32)  : i32 {
      %swap3A = arith.index_cast %scan3A_129 : i32 to index
      %swap3A_131 = arith.constant 0 : index
      %swap3A_132 = tpu.vector_load %arg8[%swap3A, %swap3A_131] {strides = array<i32>} : memref<128x128xf32, #tpu.memory_space<vmem>>, vector<1x16xf32>,
      %swap3A_133 = vector.shape_cast %swap3A_132 : vector<1x16xf32> to vector<16xf32>
      %swap3A_134 = vector.shape_cast %broadcast_in_dim3A_97 : vector<16xf32> to vector<1x16xf32>
      tpu.vector_store %arg8[%swap3A, %swap3A_131], %swap3A_134 {strides = array<i32>} : memref<128x128xf32, #tpu.memory_space<vmem>>, vector<1x16xf32>,
      %swap3A_135 = arith.index_cast %scan3A_129 : i32 to index
      %swap3A_136 = arith.constant 16 : index
      %swap3A_137 = tpu.vector_load %arg8[%swap3A_135, %swap3A_136] {strides = array<i32>} : memref<128x128xf32, #tpu.memory_space<vmem>>, vector<1x16xf32>,
      %swap3A_138 = vector.shape_cast %swap3A_137 : vector<1x16xf32> to vector<16xf32>
      %swap3A_139 = vector.shape_cast %broadcast_in_dim3A_97 : vector<16xf32> to vector<1x16xf32>
      tpu.vector_store %arg8[%swap3A_135, %swap3A_136], %swap3A_139 {strides = array<i32>} : memref<128x128xf32, #tpu.memory_space<vmem>>, vector<1x16xf32>,
      %swap3A_140 = arith.index_cast %scan3A_129 : i32 to index
      %swap3A_141 = arith.constant 32 : index
      %swap3A_142 = tpu.vector_load %arg8[%swap3A_140, %swap3A_141] {strides = array<i32>} : memref<128x128xf32, #tpu.memory_space<vmem>>, vector<1x16xf32>,
      %swap3A_143 = vector.shape_cast %swap3A_142 : vector<1x16xf32> to vector<16xf32>
      %swap3A_144 = vector.shape_cast %broadcast_in_dim3A_97 : vector<16xf32> to vector<1x16xf32>
      tpu.vector_store %arg8[%swap3A_140, %swap3A_141], %swap3A_144 {strides = array<i32>} : memref<128x128xf32, #tpu.memory_space<vmem>>, vector<1x16xf32>,
      %swap3A_145 = arith.index_cast %scan3A_129 : i32 to index
      %swap3A_146 = arith.constant 48 : index
      %swap3A_147 = tpu.vector_load %arg8[%swap3A_145, %swap3A_146] {strides = array<i32>} : memref<128x128xf32, #tpu.memory_space<vmem>>, vector<1x16xf32>,
      %swap3A_148 = vector.shape_cast %swap3A_147 : vector<1x16xf32> to vector<16xf32>
      %swap3A_149 = vector.shape_cast %broadcast_in_dim3A_97 : vector<16xf32> to vector<1x16xf32>
      tpu.vector_store %arg8[%swap3A_145, %swap3A_146], %swap3A_149 {strides = array<i32>} : memref<128x128xf32, #tpu.memory_space<vmem>>, vector<1x16xf32>,
      %swap3A_150 = arith.index_cast %scan3A_129 : i32 to index
      %swap3A_151 = arith.constant 64 : index
      %swap3A_152 = tpu.vector_load %arg8[%swap3A_150, %swap3A_151] {strides = array<i32>} : memref<128x128xf32, #tpu.memory_space<vmem>>, vector<1x16xf32>,
      %swap3A_153 = vector.shape_cast %swap3A_152 : vector<1x16xf32> to vector<16xf32>
      %swap3A_154 = vector.shape_cast %broadcast_in_dim3A_97 : vector<16xf32> to vector<1x16xf32>
      tpu.vector_store %arg8[%swap3A_150, %swap3A_151], %swap3A_154 {strides = array<i32>} : memref<128x128xf32, #tpu.memory_space<vmem>>, vector<1x16xf32>,
      %swap3A_155 = arith.index_cast %scan3A_129 : i32 to index
      %swap3A_156 = arith.constant 80 : index
      %swap3A_157 = tpu.vector_load %arg8[%swap3A_155, %swap3A_156] {strides = array<i32>} : memref<128x128xf32, #tpu.memory_space<vmem>>, vector<1x16xf32>,
      %swap3A_158 = vector.shape_cast %swap3A_157 : vector<1x16xf32> to vector<16xf32>
      %swap3A_159 = vector.shape_cast %broadcast_in_dim3A_97 : vector<16xf32> to vector<1x16xf32>
      tpu.vector_store %arg8[%swap3A_155, %swap3A_156], %swap3A_159 {strides = array<i32>} : memref<128x128xf32, #tpu.memory_space<vmem>>, vector<1x16xf32>,
      %swap3A_160 = arith.index_cast %scan3A_129 : i32 to index
      %swap3A_161 = arith.constant 96 : index
      %swap3A_162 = tpu.vector_load %arg8[%swap3A_160, %swap3A_161] {strides = array<i32>} : memref<128x128xf32, #tpu.memory_space<vmem>>, vector<1x16xf32>,
      %swap3A_163 = vector.shape_cast %swap3A_162 : vector<1x16xf32> to vector<16xf32>
      %swap3A_164 = vector.shape_cast %broadcast_in_dim3A_97 : vector<16xf32> to vector<1x16xf32>
      tpu.vector_store %arg8[%swap3A_160, %swap3A_161], %swap3A_164 {strides = array<i32>} : memref<128x128xf32, #tpu.memory_space<vmem>>, vector<1x16xf32>,
      %swap3A_165 = arith.index_cast %scan3A_129 : i32 to index
      %swap3A_166 = arith.constant 112 : index
      %swap3A_167 = tpu.vector_load %arg8[%swap3A_165, %swap3A_166] {strides = array<i32>} : memref<128x128xf32, #tpu.memory_space<vmem>>, vector<1x16xf32>,
      %swap3A_168 = vector.shape_cast %swap3A_167 : vector<1x16xf32> to vector<16xf32>
      %swap3A_169 = vector.shape_cast %broadcast_in_dim3A_97 : vector<16xf32> to vector<1x16xf32>
      tpu.vector_store %arg8[%swap3A_165, %swap3A_166], %swap3A_169 {strides = array<i32>} : memref<128x128xf32, #tpu.memory_space<vmem>>, vector<1x16xf32>,
      %scan3A_170 = arith.constant 0 : i32
      scf.yield %scan3A_170 : i32
    }
    %scan3A_104 = arith.constant 128 : i32
    %run_scoped3A_105 = arith.constant 0 : i32
    "tpu.region"() ({
      %run_scoped3A_129 = tpu.sem_alloc : memref<!tpu.dma_semaphore, #tpu.memory_space<semaphore_mem>>
      %dma_start3A_130 = arith.constant 0 : i32
      %dma_start3A_131 = arith.constant 0 : i32
      %dma_start3A_132 = arith.constant 0 : i32
      %dma_start3A_133 = tpu.memref_slice %arg3[%add3A, %run_scoped3A_105, %dma_start3A_130, %dma_start3A_131, %dma_start3A_132] : memref<32x10x8x2x128xi32, #tpu.memory_space<hbm>> -> memref<1x1x8x2x128xi32, #tpu.memory_space<hbm>>
      %dma_start3A_134 = tpu.memref_squeeze %dma_start3A_133 : memref<1x1x8x2x128xi32, #tpu.memory_space<hbm>> -> memref<8x2x128xi32, #tpu.memory_space<hbm>>
      %dma_start3A_135 = arith.constant 0 : i32
      %dma_start3A_136 = arith.constant 0 : i32
      %dma_start3A_137 = arith.constant 0 : i32
      %dma_start3A_138 = tpu.memref_slice %arg3[%add3A, %run_scoped3A_105, %dma_start3A_135, %dma_start3A_136, %dma_start3A_137] : memref<32x10x8x2x128xi32, #tpu.memory_space<hbm>> -> memref<1x1x8x2x128xi32, #tpu.memory_space<hbm>>
      %dma_start3A_139 = tpu.memref_squeeze %dma_start3A_138 : memref<1x1x8x2x128xi32, #tpu.memory_space<hbm>> -> memref<8x2x128xi32, #tpu.memory_space<hbm>>
      tpu.enqueue_dma source(%dma_start3A_139 : memref<8x2x128xi32, #tpu.memory_space<hbm>>) target(%arg6 : memref<8x2x128xi32, #tpu.memory_space<vmem>>) target_semaphore(%run_scoped3A_129 : memref<!tpu.dma_semaphore, #tpu.memory_space<semaphore_mem>>)
      %dma_wait3A = arith.constant 0 : i32
      %dma_wait3A_140 = arith.constant 0 : i32
      %dma_wait3A_141 = arith.constant 0 : i32
      %dma_wait3A_142 = tpu.memref_slice %arg3[%add3A, %run_scoped3A_105, %dma_wait3A, %dma_wait3A_140, %dma_wait3A_141] : memref<32x10x8x2x128xi32, #tpu.memory_space<hbm>> -> memref<1x1x8x2x128xi32, #tpu.memory_space<hbm>>
      %dma_wait3A_143 = tpu.memref_squeeze %dma_wait3A_142 : memref<1x1x8x2x128xi32, #tpu.memory_space<hbm>> -> memref<8x2x128xi32, #tpu.memory_space<hbm>>
      %dma_wait3A_144 = arith.constant 0 : i32
      %dma_wait3A_145 = arith.constant 0 : i32
      %dma_wait3A_146 = arith.constant 0 : i32
      %dma_wait3A_147 = tpu.memref_slice %arg3[%add3A, %run_scoped3A_105, %dma_wait3A_144, %dma_wait3A_145, %dma_wait3A_146] : memref<32x10x8x2x128xi32, #tpu.memory_space<hbm>> -> memref<1x1x8x2x128xi32, #tpu.memory_space<hbm>>
      %dma_wait3A_148 = tpu.memref_squeeze %dma_wait3A_147 : memref<1x1x8x2x128xi32, #tpu.memory_space<hbm>> -> memref<8x2x128xi32, #tpu.memory_space<hbm>>
      tpu.wait_dma2 semaphore(%run_scoped3A_129 : memref<!tpu.dma_semaphore, #tpu.memory_space<semaphore_mem>>) src(%dma_wait3A_148 : memref<8x2x128xi32, #tpu.memory_space<hbm>>) dst(%arg6 : memref<8x2x128xi32, #tpu.memory_space<vmem>>)
      tpu.yield
    }) : () -> ()
    %dma_start3A_106 = arith.constant 1 : i32
    %dma_start3A_107 = arith.constant 0 : i32
    %dma_start3A_108 = arith.constant 0 : i32
    %dma_start3A_109 = arith.constant 0 : i32
    %dma_start3A_110 = tpu.memref_slice %arg3[%add3A, %dma_start3A_106, %dma_start3A_107, %dma_start3A_108, %dma_start3A_109] : memref<32x10x8x2x128xi32, #tpu.memory_space<hbm>> -> memref<1x1x8x2x128xi32, #tpu.memory_space<hbm>>
    %dma_start3A_111 = tpu.memref_squeeze %dma_start3A_110 : memref<1x1x8x2x128xi32, #tpu.memory_space<hbm>> -> memref<8x2x128xi32, #tpu.memory_space<hbm>>
    %dma_start3A_112 = arith.constant 0 : i32
    %dma_start3A_113 = arith.constant 0 : i32
    %dma_start3A_114 = arith.constant 0 : i32
    %dma_start3A_115 = tpu.memref_slice %arg3[%add3A, %dma_start3A_106, %dma_start3A_112, %dma_start3A_113, %dma_start3A_114] : memref<32x10x8x2x128xi32, #tpu.memory_space<hbm>> -> memref<1x1x8x2x128xi32, #tpu.memory_space<hbm>>
    %dma_start3A_116 = tpu.memref_squeeze %dma_start3A_115 : memref<1x1x8x2x128xi32, #tpu.memory_space<hbm>> -> memref<8x2x128xi32, #tpu.memory_space<hbm>>
    tpu.enqueue_dma source(%dma_start3A_116 : memref<8x2x128xi32, #tpu.memory_space<hbm>>) target(%arg7 : memref<8x2x128xi32, #tpu.memory_space<vmem>>) target_semaphore(%arg12 : memref<!tpu.dma_semaphore, #tpu.memory_space<semaphore_mem>>)
    %scan3A_117 = arith.constant 0 : i32
    %scan3A_118 = arith.constant 0 : i32
    %scan3A_119 = arith.constant 5 : i32
    %scan3A_120 = arith.addi %scan3A_118, %scan3A_119 : i32
    %scan3A_121 = arith.constant 1 : i32
    %scan3A_122 = scf.for %scan3A_129 = %scan3A_118 to %scan3A_120 step %scan3A_121 iter_args(%scan3A_130 = %scan3A_117) -> (i32)  : i32 {
      %mul3A_131 = arith.constant 2 : i32
      %mul3A_132 = arith.muli %mul3A_131, %scan3A_129 : i32
      %run_scoped3A_133 = arith.constant 0 : i32
      %run_scoped3A_134 = arith.constant 1 : i32
      "tpu.region"() ({
        %run_scoped3A_183 = tpu.sem_alloc : memref<!tpu.dma_semaphore, #tpu.memory_space<semaphore_mem>>
        %dma_start3A_184 = arith.constant 0 : i32
        %dma_start3A_185 = tpu.memref_slice %arg6[%run_scoped3A_133, %run_scoped3A_134, %dma_start3A_184] : memref<8x2x128xi32, #tpu.memory_space<vmem>> -> memref<1x1x128xi32, #tpu.memory_space<vmem>>
        %dma_start3A_186 = tpu.memref_squeeze %dma_start3A_185 : memref<1x1x128xi32, #tpu.memory_space<vmem>> -> memref<128xi32, #tpu.memory_space<vmem>>
        %dma_start3A_187 = arith.constant 0 : i32
        %dma_start3A_188 = arith.constant 0 : i32
        %dma_start3A_189 = tpu.memref_slice %arg10[%dma_start3A_187, %dma_start3A_188] : memref<10240x128xf32, #tpu.memory_space<vmem_shared>> -> memref<10240x128xf32, #tpu.memory_space<vmem_shared>>
        tpu.enqueue_indirect_dma source(%arg8 : memref<128x128xf32, #tpu.memory_space<vmem>>) target(%dma_start3A_189 : memref<10240x128xf32, #tpu.memory_space<vmem_shared>>) offsets(%dma_start3A_186 : memref<128xi32, #tpu.memory_space<vmem>>) semaphore(%run_scoped3A_183 : memref<!tpu.dma_semaphore, #tpu.memory_space<semaphore_mem>>) {add = true}
        %dma_wait3A_190 = arith.constant 0 : i32
        %dma_wait3A_191 = tpu.memref_slice %arg6[%run_scoped3A_133, %run_scoped3A_134, %dma_wait3A_190] : memref<8x2x128xi32, #tpu.memory_space<vmem>> -> memref<1x1x128xi32, #tpu.memory_space<vmem>>
        %dma_wait3A_192 = tpu.memref_squeeze %dma_wait3A_191 : memref<1x1x128xi32, #tpu.memory_space<vmem>> -> memref<128xi32, #tpu.memory_space<vmem>>
        %dma_wait3A_193 = arith.constant 0 : i32
        %dma_wait3A_194 = arith.constant 0 : i32
        %dma_wait3A_195 = tpu.memref_slice %arg10[%dma_wait3A_193, %dma_wait3A_194] : memref<10240x128xf32, #tpu.memory_space<vmem_shared>> -> memref<10240x128xf32, #tpu.memory_space<vmem_shared>>
        tpu.wait_indirect_dma semaphore(%run_scoped3A_183 : memref<!tpu.dma_semaphore, #tpu.memory_space<semaphore_mem>>) src(%arg8 : memref<128x128xf32, #tpu.memory_space<vmem>>) dst(%dma_wait3A_195 : memref<10240x128xf32, #tpu.memory_space<vmem_shared>>)
        tpu.yield
      }) : () -> ()
      %run_scoped3A_135 = arith.constant 1 : i32
      %run_scoped3A_136 = arith.constant 1 : i32
      "tpu.region"() ({
        %run_scoped3A_183 = tpu.sem_alloc : memref<!tpu.dma_semaphore, #tpu.memory_space<semaphore_mem>>
        %dma_start3A_184 = arith.constant 0 : i32
        %dma_start3A_185 = tpu.memref_slice %arg6[%run_scoped3A_135, %run_scoped3A_136, %dma_start3A_184] : memref<8x2x128xi32, #tpu.memory_space<vmem>> -> memref<1x1x128xi32, #tpu.memory_space<vmem>>
        %dma_start3A_186 = tpu.memref_squeeze %dma_start3A_185 : memref<1x1x128xi32, #tpu.memory_space<vmem>> -> memref<128xi32, #tpu.memory_space<vmem>>
        %dma_start3A_187 = arith.constant 0 : i32
        %dma_start3A_188 = arith.constant 0 : i32
        %dma_start3A_189 = tpu.memref_slice %arg10[%dma_start3A_187, %dma_start3A_188] : memref<10240x128xf32, #tpu.memory_space<vmem_shared>> -> memref<10240x128xf32, #tpu.memory_space<vmem_shared>>
        tpu.enqueue_indirect_dma source(%arg8 : memref<128x128xf32, #tpu.memory_space<vmem>>) target(%dma_start3A_189 : memref<10240x128xf32, #tpu.memory_space<vmem_shared>>) offsets(%dma_start3A_186 : memref<128xi32, #tpu.memory_space<vmem>>) semaphore(%run_scoped3A_183 : memref<!tpu.dma_semaphore, #tpu.memory_space<semaphore_mem>>) {add = true}
        %dma_wait3A_190 = arith.constant 0 : i32
        %dma_wait3A_191 = tpu.memref_slice %arg6[%run_scoped3A_135, %run_scoped3A_136, %dma_wait3A_190] : memref<8x2x128xi32, #tpu.memory_space<vmem>> -> memref<1x1x128xi32, #tpu.memory_space<vmem>>
        %dma_wait3A_192 = tpu.memref_squeeze %dma_wait3A_191 : memref<1x1x128xi32, #tpu.memory_space<vmem>> -> memref<128xi32, #tpu.memory_space<vmem>>
        %dma_wait3A_193 = arith.constant 0 : i32
        %dma_wait3A_194 = arith.constant 0 : i32
        %dma_wait3A_195 = tpu.memref_slice %arg10[%dma_wait3A_193, %dma_wait3A_194] : memref<10240x128xf32, #tpu.memory_space<vmem_shared>> -> memref<10240x128xf32, #tpu.memory_space<vmem_shared>>
        tpu.wait_indirect_dma semaphore(%run_scoped3A_183 : memref<!tpu.dma_semaphore, #tpu.memory_space<semaphore_mem>>) src(%arg8 : memref<128x128xf32, #tpu.memory_space<vmem>>) dst(%dma_wait3A_195 : memref<10240x128xf32, #tpu.memory_space<vmem_shared>>)
        tpu.yield
      }) : () -> ()
      %run_scoped3A_137 = arith.constant 2 : i32
      %run_scoped3A_138 = arith.constant 1 : i32
      "tpu.region"() ({
        %run_scoped3A_183 = tpu.sem_alloc : memref<!tpu.dma_semaphore, #tpu.memory_space<semaphore_mem>>
        %dma_start3A_184 = arith.constant 0 : i32
        %dma_start3A_185 = tpu.memref_slice %arg6[%run_scoped3A_137, %run_scoped3A_138, %dma_start3A_184] : memref<8x2x128xi32, #tpu.memory_space<vmem>> -> memref<1x1x128xi32, #tpu.memory_space<vmem>>
        %dma_start3A_186 = tpu.memref_squeeze %dma_start3A_185 : memref<1x1x128xi32, #tpu.memory_space<vmem>> -> memref<128xi32, #tpu.memory_space<vmem>>
        %dma_start3A_187 = arith.constant 0 : i32
        %dma_start3A_188 = arith.constant 0 : i32
        %dma_start3A_189 = tpu.memref_slice %arg10[%dma_start3A_187, %dma_start3A_188] : memref<10240x128xf32, #tpu.memory_space<vmem_shared>> -> memref<10240x128xf32, #tpu.memory_space<vmem_shared>>
        tpu.enqueue_indirect_dma source(%arg8 : memref<128x128xf32, #tpu.memory_space<vmem>>) target(%dma_start3A_189 : memref<10240x128xf32, #tpu.memory_space<vmem_shared>>) offsets(%dma_start3A_186 : memref<128xi32, #tpu.memory_space<vmem>>) semaphore(%run_scoped3A_183 : memref<!tpu.dma_semaphore, #tpu.memory_space<semaphore_mem>>) {add = true}
        %dma_wait3A_190 = arith.constant 0 : i32
        %dma_wait3A_191 = tpu.memref_slice %arg6[%run_scoped3A_137, %run_scoped3A_138, %dma_wait3A_190] : memref<8x2x128xi32, #tpu.memory_space<vmem>> -> memref<1x1x128xi32, #tpu.memory_space<vmem>>
        %dma_wait3A_192 = tpu.memref_squeeze %dma_wait3A_191 : memref<1x1x128xi32, #tpu.memory_space<vmem>> -> memref<128xi32, #tpu.memory_space<vmem>>
        %dma_wait3A_193 = arith.constant 0 : i32
        %dma_wait3A_194 = arith.constant 0 : i32
        %dma_wait3A_195 = tpu.memref_slice %arg10[%dma_wait3A_193, %dma_wait3A_194] : memref<10240x128xf32, #tpu.memory_space<vmem_shared>> -> memref<10240x128xf32, #tpu.memory_space<vmem_shared>>
        tpu.wait_indirect_dma semaphore(%run_scoped3A_183 : memref<!tpu.dma_semaphore, #tpu.memory_space<semaphore_mem>>) src(%arg8 : memref<128x128xf32, #tpu.memory_space<vmem>>) dst(%dma_wait3A_195 : memref<10240x128xf32, #tpu.memory_space<vmem_shared>>)
        tpu.yield
      }) : () -> ()
      %run_scoped3A_139 = arith.constant 3 : i32
      %run_scoped3A_140 = arith.constant 1 : i32
      "tpu.region"() ({
        %run_scoped3A_183 = tpu.sem_alloc : memref<!tpu.dma_semaphore, #tpu.memory_space<semaphore_mem>>
        %dma_start3A_184 = arith.constant 0 : i32
        %dma_start3A_185 = tpu.memref_slice %arg6[%run_scoped3A_139, %run_scoped3A_140, %dma_start3A_184] : memref<8x2x128xi32, #tpu.memory_space<vmem>> -> memref<1x1x128xi32, #tpu.memory_space<vmem>>
        %dma_start3A_186 = tpu.memref_squeeze %dma_start3A_185 : memref<1x1x128xi32, #tpu.memory_space<vmem>> -> memref<128xi32, #tpu.memory_space<vmem>>
        %dma_start3A_187 = arith.constant 0 : i32
        %dma_start3A_188 = arith.constant 0 : i32
        %dma_start3A_189 = tpu.memref_slice %arg10[%dma_start3A_187, %dma_start3A_188] : memref<10240x128xf32, #tpu.memory_space<vmem_shared>> -> memref<10240x128xf32, #tpu.memory_space<vmem_shared>>
        tpu.enqueue_indirect_dma source(%arg8 : memref<128x128xf32, #tpu.memory_space<vmem>>) target(%dma_start3A_189 : memref<10240x128xf32, #tpu.memory_space<vmem_shared>>) offsets(%dma_start3A_186 : memref<128xi32, #tpu.memory_space<vmem>>) semaphore(%run_scoped3A_183 : memref<!tpu.dma_semaphore, #tpu.memory_space<semaphore_mem>>) {add = true}
        %dma_wait3A_190 = arith.constant 0 : i32
        %dma_wait3A_191 = tpu.memref_slice %arg6[%run_scoped3A_139, %run_scoped3A_140, %dma_wait3A_190] : memref<8x2x128xi32, #tpu.memory_space<vmem>> -> memref<1x1x128xi32, #tpu.memory_space<vmem>>
        %dma_wait3A_192 = tpu.memref_squeeze %dma_wait3A_191 : memref<1x1x128xi32, #tpu.memory_space<vmem>> -> memref<128xi32, #tpu.memory_space<vmem>>
        %dma_wait3A_193 = arith.constant 0 : i32
        %dma_wait3A_194 = arith.constant 0 : i32
        %dma_wait3A_195 = tpu.memref_slice %arg10[%dma_wait3A_193, %dma_wait3A_194] : memref<10240x128xf32, #tpu.memory_space<vmem_shared>> -> memref<10240x128xf32, #tpu.memory_space<vmem_shared>>
        tpu.wait_indirect_dma semaphore(%run_scoped3A_183 : memref<!tpu.dma_semaphore, #tpu.memory_space<semaphore_mem>>) src(%arg8 : memref<128x128xf32, #tpu.memory_space<vmem>>) dst(%dma_wait3A_195 : memref<10240x128xf32, #tpu.memory_space<vmem_shared>>)
        tpu.yield
      }) : () -> ()
      %run_scoped3A_141 = arith.constant 4 : i32
      %run_scoped3A_142 = arith.constant 1 : i32
      "tpu.region"() ({
        %run_scoped3A_183 = tpu.sem_alloc : memref<!tpu.dma_semaphore, #tpu.memory_space<semaphore_mem>>
        %dma_start3A_184 = arith.constant 0 : i32
        %dma_start3A_185 = tpu.memref_slice %arg6[%run_scoped3A_141, %run_scoped3A_142, %dma_start3A_184] : memref<8x2x128xi32, #tpu.memory_space<vmem>> -> memref<1x1x128xi32, #tpu.memory_space<vmem>>
        %dma_start3A_186 = tpu.memref_squeeze %dma_start3A_185 : memref<1x1x128xi32, #tpu.memory_space<vmem>> -> memref<128xi32, #tpu.memory_space<vmem>>
        %dma_start3A_187 = arith.constant 0 : i32
        %dma_start3A_188 = arith.constant 0 : i32
        %dma_start3A_189 = tpu.memref_slice %arg10[%dma_start3A_187, %dma_start3A_188] : memref<10240x128xf32, #tpu.memory_space<vmem_shared>> -> memref<10240x128xf32, #tpu.memory_space<vmem_shared>>
        tpu.enqueue_indirect_dma source(%arg8 : memref<128x128xf32, #tpu.memory_space<vmem>>) target(%dma_start3A_189 : memref<10240x128xf32, #tpu.memory_space<vmem_shared>>) offsets(%dma_start3A_186 : memref<128xi32, #tpu.memory_space<vmem>>) semaphore(%run_scoped3A_183 : memref<!tpu.dma_semaphore, #tpu.memory_space<semaphore_mem>>) {add = true}
        %dma_wait3A_190 = arith.constant 0 : i32
        %dma_wait3A_191 = tpu.memref_slice %arg6[%run_scoped3A_141, %run_scoped3A_142, %dma_wait3A_190] : memref<8x2x128xi32, #tpu.memory_space<vmem>> -> memref<1x1x128xi32, #tpu.memory_space<vmem>>
        %dma_wait3A_192 = tpu.memref_squeeze %dma_wait3A_191 : memref<1x1x128xi32, #tpu.memory_space<vmem>> -> memref<128xi32, #tpu.memory_space<vmem>>
        %dma_wait3A_193 = arith.constant 0 : i32
        %dma_wait3A_194 = arith.constant 0 : i32
        %dma_wait3A_195 = tpu.memref_slice %arg10[%dma_wait3A_193, %dma_wait3A_194] : memref<10240x128xf32, #tpu.memory_space<vmem_shared>> -> memref<10240x128xf32, #tpu.memory_space<vmem_shared>>
        tpu.wait_indirect_dma semaphore(%run_scoped3A_183 : memref<!tpu.dma_semaphore, #tpu.memory_space<semaphore_mem>>) src(%arg8 : memref<128x128xf32, #tpu.memory_space<vmem>>) dst(%dma_wait3A_195 : memref<10240x128xf32, #tpu.memory_space<vmem_shared>>)
        tpu.yield
      }) : () -> ()
      %run_scoped3A_143 = arith.constant 5 : i32
      %run_scoped3A_144 = arith.constant 1 : i32
      "tpu.region"() ({
        %run_scoped3A_183 = tpu.sem_alloc : memref<!tpu.dma_semaphore, #tpu.memory_space<semaphore_mem>>
        %dma_start3A_184 = arith.constant 0 : i32
        %dma_start3A_185 = tpu.memref_slice %arg6[%run_scoped3A_143, %run_scoped3A_144, %dma_start3A_184] : memref<8x2x128xi32, #tpu.memory_space<vmem>> -> memref<1x1x128xi32, #tpu.memory_space<vmem>>
        %dma_start3A_186 = tpu.memref_squeeze %dma_start3A_185 : memref<1x1x128xi32, #tpu.memory_space<vmem>> -> memref<128xi32, #tpu.memory_space<vmem>>
        %dma_start3A_187 = arith.constant 0 : i32
        %dma_start3A_188 = arith.constant 0 : i32
        %dma_start3A_189 = tpu.memref_slice %arg10[%dma_start3A_187, %dma_start3A_188] : memref<10240x128xf32, #tpu.memory_space<vmem_shared>> -> memref<10240x128xf32, #tpu.memory_space<vmem_shared>>
        tpu.enqueue_indirect_dma source(%arg8 : memref<128x128xf32, #tpu.memory_space<vmem>>) target(%dma_start3A_189 : memref<10240x128xf32, #tpu.memory_space<vmem_shared>>) offsets(%dma_start3A_186 : memref<128xi32, #tpu.memory_space<vmem>>) semaphore(%run_scoped3A_183 : memref<!tpu.dma_semaphore, #tpu.memory_space<semaphore_mem>>) {add = true}
        %dma_wait3A_190 = arith.constant 0 : i32
        %dma_wait3A_191 = tpu.memref_slice %arg6[%run_scoped3A_143, %run_scoped3A_144, %dma_wait3A_190] : memref<8x2x128xi32, #tpu.memory_space<vmem>> -> memref<1x1x128xi32, #tpu.memory_space<vmem>>
        %dma_wait3A_192 = tpu.memref_squeeze %dma_wait3A_191 : memref<1x1x128xi32, #tpu.memory_space<vmem>> -> memref<128xi32, #tpu.memory_space<vmem>>
        %dma_wait3A_193 = arith.constant 0 : i32
        %dma_wait3A_194 = arith.constant 0 : i32
        %dma_wait3A_195 = tpu.memref_slice %arg10[%dma_wait3A_193, %dma_wait3A_194] : memref<10240x128xf32, #tpu.memory_space<vmem_shared>> -> memref<10240x128xf32, #tpu.memory_space<vmem_shared>>
        tpu.wait_indirect_dma semaphore(%run_scoped3A_183 : memref<!tpu.dma_semaphore, #tpu.memory_space<semaphore_mem>>) src(%arg8 : memref<128x128xf32, #tpu.memory_space<vmem>>) dst(%dma_wait3A_195 : memref<10240x128xf32, #tpu.memory_space<vmem_shared>>)
        tpu.yield
      }) : () -> ()
      %run_scoped3A_145 = arith.constant 6 : i32
      %run_scoped3A_146 = arith.constant 1 : i32
      "tpu.region"() ({
        %run_scoped3A_183 = tpu.sem_alloc : memref<!tpu.dma_semaphore, #tpu.memory_space<semaphore_mem>>
        %dma_start3A_184 = arith.constant 0 : i32
        %dma_start3A_185 = tpu.memref_slice %arg6[%run_scoped3A_145, %run_scoped3A_146, %dma_start3A_184] : memref<8x2x128xi32, #tpu.memory_space<vmem>> -> memref<1x1x128xi32, #tpu.memory_space<vmem>>
        %dma_start3A_186 = tpu.memref_squeeze %dma_start3A_185 : memref<1x1x128xi32, #tpu.memory_space<vmem>> -> memref<128xi32, #tpu.memory_space<vmem>>
        %dma_start3A_187 = arith.constant 0 : i32
        %dma_start3A_188 = arith.constant 0 : i32
        %dma_start3A_189 = tpu.memref_slice %arg10[%dma_start3A_187, %dma_start3A_188] : memref<10240x128xf32, #tpu.memory_space<vmem_shared>> -> memref<10240x128xf32, #tpu.memory_space<vmem_shared>>
        tpu.enqueue_indirect_dma source(%arg8 : memref<128x128xf32, #tpu.memory_space<vmem>>) target(%dma_start3A_189 : memref<10240x128xf32, #tpu.memory_space<vmem_shared>>) offsets(%dma_start3A_186 : memref<128xi32, #tpu.memory_space<vmem>>) semaphore(%run_scoped3A_183 : memref<!tpu.dma_semaphore, #tpu.memory_space<semaphore_mem>>) {add = true}
        %dma_wait3A_190 = arith.constant 0 : i32
        %dma_wait3A_191 = tpu.memref_slice %arg6[%run_scoped3A_145, %run_scoped3A_146, %dma_wait3A_190] : memref<8x2x128xi32, #tpu.memory_space<vmem>> -> memref<1x1x128xi32, #tpu.memory_space<vmem>>
        %dma_wait3A_192 = tpu.memref_squeeze %dma_wait3A_191 : memref<1x1x128xi32, #tpu.memory_space<vmem>> -> memref<128xi32, #tpu.memory_space<vmem>>
        %dma_wait3A_193 = arith.constant 0 : i32
        %dma_wait3A_194 = arith.constant 0 : i32
        %dma_wait3A_195 = tpu.memref_slice %arg10[%dma_wait3A_193, %dma_wait3A_194] : memref<10240x128xf32, #tpu.memory_space<vmem_shared>> -> memref<10240x128xf32, #tpu.memory_space<vmem_shared>>
        tpu.wait_indirect_dma semaphore(%run_scoped3A_183 : memref<!tpu.dma_semaphore, #tpu.memory_space<semaphore_mem>>) src(%arg8 : memref<128x128xf32, #tpu.memory_space<vmem>>) dst(%dma_wait3A_195 : memref<10240x128xf32, #tpu.memory_space<vmem_shared>>)
        tpu.yield
      }) : () -> ()
      %run_scoped3A_147 = arith.constant 7 : i32
      %run_scoped3A_148 = arith.constant 1 : i32
      "tpu.region"() ({
        %run_scoped3A_183 = tpu.sem_alloc : memref<!tpu.dma_semaphore, #tpu.memory_space<semaphore_mem>>
        %dma_start3A_184 = arith.constant 0 : i32
        %dma_start3A_185 = tpu.memref_slice %arg6[%run_scoped3A_147, %run_scoped3A_148, %dma_start3A_184] : memref<8x2x128xi32, #tpu.memory_space<vmem>> -> memref<1x1x128xi32, #tpu.memory_space<vmem>>
        %dma_start3A_186 = tpu.memref_squeeze %dma_start3A_185 : memref<1x1x128xi32, #tpu.memory_space<vmem>> -> memref<128xi32, #tpu.memory_space<vmem>>
        %dma_start3A_187 = arith.constant 0 : i32
        %dma_start3A_188 = arith.constant 0 : i32
        %dma_start3A_189 = tpu.memref_slice %arg10[%dma_start3A_187, %dma_start3A_188] : memref<10240x128xf32, #tpu.memory_space<vmem_shared>> -> memref<10240x128xf32, #tpu.memory_space<vmem_shared>>
        tpu.enqueue_indirect_dma source(%arg8 : memref<128x128xf32, #tpu.memory_space<vmem>>) target(%dma_start3A_189 : memref<10240x128xf32, #tpu.memory_space<vmem_shared>>) offsets(%dma_start3A_186 : memref<128xi32, #tpu.memory_space<vmem>>) semaphore(%run_scoped3A_183 : memref<!tpu.dma_semaphore, #tpu.memory_space<semaphore_mem>>) {add = true}
        %dma_wait3A_190 = arith.constant 0 : i32
        %dma_wait3A_191 = tpu.memref_slice %arg6[%run_scoped3A_147, %run_scoped3A_148, %dma_wait3A_190] : memref<8x2x128xi32, #tpu.memory_space<vmem>> -> memref<1x1x128xi32, #tpu.memory_space<vmem>>
        %dma_wait3A_192 = tpu.memref_squeeze %dma_wait3A_191 : memref<1x1x128xi32, #tpu.memory_space<vmem>> -> memref<128xi32, #tpu.memory_space<vmem>>
        %dma_wait3A_193 = arith.constant 0 : i32
        %dma_wait3A_194 = arith.constant 0 : i32
        %dma_wait3A_195 = tpu.memref_slice %arg10[%dma_wait3A_193, %dma_wait3A_194] : memref<10240x128xf32, #tpu.memory_space<vmem_shared>> -> memref<10240x128xf32, #tpu.memory_space<vmem_shared>>
        tpu.wait_indirect_dma semaphore(%run_scoped3A_183 : memref<!tpu.dma_semaphore, #tpu.memory_space<semaphore_mem>>) src(%arg8 : memref<128x128xf32, #tpu.memory_space<vmem>>) dst(%dma_wait3A_195 : memref<10240x128xf32, #tpu.memory_space<vmem_shared>>)
        tpu.yield
      }) : () -> ()
      %dma_wait3A = arith.constant 0 : i32
      %dma_wait3A_149 = arith.constant 0 : i32
      %dma_wait3A_150 = arith.constant 0 : i32
      %dma_wait3A_151 = arith.constant 0 : i32
      %dma_wait3A_152 = tpu.memref_slice %arg3[%add3A, %dma_wait3A, %dma_wait3A_149, %dma_wait3A_150, %dma_wait3A_151] : memref<32x10x8x2x128xi32, #tpu.memory_space<hbm>> -> memref<1x1x8x2x128xi32, #tpu.memory_space<hbm>>
      %dma_wait3A_153 = tpu.memref_squeeze %dma_wait3A_152 : memref<1x1x8x2x128xi32, #tpu.memory_space<hbm>> -> memref<8x2x128xi32, #tpu.memory_space<hbm>>
      %dma_wait3A_154 = arith.constant 0 : i32
      %dma_wait3A_155 = arith.constant 0 : i32
      %dma_wait3A_156 = arith.constant 0 : i32
      %dma_wait3A_157 = tpu.memref_slice %arg3[%add3A, %dma_wait3A, %dma_wait3A_154, %dma_wait3A_155, %dma_wait3A_156] : memref<32x10x8x2x128xi32, #tpu.memory_space<hbm>> -> memref<1x1x8x2x128xi32, #tpu.memory_space<hbm>>
      %dma_wait3A_158 = tpu.memref_squeeze %dma_wait3A_157 : memref<1x1x8x2x128xi32, #tpu.memory_space<hbm>> -> memref<8x2x128xi32, #tpu.memory_space<hbm>>
      tpu.wait_dma2 semaphore(%arg12 : memref<!tpu.dma_semaphore, #tpu.memory_space<semaphore_mem>>) src(%dma_wait3A_158 : memref<8x2x128xi32, #tpu.memory_space<hbm>>) dst(%arg7 : memref<8x2x128xi32, #tpu.memory_space<vmem>>)
      %lt3A = arith.constant 4 : i32
      %lt3A_159 = arith.cmpi slt, %scan3A_129, %lt3A : i32
      %convert_element_type3A = arith.extui %lt3A_159 : i1 to i32
      %cond3A = arith.constant 0 : i32
      %cond3A_160 = arith.cmpi ne, %convert_element_type3A, %cond3A : i32
      scf.if %cond3A_160 {
        %add3A_183 = arith.constant 2 : i32
        %add3A_184 = arith.addi %mul3A_132, %add3A_183 : i32
        %dma_start3A_185 = arith.constant 0 : i32
        %dma_start3A_186 = arith.constant 0 : i32
        %dma_start3A_187 = arith.constant 0 : i32
        %dma_start3A_188 = tpu.memref_slice %arg3[%add3A, %add3A_184, %dma_start3A_185, %dma_start3A_186, %dma_start3A_187] : memref<32x10x8x2x128xi32, #tpu.memory_space<hbm>> -> memref<1x1x8x2x128xi32, #tpu.memory_space<hbm>>
        %dma_start3A_189 = tpu.memref_squeeze %dma_start3A_188 : memref<1x1x8x2x128xi32, #tpu.memory_space<hbm>> -> memref<8x2x128xi32, #tpu.memory_space<hbm>>
        %dma_start3A_190 = arith.constant 0 : i32
        %dma_start3A_191 = arith.constant 0 : i32
        %dma_start3A_192 = arith.constant 0 : i32
        %dma_start3A_193 = tpu.memref_slice %arg3[%add3A, %add3A_184, %dma_start3A_190, %dma_start3A_191, %dma_start3A_192] : memref<32x10x8x2x128xi32, #tpu.memory_space<hbm>> -> memref<1x1x8x2x128xi32, #tpu.memory_space<hbm>>
        %dma_start3A_194 = tpu.memref_squeeze %dma_start3A_193 : memref<1x1x8x2x128xi32, #tpu.memory_space<hbm>> -> memref<8x2x128xi32, #tpu.memory_space<hbm>>
        tpu.enqueue_dma source(%dma_start3A_194 : memref<8x2x128xi32, #tpu.memory_space<hbm>>) target(%arg6 : memref<8x2x128xi32, #tpu.memory_space<vmem>>) target_semaphore(%arg11 : memref<!tpu.dma_semaphore, #tpu.memory_space<semaphore_mem>>)
      } else {
      }
      %run_scoped3A_161 = arith.constant 0 : i32
      %run_scoped3A_162 = arith.constant 1 : i32
      "tpu.region"() ({
        %run_scoped3A_183 = tpu.sem_alloc : memref<!tpu.dma_semaphore, #tpu.memory_space<semaphore_mem>>
        %dma_start3A_184 = arith.constant 0 : i32
        %dma_start3A_185 = tpu.memref_slice %arg7[%run_scoped3A_161, %run_scoped3A_162, %dma_start3A_184] : memref<8x2x128xi32, #tpu.memory_space<vmem>> -> memref<1x1x128xi32, #tpu.memory_space<vmem>>
        %dma_start3A_186 = tpu.memref_squeeze %dma_start3A_185 : memref<1x1x128xi32, #tpu.memory_space<vmem>> -> memref<128xi32, #tpu.memory_space<vmem>>
        %dma_start3A_187 = arith.constant 0 : i32
        %dma_start3A_188 = arith.constant 0 : i32
        %dma_start3A_189 = tpu.memref_slice %arg10[%dma_start3A_187, %dma_start3A_188] : memref<10240x128xf32, #tpu.memory_space<vmem_shared>> -> memref<10240x128xf32, #tpu.memory_space<vmem_shared>>
        tpu.enqueue_indirect_dma source(%arg8 : memref<128x128xf32, #tpu.memory_space<vmem>>) target(%dma_start3A_189 : memref<10240x128xf32, #tpu.memory_space<vmem_shared>>) offsets(%dma_start3A_186 : memref<128xi32, #tpu.memory_space<vmem>>) semaphore(%run_scoped3A_183 : memref<!tpu.dma_semaphore, #tpu.memory_space<semaphore_mem>>) {add = true}
        %dma_wait3A_190 = arith.constant 0 : i32
        %dma_wait3A_191 = tpu.memref_slice %arg7[%run_scoped3A_161, %run_scoped3A_162, %dma_wait3A_190] : memref<8x2x128xi32, #tpu.memory_space<vmem>> -> memref<1x1x128xi32, #tpu.memory_space<vmem>>
        %dma_wait3A_192 = tpu.memref_squeeze %dma_wait3A_191 : memref<1x1x128xi32, #tpu.memory_space<vmem>> -> memref<128xi32, #tpu.memory_space<vmem>>
        %dma_wait3A_193 = arith.constant 0 : i32
        %dma_wait3A_194 = arith.constant 0 : i32
        %dma_wait3A_195 = tpu.memref_slice %arg10[%dma_wait3A_193, %dma_wait3A_194] : memref<10240x128xf32, #tpu.memory_space<vmem_shared>> -> memref<10240x128xf32, #tpu.memory_space<vmem_shared>>
        tpu.wait_indirect_dma semaphore(%run_scoped3A_183 : memref<!tpu.dma_semaphore, #tpu.memory_space<semaphore_mem>>) src(%arg8 : memref<128x128xf32, #tpu.memory_space<vmem>>) dst(%dma_wait3A_195 : memref<10240x128xf32, #tpu.memory_space<vmem_shared>>)
        tpu.yield
      }) : () -> ()
      %run_scoped3A_163 = arith.constant 1 : i32
      %run_scoped3A_164 = arith.constant 1 : i32
      "tpu.region"() ({
        %run_scoped3A_183 = tpu.sem_alloc : memref<!tpu.dma_semaphore, #tpu.memory_space<semaphore_mem>>
        %dma_start3A_184 = arith.constant 0 : i32
        %dma_start3A_185 = tpu.memref_slice %arg7[%run_scoped3A_163, %run_scoped3A_164, %dma_start3A_184] : memref<8x2x128xi32, #tpu.memory_space<vmem>> -> memref<1x1x128xi32, #tpu.memory_space<vmem>>
        %dma_start3A_186 = tpu.memref_squeeze %dma_start3A_185 : memref<1x1x128xi32, #tpu.memory_space<vmem>> -> memref<128xi32, #tpu.memory_space<vmem>>
        %dma_start3A_187 = arith.constant 0 : i32
        %dma_start3A_188 = arith.constant 0 : i32
        %dma_start3A_189 = tpu.memref_slice %arg10[%dma_start3A_187, %dma_start3A_188] : memref<10240x128xf32, #tpu.memory_space<vmem_shared>> -> memref<10240x128xf32, #tpu.memory_space<vmem_shared>>
        tpu.enqueue_indirect_dma source(%arg8 : memref<128x128xf32, #tpu.memory_space<vmem>>) target(%dma_start3A_189 : memref<10240x128xf32, #tpu.memory_space<vmem_shared>>) offsets(%dma_start3A_186 : memref<128xi32, #tpu.memory_space<vmem>>) semaphore(%run_scoped3A_183 : memref<!tpu.dma_semaphore, #tpu.memory_space<semaphore_mem>>) {add = true}
        %dma_wait3A_190 = arith.constant 0 : i32
        %dma_wait3A_191 = tpu.memref_slice %arg7[%run_scoped3A_163, %run_scoped3A_164, %dma_wait3A_190] : memref<8x2x128xi32, #tpu.memory_space<vmem>> -> memref<1x1x128xi32, #tpu.memory_space<vmem>>
        %dma_wait3A_192 = tpu.memref_squeeze %dma_wait3A_191 : memref<1x1x128xi32, #tpu.memory_space<vmem>> -> memref<128xi32, #tpu.memory_space<vmem>>
        %dma_wait3A_193 = arith.constant 0 : i32
        %dma_wait3A_194 = arith.constant 0 : i32
        %dma_wait3A_195 = tpu.memref_slice %arg10[%dma_wait3A_193, %dma_wait3A_194] : memref<10240x128xf32, #tpu.memory_space<vmem_shared>> -> memref<10240x128xf32, #tpu.memory_space<vmem_shared>>
        tpu.wait_indirect_dma semaphore(%run_scoped3A_183 : memref<!tpu.dma_semaphore, #tpu.memory_space<semaphore_mem>>) src(%arg8 : memref<128x128xf32, #tpu.memory_space<vmem>>) dst(%dma_wait3A_195 : memref<10240x128xf32, #tpu.memory_space<vmem_shared>>)
        tpu.yield
      }) : () -> ()
      %run_scoped3A_165 = arith.constant 2 : i32
      %run_scoped3A_166 = arith.constant 1 : i32
      "tpu.region"() ({
        %run_scoped3A_183 = tpu.sem_alloc : memref<!tpu.dma_semaphore, #tpu.memory_space<semaphore_mem>>
        %dma_start3A_184 = arith.constant 0 : i32
        %dma_start3A_185 = tpu.memref_slice %arg7[%run_scoped3A_165, %run_scoped3A_166, %dma_start3A_184] : memref<8x2x128xi32, #tpu.memory_space<vmem>> -> memref<1x1x128xi32, #tpu.memory_space<vmem>>
        %dma_start3A_186 = tpu.memref_squeeze %dma_start3A_185 : memref<1x1x128xi32, #tpu.memory_space<vmem>> -> memref<128xi32, #tpu.memory_space<vmem>>
        %dma_start3A_187 = arith.constant 0 : i32
        %dma_start3A_188 = arith.constant 0 : i32
        %dma_start3A_189 = tpu.memref_slice %arg10[%dma_start3A_187, %dma_start3A_188] : memref<10240x128xf32, #tpu.memory_space<vmem_shared>> -> memref<10240x128xf32, #tpu.memory_space<vmem_shared>>
        tpu.enqueue_indirect_dma source(%arg8 : memref<128x128xf32, #tpu.memory_space<vmem>>) target(%dma_start3A_189 : memref<10240x128xf32, #tpu.memory_space<vmem_shared>>) offsets(%dma_start3A_186 : memref<128xi32, #tpu.memory_space<vmem>>) semaphore(%run_scoped3A_183 : memref<!tpu.dma_semaphore, #tpu.memory_space<semaphore_mem>>) {add = true}
        %dma_wait3A_190 = arith.constant 0 : i32
        %dma_wait3A_191 = tpu.memref_slice %arg7[%run_scoped3A_165, %run_scoped3A_166, %dma_wait3A_190] : memref<8x2x128xi32, #tpu.memory_space<vmem>> -> memref<1x1x128xi32, #tpu.memory_space<vmem>>
        %dma_wait3A_192 = tpu.memref_squeeze %dma_wait3A_191 : memref<1x1x128xi32, #tpu.memory_space<vmem>> -> memref<128xi32, #tpu.memory_space<vmem>>
        %dma_wait3A_193 = arith.constant 0 : i32
        %dma_wait3A_194 = arith.constant 0 : i32
        %dma_wait3A_195 = tpu.memref_slice %arg10[%dma_wait3A_193, %dma_wait3A_194] : memref<10240x128xf32, #tpu.memory_space<vmem_shared>> -> memref<10240x128xf32, #tpu.memory_space<vmem_shared>>
        tpu.wait_indirect_dma semaphore(%run_scoped3A_183 : memref<!tpu.dma_semaphore, #tpu.memory_space<semaphore_mem>>) src(%arg8 : memref<128x128xf32, #tpu.memory_space<vmem>>) dst(%dma_wait3A_195 : memref<10240x128xf32, #tpu.memory_space<vmem_shared>>)
        tpu.yield
      }) : () -> ()
      %run_scoped3A_167 = arith.constant 3 : i32
      %run_scoped3A_168 = arith.constant 1 : i32
      "tpu.region"() ({
        %run_scoped3A_183 = tpu.sem_alloc : memref<!tpu.dma_semaphore, #tpu.memory_space<semaphore_mem>>
        %dma_start3A_184 = arith.constant 0 : i32
        %dma_start3A_185 = tpu.memref_slice %arg7[%run_scoped3A_167, %run_scoped3A_168, %dma_start3A_184] : memref<8x2x128xi32, #tpu.memory_space<vmem>> -> memref<1x1x128xi32, #tpu.memory_space<vmem>>
        %dma_start3A_186 = tpu.memref_squeeze %dma_start3A_185 : memref<1x1x128xi32, #tpu.memory_space<vmem>> -> memref<128xi32, #tpu.memory_space<vmem>>
        %dma_start3A_187 = arith.constant 0 : i32
        %dma_start3A_188 = arith.constant 0 : i32
        %dma_start3A_189 = tpu.memref_slice %arg10[%dma_start3A_187, %dma_start3A_188] : memref<10240x128xf32, #tpu.memory_space<vmem_shared>> -> memref<10240x128xf32, #tpu.memory_space<vmem_shared>>
        tpu.enqueue_indirect_dma source(%arg8 : memref<128x128xf32, #tpu.memory_space<vmem>>) target(%dma_start3A_189 : memref<10240x128xf32, #tpu.memory_space<vmem_shared>>) offsets(%dma_start3A_186 : memref<128xi32, #tpu.memory_space<vmem>>) semaphore(%run_scoped3A_183 : memref<!tpu.dma_semaphore, #tpu.memory_space<semaphore_mem>>) {add = true}
        %dma_wait3A_190 = arith.constant 0 : i32
        %dma_wait3A_191 = tpu.memref_slice %arg7[%run_scoped3A_167, %run_scoped3A_168, %dma_wait3A_190] : memref<8x2x128xi32, #tpu.memory_space<vmem>> -> memref<1x1x128xi32, #tpu.memory_space<vmem>>
        %dma_wait3A_192 = tpu.memref_squeeze %dma_wait3A_191 : memref<1x1x128xi32, #tpu.memory_space<vmem>> -> memref<128xi32, #tpu.memory_space<vmem>>
        %dma_wait3A_193 = arith.constant 0 : i32
        %dma_wait3A_194 = arith.constant 0 : i32
        %dma_wait3A_195 = tpu.memref_slice %arg10[%dma_wait3A_193, %dma_wait3A_194] : memref<10240x128xf32, #tpu.memory_space<vmem_shared>> -> memref<10240x128xf32, #tpu.memory_space<vmem_shared>>
        tpu.wait_indirect_dma semaphore(%run_scoped3A_183 : memref<!tpu.dma_semaphore, #tpu.memory_space<semaphore_mem>>) src(%arg8 : memref<128x128xf32, #tpu.memory_space<vmem>>) dst(%dma_wait3A_195 : memref<10240x128xf32, #tpu.memory_space<vmem_shared>>)
        tpu.yield
      }) : () -> ()
      %run_scoped3A_169 = arith.constant 4 : i32
      %run_scoped3A_170 = arith.constant 1 : i32
      "tpu.region"() ({
        %run_scoped3A_183 = tpu.sem_alloc : memref<!tpu.dma_semaphore, #tpu.memory_space<semaphore_mem>>
        %dma_start3A_184 = arith.constant 0 : i32
        %dma_start3A_185 = tpu.memref_slice %arg7[%run_scoped3A_169, %run_scoped3A_170, %dma_start3A_184] : memref<8x2x128xi32, #tpu.memory_space<vmem>> -> memref<1x1x128xi32, #tpu.memory_space<vmem>>
        %dma_start3A_186 = tpu.memref_squeeze %dma_start3A_185 : memref<1x1x128xi32, #tpu.memory_space<vmem>> -> memref<128xi32, #tpu.memory_space<vmem>>
        %dma_start3A_187 = arith.constant 0 : i32
        %dma_start3A_188 = arith.constant 0 : i32
        %dma_start3A_189 = tpu.memref_slice %arg10[%dma_start3A_187, %dma_start3A_188] : memref<10240x128xf32, #tpu.memory_space<vmem_shared>> -> memref<10240x128xf32, #tpu.memory_space<vmem_shared>>
        tpu.enqueue_indirect_dma source(%arg8 : memref<128x128xf32, #tpu.memory_space<vmem>>) target(%dma_start3A_189 : memref<10240x128xf32, #tpu.memory_space<vmem_shared>>) offsets(%dma_start3A_186 : memref<128xi32, #tpu.memory_space<vmem>>) semaphore(%run_scoped3A_183 : memref<!tpu.dma_semaphore, #tpu.memory_space<semaphore_mem>>) {add = true}
        %dma_wait3A_190 = arith.constant 0 : i32
        %dma_wait3A_191 = tpu.memref_slice %arg7[%run_scoped3A_169, %run_scoped3A_170, %dma_wait3A_190] : memref<8x2x128xi32, #tpu.memory_space<vmem>> -> memref<1x1x128xi32, #tpu.memory_space<vmem>>
        %dma_wait3A_192 = tpu.memref_squeeze %dma_wait3A_191 : memref<1x1x128xi32, #tpu.memory_space<vmem>> -> memref<128xi32, #tpu.memory_space<vmem>>
        %dma_wait3A_193 = arith.constant 0 : i32
        %dma_wait3A_194 = arith.constant 0 : i32
        %dma_wait3A_195 = tpu.memref_slice %arg10[%dma_wait3A_193, %dma_wait3A_194] : memref<10240x128xf32, #tpu.memory_space<vmem_shared>> -> memref<10240x128xf32, #tpu.memory_space<vmem_shared>>
        tpu.wait_indirect_dma semaphore(%run_scoped3A_183 : memref<!tpu.dma_semaphore, #tpu.memory_space<semaphore_mem>>) src(%arg8 : memref<128x128xf32, #tpu.memory_space<vmem>>) dst(%dma_wait3A_195 : memref<10240x128xf32, #tpu.memory_space<vmem_shared>>)
        tpu.yield
      }) : () -> ()
      %run_scoped3A_171 = arith.constant 5 : i32
      %run_scoped3A_172 = arith.constant 1 : i32
      "tpu.region"() ({
        %run_scoped3A_183 = tpu.sem_alloc : memref<!tpu.dma_semaphore, #tpu.memory_space<semaphore_mem>>
        %dma_start3A_184 = arith.constant 0 : i32
        %dma_start3A_185 = tpu.memref_slice %arg7[%run_scoped3A_171, %run_scoped3A_172, %dma_start3A_184] : memref<8x2x128xi32, #tpu.memory_space<vmem>> -> memref<1x1x128xi32, #tpu.memory_space<vmem>>
        %dma_start3A_186 = tpu.memref_squeeze %dma_start3A_185 : memref<1x1x128xi32, #tpu.memory_space<vmem>> -> memref<128xi32, #tpu.memory_space<vmem>>
        %dma_start3A_187 = arith.constant 0 : i32
        %dma_start3A_188 = arith.constant 0 : i32
        %dma_start3A_189 = tpu.memref_slice %arg10[%dma_start3A_187, %dma_start3A_188] : memref<10240x128xf32, #tpu.memory_space<vmem_shared>> -> memref<10240x128xf32, #tpu.memory_space<vmem_shared>>
        tpu.enqueue_indirect_dma source(%arg8 : memref<128x128xf32, #tpu.memory_space<vmem>>) target(%dma_start3A_189 : memref<10240x128xf32, #tpu.memory_space<vmem_shared>>) offsets(%dma_start3A_186 : memref<128xi32, #tpu.memory_space<vmem>>) semaphore(%run_scoped3A_183 : memref<!tpu.dma_semaphore, #tpu.memory_space<semaphore_mem>>) {add = true}
        %dma_wait3A_190 = arith.constant 0 : i32
        %dma_wait3A_191 = tpu.memref_slice %arg7[%run_scoped3A_171, %run_scoped3A_172, %dma_wait3A_190] : memref<8x2x128xi32, #tpu.memory_space<vmem>> -> memref<1x1x128xi32, #tpu.memory_space<vmem>>
        %dma_wait3A_192 = tpu.memref_squeeze %dma_wait3A_191 : memref<1x1x128xi32, #tpu.memory_space<vmem>> -> memref<128xi32, #tpu.memory_space<vmem>>
        %dma_wait3A_193 = arith.constant 0 : i32
        %dma_wait3A_194 = arith.constant 0 : i32
        %dma_wait3A_195 = tpu.memref_slice %arg10[%dma_wait3A_193, %dma_wait3A_194] : memref<10240x128xf32, #tpu.memory_space<vmem_shared>> -> memref<10240x128xf32, #tpu.memory_space<vmem_shared>>
        tpu.wait_indirect_dma semaphore(%run_scoped3A_183 : memref<!tpu.dma_semaphore, #tpu.memory_space<semaphore_mem>>) src(%arg8 : memref<128x128xf32, #tpu.memory_space<vmem>>) dst(%dma_wait3A_195 : memref<10240x128xf32, #tpu.memory_space<vmem_shared>>)
        tpu.yield
      }) : () -> ()
      %run_scoped3A_173 = arith.constant 6 : i32
      %run_scoped3A_174 = arith.constant 1 : i32
      "tpu.region"() ({
        %run_scoped3A_183 = tpu.sem_alloc : memref<!tpu.dma_semaphore, #tpu.memory_space<semaphore_mem>>
        %dma_start3A_184 = arith.constant 0 : i32
        %dma_start3A_185 = tpu.memref_slice %arg7[%run_scoped3A_173, %run_scoped3A_174, %dma_start3A_184] : memref<8x2x128xi32, #tpu.memory_space<vmem>> -> memref<1x1x128xi32, #tpu.memory_space<vmem>>
        %dma_start3A_186 = tpu.memref_squeeze %dma_start3A_185 : memref<1x1x128xi32, #tpu.memory_space<vmem>> -> memref<128xi32, #tpu.memory_space<vmem>>
        %dma_start3A_187 = arith.constant 0 : i32
        %dma_start3A_188 = arith.constant 0 : i32
        %dma_start3A_189 = tpu.memref_slice %arg10[%dma_start3A_187, %dma_start3A_188] : memref<10240x128xf32, #tpu.memory_space<vmem_shared>> -> memref<10240x128xf32, #tpu.memory_space<vmem_shared>>
        tpu.enqueue_indirect_dma source(%arg8 : memref<128x128xf32, #tpu.memory_space<vmem>>) target(%dma_start3A_189 : memref<10240x128xf32, #tpu.memory_space<vmem_shared>>) offsets(%dma_start3A_186 : memref<128xi32, #tpu.memory_space<vmem>>) semaphore(%run_scoped3A_183 : memref<!tpu.dma_semaphore, #tpu.memory_space<semaphore_mem>>) {add = true}
        %dma_wait3A_190 = arith.constant 0 : i32
        %dma_wait3A_191 = tpu.memref_slice %arg7[%run_scoped3A_173, %run_scoped3A_174, %dma_wait3A_190] : memref<8x2x128xi32, #tpu.memory_space<vmem>> -> memref<1x1x128xi32, #tpu.memory_space<vmem>>
        %dma_wait3A_192 = tpu.memref_squeeze %dma_wait3A_191 : memref<1x1x128xi32, #tpu.memory_space<vmem>> -> memref<128xi32, #tpu.memory_space<vmem>>
        %dma_wait3A_193 = arith.constant 0 : i32
        %dma_wait3A_194 = arith.constant 0 : i32
        %dma_wait3A_195 = tpu.memref_slice %arg10[%dma_wait3A_193, %dma_wait3A_194] : memref<10240x128xf32, #tpu.memory_space<vmem_shared>> -> memref<10240x128xf32, #tpu.memory_space<vmem_shared>>
        tpu.wait_indirect_dma semaphore(%run_scoped3A_183 : memref<!tpu.dma_semaphore, #tpu.memory_space<semaphore_mem>>) src(%arg8 : memref<128x128xf32, #tpu.memory_space<vmem>>) dst(%dma_wait3A_195 : memref<10240x128xf32, #tpu.memory_space<vmem_shared>>)
        tpu.yield
      }) : () -> ()
      %run_scoped3A_175 = arith.constant 7 : i32
      %run_scoped3A_176 = arith.constant 1 : i32
      "tpu.region"() ({
        %run_scoped3A_183 = tpu.sem_alloc : memref<!tpu.dma_semaphore, #tpu.memory_space<semaphore_mem>>
        %dma_start3A_184 = arith.constant 0 : i32
        %dma_start3A_185 = tpu.memref_slice %arg7[%run_scoped3A_175, %run_scoped3A_176, %dma_start3A_184] : memref<8x2x128xi32, #tpu.memory_space<vmem>> -> memref<1x1x128xi32, #tpu.memory_space<vmem>>
        %dma_start3A_186 = tpu.memref_squeeze %dma_start3A_185 : memref<1x1x128xi32, #tpu.memory_space<vmem>> -> memref<128xi32, #tpu.memory_space<vmem>>
        %dma_start3A_187 = arith.constant 0 : i32
        %dma_start3A_188 = arith.constant 0 : i32
        %dma_start3A_189 = tpu.memref_slice %arg10[%dma_start3A_187, %dma_start3A_188] : memref<10240x128xf32, #tpu.memory_space<vmem_shared>> -> memref<10240x128xf32, #tpu.memory_space<vmem_shared>>
        tpu.enqueue_indirect_dma source(%arg8 : memref<128x128xf32, #tpu.memory_space<vmem>>) target(%dma_start3A_189 : memref<10240x128xf32, #tpu.memory_space<vmem_shared>>) offsets(%dma_start3A_186 : memref<128xi32, #tpu.memory_space<vmem>>) semaphore(%run_scoped3A_183 : memref<!tpu.dma_semaphore, #tpu.memory_space<semaphore_mem>>) {add = true}
        %dma_wait3A_190 = arith.constant 0 : i32
        %dma_wait3A_191 = tpu.memref_slice %arg7[%run_scoped3A_175, %run_scoped3A_176, %dma_wait3A_190] : memref<8x2x128xi32, #tpu.memory_space<vmem>> -> memref<1x1x128xi32, #tpu.memory_space<vmem>>
        %dma_wait3A_192 = tpu.memref_squeeze %dma_wait3A_191 : memref<1x1x128xi32, #tpu.memory_space<vmem>> -> memref<128xi32, #tpu.memory_space<vmem>>
        %dma_wait3A_193 = arith.constant 0 : i32
        %dma_wait3A_194 = arith.constant 0 : i32
        %dma_wait3A_195 = tpu.memref_slice %arg10[%dma_wait3A_193, %dma_wait3A_194] : memref<10240x128xf32, #tpu.memory_space<vmem_shared>> -> memref<10240x128xf32, #tpu.memory_space<vmem_shared>>
        tpu.wait_indirect_dma semaphore(%run_scoped3A_183 : memref<!tpu.dma_semaphore, #tpu.memory_space<semaphore_mem>>) src(%arg8 : memref<128x128xf32, #tpu.memory_space<vmem>>) dst(%dma_wait3A_195 : memref<10240x128xf32, #tpu.memory_space<vmem_shared>>)
        tpu.yield
      }) : () -> ()
      %lt3A_177 = arith.constant 4 : i32
      %lt3A_178 = arith.cmpi slt, %scan3A_129, %lt3A_177 : i32
      %convert_element_type3A_179 = arith.extui %lt3A_178 : i1 to i32
      %cond3A_180 = arith.constant 0 : i32
      %cond3A_181 = arith.cmpi ne, %convert_element_type3A_179, %cond3A_180 : i32
      scf.if %cond3A_181 {
        %add3A_183 = arith.constant 3 : i32
        %add3A_184 = arith.addi %mul3A_132, %add3A_183 : i32
        %dma_start3A_185 = arith.constant 0 : i32
        %dma_start3A_186 = arith.constant 0 : i32
        %dma_start3A_187 = arith.constant 0 : i32
        %dma_start3A_188 = tpu.memref_slice %arg3[%add3A, %add3A_184, %dma_start3A_185, %dma_start3A_186, %dma_start3A_187] : memref<32x10x8x2x128xi32, #tpu.memory_space<hbm>> -> memref<1x1x8x2x128xi32, #tpu.memory_space<hbm>>
        %dma_start3A_189 = tpu.memref_squeeze %dma_start3A_188 : memref<1x1x8x2x128xi32, #tpu.memory_space<hbm>> -> memref<8x2x128xi32, #tpu.memory_space<hbm>>
        %dma_start3A_190 = arith.constant 0 : i32
        %dma_start3A_191 = arith.constant 0 : i32
        %dma_start3A_192 = arith.constant 0 : i32
        %dma_start3A_193 = tpu.memref_slice %arg3[%add3A, %add3A_184, %dma_start3A_190, %dma_start3A_191, %dma_start3A_192] : memref<32x10x8x2x128xi32, #tpu.memory_space<hbm>> -> memref<1x1x8x2x128xi32, #tpu.memory_space<hbm>>
        %dma_start3A_194 = tpu.memref_squeeze %dma_start3A_193 : memref<1x1x8x2x128xi32, #tpu.memory_space<hbm>> -> memref<8x2x128xi32, #tpu.memory_space<hbm>>
        tpu.enqueue_dma source(%dma_start3A_194 : memref<8x2x128xi32, #tpu.memory_space<hbm>>) target(%arg7 : memref<8x2x128xi32, #tpu.memory_space<vmem>>) target_semaphore(%arg12 : memref<!tpu.dma_semaphore, #tpu.memory_space<semaphore_mem>>)
        %dma_wait3A_195 = arith.constant 0 : i32
        %dma_wait3A_196 = arith.constant 0 : i32
        %dma_wait3A_197 = arith.constant 0 : i32
        %dma_wait3A_198 = arith.constant 0 : i32
        %dma_wait3A_199 = tpu.memref_slice %arg3[%add3A, %dma_wait3A_195, %dma_wait3A_196, %dma_wait3A_197, %dma_wait3A_198] : memref<32x10x8x2x128xi32, #tpu.memory_space<hbm>> -> memref<1x1x8x2x128xi32, #tpu.memory_space<hbm>>
        %dma_wait3A_200 = tpu.memref_squeeze %dma_wait3A_199 : memref<1x1x8x2x128xi32, #tpu.memory_space<hbm>> -> memref<8x2x128xi32, #tpu.memory_space<hbm>>
        %dma_wait3A_201 = arith.constant 0 : i32
        %dma_wait3A_202 = arith.constant 0 : i32
        %dma_wait3A_203 = arith.constant 0 : i32
        %dma_wait3A_204 = tpu.memref_slice %arg3[%add3A, %dma_wait3A_195, %dma_wait3A_201, %dma_wait3A_202, %dma_wait3A_203] : memref<32x10x8x2x128xi32, #tpu.memory_space<hbm>> -> memref<1x1x8x2x128xi32, #tpu.memory_space<hbm>>
        %dma_wait3A_205 = tpu.memref_squeeze %dma_wait3A_204 : memref<1x1x8x2x128xi32, #tpu.memory_space<hbm>> -> memref<8x2x128xi32, #tpu.memory_space<hbm>>
        tpu.wait_dma2 semaphore(%arg11 : memref<!tpu.dma_semaphore, #tpu.memory_space<semaphore_mem>>) src(%dma_wait3A_205 : memref<8x2x128xi32, #tpu.memory_space<hbm>>) dst(%arg6 : memref<8x2x128xi32, #tpu.memory_space<vmem>>)
      } else {
      }
      %scan3A_182 = arith.constant 0 : i32
      scf.yield %scan3A_182 : i32
    }
    %scan3A_123 = arith.constant 5 : i32
    %barrier3A_124 = arith.constant 0 : index
    tpu.barrier barrier_id(%barrier3A_124)
    %mul3A_125 = arith.constant 640 : i32
    %mul3A_126 = arith.muli %arg1, %mul3A_125 : i32
    %mul3A_127 = arith.constant 640 : i32
    %mul3A_128 = arith.muli %arg1, %mul3A_127 : i32
    "tpu.region"() ({
      %run_scoped3A_129 = tpu.sem_alloc : memref<!tpu.dma_semaphore, #tpu.memory_space<semaphore_mem>>
      %dma_start3A_130 = arith.constant 0 : i32
      %dma_start3A_131 = tpu.memref_slice %arg5[%arg0, %mul3A_128, %dma_start3A_130] : memref<2x10240x128xf32, #tpu.memory_space<hbm>> -> memref<1x640x128xf32, #tpu.memory_space<hbm>>
      %dma_start3A_132 = tpu.memref_squeeze %dma_start3A_131 : memref<1x640x128xf32, #tpu.memory_space<hbm>> -> memref<640x128xf32, #tpu.memory_space<hbm>>
      %dma_start3A_133 = arith.constant 0 : i32
      %dma_start3A_134 = tpu.memref_slice %arg10[%mul3A_126, %dma_start3A_133] : memref<10240x128xf32, #tpu.memory_space<vmem_shared>> -> memref<640x128xf32, #tpu.memory_space<vmem_shared>>
      tpu.enqueue_dma source(%dma_start3A_134 : memref<640x128xf32, #tpu.memory_space<vmem_shared>>) target(%dma_start3A_132 : memref<640x128xf32, #tpu.memory_space<hbm>>) target_semaphore(%run_scoped3A_129 : memref<!tpu.dma_semaphore, #tpu.memory_space<semaphore_mem>>)
      %dma_wait3A = arith.constant 0 : i32
      %dma_wait3A_135 = tpu.memref_slice %arg5[%arg0, %mul3A_128, %dma_wait3A] : memref<2x10240x128xf32, #tpu.memory_space<hbm>> -> memref<1x640x128xf32, #tpu.memory_space<hbm>>
      %dma_wait3A_136 = tpu.memref_squeeze %dma_wait3A_135 : memref<1x640x128xf32, #tpu.memory_space<hbm>> -> memref<640x128xf32, #tpu.memory_space<hbm>>
      %dma_wait3A_137 = arith.constant 0 : i32
      %dma_wait3A_138 = tpu.memref_slice %arg10[%mul3A_126, %dma_wait3A_137] : memref<10240x128xf32, #tpu.memory_space<vmem_shared>> -> memref<640x128xf32, #tpu.memory_space<vmem_shared>>
      tpu.wait_dma2 semaphore(%run_scoped3A_129 : memref<!tpu.dma_semaphore, #tpu.memory_space<semaphore_mem>>) src(%dma_wait3A_138 : memref<640x128xf32, #tpu.memory_space<vmem_shared>>) dst(%dma_wait3A_136 : memref<640x128xf32, #tpu.memory_space<hbm>>)
      tpu.yield
    }) : () -> ()
    return
  }
}

#map = affine_map<(d0, d1) -> (0, 0)>
#map1 = affine_map<(d0, d1) -> (0, 0, 0, 0, 0)>
#map2 = affine_map<(d0, d1) -> (0, 0, 0)>
module attributes {stable_mosaic.version = 14 : i64} {
  func.func @body(%arg0: i32, %arg1: i32, %arg2: memref<10240x128xf32, #tpu.memory_space<hbm>>, %arg3: memref<32x10x8x2x128xi32, #tpu.memory_space<hbm>>, %arg4: memref<2x10240x128xf32, #tpu.memory_space<hbm>>, %arg5: memref<8x2x128xi32, #tpu.memory_space<vmem>>, %arg6: memref<8x2x128xi32, #tpu.memory_space<vmem>>, %arg7: memref<128x128xf32, #tpu.memory_space<vmem>>, %arg8: memref<128x128xf32, #tpu.memory_space<vmem>>, %arg9: memref<10240x128xf32, #tpu.memory_space<vmem_shared>>, %arg10: memref<!tpu.dma_semaphore, #tpu.memory_space<semaphore_mem>>, %arg11: memref<!tpu.dma_semaphore, #tpu.memory_space<semaphore_mem>>, %arg12: memref<!tpu.dma_semaphore, #tpu.memory_space<semaphore_mem>>, %arg13: memref<!tpu.dma_semaphore, #tpu.memory_space<semaphore_mem>>) attributes {dimension_semantics = [#tpu.dimension_semantics<core_parallel>, #tpu.dimension_semantics<subcore_parallel>], iteration_bounds = array<i64: 2, 16>, scalar_prefetch = 0 : i64, scratch_operands = 9 : i64, tpu.core_type = #tpu.core_type<sc_vector_subcore>, window_params = [{transform_indices = #map}, {transform_indices = #map1}, {transform_indices = #map2}]} {
    %mul3A = arith.constant 16 : i32
    %mul3A_0 = arith.muli %arg0, %mul3A : i32
    %add3A = arith.addi %mul3A_0, %arg1 : i32
    %broadcast_in_dim3A = arith.constant 0.000000e+00 : f32
    %broadcast_in_dim3A_1 = vector.broadcast %broadcast_in_dim3A : f32 to vector<16xf32>
    %scan3A = arith.constant 0 : i32
    %scan3A_2 = arith.constant 0 : i32
    %scan3A_3 = arith.constant 128 : i32
    %scan3A_4 = arith.addi %scan3A_2, %scan3A_3 : i32
    %scan3A_5 = arith.constant 1 : i32
    %scan3A_6 = scf.for %scan3A_66 = %scan3A_2 to %scan3A_4 step %scan3A_5 iter_args(%scan3A_67 = %scan3A) -> (i32)  : i32 {
      %swap3A = arith.index_cast %scan3A_66 : i32 to index
      %swap3A_68 = arith.constant 0 : index
      %swap3A_69 = tpu.vector_load %arg7[%swap3A, %swap3A_68] {strides = array<i32>} : memref<128x128xf32, #tpu.memory_space<vmem>>, vector<1x16xf32>,
      %swap3A_70 = vector.shape_cast %swap3A_69 : vector<1x16xf32> to vector<16xf32>
      %swap3A_71 = vector.shape_cast %broadcast_in_dim3A_1 : vector<16xf32> to vector<1x16xf32>
      tpu.vector_store %arg7[%swap3A, %swap3A_68], %swap3A_71 {strides = array<i32>} : memref<128x128xf32, #tpu.memory_space<vmem>>, vector<1x16xf32>,
      %swap3A_72 = arith.index_cast %scan3A_66 : i32 to index
      %swap3A_73 = arith.constant 16 : index
      %swap3A_74 = tpu.vector_load %arg7[%swap3A_72, %swap3A_73] {strides = array<i32>} : memref<128x128xf32, #tpu.memory_space<vmem>>, vector<1x16xf32>,
      %swap3A_75 = vector.shape_cast %swap3A_74 : vector<1x16xf32> to vector<16xf32>
      %swap3A_76 = vector.shape_cast %broadcast_in_dim3A_1 : vector<16xf32> to vector<1x16xf32>
      tpu.vector_store %arg7[%swap3A_72, %swap3A_73], %swap3A_76 {strides = array<i32>} : memref<128x128xf32, #tpu.memory_space<vmem>>, vector<1x16xf32>,
      %swap3A_77 = arith.index_cast %scan3A_66 : i32 to index
      %swap3A_78 = arith.constant 32 : index
      %swap3A_79 = tpu.vector_load %arg7[%swap3A_77, %swap3A_78] {strides = array<i32>} : memref<128x128xf32, #tpu.memory_space<vmem>>, vector<1x16xf32>,
      %swap3A_80 = vector.shape_cast %swap3A_79 : vector<1x16xf32> to vector<16xf32>
      %swap3A_81 = vector.shape_cast %broadcast_in_dim3A_1 : vector<16xf32> to vector<1x16xf32>
      tpu.vector_store %arg7[%swap3A_77, %swap3A_78], %swap3A_81 {strides = array<i32>} : memref<128x128xf32, #tpu.memory_space<vmem>>, vector<1x16xf32>,
      %swap3A_82 = arith.index_cast %scan3A_66 : i32 to index
      %swap3A_83 = arith.constant 48 : index
      %swap3A_84 = tpu.vector_load %arg7[%swap3A_82, %swap3A_83] {strides = array<i32>} : memref<128x128xf32, #tpu.memory_space<vmem>>, vector<1x16xf32>,
      %swap3A_85 = vector.shape_cast %swap3A_84 : vector<1x16xf32> to vector<16xf32>
      %swap3A_86 = vector.shape_cast %broadcast_in_dim3A_1 : vector<16xf32> to vector<1x16xf32>
      tpu.vector_store %arg7[%swap3A_82, %swap3A_83], %swap3A_86 {strides = array<i32>} : memref<128x128xf32, #tpu.memory_space<vmem>>, vector<1x16xf32>,
      %swap3A_87 = arith.index_cast %scan3A_66 : i32 to index
      %swap3A_88 = arith.constant 64 : index
      %swap3A_89 = tpu.vector_load %arg7[%swap3A_87, %swap3A_88] {strides = array<i32>} : memref<128x128xf32, #tpu.memory_space<vmem>>, vector<1x16xf32>,
      %swap3A_90 = vector.shape_cast %swap3A_89 : vector<1x16xf32> to vector<16xf32>
      %swap3A_91 = vector.shape_cast %broadcast_in_dim3A_1 : vector<16xf32> to vector<1x16xf32>
      tpu.vector_store %arg7[%swap3A_87, %swap3A_88], %swap3A_91 {strides = array<i32>} : memref<128x128xf32, #tpu.memory_space<vmem>>, vector<1x16xf32>,
      %swap3A_92 = arith.index_cast %scan3A_66 : i32 to index
      %swap3A_93 = arith.constant 80 : index
      %swap3A_94 = tpu.vector_load %arg7[%swap3A_92, %swap3A_93] {strides = array<i32>} : memref<128x128xf32, #tpu.memory_space<vmem>>, vector<1x16xf32>,
      %swap3A_95 = vector.shape_cast %swap3A_94 : vector<1x16xf32> to vector<16xf32>
      %swap3A_96 = vector.shape_cast %broadcast_in_dim3A_1 : vector<16xf32> to vector<1x16xf32>
      tpu.vector_store %arg7[%swap3A_92, %swap3A_93], %swap3A_96 {strides = array<i32>} : memref<128x128xf32, #tpu.memory_space<vmem>>, vector<1x16xf32>,
      %swap3A_97 = arith.index_cast %scan3A_66 : i32 to index
      %swap3A_98 = arith.constant 96 : index
      %swap3A_99 = tpu.vector_load %arg7[%swap3A_97, %swap3A_98] {strides = array<i32>} : memref<128x128xf32, #tpu.memory_space<vmem>>, vector<1x16xf32>,
      %swap3A_100 = vector.shape_cast %swap3A_99 : vector<1x16xf32> to vector<16xf32>
      %swap3A_101 = vector.shape_cast %broadcast_in_dim3A_1 : vector<16xf32> to vector<1x16xf32>
      tpu.vector_store %arg7[%swap3A_97, %swap3A_98], %swap3A_101 {strides = array<i32>} : memref<128x128xf32, #tpu.memory_space<vmem>>, vector<1x16xf32>,
      %swap3A_102 = arith.index_cast %scan3A_66 : i32 to index
      %swap3A_103 = arith.constant 112 : index
      %swap3A_104 = tpu.vector_load %arg7[%swap3A_102, %swap3A_103] {strides = array<i32>} : memref<128x128xf32, #tpu.memory_space<vmem>>, vector<1x16xf32>,
      %swap3A_105 = vector.shape_cast %swap3A_104 : vector<1x16xf32> to vector<16xf32>
      %swap3A_106 = vector.shape_cast %broadcast_in_dim3A_1 : vector<16xf32> to vector<1x16xf32>
      tpu.vector_store %arg7[%swap3A_102, %swap3A_103], %swap3A_106 {strides = array<i32>} : memref<128x128xf32, #tpu.memory_space<vmem>>, vector<1x16xf32>,
      %scan3A_107 = arith.constant 0 : i32
      scf.yield %scan3A_107 : i32
    }
    %scan3A_7 = arith.constant 128 : i32
    %mul3A_8 = arith.constant 640 : i32
    %mul3A_9 = arith.muli %arg1, %mul3A_8 : i32
    %add3A_10 = arith.constant 0 : i32
    %add3A_11 = arith.addi %mul3A_9, %add3A_10 : i32
    "tpu.region"() ({
      %run_scoped3A_66 = tpu.sem_alloc : memref<!tpu.dma_semaphore, #tpu.memory_space<semaphore_mem>>
      %dma_start3A_67 = arith.constant 0 : i32
      %dma_start3A_68 = tpu.memref_slice %arg9[%add3A_11, %dma_start3A_67] : memref<10240x128xf32, #tpu.memory_space<vmem_shared>> -> memref<128x128xf32, #tpu.memory_space<vmem_shared>>
      %dma_start3A_69 = arith.constant 0 : i32
      %dma_start3A_70 = tpu.memref_slice %arg9[%add3A_11, %dma_start3A_69] : memref<10240x128xf32, #tpu.memory_space<vmem_shared>> -> memref<128x128xf32, #tpu.memory_space<vmem_shared>>
      tpu.enqueue_dma source(%arg7 : memref<128x128xf32, #tpu.memory_space<vmem>>) target(%dma_start3A_70 : memref<128x128xf32, #tpu.memory_space<vmem_shared>>) target_semaphore(%run_scoped3A_66 : memref<!tpu.dma_semaphore, #tpu.memory_space<semaphore_mem>>)
      %dma_wait3A = arith.constant 0 : i32
      %dma_wait3A_71 = tpu.memref_slice %arg9[%add3A_11, %dma_wait3A] : memref<10240x128xf32, #tpu.memory_space<vmem_shared>> -> memref<128x128xf32, #tpu.memory_space<vmem_shared>>
      %dma_wait3A_72 = arith.constant 0 : i32
      %dma_wait3A_73 = tpu.memref_slice %arg9[%add3A_11, %dma_wait3A_72] : memref<10240x128xf32, #tpu.memory_space<vmem_shared>> -> memref<128x128xf32, #tpu.memory_space<vmem_shared>>
      tpu.wait_dma2 semaphore(%run_scoped3A_66 : memref<!tpu.dma_semaphore, #tpu.memory_space<semaphore_mem>>) src(%arg7 : memref<128x128xf32, #tpu.memory_space<vmem>>) dst(%dma_wait3A_73 : memref<128x128xf32, #tpu.memory_space<vmem_shared>>)
      tpu.yield
    }) : () -> ()
    %mul3A_12 = arith.constant 640 : i32
    %mul3A_13 = arith.muli %arg1, %mul3A_12 : i32
    %add3A_14 = arith.constant 128 : i32
    %add3A_15 = arith.addi %mul3A_13, %add3A_14 : i32
    "tpu.region"() ({
      %run_scoped3A_66 = tpu.sem_alloc : memref<!tpu.dma_semaphore, #tpu.memory_space<semaphore_mem>>
      %dma_start3A_67 = arith.constant 0 : i32
      %dma_start3A_68 = tpu.memref_slice %arg9[%add3A_15, %dma_start3A_67] : memref<10240x128xf32, #tpu.memory_space<vmem_shared>> -> memref<128x128xf32, #tpu.memory_space<vmem_shared>>
      %dma_start3A_69 = arith.constant 0 : i32
      %dma_start3A_70 = tpu.memref_slice %arg9[%add3A_15, %dma_start3A_69] : memref<10240x128xf32, #tpu.memory_space<vmem_shared>> -> memref<128x128xf32, #tpu.memory_space<vmem_shared>>
      tpu.enqueue_dma source(%arg7 : memref<128x128xf32, #tpu.memory_space<vmem>>) target(%dma_start3A_70 : memref<128x128xf32, #tpu.memory_space<vmem_shared>>) target_semaphore(%run_scoped3A_66 : memref<!tpu.dma_semaphore, #tpu.memory_space<semaphore_mem>>)
      %dma_wait3A = arith.constant 0 : i32
      %dma_wait3A_71 = tpu.memref_slice %arg9[%add3A_15, %dma_wait3A] : memref<10240x128xf32, #tpu.memory_space<vmem_shared>> -> memref<128x128xf32, #tpu.memory_space<vmem_shared>>
      %dma_wait3A_72 = arith.constant 0 : i32
      %dma_wait3A_73 = tpu.memref_slice %arg9[%add3A_15, %dma_wait3A_72] : memref<10240x128xf32, #tpu.memory_space<vmem_shared>> -> memref<128x128xf32, #tpu.memory_space<vmem_shared>>
      tpu.wait_dma2 semaphore(%run_scoped3A_66 : memref<!tpu.dma_semaphore, #tpu.memory_space<semaphore_mem>>) src(%arg7 : memref<128x128xf32, #tpu.memory_space<vmem>>) dst(%dma_wait3A_73 : memref<128x128xf32, #tpu.memory_space<vmem_shared>>)
      tpu.yield
    }) : () -> ()
    %mul3A_16 = arith.constant 640 : i32
    %mul3A_17 = arith.muli %arg1, %mul3A_16 : i32
    %add3A_18 = arith.constant 256 : i32
    %add3A_19 = arith.addi %mul3A_17, %add3A_18 : i32
    "tpu.region"() ({
      %run_scoped3A_66 = tpu.sem_alloc : memref<!tpu.dma_semaphore, #tpu.memory_space<semaphore_mem>>
      %dma_start3A_67 = arith.constant 0 : i32
      %dma_start3A_68 = tpu.memref_slice %arg9[%add3A_19, %dma_start3A_67] : memref<10240x128xf32, #tpu.memory_space<vmem_shared>> -> memref<128x128xf32, #tpu.memory_space<vmem_shared>>
      %dma_start3A_69 = arith.constant 0 : i32
      %dma_start3A_70 = tpu.memref_slice %arg9[%add3A_19, %dma_start3A_69] : memref<10240x128xf32, #tpu.memory_space<vmem_shared>> -> memref<128x128xf32, #tpu.memory_space<vmem_shared>>
      tpu.enqueue_dma source(%arg7 : memref<128x128xf32, #tpu.memory_space<vmem>>) target(%dma_start3A_70 : memref<128x128xf32, #tpu.memory_space<vmem_shared>>) target_semaphore(%run_scoped3A_66 : memref<!tpu.dma_semaphore, #tpu.memory_space<semaphore_mem>>)
      %dma_wait3A = arith.constant 0 : i32
      %dma_wait3A_71 = tpu.memref_slice %arg9[%add3A_19, %dma_wait3A] : memref<10240x128xf32, #tpu.memory_space<vmem_shared>> -> memref<128x128xf32, #tpu.memory_space<vmem_shared>>
      %dma_wait3A_72 = arith.constant 0 : i32
      %dma_wait3A_73 = tpu.memref_slice %arg9[%add3A_19, %dma_wait3A_72] : memref<10240x128xf32, #tpu.memory_space<vmem_shared>> -> memref<128x128xf32, #tpu.memory_space<vmem_shared>>
      tpu.wait_dma2 semaphore(%run_scoped3A_66 : memref<!tpu.dma_semaphore, #tpu.memory_space<semaphore_mem>>) src(%arg7 : memref<128x128xf32, #tpu.memory_space<vmem>>) dst(%dma_wait3A_73 : memref<128x128xf32, #tpu.memory_space<vmem_shared>>)
      tpu.yield
    }) : () -> ()
    %mul3A_20 = arith.constant 640 : i32
    %mul3A_21 = arith.muli %arg1, %mul3A_20 : i32
    %add3A_22 = arith.constant 384 : i32
    %add3A_23 = arith.addi %mul3A_21, %add3A_22 : i32
    "tpu.region"() ({
      %run_scoped3A_66 = tpu.sem_alloc : memref<!tpu.dma_semaphore, #tpu.memory_space<semaphore_mem>>
      %dma_start3A_67 = arith.constant 0 : i32
      %dma_start3A_68 = tpu.memref_slice %arg9[%add3A_23, %dma_start3A_67] : memref<10240x128xf32, #tpu.memory_space<vmem_shared>> -> memref<128x128xf32, #tpu.memory_space<vmem_shared>>
      %dma_start3A_69 = arith.constant 0 : i32
      %dma_start3A_70 = tpu.memref_slice %arg9[%add3A_23, %dma_start3A_69] : memref<10240x128xf32, #tpu.memory_space<vmem_shared>> -> memref<128x128xf32, #tpu.memory_space<vmem_shared>>
      tpu.enqueue_dma source(%arg7 : memref<128x128xf32, #tpu.memory_space<vmem>>) target(%dma_start3A_70 : memref<128x128xf32, #tpu.memory_space<vmem_shared>>) target_semaphore(%run_scoped3A_66 : memref<!tpu.dma_semaphore, #tpu.memory_space<semaphore_mem>>)
      %dma_wait3A = arith.constant 0 : i32
      %dma_wait3A_71 = tpu.memref_slice %arg9[%add3A_23, %dma_wait3A] : memref<10240x128xf32, #tpu.memory_space<vmem_shared>> -> memref<128x128xf32, #tpu.memory_space<vmem_shared>>
      %dma_wait3A_72 = arith.constant 0 : i32
      %dma_wait3A_73 = tpu.memref_slice %arg9[%add3A_23, %dma_wait3A_72] : memref<10240x128xf32, #tpu.memory_space<vmem_shared>> -> memref<128x128xf32, #tpu.memory_space<vmem_shared>>
      tpu.wait_dma2 semaphore(%run_scoped3A_66 : memref<!tpu.dma_semaphore, #tpu.memory_space<semaphore_mem>>) src(%arg7 : memref<128x128xf32, #tpu.memory_space<vmem>>) dst(%dma_wait3A_73 : memref<128x128xf32, #tpu.memory_space<vmem_shared>>)
      tpu.yield
    }) : () -> ()
    %mul3A_24 = arith.constant 640 : i32
    %mul3A_25 = arith.muli %arg1, %mul3A_24 : i32
    %add3A_26 = arith.constant 512 : i32
    %add3A_27 = arith.addi %mul3A_25, %add3A_26 : i32
    "tpu.region"() ({
      %run_scoped3A_66 = tpu.sem_alloc : memref<!tpu.dma_semaphore, #tpu.memory_space<semaphore_mem>>
      %dma_start3A_67 = arith.constant 0 : i32
      %dma_start3A_68 = tpu.memref_slice %arg9[%add3A_27, %dma_start3A_67] : memref<10240x128xf32, #tpu.memory_space<vmem_shared>> -> memref<128x128xf32, #tpu.memory_space<vmem_shared>>
      %dma_start3A_69 = arith.constant 0 : i32
      %dma_start3A_70 = tpu.memref_slice %arg9[%add3A_27, %dma_start3A_69] : memref<10240x128xf32, #tpu.memory_space<vmem_shared>> -> memref<128x128xf32, #tpu.memory_space<vmem_shared>>
      tpu.enqueue_dma source(%arg7 : memref<128x128xf32, #tpu.memory_space<vmem>>) target(%dma_start3A_70 : memref<128x128xf32, #tpu.memory_space<vmem_shared>>) target_semaphore(%run_scoped3A_66 : memref<!tpu.dma_semaphore, #tpu.memory_space<semaphore_mem>>)
      %dma_wait3A = arith.constant 0 : i32
      %dma_wait3A_71 = tpu.memref_slice %arg9[%add3A_27, %dma_wait3A] : memref<10240x128xf32, #tpu.memory_space<vmem_shared>> -> memref<128x128xf32, #tpu.memory_space<vmem_shared>>
      %dma_wait3A_72 = arith.constant 0 : i32
      %dma_wait3A_73 = tpu.memref_slice %arg9[%add3A_27, %dma_wait3A_72] : memref<10240x128xf32, #tpu.memory_space<vmem_shared>> -> memref<128x128xf32, #tpu.memory_space<vmem_shared>>
      tpu.wait_dma2 semaphore(%run_scoped3A_66 : memref<!tpu.dma_semaphore, #tpu.memory_space<semaphore_mem>>) src(%arg7 : memref<128x128xf32, #tpu.memory_space<vmem>>) dst(%dma_wait3A_73 : memref<128x128xf32, #tpu.memory_space<vmem_shared>>)
      tpu.yield
    }) : () -> ()
    %barrier3A = arith.constant 0 : index
    tpu.barrier barrier_id(%barrier3A)
    %run_scoped3A = arith.constant 0 : i32
    "tpu.region"() ({
      %run_scoped3A_66 = tpu.sem_alloc : memref<!tpu.dma_semaphore, #tpu.memory_space<semaphore_mem>>
      %dma_start3A_67 = arith.constant 0 : i32
      %dma_start3A_68 = arith.constant 0 : i32
      %dma_start3A_69 = arith.constant 0 : i32
      %dma_start3A_70 = tpu.memref_slice %arg3[%add3A, %run_scoped3A, %dma_start3A_67, %dma_start3A_68, %dma_start3A_69] : memref<32x10x8x2x128xi32, #tpu.memory_space<hbm>> -> memref<1x1x8x2x128xi32, #tpu.memory_space<hbm>>
      %dma_start3A_71 = tpu.memref_squeeze %dma_start3A_70 : memref<1x1x8x2x128xi32, #tpu.memory_space<hbm>> -> memref<8x2x128xi32, #tpu.memory_space<hbm>>
      %dma_start3A_72 = arith.constant 0 : i32
      %dma_start3A_73 = arith.constant 0 : i32
      %dma_start3A_74 = arith.constant 0 : i32
      %dma_start3A_75 = tpu.memref_slice %arg3[%add3A, %run_scoped3A, %dma_start3A_72, %dma_start3A_73, %dma_start3A_74] : memref<32x10x8x2x128xi32, #tpu.memory_space<hbm>> -> memref<1x1x8x2x128xi32, #tpu.memory_space<hbm>>
      %dma_start3A_76 = tpu.memref_squeeze %dma_start3A_75 : memref<1x1x8x2x128xi32, #tpu.memory_space<hbm>> -> memref<8x2x128xi32, #tpu.memory_space<hbm>>
      tpu.enqueue_dma source(%dma_start3A_76 : memref<8x2x128xi32, #tpu.memory_space<hbm>>) target(%arg5 : memref<8x2x128xi32, #tpu.memory_space<vmem>>) target_semaphore(%run_scoped3A_66 : memref<!tpu.dma_semaphore, #tpu.memory_space<semaphore_mem>>)
      %dma_wait3A = arith.constant 0 : i32
      %dma_wait3A_77 = arith.constant 0 : i32
      %dma_wait3A_78 = arith.constant 0 : i32
      %dma_wait3A_79 = tpu.memref_slice %arg3[%add3A, %run_scoped3A, %dma_wait3A, %dma_wait3A_77, %dma_wait3A_78] : memref<32x10x8x2x128xi32, #tpu.memory_space<hbm>> -> memref<1x1x8x2x128xi32, #tpu.memory_space<hbm>>
      %dma_wait3A_80 = tpu.memref_squeeze %dma_wait3A_79 : memref<1x1x8x2x128xi32, #tpu.memory_space<hbm>> -> memref<8x2x128xi32, #tpu.memory_space<hbm>>
      %dma_wait3A_81 = arith.constant 0 : i32
      %dma_wait3A_82 = arith.constant 0 : i32
      %dma_wait3A_83 = arith.constant 0 : i32
      %dma_wait3A_84 = tpu.memref_slice %arg3[%add3A, %run_scoped3A, %dma_wait3A_81, %dma_wait3A_82, %dma_wait3A_83] : memref<32x10x8x2x128xi32, #tpu.memory_space<hbm>> -> memref<1x1x8x2x128xi32, #tpu.memory_space<hbm>>
      %dma_wait3A_85 = tpu.memref_squeeze %dma_wait3A_84 : memref<1x1x8x2x128xi32, #tpu.memory_space<hbm>> -> memref<8x2x128xi32, #tpu.memory_space<hbm>>
      tpu.wait_dma2 semaphore(%run_scoped3A_66 : memref<!tpu.dma_semaphore, #tpu.memory_space<semaphore_mem>>) src(%dma_wait3A_85 : memref<8x2x128xi32, #tpu.memory_space<hbm>>) dst(%arg5 : memref<8x2x128xi32, #tpu.memory_space<vmem>>)
      tpu.yield
    }) : () -> ()
    %dma_start3A = arith.constant 1 : i32
    %dma_start3A_28 = arith.constant 0 : i32
    %dma_start3A_29 = arith.constant 0 : i32
    %dma_start3A_30 = arith.constant 0 : i32
    %dma_start3A_31 = tpu.memref_slice %arg3[%add3A, %dma_start3A, %dma_start3A_28, %dma_start3A_29, %dma_start3A_30] : memref<32x10x8x2x128xi32, #tpu.memory_space<hbm>> -> memref<1x1x8x2x128xi32, #tpu.memory_space<hbm>>
    %dma_start3A_32 = tpu.memref_squeeze %dma_start3A_31 : memref<1x1x8x2x128xi32, #tpu.memory_space<hbm>> -> memref<8x2x128xi32, #tpu.memory_space<hbm>>
    %dma_start3A_33 = arith.constant 0 : i32
    %dma_start3A_34 = arith.constant 0 : i32
    %dma_start3A_35 = arith.constant 0 : i32
    %dma_start3A_36 = tpu.memref_slice %arg3[%add3A, %dma_start3A, %dma_start3A_33, %dma_start3A_34, %dma_start3A_35] : memref<32x10x8x2x128xi32, #tpu.memory_space<hbm>> -> memref<1x1x8x2x128xi32, #tpu.memory_space<hbm>>
    %dma_start3A_37 = tpu.memref_squeeze %dma_start3A_36 : memref<1x1x8x2x128xi32, #tpu.memory_space<hbm>> -> memref<8x2x128xi32, #tpu.memory_space<hbm>>
    tpu.enqueue_dma source(%dma_start3A_37 : memref<8x2x128xi32, #tpu.memory_space<hbm>>) target(%arg6 : memref<8x2x128xi32, #tpu.memory_space<vmem>>) target_semaphore(%arg11 : memref<!tpu.dma_semaphore, #tpu.memory_space<semaphore_mem>>)
    %dma_start3A_38 = arith.constant 0 : i32
    %dma_start3A_39 = arith.constant 0 : i32
    %dma_start3A_40 = arith.constant 0 : i32
    %dma_start3A_41 = tpu.memref_slice %arg5[%dma_start3A_38, %dma_start3A_39, %dma_start3A_40] : memref<8x2x128xi32, #tpu.memory_space<vmem>> -> memref<1x1x128xi32, #tpu.memory_space<vmem>>
    %dma_start3A_42 = tpu.memref_squeeze %dma_start3A_41 : memref<1x1x128xi32, #tpu.memory_space<vmem>> -> memref<128xi32, #tpu.memory_space<vmem>>
    %dma_start3A_43 = arith.constant 0 : i32
    %dma_start3A_44 = arith.constant 0 : i32
    %dma_start3A_45 = tpu.memref_slice %arg2[%dma_start3A_43, %dma_start3A_44] : memref<10240x128xf32, #tpu.memory_space<hbm>> -> memref<10240x128xf32, #tpu.memory_space<hbm>>
    tpu.enqueue_indirect_dma source(%dma_start3A_45 : memref<10240x128xf32, #tpu.memory_space<hbm>>) target(%arg7 : memref<128x128xf32, #tpu.memory_space<vmem>>) offsets(%dma_start3A_42 : memref<128xi32, #tpu.memory_space<vmem>>) semaphore(%arg12 : memref<!tpu.dma_semaphore, #tpu.memory_space<semaphore_mem>>)
    %dma_start3A_46 = arith.constant 1 : i32
    %dma_start3A_47 = arith.constant 0 : i32
    %dma_start3A_48 = arith.constant 0 : i32
    %dma_start3A_49 = tpu.memref_slice %arg5[%dma_start3A_46, %dma_start3A_47, %dma_start3A_48] : memref<8x2x128xi32, #tpu.memory_space<vmem>> -> memref<1x1x128xi32, #tpu.memory_space<vmem>>
    %dma_start3A_50 = tpu.memref_squeeze %dma_start3A_49 : memref<1x1x128xi32, #tpu.memory_space<vmem>> -> memref<128xi32, #tpu.memory_space<vmem>>
    %dma_start3A_51 = arith.constant 0 : i32
    %dma_start3A_52 = arith.constant 0 : i32
    %dma_start3A_53 = tpu.memref_slice %arg2[%dma_start3A_51, %dma_start3A_52] : memref<10240x128xf32, #tpu.memory_space<hbm>> -> memref<10240x128xf32, #tpu.memory_space<hbm>>
    tpu.enqueue_indirect_dma source(%dma_start3A_53 : memref<10240x128xf32, #tpu.memory_space<hbm>>) target(%arg8 : memref<128x128xf32, #tpu.memory_space<vmem>>) offsets(%dma_start3A_50 : memref<128xi32, #tpu.memory_space<vmem>>) semaphore(%arg13 : memref<!tpu.dma_semaphore, #tpu.memory_space<semaphore_mem>>)
    %scan3A_54 = arith.constant 0 : i32
    %scan3A_55 = arith.constant 0 : i32
    %scan3A_56 = arith.constant 5 : i32
    %scan3A_57 = arith.addi %scan3A_55, %scan3A_56 : i32
    %scan3A_58 = arith.constant 1 : i32
    %scan3A_59 = scf.for %scan3A_66 = %scan3A_55 to %scan3A_57 step %scan3A_58 iter_args(%scan3A_67 = %scan3A_54) -> (i32)  : i32 {
      %mul3A_68 = arith.constant 2 : i32
      %mul3A_69 = arith.muli %mul3A_68, %scan3A_66 : i32
      %dma_wait3A = arith.constant 0 : i32
      %dma_wait3A_70 = arith.constant 0 : i32
      %dma_wait3A_71 = arith.constant 0 : i32
      %dma_wait3A_72 = tpu.memref_slice %arg5[%dma_wait3A, %dma_wait3A_70, %dma_wait3A_71] : memref<8x2x128xi32, #tpu.memory_space<vmem>> -> memref<1x1x128xi32, #tpu.memory_space<vmem>>
      %dma_wait3A_73 = tpu.memref_squeeze %dma_wait3A_72 : memref<1x1x128xi32, #tpu.memory_space<vmem>> -> memref<128xi32, #tpu.memory_space<vmem>>
      %dma_wait3A_74 = arith.constant 0 : i32
      %dma_wait3A_75 = arith.constant 0 : i32
      %dma_wait3A_76 = tpu.memref_slice %arg2[%dma_wait3A_74, %dma_wait3A_75] : memref<10240x128xf32, #tpu.memory_space<hbm>> -> memref<10240x128xf32, #tpu.memory_space<hbm>>
      tpu.wait_indirect_dma semaphore(%arg12 : memref<!tpu.dma_semaphore, #tpu.memory_space<semaphore_mem>>) src(%dma_wait3A_76 : memref<10240x128xf32, #tpu.memory_space<hbm>>) dst(%arg7 : memref<128x128xf32, #tpu.memory_space<vmem>>)
      %run_scoped3A_77 = arith.constant 0 : i32
      %run_scoped3A_78 = arith.constant 1 : i32
      "tpu.region"() ({
        %run_scoped3A_365 = tpu.sem_alloc : memref<!tpu.dma_semaphore, #tpu.memory_space<semaphore_mem>>
        %dma_start3A_366 = arith.constant 0 : i32
        %dma_start3A_367 = tpu.memref_slice %arg5[%run_scoped3A_77, %run_scoped3A_78, %dma_start3A_366] : memref<8x2x128xi32, #tpu.memory_space<vmem>> -> memref<1x1x128xi32, #tpu.memory_space<vmem>>
        %dma_start3A_368 = tpu.memref_squeeze %dma_start3A_367 : memref<1x1x128xi32, #tpu.memory_space<vmem>> -> memref<128xi32, #tpu.memory_space<vmem>>
        %dma_start3A_369 = arith.constant 0 : i32
        %dma_start3A_370 = arith.constant 0 : i32
        %dma_start3A_371 = tpu.memref_slice %arg9[%dma_start3A_369, %dma_start3A_370] : memref<10240x128xf32, #tpu.memory_space<vmem_shared>> -> memref<10240x128xf32, #tpu.memory_space<vmem_shared>>
        tpu.enqueue_indirect_dma source(%arg7 : memref<128x128xf32, #tpu.memory_space<vmem>>) target(%dma_start3A_371 : memref<10240x128xf32, #tpu.memory_space<vmem_shared>>) offsets(%dma_start3A_368 : memref<128xi32, #tpu.memory_space<vmem>>) semaphore(%run_scoped3A_365 : memref<!tpu.dma_semaphore, #tpu.memory_space<semaphore_mem>>) {add = true}
        %dma_wait3A_372 = arith.constant 0 : i32
        %dma_wait3A_373 = tpu.memref_slice %arg5[%run_scoped3A_77, %run_scoped3A_78, %dma_wait3A_372] : memref<8x2x128xi32, #tpu.memory_space<vmem>> -> memref<1x1x128xi32, #tpu.memory_space<vmem>>
        %dma_wait3A_374 = tpu.memref_squeeze %dma_wait3A_373 : memref<1x1x128xi32, #tpu.memory_space<vmem>> -> memref<128xi32, #tpu.memory_space<vmem>>
        %dma_wait3A_375 = arith.constant 0 : i32
        %dma_wait3A_376 = arith.constant 0 : i32
        %dma_wait3A_377 = tpu.memref_slice %arg9[%dma_wait3A_375, %dma_wait3A_376] : memref<10240x128xf32, #tpu.memory_space<vmem_shared>> -> memref<10240x128xf32, #tpu.memory_space<vmem_shared>>
        tpu.wait_indirect_dma semaphore(%run_scoped3A_365 : memref<!tpu.dma_semaphore, #tpu.memory_space<semaphore_mem>>) src(%arg7 : memref<128x128xf32, #tpu.memory_space<vmem>>) dst(%dma_wait3A_377 : memref<10240x128xf32, #tpu.memory_space<vmem_shared>>)
        tpu.yield
      }) : () -> ()
      %dma_start3A_79 = arith.constant 2 : i32
      %dma_start3A_80 = arith.constant 0 : i32
      %dma_start3A_81 = arith.constant 0 : i32
      %dma_start3A_82 = tpu.memref_slice %arg5[%dma_start3A_79, %dma_start3A_80, %dma_start3A_81] : memref<8x2x128xi32, #tpu.memory_space<vmem>> -> memref<1x1x128xi32, #tpu.memory_space<vmem>>
      %dma_start3A_83 = tpu.memref_squeeze %dma_start3A_82 : memref<1x1x128xi32, #tpu.memory_space<vmem>> -> memref<128xi32, #tpu.memory_space<vmem>>
      %dma_start3A_84 = arith.constant 0 : i32
      %dma_start3A_85 = arith.constant 0 : i32
      %dma_start3A_86 = tpu.memref_slice %arg2[%dma_start3A_84, %dma_start3A_85] : memref<10240x128xf32, #tpu.memory_space<hbm>> -> memref<10240x128xf32, #tpu.memory_space<hbm>>
      tpu.enqueue_indirect_dma source(%dma_start3A_86 : memref<10240x128xf32, #tpu.memory_space<hbm>>) target(%arg7 : memref<128x128xf32, #tpu.memory_space<vmem>>) offsets(%dma_start3A_83 : memref<128xi32, #tpu.memory_space<vmem>>) semaphore(%arg12 : memref<!tpu.dma_semaphore, #tpu.memory_space<semaphore_mem>>)
      %dma_wait3A_87 = arith.constant 1 : i32
      %dma_wait3A_88 = arith.constant 0 : i32
      %dma_wait3A_89 = arith.constant 0 : i32
      %dma_wait3A_90 = tpu.memref_slice %arg5[%dma_wait3A_87, %dma_wait3A_88, %dma_wait3A_89] : memref<8x2x128xi32, #tpu.memory_space<vmem>> -> memref<1x1x128xi32, #tpu.memory_space<vmem>>
      %dma_wait3A_91 = tpu.memref_squeeze %dma_wait3A_90 : memref<1x1x128xi32, #tpu.memory_space<vmem>> -> memref<128xi32, #tpu.memory_space<vmem>>
      %dma_wait3A_92 = arith.constant 0 : i32
      %dma_wait3A_93 = arith.constant 0 : i32
      %dma_wait3A_94 = tpu.memref_slice %arg2[%dma_wait3A_92, %dma_wait3A_93] : memref<10240x128xf32, #tpu.memory_space<hbm>> -> memref<10240x128xf32, #tpu.memory_space<hbm>>
      tpu.wait_indirect_dma semaphore(%arg13 : memref<!tpu.dma_semaphore, #tpu.memory_space<semaphore_mem>>) src(%dma_wait3A_94 : memref<10240x128xf32, #tpu.memory_space<hbm>>) dst(%arg8 : memref<128x128xf32, #tpu.memory_space<vmem>>)
      %run_scoped3A_95 = arith.constant 1 : i32
      %run_scoped3A_96 = arith.constant 1 : i32
      "tpu.region"() ({
        %run_scoped3A_365 = tpu.sem_alloc : memref<!tpu.dma_semaphore, #tpu.memory_space<semaphore_mem>>
        %dma_start3A_366 = arith.constant 0 : i32
        %dma_start3A_367 = tpu.memref_slice %arg5[%run_scoped3A_95, %run_scoped3A_96, %dma_start3A_366] : memref<8x2x128xi32, #tpu.memory_space<vmem>> -> memref<1x1x128xi32, #tpu.memory_space<vmem>>
        %dma_start3A_368 = tpu.memref_squeeze %dma_start3A_367 : memref<1x1x128xi32, #tpu.memory_space<vmem>> -> memref<128xi32, #tpu.memory_space<vmem>>
        %dma_start3A_369 = arith.constant 0 : i32
        %dma_start3A_370 = arith.constant 0 : i32
        %dma_start3A_371 = tpu.memref_slice %arg9[%dma_start3A_369, %dma_start3A_370] : memref<10240x128xf32, #tpu.memory_space<vmem_shared>> -> memref<10240x128xf32, #tpu.memory_space<vmem_shared>>
        tpu.enqueue_indirect_dma source(%arg8 : memref<128x128xf32, #tpu.memory_space<vmem>>) target(%dma_start3A_371 : memref<10240x128xf32, #tpu.memory_space<vmem_shared>>) offsets(%dma_start3A_368 : memref<128xi32, #tpu.memory_space<vmem>>) semaphore(%run_scoped3A_365 : memref<!tpu.dma_semaphore, #tpu.memory_space<semaphore_mem>>) {add = true}
        %dma_wait3A_372 = arith.constant 0 : i32
        %dma_wait3A_373 = tpu.memref_slice %arg5[%run_scoped3A_95, %run_scoped3A_96, %dma_wait3A_372] : memref<8x2x128xi32, #tpu.memory_space<vmem>> -> memref<1x1x128xi32, #tpu.memory_space<vmem>>
        %dma_wait3A_374 = tpu.memref_squeeze %dma_wait3A_373 : memref<1x1x128xi32, #tpu.memory_space<vmem>> -> memref<128xi32, #tpu.memory_space<vmem>>
        %dma_wait3A_375 = arith.constant 0 : i32
        %dma_wait3A_376 = arith.constant 0 : i32
        %dma_wait3A_377 = tpu.memref_slice %arg9[%dma_wait3A_375, %dma_wait3A_376] : memref<10240x128xf32, #tpu.memory_space<vmem_shared>> -> memref<10240x128xf32, #tpu.memory_space<vmem_shared>>
        tpu.wait_indirect_dma semaphore(%run_scoped3A_365 : memref<!tpu.dma_semaphore, #tpu.memory_space<semaphore_mem>>) src(%arg8 : memref<128x128xf32, #tpu.memory_space<vmem>>) dst(%dma_wait3A_377 : memref<10240x128xf32, #tpu.memory_space<vmem_shared>>)
        tpu.yield
      }) : () -> ()
      %dma_start3A_97 = arith.constant 3 : i32
      %dma_start3A_98 = arith.constant 0 : i32
      %dma_start3A_99 = arith.constant 0 : i32
      %dma_start3A_100 = tpu.memref_slice %arg5[%dma_start3A_97, %dma_start3A_98, %dma_start3A_99] : memref<8x2x128xi32, #tpu.memory_space<vmem>> -> memref<1x1x128xi32, #tpu.memory_space<vmem>>
      %dma_start3A_101 = tpu.memref_squeeze %dma_start3A_100 : memref<1x1x128xi32, #tpu.memory_space<vmem>> -> memref<128xi32, #tpu.memory_space<vmem>>
      %dma_start3A_102 = arith.constant 0 : i32
      %dma_start3A_103 = arith.constant 0 : i32
      %dma_start3A_104 = tpu.memref_slice %arg2[%dma_start3A_102, %dma_start3A_103] : memref<10240x128xf32, #tpu.memory_space<hbm>> -> memref<10240x128xf32, #tpu.memory_space<hbm>>
      tpu.enqueue_indirect_dma source(%dma_start3A_104 : memref<10240x128xf32, #tpu.memory_space<hbm>>) target(%arg8 : memref<128x128xf32, #tpu.memory_space<vmem>>) offsets(%dma_start3A_101 : memref<128xi32, #tpu.memory_space<vmem>>) semaphore(%arg13 : memref<!tpu.dma_semaphore, #tpu.memory_space<semaphore_mem>>)
      %dma_wait3A_105 = arith.constant 2 : i32
      %dma_wait3A_106 = arith.constant 0 : i32
      %dma_wait3A_107 = arith.constant 0 : i32
      %dma_wait3A_108 = tpu.memref_slice %arg5[%dma_wait3A_105, %dma_wait3A_106, %dma_wait3A_107] : memref<8x2x128xi32, #tpu.memory_space<vmem>> -> memref<1x1x128xi32, #tpu.memory_space<vmem>>
      %dma_wait3A_109 = tpu.memref_squeeze %dma_wait3A_108 : memref<1x1x128xi32, #tpu.memory_space<vmem>> -> memref<128xi32, #tpu.memory_space<vmem>>
      %dma_wait3A_110 = arith.constant 0 : i32
      %dma_wait3A_111 = arith.constant 0 : i32
      %dma_wait3A_112 = tpu.memref_slice %arg2[%dma_wait3A_110, %dma_wait3A_111] : memref<10240x128xf32, #tpu.memory_space<hbm>> -> memref<10240x128xf32, #tpu.memory_space<hbm>>
      tpu.wait_indirect_dma semaphore(%arg12 : memref<!tpu.dma_semaphore, #tpu.memory_space<semaphore_mem>>) src(%dma_wait3A_112 : memref<10240x128xf32, #tpu.memory_space<hbm>>) dst(%arg7 : memref<128x128xf32, #tpu.memory_space<vmem>>)
      %run_scoped3A_113 = arith.constant 2 : i32
      %run_scoped3A_114 = arith.constant 1 : i32
      "tpu.region"() ({
        %run_scoped3A_365 = tpu.sem_alloc : memref<!tpu.dma_semaphore, #tpu.memory_space<semaphore_mem>>
        %dma_start3A_366 = arith.constant 0 : i32
        %dma_start3A_367 = tpu.memref_slice %arg5[%run_scoped3A_113, %run_scoped3A_114, %dma_start3A_366] : memref<8x2x128xi32, #tpu.memory_space<vmem>> -> memref<1x1x128xi32, #tpu.memory_space<vmem>>
        %dma_start3A_368 = tpu.memref_squeeze %dma_start3A_367 : memref<1x1x128xi32, #tpu.memory_space<vmem>> -> memref<128xi32, #tpu.memory_space<vmem>>
        %dma_start3A_369 = arith.constant 0 : i32
        %dma_start3A_370 = arith.constant 0 : i32
        %dma_start3A_371 = tpu.memref_slice %arg9[%dma_start3A_369, %dma_start3A_370] : memref<10240x128xf32, #tpu.memory_space<vmem_shared>> -> memref<10240x128xf32, #tpu.memory_space<vmem_shared>>
        tpu.enqueue_indirect_dma source(%arg7 : memref<128x128xf32, #tpu.memory_space<vmem>>) target(%dma_start3A_371 : memref<10240x128xf32, #tpu.memory_space<vmem_shared>>) offsets(%dma_start3A_368 : memref<128xi32, #tpu.memory_space<vmem>>) semaphore(%run_scoped3A_365 : memref<!tpu.dma_semaphore, #tpu.memory_space<semaphore_mem>>) {add = true}
        %dma_wait3A_372 = arith.constant 0 : i32
        %dma_wait3A_373 = tpu.memref_slice %arg5[%run_scoped3A_113, %run_scoped3A_114, %dma_wait3A_372] : memref<8x2x128xi32, #tpu.memory_space<vmem>> -> memref<1x1x128xi32, #tpu.memory_space<vmem>>
        %dma_wait3A_374 = tpu.memref_squeeze %dma_wait3A_373 : memref<1x1x128xi32, #tpu.memory_space<vmem>> -> memref<128xi32, #tpu.memory_space<vmem>>
        %dma_wait3A_375 = arith.constant 0 : i32
        %dma_wait3A_376 = arith.constant 0 : i32
        %dma_wait3A_377 = tpu.memref_slice %arg9[%dma_wait3A_375, %dma_wait3A_376] : memref<10240x128xf32, #tpu.memory_space<vmem_shared>> -> memref<10240x128xf32, #tpu.memory_space<vmem_shared>>
        tpu.wait_indirect_dma semaphore(%run_scoped3A_365 : memref<!tpu.dma_semaphore, #tpu.memory_space<semaphore_mem>>) src(%arg7 : memref<128x128xf32, #tpu.memory_space<vmem>>) dst(%dma_wait3A_377 : memref<10240x128xf32, #tpu.memory_space<vmem_shared>>)
        tpu.yield
      }) : () -> ()
      %dma_start3A_115 = arith.constant 4 : i32
      %dma_start3A_116 = arith.constant 0 : i32
      %dma_start3A_117 = arith.constant 0 : i32
      %dma_start3A_118 = tpu.memref_slice %arg5[%dma_start3A_115, %dma_start3A_116, %dma_start3A_117] : memref<8x2x128xi32, #tpu.memory_space<vmem>> -> memref<1x1x128xi32, #tpu.memory_space<vmem>>
      %dma_start3A_119 = tpu.memref_squeeze %dma_start3A_118 : memref<1x1x128xi32, #tpu.memory_space<vmem>> -> memref<128xi32, #tpu.memory_space<vmem>>
      %dma_start3A_120 = arith.constant 0 : i32
      %dma_start3A_121 = arith.constant 0 : i32
      %dma_start3A_122 = tpu.memref_slice %arg2[%dma_start3A_120, %dma_start3A_121] : memref<10240x128xf32, #tpu.memory_space<hbm>> -> memref<10240x128xf32, #tpu.memory_space<hbm>>
      tpu.enqueue_indirect_dma source(%dma_start3A_122 : memref<10240x128xf32, #tpu.memory_space<hbm>>) target(%arg7 : memref<128x128xf32, #tpu.memory_space<vmem>>) offsets(%dma_start3A_119 : memref<128xi32, #tpu.memory_space<vmem>>) semaphore(%arg12 : memref<!tpu.dma_semaphore, #tpu.memory_space<semaphore_mem>>)
      %dma_wait3A_123 = arith.constant 3 : i32
      %dma_wait3A_124 = arith.constant 0 : i32
      %dma_wait3A_125 = arith.constant 0 : i32
      %dma_wait3A_126 = tpu.memref_slice %arg5[%dma_wait3A_123, %dma_wait3A_124, %dma_wait3A_125] : memref<8x2x128xi32, #tpu.memory_space<vmem>> -> memref<1x1x128xi32, #tpu.memory_space<vmem>>
      %dma_wait3A_127 = tpu.memref_squeeze %dma_wait3A_126 : memref<1x1x128xi32, #tpu.memory_space<vmem>> -> memref<128xi32, #tpu.memory_space<vmem>>
      %dma_wait3A_128 = arith.constant 0 : i32
      %dma_wait3A_129 = arith.constant 0 : i32
      %dma_wait3A_130 = tpu.memref_slice %arg2[%dma_wait3A_128, %dma_wait3A_129] : memref<10240x128xf32, #tpu.memory_space<hbm>> -> memref<10240x128xf32, #tpu.memory_space<hbm>>
      tpu.wait_indirect_dma semaphore(%arg13 : memref<!tpu.dma_semaphore, #tpu.memory_space<semaphore_mem>>) src(%dma_wait3A_130 : memref<10240x128xf32, #tpu.memory_space<hbm>>) dst(%arg8 : memref<128x128xf32, #tpu.memory_space<vmem>>)
      %run_scoped3A_131 = arith.constant 3 : i32
      %run_scoped3A_132 = arith.constant 1 : i32
      "tpu.region"() ({
        %run_scoped3A_365 = tpu.sem_alloc : memref<!tpu.dma_semaphore, #tpu.memory_space<semaphore_mem>>
        %dma_start3A_366 = arith.constant 0 : i32
        %dma_start3A_367 = tpu.memref_slice %arg5[%run_scoped3A_131, %run_scoped3A_132, %dma_start3A_366] : memref<8x2x128xi32, #tpu.memory_space<vmem>> -> memref<1x1x128xi32, #tpu.memory_space<vmem>>
        %dma_start3A_368 = tpu.memref_squeeze %dma_start3A_367 : memref<1x1x128xi32, #tpu.memory_space<vmem>> -> memref<128xi32, #tpu.memory_space<vmem>>
        %dma_start3A_369 = arith.constant 0 : i32
        %dma_start3A_370 = arith.constant 0 : i32
        %dma_start3A_371 = tpu.memref_slice %arg9[%dma_start3A_369, %dma_start3A_370] : memref<10240x128xf32, #tpu.memory_space<vmem_shared>> -> memref<10240x128xf32, #tpu.memory_space<vmem_shared>>
        tpu.enqueue_indirect_dma source(%arg8 : memref<128x128xf32, #tpu.memory_space<vmem>>) target(%dma_start3A_371 : memref<10240x128xf32, #tpu.memory_space<vmem_shared>>) offsets(%dma_start3A_368 : memref<128xi32, #tpu.memory_space<vmem>>) semaphore(%run_scoped3A_365 : memref<!tpu.dma_semaphore, #tpu.memory_space<semaphore_mem>>) {add = true}
        %dma_wait3A_372 = arith.constant 0 : i32
        %dma_wait3A_373 = tpu.memref_slice %arg5[%run_scoped3A_131, %run_scoped3A_132, %dma_wait3A_372] : memref<8x2x128xi32, #tpu.memory_space<vmem>> -> memref<1x1x128xi32, #tpu.memory_space<vmem>>
        %dma_wait3A_374 = tpu.memref_squeeze %dma_wait3A_373 : memref<1x1x128xi32, #tpu.memory_space<vmem>> -> memref<128xi32, #tpu.memory_space<vmem>>
        %dma_wait3A_375 = arith.constant 0 : i32
        %dma_wait3A_376 = arith.constant 0 : i32
        %dma_wait3A_377 = tpu.memref_slice %arg9[%dma_wait3A_375, %dma_wait3A_376] : memref<10240x128xf32, #tpu.memory_space<vmem_shared>> -> memref<10240x128xf32, #tpu.memory_space<vmem_shared>>
        tpu.wait_indirect_dma semaphore(%run_scoped3A_365 : memref<!tpu.dma_semaphore, #tpu.memory_space<semaphore_mem>>) src(%arg8 : memref<128x128xf32, #tpu.memory_space<vmem>>) dst(%dma_wait3A_377 : memref<10240x128xf32, #tpu.memory_space<vmem_shared>>)
        tpu.yield
      }) : () -> ()
      %dma_start3A_133 = arith.constant 5 : i32
      %dma_start3A_134 = arith.constant 0 : i32
      %dma_start3A_135 = arith.constant 0 : i32
      %dma_start3A_136 = tpu.memref_slice %arg5[%dma_start3A_133, %dma_start3A_134, %dma_start3A_135] : memref<8x2x128xi32, #tpu.memory_space<vmem>> -> memref<1x1x128xi32, #tpu.memory_space<vmem>>
      %dma_start3A_137 = tpu.memref_squeeze %dma_start3A_136 : memref<1x1x128xi32, #tpu.memory_space<vmem>> -> memref<128xi32, #tpu.memory_space<vmem>>
      %dma_start3A_138 = arith.constant 0 : i32
      %dma_start3A_139 = arith.constant 0 : i32
      %dma_start3A_140 = tpu.memref_slice %arg2[%dma_start3A_138, %dma_start3A_139] : memref<10240x128xf32, #tpu.memory_space<hbm>> -> memref<10240x128xf32, #tpu.memory_space<hbm>>
      tpu.enqueue_indirect_dma source(%dma_start3A_140 : memref<10240x128xf32, #tpu.memory_space<hbm>>) target(%arg8 : memref<128x128xf32, #tpu.memory_space<vmem>>) offsets(%dma_start3A_137 : memref<128xi32, #tpu.memory_space<vmem>>) semaphore(%arg13 : memref<!tpu.dma_semaphore, #tpu.memory_space<semaphore_mem>>)
      %dma_wait3A_141 = arith.constant 4 : i32
      %dma_wait3A_142 = arith.constant 0 : i32
      %dma_wait3A_143 = arith.constant 0 : i32
      %dma_wait3A_144 = tpu.memref_slice %arg5[%dma_wait3A_141, %dma_wait3A_142, %dma_wait3A_143] : memref<8x2x128xi32, #tpu.memory_space<vmem>> -> memref<1x1x128xi32, #tpu.memory_space<vmem>>
      %dma_wait3A_145 = tpu.memref_squeeze %dma_wait3A_144 : memref<1x1x128xi32, #tpu.memory_space<vmem>> -> memref<128xi32, #tpu.memory_space<vmem>>
      %dma_wait3A_146 = arith.constant 0 : i32
      %dma_wait3A_147 = arith.constant 0 : i32
      %dma_wait3A_148 = tpu.memref_slice %arg2[%dma_wait3A_146, %dma_wait3A_147] : memref<10240x128xf32, #tpu.memory_space<hbm>> -> memref<10240x128xf32, #tpu.memory_space<hbm>>
      tpu.wait_indirect_dma semaphore(%arg12 : memref<!tpu.dma_semaphore, #tpu.memory_space<semaphore_mem>>) src(%dma_wait3A_148 : memref<10240x128xf32, #tpu.memory_space<hbm>>) dst(%arg7 : memref<128x128xf32, #tpu.memory_space<vmem>>)
      %run_scoped3A_149 = arith.constant 4 : i32
      %run_scoped3A_150 = arith.constant 1 : i32
      "tpu.region"() ({
        %run_scoped3A_365 = tpu.sem_alloc : memref<!tpu.dma_semaphore, #tpu.memory_space<semaphore_mem>>
        %dma_start3A_366 = arith.constant 0 : i32
        %dma_start3A_367 = tpu.memref_slice %arg5[%run_scoped3A_149, %run_scoped3A_150, %dma_start3A_366] : memref<8x2x128xi32, #tpu.memory_space<vmem>> -> memref<1x1x128xi32, #tpu.memory_space<vmem>>
        %dma_start3A_368 = tpu.memref_squeeze %dma_start3A_367 : memref<1x1x128xi32, #tpu.memory_space<vmem>> -> memref<128xi32, #tpu.memory_space<vmem>>
        %dma_start3A_369 = arith.constant 0 : i32
        %dma_start3A_370 = arith.constant 0 : i32
        %dma_start3A_371 = tpu.memref_slice %arg9[%dma_start3A_369, %dma_start3A_370] : memref<10240x128xf32, #tpu.memory_space<vmem_shared>> -> memref<10240x128xf32, #tpu.memory_space<vmem_shared>>
        tpu.enqueue_indirect_dma source(%arg7 : memref<128x128xf32, #tpu.memory_space<vmem>>) target(%dma_start3A_371 : memref<10240x128xf32, #tpu.memory_space<vmem_shared>>) offsets(%dma_start3A_368 : memref<128xi32, #tpu.memory_space<vmem>>) semaphore(%run_scoped3A_365 : memref<!tpu.dma_semaphore, #tpu.memory_space<semaphore_mem>>) {add = true}
        %dma_wait3A_372 = arith.constant 0 : i32
        %dma_wait3A_373 = tpu.memref_slice %arg5[%run_scoped3A_149, %run_scoped3A_150, %dma_wait3A_372] : memref<8x2x128xi32, #tpu.memory_space<vmem>> -> memref<1x1x128xi32, #tpu.memory_space<vmem>>
        %dma_wait3A_374 = tpu.memref_squeeze %dma_wait3A_373 : memref<1x1x128xi32, #tpu.memory_space<vmem>> -> memref<128xi32, #tpu.memory_space<vmem>>
        %dma_wait3A_375 = arith.constant 0 : i32
        %dma_wait3A_376 = arith.constant 0 : i32
        %dma_wait3A_377 = tpu.memref_slice %arg9[%dma_wait3A_375, %dma_wait3A_376] : memref<10240x128xf32, #tpu.memory_space<vmem_shared>> -> memref<10240x128xf32, #tpu.memory_space<vmem_shared>>
        tpu.wait_indirect_dma semaphore(%run_scoped3A_365 : memref<!tpu.dma_semaphore, #tpu.memory_space<semaphore_mem>>) src(%arg7 : memref<128x128xf32, #tpu.memory_space<vmem>>) dst(%dma_wait3A_377 : memref<10240x128xf32, #tpu.memory_space<vmem_shared>>)
        tpu.yield
      }) : () -> ()
      %dma_start3A_151 = arith.constant 6 : i32
      %dma_start3A_152 = arith.constant 0 : i32
      %dma_start3A_153 = arith.constant 0 : i32
      %dma_start3A_154 = tpu.memref_slice %arg5[%dma_start3A_151, %dma_start3A_152, %dma_start3A_153] : memref<8x2x128xi32, #tpu.memory_space<vmem>> -> memref<1x1x128xi32, #tpu.memory_space<vmem>>
      %dma_start3A_155 = tpu.memref_squeeze %dma_start3A_154 : memref<1x1x128xi32, #tpu.memory_space<vmem>> -> memref<128xi32, #tpu.memory_space<vmem>>
      %dma_start3A_156 = arith.constant 0 : i32
      %dma_start3A_157 = arith.constant 0 : i32
      %dma_start3A_158 = tpu.memref_slice %arg2[%dma_start3A_156, %dma_start3A_157] : memref<10240x128xf32, #tpu.memory_space<hbm>> -> memref<10240x128xf32, #tpu.memory_space<hbm>>
      tpu.enqueue_indirect_dma source(%dma_start3A_158 : memref<10240x128xf32, #tpu.memory_space<hbm>>) target(%arg7 : memref<128x128xf32, #tpu.memory_space<vmem>>) offsets(%dma_start3A_155 : memref<128xi32, #tpu.memory_space<vmem>>) semaphore(%arg12 : memref<!tpu.dma_semaphore, #tpu.memory_space<semaphore_mem>>)
      %dma_wait3A_159 = arith.constant 5 : i32
      %dma_wait3A_160 = arith.constant 0 : i32
      %dma_wait3A_161 = arith.constant 0 : i32
      %dma_wait3A_162 = tpu.memref_slice %arg5[%dma_wait3A_159, %dma_wait3A_160, %dma_wait3A_161] : memref<8x2x128xi32, #tpu.memory_space<vmem>> -> memref<1x1x128xi32, #tpu.memory_space<vmem>>
      %dma_wait3A_163 = tpu.memref_squeeze %dma_wait3A_162 : memref<1x1x128xi32, #tpu.memory_space<vmem>> -> memref<128xi32, #tpu.memory_space<vmem>>
      %dma_wait3A_164 = arith.constant 0 : i32
      %dma_wait3A_165 = arith.constant 0 : i32
      %dma_wait3A_166 = tpu.memref_slice %arg2[%dma_wait3A_164, %dma_wait3A_165] : memref<10240x128xf32, #tpu.memory_space<hbm>> -> memref<10240x128xf32, #tpu.memory_space<hbm>>
      tpu.wait_indirect_dma semaphore(%arg13 : memref<!tpu.dma_semaphore, #tpu.memory_space<semaphore_mem>>) src(%dma_wait3A_166 : memref<10240x128xf32, #tpu.memory_space<hbm>>) dst(%arg8 : memref<128x128xf32, #tpu.memory_space<vmem>>)
      %run_scoped3A_167 = arith.constant 5 : i32
      %run_scoped3A_168 = arith.constant 1 : i32
      "tpu.region"() ({
        %run_scoped3A_365 = tpu.sem_alloc : memref<!tpu.dma_semaphore, #tpu.memory_space<semaphore_mem>>
        %dma_start3A_366 = arith.constant 0 : i32
        %dma_start3A_367 = tpu.memref_slice %arg5[%run_scoped3A_167, %run_scoped3A_168, %dma_start3A_366] : memref<8x2x128xi32, #tpu.memory_space<vmem>> -> memref<1x1x128xi32, #tpu.memory_space<vmem>>
        %dma_start3A_368 = tpu.memref_squeeze %dma_start3A_367 : memref<1x1x128xi32, #tpu.memory_space<vmem>> -> memref<128xi32, #tpu.memory_space<vmem>>
        %dma_start3A_369 = arith.constant 0 : i32
        %dma_start3A_370 = arith.constant 0 : i32
        %dma_start3A_371 = tpu.memref_slice %arg9[%dma_start3A_369, %dma_start3A_370] : memref<10240x128xf32, #tpu.memory_space<vmem_shared>> -> memref<10240x128xf32, #tpu.memory_space<vmem_shared>>
        tpu.enqueue_indirect_dma source(%arg8 : memref<128x128xf32, #tpu.memory_space<vmem>>) target(%dma_start3A_371 : memref<10240x128xf32, #tpu.memory_space<vmem_shared>>) offsets(%dma_start3A_368 : memref<128xi32, #tpu.memory_space<vmem>>) semaphore(%run_scoped3A_365 : memref<!tpu.dma_semaphore, #tpu.memory_space<semaphore_mem>>) {add = true}
        %dma_wait3A_372 = arith.constant 0 : i32
        %dma_wait3A_373 = tpu.memref_slice %arg5[%run_scoped3A_167, %run_scoped3A_168, %dma_wait3A_372] : memref<8x2x128xi32, #tpu.memory_space<vmem>> -> memref<1x1x128xi32, #tpu.memory_space<vmem>>
        %dma_wait3A_374 = tpu.memref_squeeze %dma_wait3A_373 : memref<1x1x128xi32, #tpu.memory_space<vmem>> -> memref<128xi32, #tpu.memory_space<vmem>>
        %dma_wait3A_375 = arith.constant 0 : i32
        %dma_wait3A_376 = arith.constant 0 : i32
        %dma_wait3A_377 = tpu.memref_slice %arg9[%dma_wait3A_375, %dma_wait3A_376] : memref<10240x128xf32, #tpu.memory_space<vmem_shared>> -> memref<10240x128xf32, #tpu.memory_space<vmem_shared>>
        tpu.wait_indirect_dma semaphore(%run_scoped3A_365 : memref<!tpu.dma_semaphore, #tpu.memory_space<semaphore_mem>>) src(%arg8 : memref<128x128xf32, #tpu.memory_space<vmem>>) dst(%dma_wait3A_377 : memref<10240x128xf32, #tpu.memory_space<vmem_shared>>)
        tpu.yield
      }) : () -> ()
      %dma_start3A_169 = arith.constant 7 : i32
      %dma_start3A_170 = arith.constant 0 : i32
      %dma_start3A_171 = arith.constant 0 : i32
      %dma_start3A_172 = tpu.memref_slice %arg5[%dma_start3A_169, %dma_start3A_170, %dma_start3A_171] : memref<8x2x128xi32, #tpu.memory_space<vmem>> -> memref<1x1x128xi32, #tpu.memory_space<vmem>>
      %dma_start3A_173 = tpu.memref_squeeze %dma_start3A_172 : memref<1x1x128xi32, #tpu.memory_space<vmem>> -> memref<128xi32, #tpu.memory_space<vmem>>
      %dma_start3A_174 = arith.constant 0 : i32
      %dma_start3A_175 = arith.constant 0 : i32
      %dma_start3A_176 = tpu.memref_slice %arg2[%dma_start3A_174, %dma_start3A_175] : memref<10240x128xf32, #tpu.memory_space<hbm>> -> memref<10240x128xf32, #tpu.memory_space<hbm>>
      tpu.enqueue_indirect_dma source(%dma_start3A_176 : memref<10240x128xf32, #tpu.memory_space<hbm>>) target(%arg8 : memref<128x128xf32, #tpu.memory_space<vmem>>) offsets(%dma_start3A_173 : memref<128xi32, #tpu.memory_space<vmem>>) semaphore(%arg13 : memref<!tpu.dma_semaphore, #tpu.memory_space<semaphore_mem>>)
      %dma_wait3A_177 = arith.constant 6 : i32
      %dma_wait3A_178 = arith.constant 0 : i32
      %dma_wait3A_179 = arith.constant 0 : i32
      %dma_wait3A_180 = tpu.memref_slice %arg5[%dma_wait3A_177, %dma_wait3A_178, %dma_wait3A_179] : memref<8x2x128xi32, #tpu.memory_space<vmem>> -> memref<1x1x128xi32, #tpu.memory_space<vmem>>
      %dma_wait3A_181 = tpu.memref_squeeze %dma_wait3A_180 : memref<1x1x128xi32, #tpu.memory_space<vmem>> -> memref<128xi32, #tpu.memory_space<vmem>>
      %dma_wait3A_182 = arith.constant 0 : i32
      %dma_wait3A_183 = arith.constant 0 : i32
      %dma_wait3A_184 = tpu.memref_slice %arg2[%dma_wait3A_182, %dma_wait3A_183] : memref<10240x128xf32, #tpu.memory_space<hbm>> -> memref<10240x128xf32, #tpu.memory_space<hbm>>
      tpu.wait_indirect_dma semaphore(%arg12 : memref<!tpu.dma_semaphore, #tpu.memory_space<semaphore_mem>>) src(%dma_wait3A_184 : memref<10240x128xf32, #tpu.memory_space<hbm>>) dst(%arg7 : memref<128x128xf32, #tpu.memory_space<vmem>>)
      %run_scoped3A_185 = arith.constant 6 : i32
      %run_scoped3A_186 = arith.constant 1 : i32
      "tpu.region"() ({
        %run_scoped3A_365 = tpu.sem_alloc : memref<!tpu.dma_semaphore, #tpu.memory_space<semaphore_mem>>
        %dma_start3A_366 = arith.constant 0 : i32
        %dma_start3A_367 = tpu.memref_slice %arg5[%run_scoped3A_185, %run_scoped3A_186, %dma_start3A_366] : memref<8x2x128xi32, #tpu.memory_space<vmem>> -> memref<1x1x128xi32, #tpu.memory_space<vmem>>
        %dma_start3A_368 = tpu.memref_squeeze %dma_start3A_367 : memref<1x1x128xi32, #tpu.memory_space<vmem>> -> memref<128xi32, #tpu.memory_space<vmem>>
        %dma_start3A_369 = arith.constant 0 : i32
        %dma_start3A_370 = arith.constant 0 : i32
        %dma_start3A_371 = tpu.memref_slice %arg9[%dma_start3A_369, %dma_start3A_370] : memref<10240x128xf32, #tpu.memory_space<vmem_shared>> -> memref<10240x128xf32, #tpu.memory_space<vmem_shared>>
        tpu.enqueue_indirect_dma source(%arg7 : memref<128x128xf32, #tpu.memory_space<vmem>>) target(%dma_start3A_371 : memref<10240x128xf32, #tpu.memory_space<vmem_shared>>) offsets(%dma_start3A_368 : memref<128xi32, #tpu.memory_space<vmem>>) semaphore(%run_scoped3A_365 : memref<!tpu.dma_semaphore, #tpu.memory_space<semaphore_mem>>) {add = true}
        %dma_wait3A_372 = arith.constant 0 : i32
        %dma_wait3A_373 = tpu.memref_slice %arg5[%run_scoped3A_185, %run_scoped3A_186, %dma_wait3A_372] : memref<8x2x128xi32, #tpu.memory_space<vmem>> -> memref<1x1x128xi32, #tpu.memory_space<vmem>>
        %dma_wait3A_374 = tpu.memref_squeeze %dma_wait3A_373 : memref<1x1x128xi32, #tpu.memory_space<vmem>> -> memref<128xi32, #tpu.memory_space<vmem>>
        %dma_wait3A_375 = arith.constant 0 : i32
        %dma_wait3A_376 = arith.constant 0 : i32
        %dma_wait3A_377 = tpu.memref_slice %arg9[%dma_wait3A_375, %dma_wait3A_376] : memref<10240x128xf32, #tpu.memory_space<vmem_shared>> -> memref<10240x128xf32, #tpu.memory_space<vmem_shared>>
        tpu.wait_indirect_dma semaphore(%run_scoped3A_365 : memref<!tpu.dma_semaphore, #tpu.memory_space<semaphore_mem>>) src(%arg7 : memref<128x128xf32, #tpu.memory_space<vmem>>) dst(%dma_wait3A_377 : memref<10240x128xf32, #tpu.memory_space<vmem_shared>>)
        tpu.yield
      }) : () -> ()
      %dma_wait3A_187 = arith.constant 0 : i32
      %dma_wait3A_188 = arith.constant 0 : i32
      %dma_wait3A_189 = arith.constant 0 : i32
      %dma_wait3A_190 = arith.constant 0 : i32
      %dma_wait3A_191 = tpu.memref_slice %arg3[%add3A, %dma_wait3A_187, %dma_wait3A_188, %dma_wait3A_189, %dma_wait3A_190] : memref<32x10x8x2x128xi32, #tpu.memory_space<hbm>> -> memref<1x1x8x2x128xi32, #tpu.memory_space<hbm>>
      %dma_wait3A_192 = tpu.memref_squeeze %dma_wait3A_191 : memref<1x1x8x2x128xi32, #tpu.memory_space<hbm>> -> memref<8x2x128xi32, #tpu.memory_space<hbm>>
      %dma_wait3A_193 = arith.constant 0 : i32
      %dma_wait3A_194 = arith.constant 0 : i32
      %dma_wait3A_195 = arith.constant 0 : i32
      %dma_wait3A_196 = tpu.memref_slice %arg3[%add3A, %dma_wait3A_187, %dma_wait3A_193, %dma_wait3A_194, %dma_wait3A_195] : memref<32x10x8x2x128xi32, #tpu.memory_space<hbm>> -> memref<1x1x8x2x128xi32, #tpu.memory_space<hbm>>
      %dma_wait3A_197 = tpu.memref_squeeze %dma_wait3A_196 : memref<1x1x8x2x128xi32, #tpu.memory_space<hbm>> -> memref<8x2x128xi32, #tpu.memory_space<hbm>>
      tpu.wait_dma2 semaphore(%arg11 : memref<!tpu.dma_semaphore, #tpu.memory_space<semaphore_mem>>) src(%dma_wait3A_197 : memref<8x2x128xi32, #tpu.memory_space<hbm>>) dst(%arg6 : memref<8x2x128xi32, #tpu.memory_space<vmem>>)
      %dma_start3A_198 = arith.constant 0 : i32
      %dma_start3A_199 = arith.constant 0 : i32
      %dma_start3A_200 = arith.constant 0 : i32
      %dma_start3A_201 = tpu.memref_slice %arg6[%dma_start3A_198, %dma_start3A_199, %dma_start3A_200] : memref<8x2x128xi32, #tpu.memory_space<vmem>> -> memref<1x1x128xi32, #tpu.memory_space<vmem>>
      %dma_start3A_202 = tpu.memref_squeeze %dma_start3A_201 : memref<1x1x128xi32, #tpu.memory_space<vmem>> -> memref<128xi32, #tpu.memory_space<vmem>>
      %dma_start3A_203 = arith.constant 0 : i32
      %dma_start3A_204 = arith.constant 0 : i32
      %dma_start3A_205 = tpu.memref_slice %arg2[%dma_start3A_203, %dma_start3A_204] : memref<10240x128xf32, #tpu.memory_space<hbm>> -> memref<10240x128xf32, #tpu.memory_space<hbm>>
      tpu.enqueue_indirect_dma source(%dma_start3A_205 : memref<10240x128xf32, #tpu.memory_space<hbm>>) target(%arg7 : memref<128x128xf32, #tpu.memory_space<vmem>>) offsets(%dma_start3A_202 : memref<128xi32, #tpu.memory_space<vmem>>) semaphore(%arg12 : memref<!tpu.dma_semaphore, #tpu.memory_space<semaphore_mem>>)
      %dma_wait3A_206 = arith.constant 7 : i32
      %dma_wait3A_207 = arith.constant 0 : i32
      %dma_wait3A_208 = arith.constant 0 : i32
      %dma_wait3A_209 = tpu.memref_slice %arg5[%dma_wait3A_206, %dma_wait3A_207, %dma_wait3A_208] : memref<8x2x128xi32, #tpu.memory_space<vmem>> -> memref<1x1x128xi32, #tpu.memory_space<vmem>>
      %dma_wait3A_210 = tpu.memref_squeeze %dma_wait3A_209 : memref<1x1x128xi32, #tpu.memory_space<vmem>> -> memref<128xi32, #tpu.memory_space<vmem>>
      %dma_wait3A_211 = arith.constant 0 : i32
      %dma_wait3A_212 = arith.constant 0 : i32
      %dma_wait3A_213 = tpu.memref_slice %arg2[%dma_wait3A_211, %dma_wait3A_212] : memref<10240x128xf32, #tpu.memory_space<hbm>> -> memref<10240x128xf32, #tpu.memory_space<hbm>>
      tpu.wait_indirect_dma semaphore(%arg13 : memref<!tpu.dma_semaphore, #tpu.memory_space<semaphore_mem>>) src(%dma_wait3A_213 : memref<10240x128xf32, #tpu.memory_space<hbm>>) dst(%arg8 : memref<128x128xf32, #tpu.memory_space<vmem>>)
      %run_scoped3A_214 = arith.constant 7 : i32
      %run_scoped3A_215 = arith.constant 1 : i32
      "tpu.region"() ({
        %run_scoped3A_365 = tpu.sem_alloc : memref<!tpu.dma_semaphore, #tpu.memory_space<semaphore_mem>>
        %dma_start3A_366 = arith.constant 0 : i32
        %dma_start3A_367 = tpu.memref_slice %arg5[%run_scoped3A_214, %run_scoped3A_215, %dma_start3A_366] : memref<8x2x128xi32, #tpu.memory_space<vmem>> -> memref<1x1x128xi32, #tpu.memory_space<vmem>>
        %dma_start3A_368 = tpu.memref_squeeze %dma_start3A_367 : memref<1x1x128xi32, #tpu.memory_space<vmem>> -> memref<128xi32, #tpu.memory_space<vmem>>
        %dma_start3A_369 = arith.constant 0 : i32
        %dma_start3A_370 = arith.constant 0 : i32
        %dma_start3A_371 = tpu.memref_slice %arg9[%dma_start3A_369, %dma_start3A_370] : memref<10240x128xf32, #tpu.memory_space<vmem_shared>> -> memref<10240x128xf32, #tpu.memory_space<vmem_shared>>
        tpu.enqueue_indirect_dma source(%arg8 : memref<128x128xf32, #tpu.memory_space<vmem>>) target(%dma_start3A_371 : memref<10240x128xf32, #tpu.memory_space<vmem_shared>>) offsets(%dma_start3A_368 : memref<128xi32, #tpu.memory_space<vmem>>) semaphore(%run_scoped3A_365 : memref<!tpu.dma_semaphore, #tpu.memory_space<semaphore_mem>>) {add = true}
        %dma_wait3A_372 = arith.constant 0 : i32
        %dma_wait3A_373 = tpu.memref_slice %arg5[%run_scoped3A_214, %run_scoped3A_215, %dma_wait3A_372] : memref<8x2x128xi32, #tpu.memory_space<vmem>> -> memref<1x1x128xi32, #tpu.memory_space<vmem>>
        %dma_wait3A_374 = tpu.memref_squeeze %dma_wait3A_373 : memref<1x1x128xi32, #tpu.memory_space<vmem>> -> memref<128xi32, #tpu.memory_space<vmem>>
        %dma_wait3A_375 = arith.constant 0 : i32
        %dma_wait3A_376 = arith.constant 0 : i32
        %dma_wait3A_377 = tpu.memref_slice %arg9[%dma_wait3A_375, %dma_wait3A_376] : memref<10240x128xf32, #tpu.memory_space<vmem_shared>> -> memref<10240x128xf32, #tpu.memory_space<vmem_shared>>
        tpu.wait_indirect_dma semaphore(%run_scoped3A_365 : memref<!tpu.dma_semaphore, #tpu.memory_space<semaphore_mem>>) src(%arg8 : memref<128x128xf32, #tpu.memory_space<vmem>>) dst(%dma_wait3A_377 : memref<10240x128xf32, #tpu.memory_space<vmem_shared>>)
        tpu.yield
      }) : () -> ()
      %lt3A = arith.constant 4 : i32
      %lt3A_216 = arith.cmpi slt, %scan3A_66, %lt3A : i32
      %convert_element_type3A = arith.extui %lt3A_216 : i1 to i32
      %cond3A = arith.constant 0 : i32
      %cond3A_217 = arith.cmpi ne, %convert_element_type3A, %cond3A : i32
      scf.if %cond3A_217 {
        %add3A_365 = arith.constant 2 : i32
        %add3A_366 = arith.addi %mul3A_69, %add3A_365 : i32
        %dma_start3A_367 = arith.constant 0 : i32
        %dma_start3A_368 = arith.constant 0 : i32
        %dma_start3A_369 = arith.constant 0 : i32
        %dma_start3A_370 = tpu.memref_slice %arg3[%add3A, %add3A_366, %dma_start3A_367, %dma_start3A_368, %dma_start3A_369] : memref<32x10x8x2x128xi32, #tpu.memory_space<hbm>> -> memref<1x1x8x2x128xi32, #tpu.memory_space<hbm>>
        %dma_start3A_371 = tpu.memref_squeeze %dma_start3A_370 : memref<1x1x8x2x128xi32, #tpu.memory_space<hbm>> -> memref<8x2x128xi32, #tpu.memory_space<hbm>>
        %dma_start3A_372 = arith.constant 0 : i32
        %dma_start3A_373 = arith.constant 0 : i32
        %dma_start3A_374 = arith.constant 0 : i32
        %dma_start3A_375 = tpu.memref_slice %arg3[%add3A, %add3A_366, %dma_start3A_372, %dma_start3A_373, %dma_start3A_374] : memref<32x10x8x2x128xi32, #tpu.memory_space<hbm>> -> memref<1x1x8x2x128xi32, #tpu.memory_space<hbm>>
        %dma_start3A_376 = tpu.memref_squeeze %dma_start3A_375 : memref<1x1x8x2x128xi32, #tpu.memory_space<hbm>> -> memref<8x2x128xi32, #tpu.memory_space<hbm>>
        tpu.enqueue_dma source(%dma_start3A_376 : memref<8x2x128xi32, #tpu.memory_space<hbm>>) target(%arg5 : memref<8x2x128xi32, #tpu.memory_space<vmem>>) target_semaphore(%arg10 : memref<!tpu.dma_semaphore, #tpu.memory_space<semaphore_mem>>)
      } else {
      }
      %dma_start3A_218 = arith.constant 1 : i32
      %dma_start3A_219 = arith.constant 0 : i32
      %dma_start3A_220 = arith.constant 0 : i32
      %dma_start3A_221 = tpu.memref_slice %arg6[%dma_start3A_218, %dma_start3A_219, %dma_start3A_220] : memref<8x2x128xi32, #tpu.memory_space<vmem>> -> memref<1x1x128xi32, #tpu.memory_space<vmem>>
      %dma_start3A_222 = tpu.memref_squeeze %dma_start3A_221 : memref<1x1x128xi32, #tpu.memory_space<vmem>> -> memref<128xi32, #tpu.memory_space<vmem>>
      %dma_start3A_223 = arith.constant 0 : i32
      %dma_start3A_224 = arith.constant 0 : i32
      %dma_start3A_225 = tpu.memref_slice %arg2[%dma_start3A_223, %dma_start3A_224] : memref<10240x128xf32, #tpu.memory_space<hbm>> -> memref<10240x128xf32, #tpu.memory_space<hbm>>
      tpu.enqueue_indirect_dma source(%dma_start3A_225 : memref<10240x128xf32, #tpu.memory_space<hbm>>) target(%arg8 : memref<128x128xf32, #tpu.memory_space<vmem>>) offsets(%dma_start3A_222 : memref<128xi32, #tpu.memory_space<vmem>>) semaphore(%arg13 : memref<!tpu.dma_semaphore, #tpu.memory_space<semaphore_mem>>)
      %dma_wait3A_226 = arith.constant 0 : i32
      %dma_wait3A_227 = arith.constant 0 : i32
      %dma_wait3A_228 = arith.constant 0 : i32
      %dma_wait3A_229 = tpu.memref_slice %arg6[%dma_wait3A_226, %dma_wait3A_227, %dma_wait3A_228] : memref<8x2x128xi32, #tpu.memory_space<vmem>> -> memref<1x1x128xi32, #tpu.memory_space<vmem>>
      %dma_wait3A_230 = tpu.memref_squeeze %dma_wait3A_229 : memref<1x1x128xi32, #tpu.memory_space<vmem>> -> memref<128xi32, #tpu.memory_space<vmem>>
      %dma_wait3A_231 = arith.constant 0 : i32
      %dma_wait3A_232 = arith.constant 0 : i32
      %dma_wait3A_233 = tpu.memref_slice %arg2[%dma_wait3A_231, %dma_wait3A_232] : memref<10240x128xf32, #tpu.memory_space<hbm>> -> memref<10240x128xf32, #tpu.memory_space<hbm>>
      tpu.wait_indirect_dma semaphore(%arg12 : memref<!tpu.dma_semaphore, #tpu.memory_space<semaphore_mem>>) src(%dma_wait3A_233 : memref<10240x128xf32, #tpu.memory_space<hbm>>) dst(%arg7 : memref<128x128xf32, #tpu.memory_space<vmem>>)
      %run_scoped3A_234 = arith.constant 0 : i32
      %run_scoped3A_235 = arith.constant 1 : i32
      "tpu.region"() ({
        %run_scoped3A_365 = tpu.sem_alloc : memref<!tpu.dma_semaphore, #tpu.memory_space<semaphore_mem>>
        %dma_start3A_366 = arith.constant 0 : i32
        %dma_start3A_367 = tpu.memref_slice %arg6[%run_scoped3A_234, %run_scoped3A_235, %dma_start3A_366] : memref<8x2x128xi32, #tpu.memory_space<vmem>> -> memref<1x1x128xi32, #tpu.memory_space<vmem>>
        %dma_start3A_368 = tpu.memref_squeeze %dma_start3A_367 : memref<1x1x128xi32, #tpu.memory_space<vmem>> -> memref<128xi32, #tpu.memory_space<vmem>>
        %dma_start3A_369 = arith.constant 0 : i32
        %dma_start3A_370 = arith.constant 0 : i32
        %dma_start3A_371 = tpu.memref_slice %arg9[%dma_start3A_369, %dma_start3A_370] : memref<10240x128xf32, #tpu.memory_space<vmem_shared>> -> memref<10240x128xf32, #tpu.memory_space<vmem_shared>>
        tpu.enqueue_indirect_dma source(%arg7 : memref<128x128xf32, #tpu.memory_space<vmem>>) target(%dma_start3A_371 : memref<10240x128xf32, #tpu.memory_space<vmem_shared>>) offsets(%dma_start3A_368 : memref<128xi32, #tpu.memory_space<vmem>>) semaphore(%run_scoped3A_365 : memref<!tpu.dma_semaphore, #tpu.memory_space<semaphore_mem>>) {add = true}
        %dma_wait3A_372 = arith.constant 0 : i32
        %dma_wait3A_373 = tpu.memref_slice %arg6[%run_scoped3A_234, %run_scoped3A_235, %dma_wait3A_372] : memref<8x2x128xi32, #tpu.memory_space<vmem>> -> memref<1x1x128xi32, #tpu.memory_space<vmem>>
        %dma_wait3A_374 = tpu.memref_squeeze %dma_wait3A_373 : memref<1x1x128xi32, #tpu.memory_space<vmem>> -> memref<128xi32, #tpu.memory_space<vmem>>
        %dma_wait3A_375 = arith.constant 0 : i32
        %dma_wait3A_376 = arith.constant 0 : i32
        %dma_wait3A_377 = tpu.memref_slice %arg9[%dma_wait3A_375, %dma_wait3A_376] : memref<10240x128xf32, #tpu.memory_space<vmem_shared>> -> memref<10240x128xf32, #tpu.memory_space<vmem_shared>>
        tpu.wait_indirect_dma semaphore(%run_scoped3A_365 : memref<!tpu.dma_semaphore, #tpu.memory_space<semaphore_mem>>) src(%arg7 : memref<128x128xf32, #tpu.memory_space<vmem>>) dst(%dma_wait3A_377 : memref<10240x128xf32, #tpu.memory_space<vmem_shared>>)
        tpu.yield
      }) : () -> ()
      %dma_start3A_236 = arith.constant 2 : i32
      %dma_start3A_237 = arith.constant 0 : i32
      %dma_start3A_238 = arith.constant 0 : i32
      %dma_start3A_239 = tpu.memref_slice %arg6[%dma_start3A_236, %dma_start3A_237, %dma_start3A_238] : memref<8x2x128xi32, #tpu.memory_space<vmem>> -> memref<1x1x128xi32, #tpu.memory_space<vmem>>
      %dma_start3A_240 = tpu.memref_squeeze %dma_start3A_239 : memref<1x1x128xi32, #tpu.memory_space<vmem>> -> memref<128xi32, #tpu.memory_space<vmem>>
      %dma_start3A_241 = arith.constant 0 : i32
      %dma_start3A_242 = arith.constant 0 : i32
      %dma_start3A_243 = tpu.memref_slice %arg2[%dma_start3A_241, %dma_start3A_242] : memref<10240x128xf32, #tpu.memory_space<hbm>> -> memref<10240x128xf32, #tpu.memory_space<hbm>>
      tpu.enqueue_indirect_dma source(%dma_start3A_243 : memref<10240x128xf32, #tpu.memory_space<hbm>>) target(%arg7 : memref<128x128xf32, #tpu.memory_space<vmem>>) offsets(%dma_start3A_240 : memref<128xi32, #tpu.memory_space<vmem>>) semaphore(%arg12 : memref<!tpu.dma_semaphore, #tpu.memory_space<semaphore_mem>>)
      %dma_wait3A_244 = arith.constant 1 : i32
      %dma_wait3A_245 = arith.constant 0 : i32
      %dma_wait3A_246 = arith.constant 0 : i32
      %dma_wait3A_247 = tpu.memref_slice %arg6[%dma_wait3A_244, %dma_wait3A_245, %dma_wait3A_246] : memref<8x2x128xi32, #tpu.memory_space<vmem>> -> memref<1x1x128xi32, #tpu.memory_space<vmem>>
      %dma_wait3A_248 = tpu.memref_squeeze %dma_wait3A_247 : memref<1x1x128xi32, #tpu.memory_space<vmem>> -> memref<128xi32, #tpu.memory_space<vmem>>
      %dma_wait3A_249 = arith.constant 0 : i32
      %dma_wait3A_250 = arith.constant 0 : i32
      %dma_wait3A_251 = tpu.memref_slice %arg2[%dma_wait3A_249, %dma_wait3A_250] : memref<10240x128xf32, #tpu.memory_space<hbm>> -> memref<10240x128xf32, #tpu.memory_space<hbm>>
      tpu.wait_indirect_dma semaphore(%arg13 : memref<!tpu.dma_semaphore, #tpu.memory_space<semaphore_mem>>) src(%dma_wait3A_251 : memref<10240x128xf32, #tpu.memory_space<hbm>>) dst(%arg8 : memref<128x128xf32, #tpu.memory_space<vmem>>)
      %run_scoped3A_252 = arith.constant 1 : i32
      %run_scoped3A_253 = arith.constant 1 : i32
      "tpu.region"() ({
        %run_scoped3A_365 = tpu.sem_alloc : memref<!tpu.dma_semaphore, #tpu.memory_space<semaphore_mem>>
        %dma_start3A_366 = arith.constant 0 : i32
        %dma_start3A_367 = tpu.memref_slice %arg6[%run_scoped3A_252, %run_scoped3A_253, %dma_start3A_366] : memref<8x2x128xi32, #tpu.memory_space<vmem>> -> memref<1x1x128xi32, #tpu.memory_space<vmem>>
        %dma_start3A_368 = tpu.memref_squeeze %dma_start3A_367 : memref<1x1x128xi32, #tpu.memory_space<vmem>> -> memref<128xi32, #tpu.memory_space<vmem>>
        %dma_start3A_369 = arith.constant 0 : i32
        %dma_start3A_370 = arith.constant 0 : i32
        %dma_start3A_371 = tpu.memref_slice %arg9[%dma_start3A_369, %dma_start3A_370] : memref<10240x128xf32, #tpu.memory_space<vmem_shared>> -> memref<10240x128xf32, #tpu.memory_space<vmem_shared>>
        tpu.enqueue_indirect_dma source(%arg8 : memref<128x128xf32, #tpu.memory_space<vmem>>) target(%dma_start3A_371 : memref<10240x128xf32, #tpu.memory_space<vmem_shared>>) offsets(%dma_start3A_368 : memref<128xi32, #tpu.memory_space<vmem>>) semaphore(%run_scoped3A_365 : memref<!tpu.dma_semaphore, #tpu.memory_space<semaphore_mem>>) {add = true}
        %dma_wait3A_372 = arith.constant 0 : i32
        %dma_wait3A_373 = tpu.memref_slice %arg6[%run_scoped3A_252, %run_scoped3A_253, %dma_wait3A_372] : memref<8x2x128xi32, #tpu.memory_space<vmem>> -> memref<1x1x128xi32, #tpu.memory_space<vmem>>
        %dma_wait3A_374 = tpu.memref_squeeze %dma_wait3A_373 : memref<1x1x128xi32, #tpu.memory_space<vmem>> -> memref<128xi32, #tpu.memory_space<vmem>>
        %dma_wait3A_375 = arith.constant 0 : i32
        %dma_wait3A_376 = arith.constant 0 : i32
        %dma_wait3A_377 = tpu.memref_slice %arg9[%dma_wait3A_375, %dma_wait3A_376] : memref<10240x128xf32, #tpu.memory_space<vmem_shared>> -> memref<10240x128xf32, #tpu.memory_space<vmem_shared>>
        tpu.wait_indirect_dma semaphore(%run_scoped3A_365 : memref<!tpu.dma_semaphore, #tpu.memory_space<semaphore_mem>>) src(%arg8 : memref<128x128xf32, #tpu.memory_space<vmem>>) dst(%dma_wait3A_377 : memref<10240x128xf32, #tpu.memory_space<vmem_shared>>)
        tpu.yield
      }) : () -> ()
      %dma_start3A_254 = arith.constant 3 : i32
      %dma_start3A_255 = arith.constant 0 : i32
      %dma_start3A_256 = arith.constant 0 : i32
      %dma_start3A_257 = tpu.memref_slice %arg6[%dma_start3A_254, %dma_start3A_255, %dma_start3A_256] : memref<8x2x128xi32, #tpu.memory_space<vmem>> -> memref<1x1x128xi32, #tpu.memory_space<vmem>>
      %dma_start3A_258 = tpu.memref_squeeze %dma_start3A_257 : memref<1x1x128xi32, #tpu.memory_space<vmem>> -> memref<128xi32, #tpu.memory_space<vmem>>
      %dma_start3A_259 = arith.constant 0 : i32
      %dma_start3A_260 = arith.constant 0 : i32
      %dma_start3A_261 = tpu.memref_slice %arg2[%dma_start3A_259, %dma_start3A_260] : memref<10240x128xf32, #tpu.memory_space<hbm>> -> memref<10240x128xf32, #tpu.memory_space<hbm>>
      tpu.enqueue_indirect_dma source(%dma_start3A_261 : memref<10240x128xf32, #tpu.memory_space<hbm>>) target(%arg8 : memref<128x128xf32, #tpu.memory_space<vmem>>) offsets(%dma_start3A_258 : memref<128xi32, #tpu.memory_space<vmem>>) semaphore(%arg13 : memref<!tpu.dma_semaphore, #tpu.memory_space<semaphore_mem>>)
      %dma_wait3A_262 = arith.constant 2 : i32
      %dma_wait3A_263 = arith.constant 0 : i32
      %dma_wait3A_264 = arith.constant 0 : i32
      %dma_wait3A_265 = tpu.memref_slice %arg6[%dma_wait3A_262, %dma_wait3A_263, %dma_wait3A_264] : memref<8x2x128xi32, #tpu.memory_space<vmem>> -> memref<1x1x128xi32, #tpu.memory_space<vmem>>
      %dma_wait3A_266 = tpu.memref_squeeze %dma_wait3A_265 : memref<1x1x128xi32, #tpu.memory_space<vmem>> -> memref<128xi32, #tpu.memory_space<vmem>>
      %dma_wait3A_267 = arith.constant 0 : i32
      %dma_wait3A_268 = arith.constant 0 : i32
      %dma_wait3A_269 = tpu.memref_slice %arg2[%dma_wait3A_267, %dma_wait3A_268] : memref<10240x128xf32, #tpu.memory_space<hbm>> -> memref<10240x128xf32, #tpu.memory_space<hbm>>
      tpu.wait_indirect_dma semaphore(%arg12 : memref<!tpu.dma_semaphore, #tpu.memory_space<semaphore_mem>>) src(%dma_wait3A_269 : memref<10240x128xf32, #tpu.memory_space<hbm>>) dst(%arg7 : memref<128x128xf32, #tpu.memory_space<vmem>>)
      %run_scoped3A_270 = arith.constant 2 : i32
      %run_scoped3A_271 = arith.constant 1 : i32
      "tpu.region"() ({
        %run_scoped3A_365 = tpu.sem_alloc : memref<!tpu.dma_semaphore, #tpu.memory_space<semaphore_mem>>
        %dma_start3A_366 = arith.constant 0 : i32
        %dma_start3A_367 = tpu.memref_slice %arg6[%run_scoped3A_270, %run_scoped3A_271, %dma_start3A_366] : memref<8x2x128xi32, #tpu.memory_space<vmem>> -> memref<1x1x128xi32, #tpu.memory_space<vmem>>
        %dma_start3A_368 = tpu.memref_squeeze %dma_start3A_367 : memref<1x1x128xi32, #tpu.memory_space<vmem>> -> memref<128xi32, #tpu.memory_space<vmem>>
        %dma_start3A_369 = arith.constant 0 : i32
        %dma_start3A_370 = arith.constant 0 : i32
        %dma_start3A_371 = tpu.memref_slice %arg9[%dma_start3A_369, %dma_start3A_370] : memref<10240x128xf32, #tpu.memory_space<vmem_shared>> -> memref<10240x128xf32, #tpu.memory_space<vmem_shared>>
        tpu.enqueue_indirect_dma source(%arg7 : memref<128x128xf32, #tpu.memory_space<vmem>>) target(%dma_start3A_371 : memref<10240x128xf32, #tpu.memory_space<vmem_shared>>) offsets(%dma_start3A_368 : memref<128xi32, #tpu.memory_space<vmem>>) semaphore(%run_scoped3A_365 : memref<!tpu.dma_semaphore, #tpu.memory_space<semaphore_mem>>) {add = true}
        %dma_wait3A_372 = arith.constant 0 : i32
        %dma_wait3A_373 = tpu.memref_slice %arg6[%run_scoped3A_270, %run_scoped3A_271, %dma_wait3A_372] : memref<8x2x128xi32, #tpu.memory_space<vmem>> -> memref<1x1x128xi32, #tpu.memory_space<vmem>>
        %dma_wait3A_374 = tpu.memref_squeeze %dma_wait3A_373 : memref<1x1x128xi32, #tpu.memory_space<vmem>> -> memref<128xi32, #tpu.memory_space<vmem>>
        %dma_wait3A_375 = arith.constant 0 : i32
        %dma_wait3A_376 = arith.constant 0 : i32
        %dma_wait3A_377 = tpu.memref_slice %arg9[%dma_wait3A_375, %dma_wait3A_376] : memref<10240x128xf32, #tpu.memory_space<vmem_shared>> -> memref<10240x128xf32, #tpu.memory_space<vmem_shared>>
        tpu.wait_indirect_dma semaphore(%run_scoped3A_365 : memref<!tpu.dma_semaphore, #tpu.memory_space<semaphore_mem>>) src(%arg7 : memref<128x128xf32, #tpu.memory_space<vmem>>) dst(%dma_wait3A_377 : memref<10240x128xf32, #tpu.memory_space<vmem_shared>>)
        tpu.yield
      }) : () -> ()
      %dma_start3A_272 = arith.constant 4 : i32
      %dma_start3A_273 = arith.constant 0 : i32
      %dma_start3A_274 = arith.constant 0 : i32
      %dma_start3A_275 = tpu.memref_slice %arg6[%dma_start3A_272, %dma_start3A_273, %dma_start3A_274] : memref<8x2x128xi32, #tpu.memory_space<vmem>> -> memref<1x1x128xi32, #tpu.memory_space<vmem>>
      %dma_start3A_276 = tpu.memref_squeeze %dma_start3A_275 : memref<1x1x128xi32, #tpu.memory_space<vmem>> -> memref<128xi32, #tpu.memory_space<vmem>>
      %dma_start3A_277 = arith.constant 0 : i32
      %dma_start3A_278 = arith.constant 0 : i32
      %dma_start3A_279 = tpu.memref_slice %arg2[%dma_start3A_277, %dma_start3A_278] : memref<10240x128xf32, #tpu.memory_space<hbm>> -> memref<10240x128xf32, #tpu.memory_space<hbm>>
      tpu.enqueue_indirect_dma source(%dma_start3A_279 : memref<10240x128xf32, #tpu.memory_space<hbm>>) target(%arg7 : memref<128x128xf32, #tpu.memory_space<vmem>>) offsets(%dma_start3A_276 : memref<128xi32, #tpu.memory_space<vmem>>) semaphore(%arg12 : memref<!tpu.dma_semaphore, #tpu.memory_space<semaphore_mem>>)
      %dma_wait3A_280 = arith.constant 3 : i32
      %dma_wait3A_281 = arith.constant 0 : i32
      %dma_wait3A_282 = arith.constant 0 : i32
      %dma_wait3A_283 = tpu.memref_slice %arg6[%dma_wait3A_280, %dma_wait3A_281, %dma_wait3A_282] : memref<8x2x128xi32, #tpu.memory_space<vmem>> -> memref<1x1x128xi32, #tpu.memory_space<vmem>>
      %dma_wait3A_284 = tpu.memref_squeeze %dma_wait3A_283 : memref<1x1x128xi32, #tpu.memory_space<vmem>> -> memref<128xi32, #tpu.memory_space<vmem>>
      %dma_wait3A_285 = arith.constant 0 : i32
      %dma_wait3A_286 = arith.constant 0 : i32
      %dma_wait3A_287 = tpu.memref_slice %arg2[%dma_wait3A_285, %dma_wait3A_286] : memref<10240x128xf32, #tpu.memory_space<hbm>> -> memref<10240x128xf32, #tpu.memory_space<hbm>>
      tpu.wait_indirect_dma semaphore(%arg13 : memref<!tpu.dma_semaphore, #tpu.memory_space<semaphore_mem>>) src(%dma_wait3A_287 : memref<10240x128xf32, #tpu.memory_space<hbm>>) dst(%arg8 : memref<128x128xf32, #tpu.memory_space<vmem>>)
      %run_scoped3A_288 = arith.constant 3 : i32
      %run_scoped3A_289 = arith.constant 1 : i32
      "tpu.region"() ({
        %run_scoped3A_365 = tpu.sem_alloc : memref<!tpu.dma_semaphore, #tpu.memory_space<semaphore_mem>>
        %dma_start3A_366 = arith.constant 0 : i32
        %dma_start3A_367 = tpu.memref_slice %arg6[%run_scoped3A_288, %run_scoped3A_289, %dma_start3A_366] : memref<8x2x128xi32, #tpu.memory_space<vmem>> -> memref<1x1x128xi32, #tpu.memory_space<vmem>>
        %dma_start3A_368 = tpu.memref_squeeze %dma_start3A_367 : memref<1x1x128xi32, #tpu.memory_space<vmem>> -> memref<128xi32, #tpu.memory_space<vmem>>
        %dma_start3A_369 = arith.constant 0 : i32
        %dma_start3A_370 = arith.constant 0 : i32
        %dma_start3A_371 = tpu.memref_slice %arg9[%dma_start3A_369, %dma_start3A_370] : memref<10240x128xf32, #tpu.memory_space<vmem_shared>> -> memref<10240x128xf32, #tpu.memory_space<vmem_shared>>
        tpu.enqueue_indirect_dma source(%arg8 : memref<128x128xf32, #tpu.memory_space<vmem>>) target(%dma_start3A_371 : memref<10240x128xf32, #tpu.memory_space<vmem_shared>>) offsets(%dma_start3A_368 : memref<128xi32, #tpu.memory_space<vmem>>) semaphore(%run_scoped3A_365 : memref<!tpu.dma_semaphore, #tpu.memory_space<semaphore_mem>>) {add = true}
        %dma_wait3A_372 = arith.constant 0 : i32
        %dma_wait3A_373 = tpu.memref_slice %arg6[%run_scoped3A_288, %run_scoped3A_289, %dma_wait3A_372] : memref<8x2x128xi32, #tpu.memory_space<vmem>> -> memref<1x1x128xi32, #tpu.memory_space<vmem>>
        %dma_wait3A_374 = tpu.memref_squeeze %dma_wait3A_373 : memref<1x1x128xi32, #tpu.memory_space<vmem>> -> memref<128xi32, #tpu.memory_space<vmem>>
        %dma_wait3A_375 = arith.constant 0 : i32
        %dma_wait3A_376 = arith.constant 0 : i32
        %dma_wait3A_377 = tpu.memref_slice %arg9[%dma_wait3A_375, %dma_wait3A_376] : memref<10240x128xf32, #tpu.memory_space<vmem_shared>> -> memref<10240x128xf32, #tpu.memory_space<vmem_shared>>
        tpu.wait_indirect_dma semaphore(%run_scoped3A_365 : memref<!tpu.dma_semaphore, #tpu.memory_space<semaphore_mem>>) src(%arg8 : memref<128x128xf32, #tpu.memory_space<vmem>>) dst(%dma_wait3A_377 : memref<10240x128xf32, #tpu.memory_space<vmem_shared>>)
        tpu.yield
      }) : () -> ()
      %dma_start3A_290 = arith.constant 5 : i32
      %dma_start3A_291 = arith.constant 0 : i32
      %dma_start3A_292 = arith.constant 0 : i32
      %dma_start3A_293 = tpu.memref_slice %arg6[%dma_start3A_290, %dma_start3A_291, %dma_start3A_292] : memref<8x2x128xi32, #tpu.memory_space<vmem>> -> memref<1x1x128xi32, #tpu.memory_space<vmem>>
      %dma_start3A_294 = tpu.memref_squeeze %dma_start3A_293 : memref<1x1x128xi32, #tpu.memory_space<vmem>> -> memref<128xi32, #tpu.memory_space<vmem>>
      %dma_start3A_295 = arith.constant 0 : i32
      %dma_start3A_296 = arith.constant 0 : i32
      %dma_start3A_297 = tpu.memref_slice %arg2[%dma_start3A_295, %dma_start3A_296] : memref<10240x128xf32, #tpu.memory_space<hbm>> -> memref<10240x128xf32, #tpu.memory_space<hbm>>
      tpu.enqueue_indirect_dma source(%dma_start3A_297 : memref<10240x128xf32, #tpu.memory_space<hbm>>) target(%arg8 : memref<128x128xf32, #tpu.memory_space<vmem>>) offsets(%dma_start3A_294 : memref<128xi32, #tpu.memory_space<vmem>>) semaphore(%arg13 : memref<!tpu.dma_semaphore, #tpu.memory_space<semaphore_mem>>)
      %dma_wait3A_298 = arith.constant 4 : i32
      %dma_wait3A_299 = arith.constant 0 : i32
      %dma_wait3A_300 = arith.constant 0 : i32
      %dma_wait3A_301 = tpu.memref_slice %arg6[%dma_wait3A_298, %dma_wait3A_299, %dma_wait3A_300] : memref<8x2x128xi32, #tpu.memory_space<vmem>> -> memref<1x1x128xi32, #tpu.memory_space<vmem>>
      %dma_wait3A_302 = tpu.memref_squeeze %dma_wait3A_301 : memref<1x1x128xi32, #tpu.memory_space<vmem>> -> memref<128xi32, #tpu.memory_space<vmem>>
      %dma_wait3A_303 = arith.constant 0 : i32
      %dma_wait3A_304 = arith.constant 0 : i32
      %dma_wait3A_305 = tpu.memref_slice %arg2[%dma_wait3A_303, %dma_wait3A_304] : memref<10240x128xf32, #tpu.memory_space<hbm>> -> memref<10240x128xf32, #tpu.memory_space<hbm>>
      tpu.wait_indirect_dma semaphore(%arg12 : memref<!tpu.dma_semaphore, #tpu.memory_space<semaphore_mem>>) src(%dma_wait3A_305 : memref<10240x128xf32, #tpu.memory_space<hbm>>) dst(%arg7 : memref<128x128xf32, #tpu.memory_space<vmem>>)
      %run_scoped3A_306 = arith.constant 4 : i32
      %run_scoped3A_307 = arith.constant 1 : i32
      "tpu.region"() ({
        %run_scoped3A_365 = tpu.sem_alloc : memref<!tpu.dma_semaphore, #tpu.memory_space<semaphore_mem>>
        %dma_start3A_366 = arith.constant 0 : i32
        %dma_start3A_367 = tpu.memref_slice %arg6[%run_scoped3A_306, %run_scoped3A_307, %dma_start3A_366] : memref<8x2x128xi32, #tpu.memory_space<vmem>> -> memref<1x1x128xi32, #tpu.memory_space<vmem>>
        %dma_start3A_368 = tpu.memref_squeeze %dma_start3A_367 : memref<1x1x128xi32, #tpu.memory_space<vmem>> -> memref<128xi32, #tpu.memory_space<vmem>>
        %dma_start3A_369 = arith.constant 0 : i32
        %dma_start3A_370 = arith.constant 0 : i32
        %dma_start3A_371 = tpu.memref_slice %arg9[%dma_start3A_369, %dma_start3A_370] : memref<10240x128xf32, #tpu.memory_space<vmem_shared>> -> memref<10240x128xf32, #tpu.memory_space<vmem_shared>>
        tpu.enqueue_indirect_dma source(%arg7 : memref<128x128xf32, #tpu.memory_space<vmem>>) target(%dma_start3A_371 : memref<10240x128xf32, #tpu.memory_space<vmem_shared>>) offsets(%dma_start3A_368 : memref<128xi32, #tpu.memory_space<vmem>>) semaphore(%run_scoped3A_365 : memref<!tpu.dma_semaphore, #tpu.memory_space<semaphore_mem>>) {add = true}
        %dma_wait3A_372 = arith.constant 0 : i32
        %dma_wait3A_373 = tpu.memref_slice %arg6[%run_scoped3A_306, %run_scoped3A_307, %dma_wait3A_372] : memref<8x2x128xi32, #tpu.memory_space<vmem>> -> memref<1x1x128xi32, #tpu.memory_space<vmem>>
        %dma_wait3A_374 = tpu.memref_squeeze %dma_wait3A_373 : memref<1x1x128xi32, #tpu.memory_space<vmem>> -> memref<128xi32, #tpu.memory_space<vmem>>
        %dma_wait3A_375 = arith.constant 0 : i32
        %dma_wait3A_376 = arith.constant 0 : i32
        %dma_wait3A_377 = tpu.memref_slice %arg9[%dma_wait3A_375, %dma_wait3A_376] : memref<10240x128xf32, #tpu.memory_space<vmem_shared>> -> memref<10240x128xf32, #tpu.memory_space<vmem_shared>>
        tpu.wait_indirect_dma semaphore(%run_scoped3A_365 : memref<!tpu.dma_semaphore, #tpu.memory_space<semaphore_mem>>) src(%arg7 : memref<128x128xf32, #tpu.memory_space<vmem>>) dst(%dma_wait3A_377 : memref<10240x128xf32, #tpu.memory_space<vmem_shared>>)
        tpu.yield
      }) : () -> ()
      %dma_start3A_308 = arith.constant 6 : i32
      %dma_start3A_309 = arith.constant 0 : i32
      %dma_start3A_310 = arith.constant 0 : i32
      %dma_start3A_311 = tpu.memref_slice %arg6[%dma_start3A_308, %dma_start3A_309, %dma_start3A_310] : memref<8x2x128xi32, #tpu.memory_space<vmem>> -> memref<1x1x128xi32, #tpu.memory_space<vmem>>
      %dma_start3A_312 = tpu.memref_squeeze %dma_start3A_311 : memref<1x1x128xi32, #tpu.memory_space<vmem>> -> memref<128xi32, #tpu.memory_space<vmem>>
      %dma_start3A_313 = arith.constant 0 : i32
      %dma_start3A_314 = arith.constant 0 : i32
      %dma_start3A_315 = tpu.memref_slice %arg2[%dma_start3A_313, %dma_start3A_314] : memref<10240x128xf32, #tpu.memory_space<hbm>> -> memref<10240x128xf32, #tpu.memory_space<hbm>>
      tpu.enqueue_indirect_dma source(%dma_start3A_315 : memref<10240x128xf32, #tpu.memory_space<hbm>>) target(%arg7 : memref<128x128xf32, #tpu.memory_space<vmem>>) offsets(%dma_start3A_312 : memref<128xi32, #tpu.memory_space<vmem>>) semaphore(%arg12 : memref<!tpu.dma_semaphore, #tpu.memory_space<semaphore_mem>>)
      %dma_wait3A_316 = arith.constant 5 : i32
      %dma_wait3A_317 = arith.constant 0 : i32
      %dma_wait3A_318 = arith.constant 0 : i32
      %dma_wait3A_319 = tpu.memref_slice %arg6[%dma_wait3A_316, %dma_wait3A_317, %dma_wait3A_318] : memref<8x2x128xi32, #tpu.memory_space<vmem>> -> memref<1x1x128xi32, #tpu.memory_space<vmem>>
      %dma_wait3A_320 = tpu.memref_squeeze %dma_wait3A_319 : memref<1x1x128xi32, #tpu.memory_space<vmem>> -> memref<128xi32, #tpu.memory_space<vmem>>
      %dma_wait3A_321 = arith.constant 0 : i32
      %dma_wait3A_322 = arith.constant 0 : i32
      %dma_wait3A_323 = tpu.memref_slice %arg2[%dma_wait3A_321, %dma_wait3A_322] : memref<10240x128xf32, #tpu.memory_space<hbm>> -> memref<10240x128xf32, #tpu.memory_space<hbm>>
      tpu.wait_indirect_dma semaphore(%arg13 : memref<!tpu.dma_semaphore, #tpu.memory_space<semaphore_mem>>) src(%dma_wait3A_323 : memref<10240x128xf32, #tpu.memory_space<hbm>>) dst(%arg8 : memref<128x128xf32, #tpu.memory_space<vmem>>)
      %run_scoped3A_324 = arith.constant 5 : i32
      %run_scoped3A_325 = arith.constant 1 : i32
      "tpu.region"() ({
        %run_scoped3A_365 = tpu.sem_alloc : memref<!tpu.dma_semaphore, #tpu.memory_space<semaphore_mem>>
        %dma_start3A_366 = arith.constant 0 : i32
        %dma_start3A_367 = tpu.memref_slice %arg6[%run_scoped3A_324, %run_scoped3A_325, %dma_start3A_366] : memref<8x2x128xi32, #tpu.memory_space<vmem>> -> memref<1x1x128xi32, #tpu.memory_space<vmem>>
        %dma_start3A_368 = tpu.memref_squeeze %dma_start3A_367 : memref<1x1x128xi32, #tpu.memory_space<vmem>> -> memref<128xi32, #tpu.memory_space<vmem>>
        %dma_start3A_369 = arith.constant 0 : i32
        %dma_start3A_370 = arith.constant 0 : i32
        %dma_start3A_371 = tpu.memref_slice %arg9[%dma_start3A_369, %dma_start3A_370] : memref<10240x128xf32, #tpu.memory_space<vmem_shared>> -> memref<10240x128xf32, #tpu.memory_space<vmem_shared>>
        tpu.enqueue_indirect_dma source(%arg8 : memref<128x128xf32, #tpu.memory_space<vmem>>) target(%dma_start3A_371 : memref<10240x128xf32, #tpu.memory_space<vmem_shared>>) offsets(%dma_start3A_368 : memref<128xi32, #tpu.memory_space<vmem>>) semaphore(%run_scoped3A_365 : memref<!tpu.dma_semaphore, #tpu.memory_space<semaphore_mem>>) {add = true}
        %dma_wait3A_372 = arith.constant 0 : i32
        %dma_wait3A_373 = tpu.memref_slice %arg6[%run_scoped3A_324, %run_scoped3A_325, %dma_wait3A_372] : memref<8x2x128xi32, #tpu.memory_space<vmem>> -> memref<1x1x128xi32, #tpu.memory_space<vmem>>
        %dma_wait3A_374 = tpu.memref_squeeze %dma_wait3A_373 : memref<1x1x128xi32, #tpu.memory_space<vmem>> -> memref<128xi32, #tpu.memory_space<vmem>>
        %dma_wait3A_375 = arith.constant 0 : i32
        %dma_wait3A_376 = arith.constant 0 : i32
        %dma_wait3A_377 = tpu.memref_slice %arg9[%dma_wait3A_375, %dma_wait3A_376] : memref<10240x128xf32, #tpu.memory_space<vmem_shared>> -> memref<10240x128xf32, #tpu.memory_space<vmem_shared>>
        tpu.wait_indirect_dma semaphore(%run_scoped3A_365 : memref<!tpu.dma_semaphore, #tpu.memory_space<semaphore_mem>>) src(%arg8 : memref<128x128xf32, #tpu.memory_space<vmem>>) dst(%dma_wait3A_377 : memref<10240x128xf32, #tpu.memory_space<vmem_shared>>)
        tpu.yield
      }) : () -> ()
      %dma_start3A_326 = arith.constant 7 : i32
      %dma_start3A_327 = arith.constant 0 : i32
      %dma_start3A_328 = arith.constant 0 : i32
      %dma_start3A_329 = tpu.memref_slice %arg6[%dma_start3A_326, %dma_start3A_327, %dma_start3A_328] : memref<8x2x128xi32, #tpu.memory_space<vmem>> -> memref<1x1x128xi32, #tpu.memory_space<vmem>>
      %dma_start3A_330 = tpu.memref_squeeze %dma_start3A_329 : memref<1x1x128xi32, #tpu.memory_space<vmem>> -> memref<128xi32, #tpu.memory_space<vmem>>
      %dma_start3A_331 = arith.constant 0 : i32
      %dma_start3A_332 = arith.constant 0 : i32
      %dma_start3A_333 = tpu.memref_slice %arg2[%dma_start3A_331, %dma_start3A_332] : memref<10240x128xf32, #tpu.memory_space<hbm>> -> memref<10240x128xf32, #tpu.memory_space<hbm>>
      tpu.enqueue_indirect_dma source(%dma_start3A_333 : memref<10240x128xf32, #tpu.memory_space<hbm>>) target(%arg8 : memref<128x128xf32, #tpu.memory_space<vmem>>) offsets(%dma_start3A_330 : memref<128xi32, #tpu.memory_space<vmem>>) semaphore(%arg13 : memref<!tpu.dma_semaphore, #tpu.memory_space<semaphore_mem>>)
      %dma_wait3A_334 = arith.constant 6 : i32
      %dma_wait3A_335 = arith.constant 0 : i32
      %dma_wait3A_336 = arith.constant 0 : i32
      %dma_wait3A_337 = tpu.memref_slice %arg6[%dma_wait3A_334, %dma_wait3A_335, %dma_wait3A_336] : memref<8x2x128xi32, #tpu.memory_space<vmem>> -> memref<1x1x128xi32, #tpu.memory_space<vmem>>
      %dma_wait3A_338 = tpu.memref_squeeze %dma_wait3A_337 : memref<1x1x128xi32, #tpu.memory_space<vmem>> -> memref<128xi32, #tpu.memory_space<vmem>>
      %dma_wait3A_339 = arith.constant 0 : i32
      %dma_wait3A_340 = arith.constant 0 : i32
      %dma_wait3A_341 = tpu.memref_slice %arg2[%dma_wait3A_339, %dma_wait3A_340] : memref<10240x128xf32, #tpu.memory_space<hbm>> -> memref<10240x128xf32, #tpu.memory_space<hbm>>
      tpu.wait_indirect_dma semaphore(%arg12 : memref<!tpu.dma_semaphore, #tpu.memory_space<semaphore_mem>>) src(%dma_wait3A_341 : memref<10240x128xf32, #tpu.memory_space<hbm>>) dst(%arg7 : memref<128x128xf32, #tpu.memory_space<vmem>>)
      %run_scoped3A_342 = arith.constant 6 : i32
      %run_scoped3A_343 = arith.constant 1 : i32
      "tpu.region"() ({
        %run_scoped3A_365 = tpu.sem_alloc : memref<!tpu.dma_semaphore, #tpu.memory_space<semaphore_mem>>
        %dma_start3A_366 = arith.constant 0 : i32
        %dma_start3A_367 = tpu.memref_slice %arg6[%run_scoped3A_342, %run_scoped3A_343, %dma_start3A_366] : memref<8x2x128xi32, #tpu.memory_space<vmem>> -> memref<1x1x128xi32, #tpu.memory_space<vmem>>
        %dma_start3A_368 = tpu.memref_squeeze %dma_start3A_367 : memref<1x1x128xi32, #tpu.memory_space<vmem>> -> memref<128xi32, #tpu.memory_space<vmem>>
        %dma_start3A_369 = arith.constant 0 : i32
        %dma_start3A_370 = arith.constant 0 : i32
        %dma_start3A_371 = tpu.memref_slice %arg9[%dma_start3A_369, %dma_start3A_370] : memref<10240x128xf32, #tpu.memory_space<vmem_shared>> -> memref<10240x128xf32, #tpu.memory_space<vmem_shared>>
        tpu.enqueue_indirect_dma source(%arg7 : memref<128x128xf32, #tpu.memory_space<vmem>>) target(%dma_start3A_371 : memref<10240x128xf32, #tpu.memory_space<vmem_shared>>) offsets(%dma_start3A_368 : memref<128xi32, #tpu.memory_space<vmem>>) semaphore(%run_scoped3A_365 : memref<!tpu.dma_semaphore, #tpu.memory_space<semaphore_mem>>) {add = true}
        %dma_wait3A_372 = arith.constant 0 : i32
        %dma_wait3A_373 = tpu.memref_slice %arg6[%run_scoped3A_342, %run_scoped3A_343, %dma_wait3A_372] : memref<8x2x128xi32, #tpu.memory_space<vmem>> -> memref<1x1x128xi32, #tpu.memory_space<vmem>>
        %dma_wait3A_374 = tpu.memref_squeeze %dma_wait3A_373 : memref<1x1x128xi32, #tpu.memory_space<vmem>> -> memref<128xi32, #tpu.memory_space<vmem>>
        %dma_wait3A_375 = arith.constant 0 : i32
        %dma_wait3A_376 = arith.constant 0 : i32
        %dma_wait3A_377 = tpu.memref_slice %arg9[%dma_wait3A_375, %dma_wait3A_376] : memref<10240x128xf32, #tpu.memory_space<vmem_shared>> -> memref<10240x128xf32, #tpu.memory_space<vmem_shared>>
        tpu.wait_indirect_dma semaphore(%run_scoped3A_365 : memref<!tpu.dma_semaphore, #tpu.memory_space<semaphore_mem>>) src(%arg7 : memref<128x128xf32, #tpu.memory_space<vmem>>) dst(%dma_wait3A_377 : memref<10240x128xf32, #tpu.memory_space<vmem_shared>>)
        tpu.yield
      }) : () -> ()
      %lt3A_344 = arith.constant 4 : i32
      %lt3A_345 = arith.cmpi slt, %scan3A_66, %lt3A_344 : i32
      %convert_element_type3A_346 = arith.extui %lt3A_345 : i1 to i32
      %cond3A_347 = arith.constant 0 : i32
      %cond3A_348 = arith.cmpi ne, %convert_element_type3A_346, %cond3A_347 : i32
      scf.if %cond3A_348 {
        %dma_wait3A_365 = arith.constant 0 : i32
        %dma_wait3A_366 = arith.constant 0 : i32
        %dma_wait3A_367 = arith.constant 0 : i32
        %dma_wait3A_368 = arith.constant 0 : i32
        %dma_wait3A_369 = tpu.memref_slice %arg3[%add3A, %dma_wait3A_365, %dma_wait3A_366, %dma_wait3A_367, %dma_wait3A_368] : memref<32x10x8x2x128xi32, #tpu.memory_space<hbm>> -> memref<1x1x8x2x128xi32, #tpu.memory_space<hbm>>
        %dma_wait3A_370 = tpu.memref_squeeze %dma_wait3A_369 : memref<1x1x8x2x128xi32, #tpu.memory_space<hbm>> -> memref<8x2x128xi32, #tpu.memory_space<hbm>>
        %dma_wait3A_371 = arith.constant 0 : i32
        %dma_wait3A_372 = arith.constant 0 : i32
        %dma_wait3A_373 = arith.constant 0 : i32
        %dma_wait3A_374 = tpu.memref_slice %arg3[%add3A, %dma_wait3A_365, %dma_wait3A_371, %dma_wait3A_372, %dma_wait3A_373] : memref<32x10x8x2x128xi32, #tpu.memory_space<hbm>> -> memref<1x1x8x2x128xi32, #tpu.memory_space<hbm>>
        %dma_wait3A_375 = tpu.memref_squeeze %dma_wait3A_374 : memref<1x1x8x2x128xi32, #tpu.memory_space<hbm>> -> memref<8x2x128xi32, #tpu.memory_space<hbm>>
        tpu.wait_dma2 semaphore(%arg10 : memref<!tpu.dma_semaphore, #tpu.memory_space<semaphore_mem>>) src(%dma_wait3A_375 : memref<8x2x128xi32, #tpu.memory_space<hbm>>) dst(%arg5 : memref<8x2x128xi32, #tpu.memory_space<vmem>>)
        %dma_start3A_376 = arith.constant 0 : i32
        %dma_start3A_377 = arith.constant 0 : i32
        %dma_start3A_378 = arith.constant 0 : i32
        %dma_start3A_379 = tpu.memref_slice %arg5[%dma_start3A_376, %dma_start3A_377, %dma_start3A_378] : memref<8x2x128xi32, #tpu.memory_space<vmem>> -> memref<1x1x128xi32, #tpu.memory_space<vmem>>
        %dma_start3A_380 = tpu.memref_squeeze %dma_start3A_379 : memref<1x1x128xi32, #tpu.memory_space<vmem>> -> memref<128xi32, #tpu.memory_space<vmem>>
        %dma_start3A_381 = arith.constant 0 : i32
        %dma_start3A_382 = arith.constant 0 : i32
        %dma_start3A_383 = tpu.memref_slice %arg2[%dma_start3A_381, %dma_start3A_382] : memref<10240x128xf32, #tpu.memory_space<hbm>> -> memref<10240x128xf32, #tpu.memory_space<hbm>>
        tpu.enqueue_indirect_dma source(%dma_start3A_383 : memref<10240x128xf32, #tpu.memory_space<hbm>>) target(%arg7 : memref<128x128xf32, #tpu.memory_space<vmem>>) offsets(%dma_start3A_380 : memref<128xi32, #tpu.memory_space<vmem>>) semaphore(%arg12 : memref<!tpu.dma_semaphore, #tpu.memory_space<semaphore_mem>>)
      } else {
      }
      %dma_wait3A_349 = arith.constant 7 : i32
      %dma_wait3A_350 = arith.constant 0 : i32
      %dma_wait3A_351 = arith.constant 0 : i32
      %dma_wait3A_352 = tpu.memref_slice %arg6[%dma_wait3A_349, %dma_wait3A_350, %dma_wait3A_351] : memref<8x2x128xi32, #tpu.memory_space<vmem>> -> memref<1x1x128xi32, #tpu.memory_space<vmem>>
      %dma_wait3A_353 = tpu.memref_squeeze %dma_wait3A_352 : memref<1x1x128xi32, #tpu.memory_space<vmem>> -> memref<128xi32, #tpu.memory_space<vmem>>
      %dma_wait3A_354 = arith.constant 0 : i32
      %dma_wait3A_355 = arith.constant 0 : i32
      %dma_wait3A_356 = tpu.memref_slice %arg2[%dma_wait3A_354, %dma_wait3A_355] : memref<10240x128xf32, #tpu.memory_space<hbm>> -> memref<10240x128xf32, #tpu.memory_space<hbm>>
      tpu.wait_indirect_dma semaphore(%arg13 : memref<!tpu.dma_semaphore, #tpu.memory_space<semaphore_mem>>) src(%dma_wait3A_356 : memref<10240x128xf32, #tpu.memory_space<hbm>>) dst(%arg8 : memref<128x128xf32, #tpu.memory_space<vmem>>)
      %run_scoped3A_357 = arith.constant 7 : i32
      %run_scoped3A_358 = arith.constant 1 : i32
      "tpu.region"() ({
        %run_scoped3A_365 = tpu.sem_alloc : memref<!tpu.dma_semaphore, #tpu.memory_space<semaphore_mem>>
        %dma_start3A_366 = arith.constant 0 : i32
        %dma_start3A_367 = tpu.memref_slice %arg6[%run_scoped3A_357, %run_scoped3A_358, %dma_start3A_366] : memref<8x2x128xi32, #tpu.memory_space<vmem>> -> memref<1x1x128xi32, #tpu.memory_space<vmem>>
        %dma_start3A_368 = tpu.memref_squeeze %dma_start3A_367 : memref<1x1x128xi32, #tpu.memory_space<vmem>> -> memref<128xi32, #tpu.memory_space<vmem>>
        %dma_start3A_369 = arith.constant 0 : i32
        %dma_start3A_370 = arith.constant 0 : i32
        %dma_start3A_371 = tpu.memref_slice %arg9[%dma_start3A_369, %dma_start3A_370] : memref<10240x128xf32, #tpu.memory_space<vmem_shared>> -> memref<10240x128xf32, #tpu.memory_space<vmem_shared>>
        tpu.enqueue_indirect_dma source(%arg8 : memref<128x128xf32, #tpu.memory_space<vmem>>) target(%dma_start3A_371 : memref<10240x128xf32, #tpu.memory_space<vmem_shared>>) offsets(%dma_start3A_368 : memref<128xi32, #tpu.memory_space<vmem>>) semaphore(%run_scoped3A_365 : memref<!tpu.dma_semaphore, #tpu.memory_space<semaphore_mem>>) {add = true}
        %dma_wait3A_372 = arith.constant 0 : i32
        %dma_wait3A_373 = tpu.memref_slice %arg6[%run_scoped3A_357, %run_scoped3A_358, %dma_wait3A_372] : memref<8x2x128xi32, #tpu.memory_space<vmem>> -> memref<1x1x128xi32, #tpu.memory_space<vmem>>
        %dma_wait3A_374 = tpu.memref_squeeze %dma_wait3A_373 : memref<1x1x128xi32, #tpu.memory_space<vmem>> -> memref<128xi32, #tpu.memory_space<vmem>>
        %dma_wait3A_375 = arith.constant 0 : i32
        %dma_wait3A_376 = arith.constant 0 : i32
        %dma_wait3A_377 = tpu.memref_slice %arg9[%dma_wait3A_375, %dma_wait3A_376] : memref<10240x128xf32, #tpu.memory_space<vmem_shared>> -> memref<10240x128xf32, #tpu.memory_space<vmem_shared>>
        tpu.wait_indirect_dma semaphore(%run_scoped3A_365 : memref<!tpu.dma_semaphore, #tpu.memory_space<semaphore_mem>>) src(%arg8 : memref<128x128xf32, #tpu.memory_space<vmem>>) dst(%dma_wait3A_377 : memref<10240x128xf32, #tpu.memory_space<vmem_shared>>)
        tpu.yield
      }) : () -> ()
      %lt3A_359 = arith.constant 4 : i32
      %lt3A_360 = arith.cmpi slt, %scan3A_66, %lt3A_359 : i32
      %convert_element_type3A_361 = arith.extui %lt3A_360 : i1 to i32
      %cond3A_362 = arith.constant 0 : i32
      %cond3A_363 = arith.cmpi ne, %convert_element_type3A_361, %cond3A_362 : i32
      scf.if %cond3A_363 {
        %dma_start3A_365 = arith.constant 1 : i32
        %dma_start3A_366 = arith.constant 0 : i32
        %dma_start3A_367 = arith.constant 0 : i32
        %dma_start3A_368 = tpu.memref_slice %arg5[%dma_start3A_365, %dma_start3A_366, %dma_start3A_367] : memref<8x2x128xi32, #tpu.memory_space<vmem>> -> memref<1x1x128xi32, #tpu.memory_space<vmem>>
        %dma_start3A_369 = tpu.memref_squeeze %dma_start3A_368 : memref<1x1x128xi32, #tpu.memory_space<vmem>> -> memref<128xi32, #tpu.memory_space<vmem>>
        %dma_start3A_370 = arith.constant 0 : i32
        %dma_start3A_371 = arith.constant 0 : i32
        %dma_start3A_372 = tpu.memref_slice %arg2[%dma_start3A_370, %dma_start3A_371] : memref<10240x128xf32, #tpu.memory_space<hbm>> -> memref<10240x128xf32, #tpu.memory_space<hbm>>
        tpu.enqueue_indirect_dma source(%dma_start3A_372 : memref<10240x128xf32, #tpu.memory_space<hbm>>) target(%arg8 : memref<128x128xf32, #tpu.memory_space<vmem>>) offsets(%dma_start3A_369 : memref<128xi32, #tpu.memory_space<vmem>>) semaphore(%arg13 : memref<!tpu.dma_semaphore, #tpu.memory_space<semaphore_mem>>)
        %add3A_373 = arith.constant 3 : i32
        %add3A_374 = arith.addi %mul3A_69, %add3A_373 : i32
        %dma_start3A_375 = arith.constant 0 : i32
        %dma_start3A_376 = arith.constant 0 : i32
        %dma_start3A_377 = arith.constant 0 : i32
        %dma_start3A_378 = tpu.memref_slice %arg3[%add3A, %add3A_374, %dma_start3A_375, %dma_start3A_376, %dma_start3A_377] : memref<32x10x8x2x128xi32, #tpu.memory_space<hbm>> -> memref<1x1x8x2x128xi32, #tpu.memory_space<hbm>>
        %dma_start3A_379 = tpu.memref_squeeze %dma_start3A_378 : memref<1x1x8x2x128xi32, #tpu.memory_space<hbm>> -> memref<8x2x128xi32, #tpu.memory_space<hbm>>
        %dma_start3A_380 = arith.constant 0 : i32
        %dma_start3A_381 = arith.constant 0 : i32
        %dma_start3A_382 = arith.constant 0 : i32
        %dma_start3A_383 = tpu.memref_slice %arg3[%add3A, %add3A_374, %dma_start3A_380, %dma_start3A_381, %dma_start3A_382] : memref<32x10x8x2x128xi32, #tpu.memory_space<hbm>> -> memref<1x1x8x2x128xi32, #tpu.memory_space<hbm>>
        %dma_start3A_384 = tpu.memref_squeeze %dma_start3A_383 : memref<1x1x8x2x128xi32, #tpu.memory_space<hbm>> -> memref<8x2x128xi32, #tpu.memory_space<hbm>>
        tpu.enqueue_dma source(%dma_start3A_384 : memref<8x2x128xi32, #tpu.memory_space<hbm>>) target(%arg6 : memref<8x2x128xi32, #tpu.memory_space<vmem>>) target_semaphore(%arg11 : memref<!tpu.dma_semaphore, #tpu.memory_space<semaphore_mem>>)
      } else {
      }
      %scan3A_364 = arith.constant 0 : i32
      scf.yield %scan3A_364 : i32
    }
    %scan3A_60 = arith.constant 5 : i32
    %barrier3A_61 = arith.constant 0 : index
    tpu.barrier barrier_id(%barrier3A_61)
    %mul3A_62 = arith.constant 640 : i32
    %mul3A_63 = arith.muli %arg1, %mul3A_62 : i32
    %mul3A_64 = arith.constant 640 : i32
    %mul3A_65 = arith.muli %arg1, %mul3A_64 : i32
    "tpu.region"() ({
      %run_scoped3A_66 = tpu.sem_alloc : memref<!tpu.dma_semaphore, #tpu.memory_space<semaphore_mem>>
      %dma_start3A_67 = arith.constant 0 : i32
      %dma_start3A_68 = tpu.memref_slice %arg4[%arg0, %mul3A_65, %dma_start3A_67] : memref<2x10240x128xf32, #tpu.memory_space<hbm>> -> memref<1x640x128xf32, #tpu.memory_space<hbm>>
      %dma_start3A_69 = tpu.memref_squeeze %dma_start3A_68 : memref<1x640x128xf32, #tpu.memory_space<hbm>> -> memref<640x128xf32, #tpu.memory_space<hbm>>
      %dma_start3A_70 = arith.constant 0 : i32
      %dma_start3A_71 = tpu.memref_slice %arg9[%mul3A_63, %dma_start3A_70] : memref<10240x128xf32, #tpu.memory_space<vmem_shared>> -> memref<640x128xf32, #tpu.memory_space<vmem_shared>>
      tpu.enqueue_dma source(%dma_start3A_71 : memref<640x128xf32, #tpu.memory_space<vmem_shared>>) target(%dma_start3A_69 : memref<640x128xf32, #tpu.memory_space<hbm>>) target_semaphore(%run_scoped3A_66 : memref<!tpu.dma_semaphore, #tpu.memory_space<semaphore_mem>>)
      %dma_wait3A = arith.constant 0 : i32
      %dma_wait3A_72 = tpu.memref_slice %arg4[%arg0, %mul3A_65, %dma_wait3A] : memref<2x10240x128xf32, #tpu.memory_space<hbm>> -> memref<1x640x128xf32, #tpu.memory_space<hbm>>
      %dma_wait3A_73 = tpu.memref_squeeze %dma_wait3A_72 : memref<1x640x128xf32, #tpu.memory_space<hbm>> -> memref<640x128xf32, #tpu.memory_space<hbm>>
      %dma_wait3A_74 = arith.constant 0 : i32
      %dma_wait3A_75 = tpu.memref_slice %arg9[%mul3A_63, %dma_wait3A_74] : memref<10240x128xf32, #tpu.memory_space<vmem_shared>> -> memref<640x128xf32, #tpu.memory_space<vmem_shared>>
      tpu.wait_dma2 semaphore(%run_scoped3A_66 : memref<!tpu.dma_semaphore, #tpu.memory_space<semaphore_mem>>) src(%dma_wait3A_75 : memref<640x128xf32, #tpu.memory_space<vmem_shared>>) dst(%dma_wait3A_73 : memref<640x128xf32, #tpu.memory_space<hbm>>)
      tpu.yield
    }) : () -> ()
    return
  }
}

module attributes {stable_mosaic.version = 14 : i64} {
  func.func @_tc_body(%arg0: i32, %arg1: memref<2x1280x128xf32, #tpu.memory_space<vmem>>, %arg2: memref<2x1280x128xf32, #tpu.memory_space<vmem>>, %arg3: memref<1280x128xf32, #tpu.memory_space<vmem>>, %arg4: memref<128x128xf32, #tpu.memory_space<vmem>>, %arg5: memref<128x128xf32, #tpu.memory_space<vmem>>, %arg6: memref<1x128xf32, #tpu.memory_space<vmem>>, %arg7: memref<1280x128xf32, #tpu.memory_space<vmem>>) attributes {dimension_semantics = [#tpu.dimension_semantics<arbitrary>], iteration_bounds = array<i64: 8>, scalar_prefetch = 0 : i64, scratch_operands = 0 : i64, tpu.core_type = #tpu.core_type<tc>, window_params = [{transform_indices = @transform_0, window_bounds = array<i64: 2, 1280, 128>}, {transform_indices = @transform_1, window_bounds = array<i64: 2, 1280, 128>}, {transform_indices = @transform_2, window_bounds = array<i64: 1280, 128>}, {pipeline_mode = #tpu.pipeline_mode<synchronous>, transform_indices = @transform_3, window_bounds = array<i64: 128, 128>}, {pipeline_mode = #tpu.pipeline_mode<synchronous>, transform_indices = @transform_4, window_bounds = array<i64: 128, 128>}, {pipeline_mode = #tpu.pipeline_mode<synchronous>, transform_indices = @transform_5, window_bounds = array<i64: 1, 128>}, {transform_indices = @transform_6, window_bounds = array<i64: 1280, 128>}]} {
    %get3A = arith.constant 0 : index
    %get3A_0 = arith.constant 0 : index
    %get3A_1 = arith.constant 0 : index
    %get3A_2 = vector.load %arg1[%get3A, %get3A_0, %get3A_1] : memref<2x1280x128xf32, #tpu.memory_space<vmem>>, vector<1x1280x128xf32>
    %get3A_3 = vector.shape_cast %get3A_2 : vector<1x1280x128xf32> to vector<1280x128xf32>
    %get3A_4 = arith.constant 1 : index
    %get3A_5 = arith.constant 0 : index
    %get3A_6 = arith.constant 0 : index
    %get3A_7 = vector.load %arg1[%get3A_4, %get3A_5, %get3A_6] : memref<2x1280x128xf32, #tpu.memory_space<vmem>>, vector<1x1280x128xf32>
    %get3A_8 = vector.shape_cast %get3A_7 : vector<1x1280x128xf32> to vector<1280x128xf32>
    %add3A = arith.addf %get3A_3, %get3A_8 : vector<1280x128xf32>
    %get3A_9 = arith.constant 0 : index
    %get3A_10 = arith.constant 0 : index
    %get3A_11 = arith.constant 0 : index
    %get3A_12 = vector.load %arg2[%get3A_9, %get3A_10, %get3A_11] : memref<2x1280x128xf32, #tpu.memory_space<vmem>>, vector<1x1280x128xf32>
    %get3A_13 = vector.shape_cast %get3A_12 : vector<1x1280x128xf32> to vector<1280x128xf32>
    %get3A_14 = arith.constant 1 : index
    %get3A_15 = arith.constant 0 : index
    %get3A_16 = arith.constant 0 : index
    %get3A_17 = vector.load %arg2[%get3A_14, %get3A_15, %get3A_16] : memref<2x1280x128xf32, #tpu.memory_space<vmem>>, vector<1x1280x128xf32>
    %get3A_18 = vector.shape_cast %get3A_17 : vector<1x1280x128xf32> to vector<1280x128xf32>
    %add3A_19 = arith.addf %get3A_13, %get3A_18 : vector<1280x128xf32>
    %max3A = arith.constant 1.000000e+00 : f32
    %max3A_20 = vector.broadcast %max3A : f32 to vector<1280x128xf32>
    %max3A_21 = arith.maximumf %add3A_19, %max3A_20 : vector<1280x128xf32>
    %div3A = arith.divf %add3A, %max3A_21 : vector<1280x128xf32>
    %get3A_22 = arith.constant 0 : index
    %get3A_23 = arith.constant 0 : index
    %get3A_24 = vector.load %arg4[%get3A_22, %get3A_23] : memref<128x128xf32, #tpu.memory_space<vmem>>, vector<128x128xf32>
    %dot_general3A = arith.constant dense<0.000000e+00> : vector<1280x128xf32>
    %dot_general3A_25 = tpu.matmul %div3A, %get3A_24, %dot_general3A {dimension_numbers = #tpu.dot_dimension_numbers<[1], [0], [0], [1], [0, 0, 1, 1], [], []>, transpose_lhs_hint = false} : vector<1280x128xf32>, vector<128x128xf32>, vector<1280x128xf32> -> vector<1280x128xf32>
    %get3A_26 = arith.constant 0 : index
    %get3A_27 = arith.constant 0 : index
    %get3A_28 = vector.load %arg3[%get3A_26, %get3A_27] : memref<1280x128xf32, #tpu.memory_space<vmem>>, vector<1280x128xf32>
    %get3A_29 = arith.constant 0 : index
    %get3A_30 = arith.constant 0 : index
    %get3A_31 = vector.load %arg5[%get3A_29, %get3A_30] : memref<128x128xf32, #tpu.memory_space<vmem>>, vector<128x128xf32>
    %dot_general3A_32 = arith.constant dense<0.000000e+00> : vector<1280x128xf32>
    %dot_general3A_33 = tpu.matmul %get3A_28, %get3A_31, %dot_general3A_32 {dimension_numbers = #tpu.dot_dimension_numbers<[1], [0], [0], [1], [0, 0, 1, 1], [], []>, transpose_lhs_hint = false} : vector<1280x128xf32>, vector<128x128xf32>, vector<1280x128xf32> -> vector<1280x128xf32>
    %add3A_34 = arith.addf %dot_general3A_25, %dot_general3A_33 : vector<1280x128xf32>
    %get3A_35 = arith.constant 0 : index
    %get3A_36 = arith.constant 0 : index
    %get3A_37 = vector.load %arg6[%get3A_35, %get3A_36] : memref<1x128xf32, #tpu.memory_space<vmem>>, vector<1x128xf32>
    %add3A_38 = vector.broadcast %get3A_37 : vector<1x128xf32> to vector<1280x128xf32>
    %add3A_39 = arith.addf %add3A_34, %add3A_38 : vector<1280x128xf32>
    %max3A_40 = arith.constant 0.000000e+00 : f32
    %max3A_41 = vector.broadcast %max3A_40 : f32 to vector<1280x128xf32>
    %max3A_42 = arith.maximumf %add3A_39, %max3A_41 : vector<1280x128xf32>
    %swap3A = arith.constant 0 : index
    %swap3A_43 = arith.constant 0 : index
    %swap3A_44 = vector.load %arg7[%swap3A, %swap3A_43] : memref<1280x128xf32, #tpu.memory_space<vmem>>, vector<1280x128xf32>
    tpu.vector_store %arg7[%swap3A, %swap3A_43], %max3A_42 {strides = array<i32>} : memref<1280x128xf32, #tpu.memory_space<vmem>>, vector<1280x128xf32>,
    return
  }
  func.func @transform_0(%arg0: i32) -> (i32, i32, i32) {
    %c0_i32 = arith.constant 0 : i32
    %c0_i32_0 = arith.constant 0 : i32
    %c0_i32_1 = arith.constant 0 : i32
    return %c0_i32, %arg0, %c0_i32_0 : i32, i32, i32
  }
  func.func @transform_1(%arg0: i32) -> (i32, i32, i32) {
    %c0_i32 = arith.constant 0 : i32
    %c0_i32_0 = arith.constant 0 : i32
    %c0_i32_1 = arith.constant 0 : i32
    return %c0_i32, %arg0, %c0_i32_0 : i32, i32, i32
  }
  func.func @transform_2(%arg0: i32) -> (i32, i32) {
    %c0_i32 = arith.constant 0 : i32
    %c0_i32_0 = arith.constant 0 : i32
    return %arg0, %c0_i32 : i32, i32
  }
  func.func @transform_3(%arg0: i32) -> (i32, i32) {
    %c0_i32 = arith.constant 0 : i32
    %c0_i32_0 = arith.constant 0 : i32
    %c0_i32_1 = arith.constant 0 : i32
    return %c0_i32, %c0_i32_0 : i32, i32
  }
  func.func @transform_4(%arg0: i32) -> (i32, i32) {
    %c0_i32 = arith.constant 0 : i32
    %c0_i32_0 = arith.constant 0 : i32
    %c0_i32_1 = arith.constant 0 : i32
    return %c0_i32, %c0_i32_0 : i32, i32
  }
  func.func @transform_5(%arg0: i32) -> (i32, i32) {
    %c0_i32 = arith.constant 0 : i32
    %c0_i32_0 = arith.constant 0 : i32
    %c0_i32_1 = arith.constant 0 : i32
    return %c0_i32, %c0_i32_0 : i32, i32
  }
  func.func @transform_6(%arg0: i32) -> (i32, i32) {
    %c0_i32 = arith.constant 0 : i32
    %c0_i32_0 = arith.constant 0 : i32
    return %arg0, %c0_i32 : i32, i32
  }
}

</mosaic_0001>

<sc_bundles>
// kernel: kernel.6.cloned.1.call-start
scs
__scs_entry_jumppad:
0x0: {  	(pc) =	sbr.rel $0x88, $3  }
0x1: {  	(tag) =	ssettag $0x0;
	lr =	simm.s32 $0x1  }
0x2: {  	[smem:$0x3F99] =	sst lr;
	_ =	strace $0xD0000000  }
0x3: {  	_ = 	snop  }
0x4: {  	_ = 	snop  }
0x5: {  	_ = 	snop  }
0x6: {  	_ = 	snop  }
0x7: {  	_ = 	snop  }
__scs_overlays_trampoline_lowered:
0x8: {  	[smem:$0x3FA8] =	sst s0  }
0x9: {  	[smem:$0x3FA9] =	sst s1  }
0xa: {  	[smem:$0x3FAA] =	sst s2  }
0xb: {  	[smem:$0x3FAB] =	sst s3  }
0xc: {  	[smem:$0x3FAC] =	sst s4  }
0xd: {  	[smem:$0x3FAD] =	sst s5  }
0xe: {  	[smem:$0x3FAE] =	sst s6  }
0xf: {  	[smem:$0x3FAF] =	sst s7  }
0x10: {  	[smem:$0x3FB0] =	sst s8  }
0x11: {  	[smem:$0x3FB1] =	sst s9;
	s0 =	simm.s32 @!p0 $0x0  }
0x12: {  	s1 =	sld [smem:$0x3F97];
	s0 =	simm.s32 @p0 $0x1  }
0x13: {  	[smem:$0x3FB2] =	sst s0;
	s0 =	simm.s32 @!p1 $0x0  }
0x14: {  	s2 =	sld [smem:$0x3F96];
	s0 =	simm.s32 @p1 $0x1  }
0x15: {  	[smem:$0x3FB3] =	sst s0;
	s0 =	simm.s32 @!p2 $0x0  }
0x16: {  	s3 =	sld [smem:$0x3FDB];
	s0 =	simm.s32 @p2 $0x1  }
0x17: {  	s4 =	simm.s32 $0x1BF5;
	[smem:$0x3FB5] =	sst s0  }
0x18: {  	s0 =	sld [smem:$0x3F98];
	_ =	swait.ge [sflag:s4], $0x0  }
0x19: {  	s7 =	sld [smem:$0x3F99]  }
0x1a: {  	s8 =	sadd.s32 $0xFFFFE003, lr  }
0x1b: {  	s9 =	sadd.s32 $0xFFFFFEF7, lr;
	s5 =	simm.s32 $0xFFFFFFFF;
	p2 =	slt.u32 s8, $0xFFFFF086  }
0x1c: {  	p1 =	slt.u32 s9, $0xF7A;
	s5 =	simm.s32 @!p2 $0x0  }
0x1d: {  	s5 =	simm.s32 @p1 $0x1;
	p0 =	seq.s32 s7, s2  }
0x1e: {  	s7 =	smul.u32 @!p0 $0xF7A, s2;
	p2 =	seq.s32 @!p0 s5, $0x0  }
0x1f: {  	s9 =	smul.u32 $0xF7A, s1;
	s8 =	simm.s32 @!p0 $0x1BF5;
	p2 =	por !p2, p0  }
0x20: {  	[sflag:s8] =	ssyncset.s32 @!p0 $0xFFFFF086;
	s6 =	sadd.s32 @!p0 s3, s7;
	s7 =	simm.s32 @!p0 $0x108  }
0x21: {  	s3 =	sadd.s32 s3, s9;
	s6 =	sadd.s32 @!p0 $0x88, s6;
	s7 =	simm.s32 @p2 $0x1082  }
0x22: {  	[simem:s7], [sflag:s8] =	dma.local @!p0 [hbm:s6], $0xF7A  }
0x23: {  	s9 =	sor.u32 $0xD0000000, s2;
	s6 =	simm.s32 $0x108;
	_ =	swait.ge @!p0 [sflag:s8], $0x0  }
0x24: {  	s3 =	sadd.s32 $0x88, s3;
	s6 =	simm.s32 @!p1 $0x1082;
	[sflag:s4] =	ssyncset.s32 $0xFFFFF086  }
0x25: {  	[simem:s6], [sflag:s4] =	dma.local [hbm:s3], $0xF7A  }
0x26: {  	[smem:$0x3F99] =	sst s1;
	(tag) =	ssettag s2;
	_ =	strace s9  }
0x27: {  	s1 =	sld [smem:$0x3FA9]  }
0x28: {  	s2 =	sld [smem:$0x3FAA]  }
0x29: {  	s4 =	sld [smem:$0x3FAC]  }
0x2a: {  	p0 =	seq.s32 s5, $0x0;
	s5 =	sld [smem:$0x3FAD]  }
0x2b: {  	s6 =	sld [smem:$0x3FAE]  }
0x2c: {  	s7 =	sld [smem:$0x3FAF]  }
0x2d: {  	s3 =	simm.s32 $0x108;
	s8 =	sld [smem:$0x3FB0]  }
0x2e: {  	s3 =	simm.s32 @!p0 $0x1082;
	s9 =	sld [smem:$0x3FB1]  }
0x2f: {  	lr =	sadd.s32 s0, s3;
	s0 =	sld [smem:$0x3FA8]  }
0x30: {  	s3 =	sld [smem:$0x3FAB]  }
0x31: {  	[smem:$0x3FB4] =	sst s10  }
0x32: {  	s10 =	sld [smem:$0x3FB2];
	_ =	sdelay $0x3  }
0x33: {  	p0 =	seq.s32 s10, $0x1;
	s10 =	sld [smem:$0x3FB4];
	_ =	sdelay $0x3  }
0x34: {  	[smem:$0x3FB4] =	sst s10  }
0x35: {  	s10 =	sld [smem:$0x3FB3];
	_ =	sdelay $0x3  }
0x36: {  	p1 =	seq.s32 s10, $0x1;
	s10 =	sld [smem:$0x3FB4];
	_ =	sdelay $0x3  }
0x37: {  	[smem:$0x3FB4] =	sst s10  }
0x38: {  	s10 =	sld [smem:$0x3FB5]  }
0x39: {  	_ = 	snop;
	(pc) =	sbr.ind lr, $3  }
0x3a: {  	_ = 	snop  }
0x3b: {  	_ = 	snop  }
0x3c: {  	p2 =	seq.s32 s10, $0x1;
	s10 =	sld [smem:$0x3FB4]  }
0x3d: {  	_ =	shalt  }
0x3e: {  	_ =	shalt  }
0x3f: {  	_ =	shalt  }
0x40: {  	_ =	shalt  }
0x41: {  	_ =	shalt  }
0x42: {  	_ =	shalt  }
0x43: {  	_ =	shalt  }
0x44: {  	_ =	shalt  }
0x45: {  	_ =	shalt  }
0x46: {  	_ =	shalt  }
0x47: {  	_ =	shalt  }
0x48: {  	_ =	shalt  }
0x49: {  	_ =	shalt  }
0x4a: {  	_ =	shalt  }
0x4b: {  	_ =	shalt  }
0x4c: {  	_ =	shalt  }
0x4d: {  	_ =	shalt  }
0x4e: {  	_ =	shalt  }
0x4f: {  	_ =	shalt  }
0x50: {  	_ =	shalt  }
0x51: {  	_ =	shalt  }
0x52: {  	_ =	shalt  }
0x53: {  	_ =	shalt  }
0x54: {  	_ =	shalt  }
0x55: {  	_ =	shalt  }
0x56: {  	_ =	shalt  }
0x57: {  	_ =	shalt  }
0x58: {  	_ =	shalt  }
0x59: {  	_ =	shalt  }
0x5a: {  	_ =	shalt  }
0x5b: {  	_ =	shalt  }
0x5c: {  	_ =	shalt  }
0x5d: {  	_ =	shalt  }
0x5e: {  	_ =	shalt  }
0x5f: {  	_ =	shalt  }
0x60: {  	_ =	shalt  }
0x61: {  	_ =	shalt  }
0x62: {  	_ =	shalt  }
0x63: {  	_ =	shalt  }
0x64: {  	_ =	shalt  }
0x65: {  	_ =	shalt  }
0x66: {  	_ =	shalt  }
0x67: {  	_ =	shalt  }
0x68: {  	_ =	shalt  }
0x69: {  	_ =	shalt  }
0x6a: {  	_ =	shalt  }
0x6b: {  	_ =	shalt  }
0x6c: {  	_ =	shalt  }
0x6d: {  	_ =	shalt  }
0x6e: {  	_ =	shalt  }
0x6f: {  	_ =	shalt  }
0x70: {  	_ =	shalt  }
0x71: {  	_ =	shalt  }
0x72: {  	_ =	shalt  }
0x73: {  	_ =	shalt  }
0x74: {  	_ =	shalt  }
0x75: {  	_ =	shalt  }
0x76: {  	_ =	shalt  }
0x77: {  	_ =	shalt  }
0x78: {  	_ =	shalt  }
0x79: {  	_ =	shalt  }
0x7a: {  	_ =	shalt  }
0x7b: {  	_ =	shalt  }
0x7c: {  	_ =	shalt  }
0x7d: {  	_ =	shalt  }
0x7e: {  	_ =	shalt  }
0x7f: {  	_ =	shalt  }
0x80: {  	_ =	shalt  }
0x81: {  	_ =	shalt  }
0x82: {  	_ =	shalt  }
0x83: {  	_ =	shalt  }
0x84: {  	_ =	shalt  }
0x85: {  	_ =	shalt  }
0x86: {  	_ =	shalt  }
0x87: {  	_ =	shalt  }
.Lfunc_end0:
.L_simem_size_0:
called_computation_lowered:
.L_overlay_start_0:
0x88: {  	s2 =	sld [smem:$0x3FD9]  }
0x89: {  	s3 =	sld [smem:$0x3FFE];
	_ =	sdelay $0x1  }
0x8a: {  	s1 =	srdreg.scid  }
0x8b: {  	s0 =	sand.u32 $0x1, s1  }
0x8c: {  	s17 =	sshll.u32 s0, $0xA;
	s2 =	sadd.s32 s3, s2  }
0x8d: {  	s2 =	sadd.s32 s2, s17  }
0x8e: {  	[smem:$0x3FC0] =	sst s2  }
0x8f: {  	_ = 	snop  }
0x90: {  	s2 =	sld [smem:$0x3FD0];
	(tm) =	ssettm $0x1  }
0x91: {  	s18 =	sld [smem:$0x3FFB];
	_ =	sdelay $0x3  }
0x92: {  	_ =	strace s18  }
0x93: {  	s3 =	sld [smem:$0x3FFC];
	_ =	sdelay $0x3  }
0x94: {  	_ =	strace s3  }
0x95: {  	s3 =	sld [smem:$0x3FFD];
	_ =	sdelay $0x3  }
0x96: {  	_ =	strace s3  }
0x97: {  	_ =	strace $0x8FFFFFFF  }
0x98: {  	s19 =	sld [smem:$0x3FDB];
	_ =	sdelay $0x1  }
0x99: {  	s4 =	simm.s32 $_scs_section_size  }
0x9a: {  	s5 =	simm.s32 $_size__tile_overlayer_lowered;
	s6 =	simm.s32 $_tile_overlayer_lowered  }
0x9b: {  	s22 =	simm.s32 $0x1BFF;
	s21 =	sshll.u32 s6, $0x1;
	s3 =	sadd.s32 s4, s19  }
0x9c: {  	s7 =	simm.s32 $0x0;
	s20 =	sshll.u32 s5, $0x1;
	s5 =	sadd.s32 s21, s3  }
0x9d: {  	[timem:s7], [sflag:s22] =	dma.local [hbm:s5], s20  }
0x9e: {  	_ =	swait.ge [sflag:s22], s20  }
0x9f: {  	s4 =	ssub.s32 $0x0, s20;
	[sflag:s22] =	ssyncset.done $0x0  }
0xa0: {  	[sflag:s22] =	ssyncadd.s32 s4;
	_ =	sdelay $0x1  }
0xa1: {  	s23 =	simm.s32 $0x1B8B  }
0xa2: {  	_ =	swait.ge [sflag:s23], $0x1  }
0xa3: {  	[sflag:s23] =	ssyncset.done $0x0  }
0xa4: {  	s25 =	simm.s32 $0x1B8E;
	s24 =	sld [smem:$0x3FFE];
	[sflag:s23] =	ssyncadd.s32 $0xFFFFFFFF  }
0xa5: {  	s26 =	simm.s32 $execute0_lowered;
	[smem:$0x3FD2] =	sst s25  }
0xa6: {  	s5 =	sshll.u32 s26, $0x1;
	_ =	strace $0x80000046;
	[dreg:$0x1] =	wrdreg $0xFFFFFFFF  }
0xa7: {  	s28 =	simm.s32 $_size_execute0_lowered;
	s3 =	sadd.s32 s3, s5;
	[dreg:$0x0] =	wrdreg $0x0  }
0xa8: {  	s5 =	sshll.u32 s28, $0x1;
	[dreg:$0x2] =	wrdreg s3  }
0xa9: {  	[dreg:$0x3] =	wrdreg s5  }
0xaa: {  	[dreg:$0x4] =	wrdreg $0xC0  }
0xab: {  	_ =	task [dreg:s7], $0x5FFFF  }
0xac: {  	[dreg:$0x1] =	wrdreg $0xFFFFFFFF  }
0xad: {  	[dreg:$0x0] =	wrdreg $0x60  }
0xae: {  	[dreg:$0x2] =	wrdreg s24  }
0xaf: {  	[dreg:$0x3] =	wrdreg s2  }
0xb0: {  	[dreg:$0x4] =	wrdreg $0x90000  }
0xb1: {  	[dreg:$0x5] =	wrdreg $0x9  }
0xb2: {  	_ =	task.clear_ibuf [dreg:s7], $0x6FFFF;
	_ =	strace $0x90000046  }
0xb3: {  	s29 =	simm.s32 $0x9;
	_ =	strace $0x80000048  }
0xb4: {  	_ =	swait.ge [sflag:s29], $0x1  }
0xb5: {  	[sflag:s29] =	ssyncadd.s32 $0xFFFFFFFF  }
0xb6: {  	_ =	strace $0x90000048  }
0xb7: {  	_ =	sfence  }
0xb8: {  	s30 =	sld [smem:$0x0];
	_ =	sdelay $0x2  }
0xb9: {  	s31 =	sshll.u32 s1, $0xD;
	s1 =	sshrl.u32 s1, $0x2  }
0xba: {  	s3 =	sand.u32 $0x4000, s31;
	s1 =	sadd.s32 s1, s30  }
0xbb: {  	s0 =	sor.u32 s3, s0;
	s1 =	sshll.u32 s1, $0x11  }
0xbc: {  	s0 =	sor.u32 s1, s0  }
0xbd: {  	s0 =	sadd.s32 $0x8F2B, s0  }
0xbe: {  	[sflag:s0] =	ssyncadd.remote.s32 $0x1  }
0xbf: {  	_ =	sfence.sel $0xFFFF  }
0xc0: {  	[dreg:$0x0] =	wrdreg $0xFFFFFFFF;
	(pc) =	sbr.abs _section_cstart, $3  }
0xc1: {  	[dreg:$0x1] =	wrdreg $0xFFFFFFFF  }
0xc2: {  	_ =	task.clear_ibuf [dreg:s7], $0x2FFFF;
	_ =	strace $0x9FFFFFFF  }
0xc3: {  	(tm) =	ssettm $0x7FFFFFFF  }
tec
execute0_lowered:
.L_overlay_start_1:
0x0: {  	(tag) =	ssettag $0x1  }
0x1: {  	s0 =	rddreg [dreg:$0x0]  }
0x2: {  	s1 =	rddreg [dreg:$0x1]  }
0x3: {  	s2 =	rddreg [dreg:$0x2];
	s3 =	srdreg.scid;
	s4 =	simm.s32 $0x0  }
0x4: {  	s10 =	stileid.u32;
	s30 =	simm.s32 $0x280;
	s13 =	simm.s32 $0x480  }
0x5: {  	s15 =	simm.s32 $0x580;
	s11 =	simm.s32 $0x780;
	s31 =	simm.s32 $0xB80  }
0x6: {  	s14 =	simm.s32 $0xC80;
	s12 =	simm.s32 $0xD80;
	s7 =	smul.u32 $0x14000, s10  }
0x7: {  	s29 =	simm.s32 $0xF80;
	s3 =	sand.u32 $0x1, s3;
	s8 =	smul.u32 $0x50000, s10  }
0x8: {  	[smem:$0x7FF] =	sst s4;
	s5 =	sadd.s32 $0x2A00, s0;
	s19 =	smul.u32 $0x5000, s10  }
0x9: {  	s6 =	smul.u32 $0x140000, s3;
	_ =	strace $0x80000047;
	s17 =	ssub.s32 $0x2, s3  }
0xa: {  	s16 =	sshll.u32 s3, $0x4;
	s3 =	smul.u32 $0x50000, s3;
	s9 =	sshrl.u32 s17, $0x1  }
0xb: {  	s8 =	sshrl.u32 s8, $0x2;
	s6 =	sadd.s32 s7, s6;
	s7 =	sor.u32 s10, s16  }
0xc: {  	s18 =	sadd.s32 s8, s2;
	s3 =	sadd.s32 s19, s3;
	s19 =	simm.s32 $0x5  }
0xd: {  	s8 =	simm.s32 $0x680;
	s10 =	simm.s32 $0x880;
	s6 =	sshrl.u32 s6, $0x3  }
0xe: {  	s7 =	smul.u32 $0x5000, s7;
	s20 =	sadd.s32 $0x4000, s18;
	[dreg:$0x4] =	wrdreg s18  }
0xf: {  	s21 =	sadd.s32 $0x8000, s18;
	s22 =	sadd.s32 $0xC000, s18;
	[dreg:$0x5] =	wrdreg s20  }
0x10: {  	s23 =	sadd.s32 $0x10000, s18;
	s24 =	sadd.s32 $0x1800, s3;
	[dreg:$0x6] =	wrdreg s21  }
0x11: {  	s28 =	sadd.s32 $0x1000, s3;
	s18 =	simm.s32 $0x1000;
	[dreg:$0x7] =	wrdreg s22  }
0x12: {  	s3 =	simm.s32 $0x1;
	s0 =	sadd.s32 s6, s0;
	[dreg:$0x9] =	wrdreg s23  }
0x13: {  	s6 =	ssub.s32 s17, s9;
	s26 =	sshrl.u32 s24, $0x3;
	[dreg:$0xe] =	wrdreg s28  }
0x14: {  	s20 =	simm.s32 $0x800;
	s21 =	simm.s32 $0x80;
	s23 =	simm.s32 $0x5000  }
0x15: {  	s24 =	simm.s32 $0x3;
	s9 =	simm.s32 $0x2;
	s22 =	simm.s32 $0xE80  }
0x16: {  	s7 =	sshrl.u32 s7, $0x3;
	s25 =	sadd.s32 $0x2AA00, s0;
	s0 =	sadd.s32 $0x7AA00, s0  }
.Ltmp0:
0x17: {  	s6 =	smax.u32 s6, $0x1;
	[dreg:$0xb] =	wrdreg s25;
	(pc) =	sbr.rel .LBB2_1-.Ltmp0, $4  }
0x18: {  	s16 =	sadd.s32 s26, s1;
	s26 =	simm.s32 $0x4;
	[dreg:$0xc] =	wrdreg s0  }
0x19: {  	s7 =	sadd.s32 s1, s7;
	[dreg:$0xd] =	wrdreg s6;
	s0 =	simm.s32 $0x380  }
0x1a: {  	s6 =	simm.s32 $0x980;
	[dreg:$0x8] =	wrdreg s7;
	s7 =	sadd.s32 $0x100, s7  }
0x1b: {  	v0 =	vimm.f32 $0.0e+00;
	v1 =	vimm.f32 $1.000000000e+00;
	s25 =	simm.s32 $0xA80;
	[dreg:$0xa] =	wrdreg s7;
	s7 =	simm.s32 $0x0  }
.LBB2_13:
0x1c: {  	[bflag:$0x0] =	sbarrier.arrive $0xFFFF  }
0x1d: {  	s1 =	rddreg [dreg:$0xc]  }
0x1e: {  	s7 =	rddreg [dreg:$0x10]  }
0x1f: {  	s17 =	rddreg [dreg:$0x11]  }
0x20: {  	[hbm:s1], [sflag:s7] =	dma.local [spmem:s17], $0x2800  }
0x21: {  	_ =	swait.ge [sflag:s19], $0x2800  }
0x22: {  	s17 =	rddreg [dreg:$0xf]  }
0x23: {  	s28 =	rddreg [dreg:$0xd];
	s7 =	sadd.s32 $0x1, s17  }
0x24: {  	p0 =	sne.s32 s7, s28  }
.Ltmp1:
0x25: {  	_ = 	snop;
	(pc) =	sbr.rel @!p0 .LBB2_14-.Ltmp1, $3  }
0x26: {  	_ =	sdelay $0x1  }
0x27: {  	[sflag:s19] =	ssyncset.done $0x0  }
0x28: {  	[sflag:s19] =	ssyncadd.s32 $0xFFFFD800  }
.LBB2_1:
0x29: {  	[dreg:$0xf] =	wrdreg s7;
	s7 =	simm.s32 $0x0;
	s17 =	simm.s32 $0x200  }
.LBB2_2:
0x2a: {  	p0 =	sne.s32 s17, $0xFE00;
	[tilespmem:s7+$0x1070] =	vst v0  }
0x2b: {  	[tilespmem:s7+$0x1000] =	vst v0  }
0x2c: {  	[tilespmem:s7+$0x1010] =	vst v0  }
.Ltmp2:
0x2d: {  	[tilespmem:s7+$0x1020] =	vst v0;
	(pc) =	sbr.rel @p0 .LBB2_2-.Ltmp2, $4  }
0x2e: {  	[tilespmem:s7+$0x1030] =	vst v0  }
0x2f: {  	[tilespmem:s7+$0x1040] =	vst v0  }
0x30: {  	[tilespmem:s7+$0x1050] =	vst v0  }
0x31: {  	[tilespmem:s7+$0x1060] =	vst v0;
	s7 =	sshra.s32 s17, $0x2;
	s17 =	sadd.s32 $0x200, s17  }
0x32: {  	[tilespmem:s7+$0x1070] =	vst v0  }
0x33: {  	[tilespmem:s7+$0x1000] =	vst v0  }
0x34: {  	[tilespmem:s7+$0x1010] =	vst v0  }
0x35: {  	[tilespmem:s7+$0x1020] =	vst v0  }
0x36: {  	[tilespmem:s7+$0x1030] =	vst v0  }
0x37: {  	[tilespmem:s7+$0x1040] =	vst v0  }
0x38: {  	[tilespmem:s7+$0x1050] =	vst v0  }
0x39: {  	[tilespmem:s7+$0x1060] =	vst v0;
	s1 =	rddreg [dreg:$0x4]  }
0x3a: {  	[spmem:s1] =	stream.linear.scatter [tilespmem:s18], [sflag:$0x5], $0x4000, $0x38;
	[tilespmem:$0x1D000] =	vst v63  }
0x3b: {  	_ =	swait.ge [sflag:s19], $0x4000  }
0x3c: {  	[sflag:s19] =	ssyncset.done $0x0  }
0x3d: {  	s17 =	rddreg [dreg:$0x5];
	[sflag:s19] =	ssyncadd.s32 $0xFFFFC000  }
0x3e: {  	[spmem:s17] =	stream.linear.scatter [tilespmem:s18], [sflag:$0x5], $0x4000, $0x38;
	[tilespmem:$0x1D000] =	vst v63  }
0x3f: {  	_ =	swait.ge [sflag:s19], $0x4000  }
0x40: {  	[sflag:s19] =	ssyncset.done $0x0  }
0x41: {  	s28 =	rddreg [dreg:$0x6];
	[sflag:s19] =	ssyncadd.s32 $0xFFFFC000  }
0x42: {  	[spmem:s28] =	stream.linear.scatter [tilespmem:s18], [sflag:$0x5], $0x4000, $0x38;
	[tilespmem:$0x1D000] =	vst v63  }
0x43: {  	_ =	swait.ge [sflag:s19], $0x4000  }
0x44: {  	[sflag:s19] =	ssyncset.done $0x0  }
0x45: {  	s7 =	rddreg [dreg:$0x7];
	[sflag:s19] =	ssyncadd.s32 $0xFFFFC000  }
0x46: {  	[spmem:s7] =	stream.linear.scatter [tilespmem:s18], [sflag:$0x5], $0x4000, $0x38;
	[tilespmem:$0x1D000] =	vst v63  }
0x47: {  	_ =	swait.ge [sflag:s19], $0x4000  }
0x48: {  	[sflag:s19] =	ssyncset.done $0x0  }
0x49: {  	s17 =	rddreg [dreg:$0x9];
	[sflag:s19] =	ssyncadd.s32 $0xFFFFC000  }
0x4a: {  	[spmem:s17] =	stream.linear.scatter [tilespmem:s18], [sflag:$0x5], $0x4000, $0x38;
	[tilespmem:$0x1D000] =	vst v63  }
0x4b: {  	_ =	swait.ge [sflag:s19], $0x4000  }
0x4c: {  	[sflag:s19] =	ssyncset.done $0x0  }
0x4d: {  	[sflag:s19] =	ssyncadd.s32 $0xFFFFC000  }
0x4e: {  	[bflag:$0x0] =	sbarrier.arrive $0xFFFF  }
0x4f: {  	s7 =	simm.s32 $0x0;
	s28 =	rddreg [dreg:$0x8]  }
0x50: {  	[tilespmem:s7], [sflag:$0x5] =	stream.linear.gather [hbm4b:s28+s7], $0x800, $0x38;
	[tilespmem:$0x1D000] =	vst v63  }
0x51: {  	_ =	swait.ge [sflag:s19], $0x800  }
0x52: {  	[sflag:s19] =	ssyncset.done $0x0  }
0x53: {  	s17 =	rddreg [dreg:$0xa];
	[sflag:s19] =	ssyncadd.s32 $0xFFFFF800  }
0x54: {  	[tilespmem:s20], [sflag:$0x2] =	stream.linear.gather [hbm4b:s17+s7], $0x800, $0x38;
	[tilespmem:$0x1D000] =	vst v63  }
0x55: {  	_ = 	snop  }
0x56: {  	[tilespmem:s18], [sflag:$0x3] =	stream.indirect.gather [hbm4b:s5+s21], $0x80, s7, s21, $0xb8;
	[tilespmem:$0x1D000] =	vst v63  }
0x57: {  	s28 =	simm.s32 $0x100;
	s17 =	rddreg [dreg:$0xe]  }
0x58: {  	[tilespmem:s23], [sflag:$0x4] =	stream.indirect.gather [hbm4b:s5+s21], $0x80, s28, s21, $0xb8;
	[tilespmem:$0x1D000] =	vst v63  }
.LBB2_4:
0x59: {  	_ =	swait.ge [sflag:s24], $0x4000  }
0x5a: {  	[sflag:s24] =	ssyncset.done $0x0  }
0x5b: {  	[sflag:s24] =	ssyncadd.s32 $0xFFFFC000  }
0x5c: {  	[spmem:s2] =	stream.indirect.scatter.add.f32 [tilespmem:s18], [sflag:$0x5], $0x80, s21, s21, $0xb8;
	[tilespmem:$0x1D000] =	vst v63  }
0x5d: {  	_ =	swait.ge [sflag:s19], $0x4000  }
0x5e: {  	[sflag:s19] =	ssyncset.done $0x0  }
0x5f: {  	s1 =	simm.s32 $0x200;
	[sflag:s19] =	ssyncadd.s32 $0xFFFFC000  }
0x60: {  	[tilespmem:s18], [sflag:$0x3] =	stream.indirect.gather [hbm4b:s5+s21], $0x80, s1, s21, $0xb8;
	[tilespmem:$0x1D000] =	vst v63  }
0x61: {  	_ =	swait.ge [sflag:s26], $0x4000  }
0x62: {  	[sflag:s26] =	ssyncset.done $0x0  }
0x63: {  	s28 =	simm.s32 $0x180;
	[sflag:s26] =	ssyncadd.s32 $0xFFFFC000  }
0x64: {  	[spmem:s2] =	stream.indirect.scatter.add.f32 [tilespmem:s23], [sflag:$0x5], $0x80, s28, s21, $0xb8;
	[tilespmem:$0x1D000] =	vst v63  }
0x65: {  	_ =	swait.ge [sflag:s19], $0x4000  }
0x66: {  	[sflag:s19] =	ssyncset.done $0x0  }
0x67: {  	s28 =	simm.s32 $0x300;
	[sflag:s19] =	ssyncadd.s32 $0xFFFFC000  }
0x68: {  	[tilespmem:s23], [sflag:$0x4] =	stream.indirect.gather [hbm4b:s5+s21], $0x80, s28, s21, $0xb8;
	[tilespmem:$0x1D000] =	vst v63  }
0x69: {  	_ =	swait.ge [sflag:s24], $0x4000  }
0x6a: {  	[sflag:s24] =	ssyncset.done $0x0  }
0x6b: {  	[sflag:s24] =	ssyncadd.s32 $0xFFFFC000  }
0x6c: {  	[spmem:s2] =	stream.indirect.scatter.add.f32 [tilespmem:s18], [sflag:$0x5], $0x80, s30, s21, $0xb8;
	[tilespmem:$0x1D000] =	vst v63  }
0x6d: {  	_ =	swait.ge [sflag:s19], $0x4000  }
0x6e: {  	[sflag:s19] =	ssyncset.done $0x0  }
0x6f: {  	s28 =	simm.s32 $0x400;
	[sflag:s19] =	ssyncadd.s32 $0xFFFFC000  }
0x70: {  	[tilespmem:s18], [sflag:$0x3] =	stream.indirect.gather [hbm4b:s5+s21], $0x80, s28, s21, $0xb8;
	[tilespmem:$0x1D000] =	vst v63  }
0x71: {  	_ =	swait.ge [sflag:s26], $0x4000  }
0x72: {  	[sflag:s26] =	ssyncset.done $0x0  }
0x73: {  	[sflag:s26] =	ssyncadd.s32 $0xFFFFC000  }
0x74: {  	[spmem:s2] =	stream.indirect.scatter.add.f32 [tilespmem:s23], [sflag:$0x5], $0x80, s0, s21, $0xb8;
	[tilespmem:$0x1D000] =	vst v63  }
0x75: {  	_ =	swait.ge [sflag:s19], $0x4000  }
0x76: {  	[sflag:s19] =	ssyncset.done $0x0  }
0x77: {  	s28 =	simm.s32 $0x500;
	[sflag:s19] =	ssyncadd.s32 $0xFFFFC000  }
0x78: {  	[tilespmem:s23], [sflag:$0x4] =	stream.indirect.gather [hbm4b:s5+s21], $0x80, s28, s21, $0xb8;
	[tilespmem:$0x1D000] =	vst v63  }
0x79: {  	_ =	swait.ge [sflag:s24], $0x4000  }
0x7a: {  	[sflag:s24] =	ssyncset.done $0x0  }
0x7b: {  	[sflag:s24] =	ssyncadd.s32 $0xFFFFC000  }
0x7c: {  	[spmem:s2] =	stream.indirect.scatter.add.f32 [tilespmem:s18], [sflag:$0x5], $0x80, s13, s21, $0xb8;
	[tilespmem:$0x1D000] =	vst v63  }
0x7d: {  	_ =	swait.ge [sflag:s19], $0x4000  }
0x7e: {  	[sflag:s19] =	ssyncset.done $0x0  }
0x7f: {  	s28 =	simm.s32 $0x600;
	[sflag:s19] =	ssyncadd.s32 $0xFFFFC000  }
0x80: {  	[tilespmem:s18], [sflag:$0x3] =	stream.indirect.gather [hbm4b:s5+s21], $0x80, s28, s21, $0xb8;
	[tilespmem:$0x1D000] =	vst v63  }
0x81: {  	_ =	swait.ge [sflag:s26], $0x4000  }
0x82: {  	[sflag:s26] =	ssyncset.done $0x0  }
0x83: {  	[sflag:s26] =	ssyncadd.s32 $0xFFFFC000  }
0x84: {  	[spmem:s2] =	stream.indirect.scatter.add.f32 [tilespmem:s23], [sflag:$0x5], $0x80, s15, s21, $0xb8;
	[tilespmem:$0x1D000] =	vst v63  }
0x85: {  	_ =	swait.ge [sflag:s19], $0x4000  }
0x86: {  	[sflag:s19] =	ssyncset.done $0x0  }
0x87: {  	s28 =	simm.s32 $0x700;
	[sflag:s19] =	ssyncadd.s32 $0xFFFFC000  }
0x88: {  	[tilespmem:s23], [sflag:$0x4] =	stream.indirect.gather [hbm4b:s5+s21], $0x80, s28, s21, $0xb8;
	[tilespmem:$0x1D000] =	vst v63  }
0x89: {  	_ =	swait.ge [sflag:s24], $0x4000  }
0x8a: {  	[sflag:s24] =	ssyncset.done $0x0  }
0x8b: {  	[sflag:s24] =	ssyncadd.s32 $0xFFFFC000  }
0x8c: {  	[spmem:s2] =	stream.indirect.scatter.add.f32 [tilespmem:s18], [sflag:$0x5], $0x80, s8, s21, $0xb8;
	[tilespmem:$0x1D000] =	vst v63  }
0x8d: {  	_ =	swait.ge [sflag:s19], $0x4000  }
0x8e: {  	[sflag:s19] =	ssyncset.done $0x0  }
0x8f: {  	[sflag:s19] =	ssyncadd.s32 $0xFFFFC000  }
0x90: {  	_ =	swait.ge [sflag:s9], $0x800  }
0x91: {  	[sflag:s9] =	ssyncset.done $0x0  }
0x92: {  	[sflag:s9] =	ssyncadd.s32 $0xFFFFF800  }
0x93: {  	[tilespmem:s18], [sflag:$0x3] =	stream.indirect.gather [hbm4b:s5+s21], $0x80, s20, s21, $0xb8;
	[tilespmem:$0x1D000] =	vst v63  }
0x94: {  	_ =	swait.ge [sflag:s26], $0x4000  }
0x95: {  	[sflag:s26] =	ssyncset.done $0x0  }
0x96: {  	[sflag:s26] =	ssyncadd.s32 $0xFFFFC000  }
0x97: {  	[spmem:s2] =	stream.indirect.scatter.add.f32 [tilespmem:s23], [sflag:$0x5], $0x80, s11, s21, $0xb8;
	[tilespmem:$0x1D000] =	vst v63  }
0x98: {  	_ =	swait.ge [sflag:s19], $0x4000  }
0x99: {  	[sflag:s19] =	ssyncset.done $0x0  }
0x9a: {  	p0 =	seq.s32 s7, $0x800;
	[sflag:s19] =	ssyncadd.s32 $0xFFFFC000  }
0x9b: {  	s1 =	sshrl.u32 @!p0 s17, $0x3;
	s28 =	rddreg [dreg:$0x1]  }
0x9c: {  	s1 =	sadd.s32 @!p0 s28, s1;
	s28 =	simm.s32 @!p0 $0x0  }
0x9d: {  	[tilespmem:s28], [sflag:$0x1] =	stream.linear.gather @!p0 [hbm4b:s1+s28], $0x800, $0x38;
	[tilespmem:$0x1D000] =	vst v63  }
0x9e: {  	s28 =	simm.s32 $0x900  }
0x9f: {  	[tilespmem:s23], [sflag:$0x4] =	stream.indirect.gather [hbm4b:s5+s21], $0x80, s28, s21, $0xb8;
	[tilespmem:$0x1D000] =	vst v63  }
0xa0: {  	_ =	swait.ge [sflag:s24], $0x4000  }
0xa1: {  	[sflag:s24] =	ssyncset.done $0x0  }
0xa2: {  	[sflag:s24] =	ssyncadd.s32 $0xFFFFC000  }
0xa3: {  	[spmem:s2] =	stream.indirect.scatter.add.f32 [tilespmem:s18], [sflag:$0x5], $0x80, s10, s21, $0xb8;
	[tilespmem:$0x1D000] =	vst v63  }
0xa4: {  	_ =	swait.ge [sflag:s19], $0x4000  }
0xa5: {  	[sflag:s19] =	ssyncset.done $0x0  }
0xa6: {  	s28 =	simm.s32 $0xA00;
	[sflag:s19] =	ssyncadd.s32 $0xFFFFC000  }
0xa7: {  	[tilespmem:s18], [sflag:$0x3] =	stream.indirect.gather [hbm4b:s5+s21], $0x80, s28, s21, $0xb8;
	[tilespmem:$0x1D000] =	vst v63  }
0xa8: {  	_ =	swait.ge [sflag:s26], $0x4000  }
0xa9: {  	[sflag:s26] =	ssyncset.done $0x0  }
0xaa: {  	[sflag:s26] =	ssyncadd.s32 $0xFFFFC000  }
0xab: {  	[spmem:s2] =	stream.indirect.scatter.add.f32 [tilespmem:s23], [sflag:$0x5], $0x80, s6, s21, $0xb8;
	[tilespmem:$0x1D000] =	vst v63  }
0xac: {  	_ =	swait.ge [sflag:s19], $0x4000  }
0xad: {  	[sflag:s19] =	ssyncset.done $0x0  }
0xae: {  	s28 =	simm.s32 $0xB00;
	[sflag:s19] =	ssyncadd.s32 $0xFFFFC000  }
0xaf: {  	[tilespmem:s23], [sflag:$0x4] =	stream.indirect.gather [hbm4b:s5+s21], $0x80, s28, s21, $0xb8;
	[tilespmem:$0x1D000] =	vst v63  }
0xb0: {  	_ =	swait.ge [sflag:s24], $0x4000  }
0xb1: {  	[sflag:s24] =	ssyncset.done $0x0  }
0xb2: {  	[sflag:s24] =	ssyncadd.s32 $0xFFFFC000  }
0xb3: {  	[spmem:s2] =	stream.indirect.scatter.add.f32 [tilespmem:s18], [sflag:$0x5], $0x80, s25, s21, $0xb8;
	[tilespmem:$0x1D000] =	vst v63  }
0xb4: {  	_ =	swait.ge [sflag:s19], $0x4000  }
0xb5: {  	[sflag:s19] =	ssyncset.done $0x0  }
0xb6: {  	s28 =	simm.s32 $0xC00;
	[sflag:s19] =	ssyncadd.s32 $0xFFFFC000  }
0xb7: {  	[tilespmem:s18], [sflag:$0x3] =	stream.indirect.gather [hbm4b:s5+s21], $0x80, s28, s21, $0xb8;
	[tilespmem:$0x1D000] =	vst v63  }
0xb8: {  	_ =	swait.ge [sflag:s26], $0x4000  }
0xb9: {  	[sflag:s26] =	ssyncset.done $0x0  }
0xba: {  	[sflag:s26] =	ssyncadd.s32 $0xFFFFC000  }
0xbb: {  	[spmem:s2] =	stream.indirect.scatter.add.f32 [tilespmem:s23], [sflag:$0x5], $0x80, s31, s21, $0xb8;
	[tilespmem:$0x1D000] =	vst v63  }
0xbc: {  	_ =	swait.ge [sflag:s19], $0x4000  }
0xbd: {  	[sflag:s19] =	ssyncset.done $0x0  }
0xbe: {  	s28 =	simm.s32 $0xD00;
	[sflag:s19] =	ssyncadd.s32 $0xFFFFC000  }
0xbf: {  	[tilespmem:s23], [sflag:$0x4] =	stream.indirect.gather [hbm4b:s5+s21], $0x80, s28, s21, $0xb8;
	[tilespmem:$0x1D000] =	vst v63  }
0xc0: {  	_ =	swait.ge [sflag:s24], $0x4000  }
0xc1: {  	[sflag:s24] =	ssyncset.done $0x0  }
0xc2: {  	[sflag:s24] =	ssyncadd.s32 $0xFFFFC000  }
0xc3: {  	[spmem:s2] =	stream.indirect.scatter.add.f32 [tilespmem:s18], [sflag:$0x5], $0x80, s14, s21, $0xb8;
	[tilespmem:$0x1D000] =	vst v63  }
0xc4: {  	_ =	swait.ge [sflag:s19], $0x4000  }
0xc5: {  	[sflag:s19] =	ssyncset.done $0x0  }
0xc6: {  	s28 =	simm.s32 $0xE00;
	[sflag:s19] =	ssyncadd.s32 $0xFFFFC000  }
0xc7: {  	[tilespmem:s18], [sflag:$0x3] =	stream.indirect.gather [hbm4b:s5+s21], $0x80, s28, s21, $0xb8;
	[tilespmem:$0x1D000] =	vst v63  }
0xc8: {  	_ =	swait.ge [sflag:s26], $0x4000  }
0xc9: {  	[sflag:s26] =	ssyncset.done $0x0  }
0xca: {  	[sflag:s26] =	ssyncadd.s32 $0xFFFFC000  }
0xcb: {  	[spmem:s2] =	stream.indirect.scatter.add.f32 [tilespmem:s23], [sflag:$0x5], $0x80, s12, s21, $0xb8;
	[tilespmem:$0x1D000] =	vst v63  }
0xcc: {  	_ =	swait.ge [sflag:s19], $0x4000  }
0xcd: {  	[sflag:s19] =	ssyncset.done $0x0  }
0xce: {  	s28 =	simm.s32 $0xF00;
	[sflag:s19] =	ssyncadd.s32 $0xFFFFC000  }
0xcf: {  	[tilespmem:s23], [sflag:$0x4] =	stream.indirect.gather [hbm4b:s5+s21], $0x80, s28, s21, $0xb8;
	[tilespmem:$0x1D000] =	vst v63  }
0xd0: {  	_ =	swait.ge [sflag:s24], $0x4000  }
0xd1: {  	[sflag:s24] =	ssyncset.done $0x0  }
.Ltmp3:
0xd2: {  	[sflag:s24] =	ssyncadd.s32 $0xFFFFC000;
	(pc) =	sbr.rel @p0 .LBB2_6-.Ltmp3, $4  }
0xd3: {  	[spmem:s2] =	stream.indirect.scatter.add.f32 [tilespmem:s18], [sflag:$0x5], $0x80, s22, s21, $0xb8;
	[tilespmem:$0x1D000] =	vst v63  }
0xd4: {  	_ =	swait.ge [sflag:s19], $0x4000  }
0xd5: {  	[sflag:s19] =	ssyncset.done $0x0  }
0xd6: {  	[sflag:s19] =	ssyncadd.s32 $0xFFFFC000  }
0xd7: {  	_ =	swait.ge [sflag:s3], $0x800  }
0xd8: {  	[sflag:s3] =	ssyncset.done $0x0  }
0xd9: {  	[sflag:s3] =	ssyncadd.s32 $0xFFFFF800  }
0xda: {  	[tilespmem:s18], [sflag:$0x3] =	stream.indirect.gather [hbm4b:s5+s21], $0x80, s4, s21, $0xb8;
	[tilespmem:$0x1D000] =	vst v63  }
0xdb: {  	_ =	swait.ge [sflag:s26], $0x4000  }
0xdc: {  	[sflag:s26] =	ssyncset.done $0x0  }
0xdd: {  	[sflag:s26] =	ssyncadd.s32 $0xFFFFC000  }
0xde: {  	[spmem:s2] =	stream.indirect.scatter.add.f32 [tilespmem:s23], [sflag:$0x5], $0x80, s29, s21, $0xb8;
	[tilespmem:$0x1D000] =	vst v63  }
0xdf: {  	_ =	swait.ge [sflag:s19], $0x4000  }
.Ltmp4:
0xe0: {  	[sflag:s19] =	ssyncset.done $0x0;
	(pc) =	sbr.rel .LBB2_4-.Ltmp4, $4  }
0xe1: {  	s1 =	simm.s32 $0x100;
	[sflag:s19] =	ssyncadd.s32 $0xFFFFC000  }
0xe2: {  	[tilespmem:s23], [sflag:$0x4] =	stream.indirect.gather [hbm4b:s5+s21], $0x80, s1, s21, $0xb8;
	[tilespmem:$0x1D000] =	vst v63  }
0xe3: {  	s28 =	sadd.s32 s7, s16;
	s7 =	sadd.s32 $0x200, s7;
	s17 =	sadd.s32 $0x1000, s17  }
0xe4: {  	[tilespmem:s20], [sflag:$0x2] =	stream.linear.gather [hbm4b:s28+s4], $0x800, $0x38;
	[tilespmem:$0x1D000] =	vst v63  }
.LBB2_6:
0xe5: {  	_ =	swait.ge [sflag:s26], $0x4000  }
0xe6: {  	[sflag:s26] =	ssyncset.done $0x0  }
0xe7: {  	[sflag:s26] =	ssyncadd.s32 $0xFFFFC000  }
0xe8: {  	[spmem:s2] =	stream.indirect.scatter.add.f32 [tilespmem:s23], [sflag:$0x5], $0x80, s29, s21, $0xb8;
	[tilespmem:$0x1D000] =	vst v63  }
0xe9: {  	_ =	swait.ge [sflag:s19], $0x4000  }
0xea: {  	[sflag:s19] =	ssyncset.done $0x0  }
0xeb: {  	[sflag:s19] =	ssyncadd.s32 $0xFFFFC000  }
0xec: {  	s1 =	stileid.u32;
	[bflag:$0x0] =	sbarrier.arrive $0xFFFF  }
0xed: {  	s1 =	sshll.u32 s1, $0x6;
	s17 =	rddreg [dreg:$0x4]  }
0xee: {  	s7 =	sor.u32 $0x1C05, s1;
	s28 =	rddreg [dreg:$0xb]  }
0xef: {  	[dreg:$0x10] =	wrdreg s7;
	s17 =	sshrl.u32 s17, $0x3  }
0xf0: {  	[dreg:$0x11] =	wrdreg s17  }
0xf1: {  	[hbm:s28], [sflag:s7] =	dma.local [spmem:s17], $0x2800  }
0xf2: {  	_ =	swait.ge [sflag:s19], $0x2800  }
0xf3: {  	[sflag:s19] =	ssyncset.done $0x0  }
0xf4: {  	s7 =	simm.s32 $0x0;
	s17 =	simm.s32 $0x200;
	[sflag:s19] =	ssyncadd.s32 $0xFFFFD800  }
.LBB2_7:
0xf5: {  	p0 =	sne.s32 s17, $0xFE00;
	[tilespmem:s7+$0x1070] =	vst v0  }
0xf6: {  	[tilespmem:s7+$0x1000] =	vst v0  }
0xf7: {  	[tilespmem:s7+$0x1010] =	vst v0  }
.Ltmp5:
0xf8: {  	[tilespmem:s7+$0x1020] =	vst v0;
	(pc) =	sbr.rel @p0 .LBB2_7-.Ltmp5, $4  }
0xf9: {  	[tilespmem:s7+$0x1030] =	vst v0  }
0xfa: {  	[tilespmem:s7+$0x1040] =	vst v0  }
0xfb: {  	[tilespmem:s7+$0x1050] =	vst v0  }
0xfc: {  	[tilespmem:s7+$0x1060] =	vst v0;
	s7 =	sshra.s32 s17, $0x2;
	s17 =	sadd.s32 $0x200, s17  }
0xfd: {  	[tilespmem:s7+$0x1070] =	vst v0  }
0xfe: {  	[tilespmem:s7+$0x1000] =	vst v0  }
0xff: {  	[tilespmem:s7+$0x1010] =	vst v0  }
0x100: {  	[tilespmem:s7+$0x1020] =	vst v0  }
0x101: {  	[tilespmem:s7+$0x1030] =	vst v0  }
0x102: {  	[tilespmem:s7+$0x1040] =	vst v0  }
0x103: {  	[tilespmem:s7+$0x1050] =	vst v0  }
0x104: {  	[tilespmem:s7+$0x1060] =	vst v0;
	s1 =	rddreg [dreg:$0x4]  }
0x105: {  	[spmem:s1] =	stream.linear.scatter [tilespmem:s18], [sflag:$0x5], $0x4000, $0x38;
	[tilespmem:$0x1D000] =	vst v63  }
0x106: {  	_ =	swait.ge [sflag:s19], $0x4000  }
0x107: {  	[sflag:s19] =	ssyncset.done $0x0  }
0x108: {  	s28 =	rddreg [dreg:$0x5];
	[sflag:s19] =	ssyncadd.s32 $0xFFFFC000  }
0x109: {  	[spmem:s28] =	stream.linear.scatter [tilespmem:s18], [sflag:$0x5], $0x4000, $0x38;
	[tilespmem:$0x1D000] =	vst v63  }
0x10a: {  	_ =	swait.ge [sflag:s19], $0x4000  }
0x10b: {  	[sflag:s19] =	ssyncset.done $0x0  }
0x10c: {  	s7 =	rddreg [dreg:$0x6];
	[sflag:s19] =	ssyncadd.s32 $0xFFFFC000  }
0x10d: {  	[spmem:s7] =	stream.linear.scatter [tilespmem:s18], [sflag:$0x5], $0x4000, $0x38;
	[tilespmem:$0x1D000] =	vst v63  }
0x10e: {  	_ =	swait.ge [sflag:s19], $0x4000  }
0x10f: {  	[sflag:s19] =	ssyncset.done $0x0  }
0x110: {  	s17 =	rddreg [dreg:$0x7];
	[sflag:s19] =	ssyncadd.s32 $0xFFFFC000  }
0x111: {  	[spmem:s17] =	stream.linear.scatter [tilespmem:s18], [sflag:$0x5], $0x4000, $0x38;
	[tilespmem:$0x1D000] =	vst v63  }
0x112: {  	_ =	swait.ge [sflag:s19], $0x4000  }
0x113: {  	[sflag:s19] =	ssyncset.done $0x0  }
0x114: {  	s28 =	rddreg [dreg:$0x9];
	[sflag:s19] =	ssyncadd.s32 $0xFFFFC000  }
0x115: {  	[spmem:s28] =	stream.linear.scatter [tilespmem:s18], [sflag:$0x5], $0x4000, $0x38;
	[tilespmem:$0x1D000] =	vst v63  }
0x116: {  	_ =	swait.ge [sflag:s19], $0x4000  }
0x117: {  	[sflag:s19] =	ssyncset.done $0x0  }
0x118: {  	[sflag:s19] =	ssyncadd.s32 $0xFFFFC000  }
0x119: {  	s7 =	simm.s32 $0x0;
	s17 =	simm.s32 $0x200;
	[bflag:$0x0] =	sbarrier.arrive $0xFFFF  }
.LBB2_9:
0x11a: {  	p0 =	sne.s32 s17, $0xFE00;
	[tilespmem:s7+$0x1070] =	vst v1  }
0x11b: {  	[tilespmem:s7+$0x1000] =	vst v1  }
0x11c: {  	[tilespmem:s7+$0x1010] =	vst v1  }
.Ltmp6:
0x11d: {  	[tilespmem:s7+$0x1020] =	vst v1;
	(pc) =	sbr.rel @p0 .LBB2_9-.Ltmp6, $4  }
0x11e: {  	[tilespmem:s7+$0x1030] =	vst v1  }
0x11f: {  	[tilespmem:s7+$0x1040] =	vst v1  }
0x120: {  	[tilespmem:s7+$0x1050] =	vst v1  }
0x121: {  	[tilespmem:s7+$0x1060] =	vst v1;
	s7 =	sshra.s32 s17, $0x2;
	s17 =	sadd.s32 $0x200, s17  }
0x122: {  	[tilespmem:s7+$0x1070] =	vst v1  }
0x123: {  	[tilespmem:s7+$0x1000] =	vst v1  }
0x124: {  	[tilespmem:s7+$0x1010] =	vst v1  }
0x125: {  	[tilespmem:s7+$0x1020] =	vst v1  }
0x126: {  	[tilespmem:s7+$0x1030] =	vst v1  }
0x127: {  	[tilespmem:s7+$0x1040] =	vst v1  }
0x128: {  	[tilespmem:s7+$0x1050] =	vst v1  }
0x129: {  	[tilespmem:s7+$0x1060] =	vst v1;
	s7 =	simm.s32 $0x0;
	s1 =	rddreg [dreg:$0x8]  }
0x12a: {  	[tilespmem:s7], [sflag:$0x5] =	stream.linear.gather [hbm4b:s1+s7], $0x800, $0x38;
	[tilespmem:$0x1D000] =	vst v63  }
0x12b: {  	_ =	swait.ge [sflag:s19], $0x800  }
0x12c: {  	[sflag:s19] =	ssyncset.done $0x0;
	s28 =	rddreg [dreg:$0xa]  }
0x12d: {  	s17 =	rddreg [dreg:$0xe];
	[sflag:s19] =	ssyncadd.s32 $0xFFFFF800  }
0x12e: {  	[tilespmem:s20], [sflag:$0x2] =	stream.linear.gather [hbm4b:s28+s7], $0x800, $0x38;
	[tilespmem:$0x1D000] =	vst v63  }
.LBB2_11:
0x12f: {  	[spmem:s2] =	stream.indirect.scatter.add.f32 [tilespmem:s18], [sflag:$0x5], $0x80, s21, s21, $0xb8;
	[tilespmem:$0x1D000] =	vst v63  }
0x130: {  	_ =	swait.ge [sflag:s19], $0x4000  }
0x131: {  	[sflag:s19] =	ssyncset.done $0x0  }
0x132: {  	s1 =	simm.s32 $0x180;
	[sflag:s19] =	ssyncadd.s32 $0xFFFFC000  }
0x133: {  	[spmem:s2] =	stream.indirect.scatter.add.f32 [tilespmem:s18], [sflag:$0x5], $0x80, s1, s21, $0xb8;
	[tilespmem:$0x1D000] =	vst v63  }
0x134: {  	_ =	swait.ge [sflag:s19], $0x4000  }
0x135: {  	[sflag:s19] =	ssyncset.done $0x0  }
0x136: {  	[sflag:s19] =	ssyncadd.s32 $0xFFFFC000  }
0x137: {  	[spmem:s2] =	stream.indirect.scatter.add.f32 [tilespmem:s18], [sflag:$0x5], $0x80, s30, s21, $0xb8;
	[tilespmem:$0x1D000] =	vst v63  }
0x138: {  	_ =	swait.ge [sflag:s19], $0x4000  }
0x139: {  	[sflag:s19] =	ssyncset.done $0x0  }
0x13a: {  	[sflag:s19] =	ssyncadd.s32 $0xFFFFC000  }
0x13b: {  	[spmem:s2] =	stream.indirect.scatter.add.f32 [tilespmem:s18], [sflag:$0x5], $0x80, s0, s21, $0xb8;
	[tilespmem:$0x1D000] =	vst v63  }
0x13c: {  	_ =	swait.ge [sflag:s19], $0x4000  }
0x13d: {  	[sflag:s19] =	ssyncset.done $0x0  }
0x13e: {  	[sflag:s19] =	ssyncadd.s32 $0xFFFFC000  }
0x13f: {  	[spmem:s2] =	stream.indirect.scatter.add.f32 [tilespmem:s18], [sflag:$0x5], $0x80, s13, s21, $0xb8;
	[tilespmem:$0x1D000] =	vst v63  }
0x140: {  	_ =	swait.ge [sflag:s19], $0x4000  }
0x141: {  	[sflag:s19] =	ssyncset.done $0x0  }
0x142: {  	[sflag:s19] =	ssyncadd.s32 $0xFFFFC000  }
0x143: {  	[spmem:s2] =	stream.indirect.scatter.add.f32 [tilespmem:s18], [sflag:$0x5], $0x80, s15, s21, $0xb8;
	[tilespmem:$0x1D000] =	vst v63  }
0x144: {  	_ =	swait.ge [sflag:s19], $0x4000  }
0x145: {  	[sflag:s19] =	ssyncset.done $0x0  }
0x146: {  	[sflag:s19] =	ssyncadd.s32 $0xFFFFC000  }
0x147: {  	[spmem:s2] =	stream.indirect.scatter.add.f32 [tilespmem:s18], [sflag:$0x5], $0x80, s8, s21, $0xb8;
	[tilespmem:$0x1D000] =	vst v63  }
0x148: {  	_ =	swait.ge [sflag:s19], $0x4000  }
0x149: {  	[sflag:s19] =	ssyncset.done $0x0  }
0x14a: {  	[sflag:s19] =	ssyncadd.s32 $0xFFFFC000  }
0x14b: {  	[spmem:s2] =	stream.indirect.scatter.add.f32 [tilespmem:s18], [sflag:$0x5], $0x80, s11, s21, $0xb8;
	[tilespmem:$0x1D000] =	vst v63  }
0x14c: {  	_ =	swait.ge [sflag:s19], $0x4000  }
0x14d: {  	[sflag:s19] =	ssyncset.done $0x0  }
0x14e: {  	[sflag:s19] =	ssyncadd.s32 $0xFFFFC000  }
0x14f: {  	_ =	swait.ge [sflag:s9], $0x800  }
0x150: {  	[sflag:s9] =	ssyncset.done $0x0  }
0x151: {  	p0 =	seq.s32 s7, $0x800;
	[sflag:s9] =	ssyncadd.s32 $0xFFFFF800  }
0x152: {  	s1 =	sshrl.u32 @!p0 s17, $0x3;
	s28 =	rddreg [dreg:$0x1]  }
0x153: {  	s1 =	sadd.s32 @!p0 s28, s1;
	s28 =	simm.s32 @!p0 $0x0  }
0x154: {  	[tilespmem:s28], [sflag:$0x1] =	stream.linear.gather @!p0 [hbm4b:s1+s28], $0x800, $0x38;
	[tilespmem:$0x1D000] =	vst v63  }
0x155: {  	_ = 	snop  }
0x156: {  	[spmem:s2] =	stream.indirect.scatter.add.f32 [tilespmem:s18], [sflag:$0x5], $0x80, s10, s21, $0xb8;
	[tilespmem:$0x1D000] =	vst v63  }
0x157: {  	_ =	swait.ge [sflag:s19], $0x4000  }
0x158: {  	[sflag:s19] =	ssyncset.done $0x0  }
0x159: {  	[sflag:s19] =	ssyncadd.s32 $0xFFFFC000  }
0x15a: {  	[spmem:s2] =	stream.indirect.scatter.add.f32 [tilespmem:s18], [sflag:$0x5], $0x80, s6, s21, $0xb8;
	[tilespmem:$0x1D000] =	vst v63  }
0x15b: {  	_ =	swait.ge [sflag:s19], $0x4000  }
0x15c: {  	[sflag:s19] =	ssyncset.done $0x0  }
0x15d: {  	[sflag:s19] =	ssyncadd.s32 $0xFFFFC000  }
0x15e: {  	[spmem:s2] =	stream.indirect.scatter.add.f32 [tilespmem:s18], [sflag:$0x5], $0x80, s25, s21, $0xb8;
	[tilespmem:$0x1D000] =	vst v63  }
0x15f: {  	_ =	swait.ge [sflag:s19], $0x4000  }
0x160: {  	[sflag:s19] =	ssyncset.done $0x0  }
0x161: {  	[sflag:s19] =	ssyncadd.s32 $0xFFFFC000  }
0x162: {  	[spmem:s2] =	stream.indirect.scatter.add.f32 [tilespmem:s18], [sflag:$0x5], $0x80, s31, s21, $0xb8;
	[tilespmem:$0x1D000] =	vst v63  }
0x163: {  	_ =	swait.ge [sflag:s19], $0x4000  }
0x164: {  	[sflag:s19] =	ssyncset.done $0x0  }
0x165: {  	[sflag:s19] =	ssyncadd.s32 $0xFFFFC000  }
0x166: {  	[spmem:s2] =	stream.indirect.scatter.add.f32 [tilespmem:s18], [sflag:$0x5], $0x80, s14, s21, $0xb8;
	[tilespmem:$0x1D000] =	vst v63  }
0x167: {  	_ =	swait.ge [sflag:s19], $0x4000  }
0x168: {  	[sflag:s19] =	ssyncset.done $0x0  }
0x169: {  	[sflag:s19] =	ssyncadd.s32 $0xFFFFC000  }
0x16a: {  	[spmem:s2] =	stream.indirect.scatter.add.f32 [tilespmem:s18], [sflag:$0x5], $0x80, s12, s21, $0xb8;
	[tilespmem:$0x1D000] =	vst v63  }
0x16b: {  	_ =	swait.ge [sflag:s19], $0x4000  }
0x16c: {  	[sflag:s19] =	ssyncset.done $0x0  }
0x16d: {  	[sflag:s19] =	ssyncadd.s32 $0xFFFFC000  }
0x16e: {  	[spmem:s2] =	stream.indirect.scatter.add.f32 [tilespmem:s18], [sflag:$0x5], $0x80, s22, s21, $0xb8;
	[tilespmem:$0x1D000] =	vst v63  }
0x16f: {  	_ =	swait.ge [sflag:s19], $0x4000  }
0x170: {  	[sflag:s19] =	ssyncset.done $0x0  }
.Ltmp7:
0x171: {  	[sflag:s19] =	ssyncadd.s32 $0xFFFFC000;
	(pc) =	sbr.rel @p0 .LBB2_13-.Ltmp7, $4  }
0x172: {  	[spmem:s2] =	stream.indirect.scatter.add.f32 [tilespmem:s18], [sflag:$0x5], $0x80, s29, s21, $0xb8;
	[tilespmem:$0x1D000] =	vst v63  }
0x173: {  	_ =	swait.ge [sflag:s19], $0x4000  }
0x174: {  	[sflag:s19] =	ssyncset.done $0x0  }
0x175: {  	[sflag:s19] =	ssyncadd.s32 $0xFFFFC000  }
.Ltmp8:
0x176: {  	s1 =	sadd.s32 s7, s16;
	(pc) =	sbr.rel .LBB2_11-.Ltmp8, $4  }
0x177: {  	[tilespmem:s20], [sflag:$0x2] =	stream.linear.gather [hbm4b:s1+s4], $0x800, $0x38;
	[tilespmem:$0x1D000] =	vst v63  }
0x178: {  	_ =	swait.ge [sflag:s3], $0x800  }
0x179: {  	[sflag:s3] =	ssyncset.done $0x0  }
0x17a: {  	s7 =	sadd.s32 $0x200, s7;
	s17 =	sadd.s32 $0x1000, s17;
	[sflag:s3] =	ssyncadd.s32 $0xFFFFF800  }
.LBB2_14:
0x17b: {  	_ =	sfence.sel $0x180000  }
0x17c: {  	[bflag:$0x0] =	sbarrier.arrive $0xFFFF  }
0x17d: {  	_ =	strace $0x90000047  }
0x17e: {  	s0 =	stileid.u32;
	[bflag:$0x2] =	sbarrier.arrive $0xFFFF  }
0x17f: {  	p0 =	sne.s32 s0, $0x0;
	s0 =	rddreg [dreg:$0x3]  }
0x180: {  	s0 =	sadd.s32 @!p0 $0x100000, s0  }
0x181: {  	[sflag:s0] =	ssyncadd.tile.s32 @!p0 $0x1;
	_ =	shalt  }
.Lfunc_end2:
_tile_overlayer_lowered:
.L_overlay_start_2:
0x182: {  	(tag) =	ssettag $0x2  }
0x183: {  	s0 =	rddreg [dreg:$0x0];
	s2 =	stileid.u32  }
0x184: {  	s1 =	rddreg [dreg:$0x1];
	p0 =	sne.s32 s2, $0x0  }
0x185: {  	s3 =	rddreg [dreg:$0x2];
	[bflag:$0x3] =	sbarrier.arrive $0xFFFF;
	s2 =	simm.s32 @!p0 $0x1C05  }
0x186: {  	[timem:s3], [sflag:s2] =	dma.local @!p0 [hbm:s0], s1  }
0x187: {  	s0 =	simm.s32 @!p0 $0x5  }
0x188: {  	_ =	swait.ge @!p0 [sflag:s0], s1  }
0x189: {  	s1 =	ssub.s32 @!p0 $0x0, s1;
	[sflag:s0] =	ssyncset.done @!p0 $0x0  }
0x18a: {  	[sflag:s0] =	ssyncadd.s32 @!p0 s1  }
0x18b: {  	[bflag:$0x3] =	sbarrier.arrive $0xFFFF  }
0x18c: {  	_ =	shalt  }

// kernel: kernel.9.cloned.1.call-start
scs
__scs_entry_jumppad:
0x0: {  	(pc) =	sbr.rel $0x88, $3  }
0x1: {  	(tag) =	ssettag $0x0;
	lr =	simm.s32 $0x1  }
0x2: {  	[smem:$0x3F99] =	sst lr;
	_ =	strace $0xD0000000  }
0x3: {  	_ = 	snop  }
0x4: {  	_ = 	snop  }
0x5: {  	_ = 	snop  }
0x6: {  	_ = 	snop  }
0x7: {  	_ = 	snop  }
__scs_overlays_trampoline_lowered:
0x8: {  	[smem:$0x3FA8] =	sst s0  }
0x9: {  	[smem:$0x3FA9] =	sst s1  }
0xa: {  	[smem:$0x3FAA] =	sst s2  }
0xb: {  	[smem:$0x3FAB] =	sst s3  }
0xc: {  	[smem:$0x3FAC] =	sst s4  }
0xd: {  	[smem:$0x3FAD] =	sst s5  }
0xe: {  	[smem:$0x3FAE] =	sst s6  }
0xf: {  	[smem:$0x3FAF] =	sst s7  }
0x10: {  	[smem:$0x3FB0] =	sst s8  }
0x11: {  	[smem:$0x3FB1] =	sst s9;
	s0 =	simm.s32 @!p0 $0x0  }
0x12: {  	s1 =	sld [smem:$0x3F97];
	s0 =	simm.s32 @p0 $0x1  }
0x13: {  	[smem:$0x3FB2] =	sst s0;
	s0 =	simm.s32 @!p1 $0x0  }
0x14: {  	s2 =	sld [smem:$0x3F96];
	s0 =	simm.s32 @p1 $0x1  }
0x15: {  	[smem:$0x3FB3] =	sst s0;
	s0 =	simm.s32 @!p2 $0x0  }
0x16: {  	s3 =	sld [smem:$0x3FDB];
	s0 =	simm.s32 @p2 $0x1  }
0x17: {  	s4 =	simm.s32 $0x1BF5;
	[smem:$0x3FB5] =	sst s0  }
0x18: {  	s0 =	sld [smem:$0x3F98];
	_ =	swait.ge [sflag:s4], $0x0  }
0x19: {  	s7 =	sld [smem:$0x3F99]  }
0x1a: {  	s8 =	sadd.s32 $0xFFFFE003, lr  }
0x1b: {  	s9 =	sadd.s32 $0xFFFFFEF7, lr;
	s5 =	simm.s32 $0xFFFFFFFF;
	p2 =	slt.u32 s8, $0xFFFFF086  }
0x1c: {  	p1 =	slt.u32 s9, $0xF7A;
	s5 =	simm.s32 @!p2 $0x0  }
0x1d: {  	s5 =	simm.s32 @p1 $0x1;
	p0 =	seq.s32 s7, s2  }
0x1e: {  	s7 =	smul.u32 @!p0 $0xF7A, s2;
	p2 =	seq.s32 @!p0 s5, $0x0  }
0x1f: {  	s9 =	smul.u32 $0xF7A, s1;
	s8 =	simm.s32 @!p0 $0x1BF5;
	p2 =	por !p2, p0  }
0x20: {  	[sflag:s8] =	ssyncset.s32 @!p0 $0xFFFFF086;
	s6 =	sadd.s32 @!p0 s3, s7;
	s7 =	simm.s32 @!p0 $0x108  }
0x21: {  	s3 =	sadd.s32 s3, s9;
	s6 =	sadd.s32 @!p0 $0x88, s6;
	s7 =	simm.s32 @p2 $0x1082  }
0x22: {  	[simem:s7], [sflag:s8] =	dma.local @!p0 [hbm:s6], $0xF7A  }
0x23: {  	s9 =	sor.u32 $0xD0000000, s2;
	s6 =	simm.s32 $0x108;
	_ =	swait.ge @!p0 [sflag:s8], $0x0  }
0x24: {  	s3 =	sadd.s32 $0x88, s3;
	s6 =	simm.s32 @!p1 $0x1082;
	[sflag:s4] =	ssyncset.s32 $0xFFFFF086  }
0x25: {  	[simem:s6], [sflag:s4] =	dma.local [hbm:s3], $0xF7A  }
0x26: {  	[smem:$0x3F99] =	sst s1;
	(tag) =	ssettag s2;
	_ =	strace s9  }
0x27: {  	s1 =	sld [smem:$0x3FA9]  }
0x28: {  	s2 =	sld [smem:$0x3FAA]  }
0x29: {  	s4 =	sld [smem:$0x3FAC]  }
0x2a: {  	p0 =	seq.s32 s5, $0x0;
	s5 =	sld [smem:$0x3FAD]  }
0x2b: {  	s6 =	sld [smem:$0x3FAE]  }
0x2c: {  	s7 =	sld [smem:$0x3FAF]  }
0x2d: {  	s3 =	simm.s32 $0x108;
	s8 =	sld [smem:$0x3FB0]  }
0x2e: {  	s3 =	simm.s32 @!p0 $0x1082;
	s9 =	sld [smem:$0x3FB1]  }
0x2f: {  	lr =	sadd.s32 s0, s3;
	s0 =	sld [smem:$0x3FA8]  }
0x30: {  	s3 =	sld [smem:$0x3FAB]  }
0x31: {  	[smem:$0x3FB4] =	sst s10  }
0x32: {  	s10 =	sld [smem:$0x3FB2];
	_ =	sdelay $0x3  }
0x33: {  	p0 =	seq.s32 s10, $0x1;
	s10 =	sld [smem:$0x3FB4];
	_ =	sdelay $0x3  }
0x34: {  	[smem:$0x3FB4] =	sst s10  }
0x35: {  	s10 =	sld [smem:$0x3FB3];
	_ =	sdelay $0x3  }
0x36: {  	p1 =	seq.s32 s10, $0x1;
	s10 =	sld [smem:$0x3FB4];
	_ =	sdelay $0x3  }
0x37: {  	[smem:$0x3FB4] =	sst s10  }
0x38: {  	s10 =	sld [smem:$0x3FB5]  }
0x39: {  	_ = 	snop;
	(pc) =	sbr.ind lr, $3  }
0x3a: {  	_ = 	snop  }
0x3b: {  	_ = 	snop  }
0x3c: {  	p2 =	seq.s32 s10, $0x1;
	s10 =	sld [smem:$0x3FB4]  }
0x3d: {  	_ =	shalt  }
0x3e: {  	_ =	shalt  }
0x3f: {  	_ =	shalt  }
0x40: {  	_ =	shalt  }
0x41: {  	_ =	shalt  }
0x42: {  	_ =	shalt  }
0x43: {  	_ =	shalt  }
0x44: {  	_ =	shalt  }
0x45: {  	_ =	shalt  }
0x46: {  	_ =	shalt  }
0x47: {  	_ =	shalt  }
0x48: {  	_ =	shalt  }
0x49: {  	_ =	shalt  }
0x4a: {  	_ =	shalt  }
0x4b: {  	_ =	shalt  }
0x4c: {  	_ =	shalt  }
0x4d: {  	_ =	shalt  }
0x4e: {  	_ =	shalt  }
0x4f: {  	_ =	shalt  }
0x50: {  	_ =	shalt  }
0x51: {  	_ =	shalt  }
0x52: {  	_ =	shalt  }
0x53: {  	_ =	shalt  }
0x54: {  	_ =	shalt  }
0x55: {  	_ =	shalt  }
0x56: {  	_ =	shalt  }
0x57: {  	_ =	shalt  }
0x58: {  	_ =	shalt  }
0x59: {  	_ =	shalt  }
0x5a: {  	_ =	shalt  }
0x5b: {  	_ =	shalt  }
0x5c: {  	_ =	shalt  }
0x5d: {  	_ =	shalt  }
0x5e: {  	_ =	shalt  }
0x5f: {  	_ =	shalt  }
0x60: {  	_ =	shalt  }
0x61: {  	_ =	shalt  }
0x62: {  	_ =	shalt  }
0x63: {  	_ =	shalt  }
0x64: {  	_ =	shalt  }
0x65: {  	_ =	shalt  }
0x66: {  	_ =	shalt  }
0x67: {  	_ =	shalt  }
0x68: {  	_ =	shalt  }
0x69: {  	_ =	shalt  }
0x6a: {  	_ =	shalt  }
0x6b: {  	_ =	shalt  }
0x6c: {  	_ =	shalt  }
0x6d: {  	_ =	shalt  }
0x6e: {  	_ =	shalt  }
0x6f: {  	_ =	shalt  }
0x70: {  	_ =	shalt  }
0x71: {  	_ =	shalt  }
0x72: {  	_ =	shalt  }
0x73: {  	_ =	shalt  }
0x74: {  	_ =	shalt  }
0x75: {  	_ =	shalt  }
0x76: {  	_ =	shalt  }
0x77: {  	_ =	shalt  }
0x78: {  	_ =	shalt  }
0x79: {  	_ =	shalt  }
0x7a: {  	_ =	shalt  }
0x7b: {  	_ =	shalt  }
0x7c: {  	_ =	shalt  }
0x7d: {  	_ =	shalt  }
0x7e: {  	_ =	shalt  }
0x7f: {  	_ =	shalt  }
0x80: {  	_ =	shalt  }
0x81: {  	_ =	shalt  }
0x82: {  	_ =	shalt  }
0x83: {  	_ =	shalt  }
0x84: {  	_ =	shalt  }
0x85: {  	_ =	shalt  }
0x86: {  	_ =	shalt  }
0x87: {  	_ =	shalt  }
.Lfunc_end0:
.L_simem_size_0:
called_computation.1_lowered:
.L_overlay_start_0:
0x88: {  	s2 =	sld [smem:$0x3FD9]  }
0x89: {  	s3 =	sld [smem:$0x3FFE];
	_ =	sdelay $0x1  }
0x8a: {  	s1 =	srdreg.scid  }
0x8b: {  	s0 =	sand.u32 $0x1, s1  }
0x8c: {  	s17 =	sshll.u32 s0, $0xA;
	s2 =	sadd.s32 s3, s2  }
0x8d: {  	s2 =	sadd.s32 s2, s17  }
0x8e: {  	[smem:$0x3FC0] =	sst s2  }
0x8f: {  	_ = 	snop  }
0x90: {  	s2 =	sld [smem:$0x3FD0];
	(tm) =	ssettm $0x1  }
0x91: {  	s18 =	sld [smem:$0x3FFB];
	_ =	sdelay $0x3  }
0x92: {  	_ =	strace s18  }
0x93: {  	s3 =	sld [smem:$0x3FFC];
	_ =	sdelay $0x3  }
0x94: {  	_ =	strace s3  }
0x95: {  	s3 =	sld [smem:$0x3FFD];
	_ =	sdelay $0x3  }
0x96: {  	_ =	strace s3  }
0x97: {  	_ =	strace $0x8FFFFFFF  }
0x98: {  	s19 =	sld [smem:$0x3FDB];
	_ =	sdelay $0x1  }
0x99: {  	s4 =	simm.s32 $_scs_section_size  }
0x9a: {  	s5 =	simm.s32 $_size__tile_overlayer_lowered;
	s6 =	simm.s32 $_tile_overlayer_lowered  }
0x9b: {  	s22 =	simm.s32 $0x1BFF;
	s21 =	sshll.u32 s6, $0x1;
	s3 =	sadd.s32 s4, s19  }
0x9c: {  	s7 =	simm.s32 $0x0;
	s20 =	sshll.u32 s5, $0x1;
	s5 =	sadd.s32 s21, s3  }
0x9d: {  	[timem:s7], [sflag:s22] =	dma.local [hbm:s5], s20  }
0x9e: {  	_ =	swait.ge [sflag:s22], s20  }
0x9f: {  	s4 =	ssub.s32 $0x0, s20;
	[sflag:s22] =	ssyncset.done $0x0  }
0xa0: {  	[sflag:s22] =	ssyncadd.s32 s4;
	_ =	sdelay $0x1  }
0xa1: {  	s23 =	simm.s32 $0x1B8B  }
0xa2: {  	_ =	swait.ge [sflag:s23], $0x1  }
0xa3: {  	[sflag:s23] =	ssyncset.done $0x0  }
0xa4: {  	s25 =	simm.s32 $0x1B8E;
	s24 =	sld [smem:$0x3FFE];
	[sflag:s23] =	ssyncadd.s32 $0xFFFFFFFF  }
0xa5: {  	s26 =	simm.s32 $execute0_lowered;
	[smem:$0x3FD2] =	sst s25  }
0xa6: {  	s5 =	sshll.u32 s26, $0x1;
	_ =	strace $0x80000049;
	[dreg:$0x1] =	wrdreg $0xFFFFFFFF  }
0xa7: {  	s28 =	simm.s32 $_size_execute0_lowered;
	s3 =	sadd.s32 s3, s5;
	[dreg:$0x0] =	wrdreg $0x0  }
0xa8: {  	s5 =	sshll.u32 s28, $0x1;
	[dreg:$0x2] =	wrdreg s3  }
0xa9: {  	[dreg:$0x3] =	wrdreg s5  }
0xaa: {  	[dreg:$0x4] =	wrdreg $0xC0  }
0xab: {  	_ =	task [dreg:s7], $0x5FFFF  }
0xac: {  	[dreg:$0x1] =	wrdreg $0xFFFFFFFF  }
0xad: {  	[dreg:$0x0] =	wrdreg $0x60  }
0xae: {  	[dreg:$0x2] =	wrdreg s24  }
0xaf: {  	[dreg:$0x3] =	wrdreg s2  }
0xb0: {  	[dreg:$0x4] =	wrdreg $0x90000  }
0xb1: {  	[dreg:$0x5] =	wrdreg $0x9  }
0xb2: {  	_ =	task.clear_ibuf [dreg:s7], $0x6FFFF;
	_ =	strace $0x90000049  }
0xb3: {  	s29 =	simm.s32 $0x9;
	_ =	strace $0x8000004B  }
0xb4: {  	_ =	swait.ge [sflag:s29], $0x1  }
0xb5: {  	[sflag:s29] =	ssyncadd.s32 $0xFFFFFFFF  }
0xb6: {  	_ =	strace $0x9000004B  }
0xb7: {  	_ =	sfence  }
0xb8: {  	s30 =	sld [smem:$0x0];
	_ =	sdelay $0x2  }
0xb9: {  	s31 =	sshll.u32 s1, $0xD;
	s1 =	sshrl.u32 s1, $0x2  }
0xba: {  	s3 =	sand.u32 $0x4000, s31;
	s1 =	sadd.s32 s1, s30  }
0xbb: {  	s0 =	sor.u32 s3, s0;
	s1 =	sshll.u32 s1, $0x11  }
0xbc: {  	s0 =	sor.u32 s1, s0  }
0xbd: {  	s0 =	sadd.s32 $0x8F2B, s0  }
0xbe: {  	[sflag:s0] =	ssyncadd.remote.s32 $0x1  }
0xbf: {  	_ =	sfence.sel $0xFFFF  }
0xc0: {  	[dreg:$0x0] =	wrdreg $0xFFFFFFFF;
	(pc) =	sbr.abs _section_cstart, $3  }
0xc1: {  	[dreg:$0x1] =	wrdreg $0xFFFFFFFF  }
0xc2: {  	_ =	task.clear_ibuf [dreg:s7], $0x2FFFF;
	_ =	strace $0x9FFFFFFF  }
0xc3: {  	(tm) =	ssettm $0x7FFFFFFF  }
tec
execute0_lowered:
.L_overlay_start_1:
0x0: {  	(tag) =	ssettag $0x1  }
0x1: {  	s0 =	rddreg [dreg:$0x0]  }
0x2: {  	s10 =	rddreg [dreg:$0x1];
	s1 =	srdreg.scid  }
0x3: {  	s3 =	rddreg [dreg:$0x2];
	s9 =	stileid.u32;
	s4 =	simm.s32 $0x0  }
0x4: {  	s12 =	simm.s32 $0x2;
	s11 =	simm.s32 $0x880;
	s5 =	smul.u32 $0x14000, s9  }
0x5: {  	s28 =	simm.s32 $0xD00;
	s29 =	simm.s32 $0xC80;
	s7 =	smul.u32 $0x50000, s9  }
0x6: {  	s30 =	simm.s32 $0xE00;
	s1 =	sand.u32 $0x1, s1;
	s17 =	smul.u32 $0x5000, s9  }
0x7: {  	s31 =	simm.s32 $0xD80;
	[smem:$0x7FF] =	sst s4;
	s2 =	smul.u32 $0x140000, s1  }
0x8: {  	_ =	strace $0x8000004A;
	s14 =	sshll.u32 s1, $0x4;
	s16 =	ssub.s32 $0x2, s1  }
0x9: {  	s1 =	smul.u32 $0x50000, s1;
	s6 =	sor.u32 s9, s14;
	s7 =	sshrl.u32 s7, $0x2  }
0xa: {  	s8 =	sshrl.u32 s16, $0x1;
	s2 =	sadd.s32 s5, s2;
	s5 =	sadd.s32 $0x2A00, s0  }
0xb: {  	s15 =	smul.u32 $0x5000, s6;
	s13 =	sadd.s32 s7, s3;
	s6 =	ssub.s32 s16, s8  }
0xc: {  	s1 =	sadd.s32 s17, s1;
	s17 =	simm.s32 $0x1000;
	s16 =	simm.s32 $0xA00  }
0xd: {  	s8 =	simm.s32 $0x1;
	s18 =	sadd.s32 $0x4000, s13;
	[dreg:$0x4] =	wrdreg s13  }
0xe: {  	s2 =	sshrl.u32 s2, $0x3;
	s19 =	sadd.s32 $0x8000, s13;
	[dreg:$0x5] =	wrdreg s18  }
0xf: {  	s20 =	sadd.s32 $0xC000, s13;
	s21 =	sadd.s32 $0x10000, s13;
	[dreg:$0x6] =	wrdreg s19  }
0x10: {  	s23 =	sadd.s32 $0x1800, s1;
	s25 =	smax.u32 s6, $0x1;
	[dreg:$0x7] =	wrdreg s20  }
0x11: {  	s26 =	sadd.s32 $0x1000, s1;
	s6 =	simm.s32 $0x980;
	[dreg:$0x8] =	wrdreg s21  }
0x12: {  	s1 =	simm.s32 $0xE80;
	s0 =	sadd.s32 s2, s0;
	[dreg:$0xc] =	wrdreg s25  }
0x13: {  	s2 =	sshrl.u32 s15, $0x3;
	s24 =	sshrl.u32 s23, $0x3;
	[dreg:$0xd] =	wrdreg s26  }
0x14: {  	s18 =	simm.s32 $0x5;
	s19 =	simm.s32 $0x800;
	s20 =	simm.s32 $0x80  }
0x15: {  	s23 =	simm.s32 $0x3;
	s25 =	simm.s32 $0x4;
	s21 =	simm.s32 $0xA80  }
.Ltmp0:
0x16: {  	s26 =	simm.s32 $0xB80;
	s22 =	sadd.s32 s10, s2;
	(pc) =	sbr.rel .LBB2_1-.Ltmp0, $4  }
0x17: {  	s0 =	sadd.s32 $0x2AA00, s0;
	s15 =	sadd.s32 s24, s10;
	s2 =	simm.s32 $0xB00  }
0x18: {  	s24 =	simm.s32 $0xC00;
	s10 =	simm.s32 $0x0;
	[dreg:$0x9] =	wrdreg s22  }
0x19: {  	s7 =	sadd.s32 $0x100, s22;
	[dreg:$0xb] =	wrdreg s0;
	s22 =	simm.s32 $0x5000  }
0x1a: {  	v0 =	vimm.f32 $0.0e+00;
	s0 =	simm.s32 $0xF00;
	[dreg:$0xa] =	wrdreg s7;
	s7 =	simm.s32 $0xF80  }
.LBB2_6:
0x1b: {  	_ =	swait.ge [sflag:s25], $0x4000  }
0x1c: {  	[sflag:s25] =	ssyncset.done $0x0  }
0x1d: {  	[sflag:s25] =	ssyncadd.s32 $0xFFFFC000  }
0x1e: {  	[spmem:s3] =	stream.indirect.scatter.add.f32 [tilespmem:s22], [sflag:$0x5], $0x80, s7, s20, $0xb8;
	[tilespmem:$0x1D000] =	vst v63  }
0x1f: {  	_ =	swait.ge [sflag:s18], $0x4000  }
0x20: {  	[sflag:s18] =	ssyncset.done $0x0  }
0x21: {  	[sflag:s18] =	ssyncadd.s32 $0xFFFFC000  }
0x22: {  	s9 =	stileid.u32;
	[bflag:$0x0] =	sbarrier.arrive $0xFFFF  }
0x23: {  	s9 =	sshll.u32 s9, $0x6;
	s13 =	rddreg [dreg:$0x4]  }
0x24: {  	s9 =	sor.u32 $0x1C05, s9;
	s14 =	rddreg [dreg:$0xb];
	s10 =	sshrl.u32 s13, $0x3  }
0x25: {  	[hbm:s14], [sflag:s9] =	dma.local [spmem:s10], $0x2800  }
0x26: {  	_ =	swait.ge [sflag:s18], $0x2800  }
0x27: {  	s9 =	rddreg [dreg:$0xe]  }
0x28: {  	s14 =	rddreg [dreg:$0xc];
	s10 =	sadd.s32 $0x1, s9  }
0x29: {  	p0 =	sne.s32 s10, s14  }
.Ltmp1:
0x2a: {  	_ = 	snop;
	(pc) =	sbr.rel @!p0 .LBB2_7-.Ltmp1, $3  }
0x2b: {  	_ =	sdelay $0x1  }
0x2c: {  	[sflag:s18] =	ssyncset.done $0x0  }
0x2d: {  	[sflag:s18] =	ssyncadd.s32 $0xFFFFD800  }
.LBB2_1:
0x2e: {  	[dreg:$0xe] =	wrdreg s10;
	s9 =	simm.s32 $0x0;
	s10 =	simm.s32 $0x200  }
.LBB2_2:
0x2f: {  	p0 =	sne.s32 s10, $0xFE00;
	[tilespmem:s9+$0x1070] =	vst v0  }
0x30: {  	[tilespmem:s9+$0x1000] =	vst v0  }
0x31: {  	[tilespmem:s9+$0x1010] =	vst v0  }
.Ltmp2:
0x32: {  	[tilespmem:s9+$0x1020] =	vst v0;
	(pc) =	sbr.rel @p0 .LBB2_2-.Ltmp2, $4  }
0x33: {  	[tilespmem:s9+$0x1030] =	vst v0  }
0x34: {  	[tilespmem:s9+$0x1040] =	vst v0  }
0x35: {  	[tilespmem:s9+$0x1050] =	vst v0  }
0x36: {  	[tilespmem:s9+$0x1060] =	vst v0;
	s9 =	sshra.s32 s10, $0x2;
	s10 =	sadd.s32 $0x200, s10  }
0x37: {  	[tilespmem:s9+$0x1070] =	vst v0  }
0x38: {  	[tilespmem:s9+$0x1000] =	vst v0  }
0x39: {  	[tilespmem:s9+$0x1010] =	vst v0  }
0x3a: {  	[tilespmem:s9+$0x1020] =	vst v0  }
0x3b: {  	[tilespmem:s9+$0x1030] =	vst v0  }
0x3c: {  	[tilespmem:s9+$0x1040] =	vst v0  }
0x3d: {  	[tilespmem:s9+$0x1050] =	vst v0  }
0x3e: {  	[tilespmem:s9+$0x1060] =	vst v0  }
0x3f: {  	[spmem:s13] =	stream.linear.scatter [tilespmem:s17], [sflag:$0x5], $0x4000, $0x38;
	[tilespmem:$0x1D000] =	vst v63  }
0x40: {  	_ =	swait.ge [sflag:s18], $0x4000  }
0x41: {  	[sflag:s18] =	ssyncset.done $0x0  }
0x42: {  	s10 =	rddreg [dreg:$0x5];
	[sflag:s18] =	ssyncadd.s32 $0xFFFFC000  }
0x43: {  	[spmem:s10] =	stream.linear.scatter [tilespmem:s17], [sflag:$0x5], $0x4000, $0x38;
	[tilespmem:$0x1D000] =	vst v63  }
0x44: {  	_ =	swait.ge [sflag:s18], $0x4000  }
0x45: {  	[sflag:s18] =	ssyncset.done $0x0  }
0x46: {  	s13 =	rddreg [dreg:$0x6];
	[sflag:s18] =	ssyncadd.s32 $0xFFFFC000  }
0x47: {  	[spmem:s13] =	stream.linear.scatter [tilespmem:s17], [sflag:$0x5], $0x4000, $0x38;
	[tilespmem:$0x1D000] =	vst v63  }
0x48: {  	_ =	swait.ge [sflag:s18], $0x4000  }
0x49: {  	[sflag:s18] =	ssyncset.done $0x0  }
0x4a: {  	s14 =	rddreg [dreg:$0x7];
	[sflag:s18] =	ssyncadd.s32 $0xFFFFC000  }
0x4b: {  	[spmem:s14] =	stream.linear.scatter [tilespmem:s17], [sflag:$0x5], $0x4000, $0x38;
	[tilespmem:$0x1D000] =	vst v63  }
0x4c: {  	_ =	swait.ge [sflag:s18], $0x4000  }
0x4d: {  	[sflag:s18] =	ssyncset.done $0x0  }
0x4e: {  	s10 =	rddreg [dreg:$0x8];
	[sflag:s18] =	ssyncadd.s32 $0xFFFFC000  }
0x4f: {  	[spmem:s10] =	stream.linear.scatter [tilespmem:s17], [sflag:$0x5], $0x4000, $0x38;
	[tilespmem:$0x1D000] =	vst v63  }
0x50: {  	_ =	swait.ge [sflag:s18], $0x4000  }
0x51: {  	[sflag:s18] =	ssyncset.done $0x0  }
0x52: {  	[sflag:s18] =	ssyncadd.s32 $0xFFFFC000  }
0x53: {  	[bflag:$0x0] =	sbarrier.arrive $0xFFFF  }
0x54: {  	s9 =	simm.s32 $0x0;
	s10 =	rddreg [dreg:$0x9]  }
0x55: {  	[tilespmem:s9], [sflag:$0x5] =	stream.linear.gather [hbm4b:s10+s9], $0x800, $0x38;
	[tilespmem:$0x1D000] =	vst v63  }
0x56: {  	_ =	swait.ge [sflag:s18], $0x800  }
0x57: {  	[sflag:s18] =	ssyncset.done $0x0  }
0x58: {  	s13 =	rddreg [dreg:$0xa];
	[sflag:s18] =	ssyncadd.s32 $0xFFFFF800  }
0x59: {  	[tilespmem:s19], [sflag:$0x2] =	stream.linear.gather [hbm4b:s13+s9], $0x800, $0x38;
	[tilespmem:$0x1D000] =	vst v63  }
0x5a: {  	_ = 	snop  }
0x5b: {  	[tilespmem:s17], [sflag:$0x3] =	stream.indirect.gather [hbm4b:s5+s20], $0x80, s9, s20, $0xb8;
	[tilespmem:$0x1D000] =	vst v63  }
0x5c: {  	s14 =	simm.s32 $0x100;
	s10 =	rddreg [dreg:$0xd]  }
0x5d: {  	[tilespmem:s22], [sflag:$0x4] =	stream.indirect.gather [hbm4b:s5+s20], $0x80, s14, s20, $0xb8;
	[tilespmem:$0x1D000] =	vst v63  }
.LBB2_4:
0x5e: {  	_ =	swait.ge [sflag:s23], $0x4000  }
0x5f: {  	[sflag:s23] =	ssyncset.done $0x0  }
0x60: {  	[sflag:s23] =	ssyncadd.s32 $0xFFFFC000  }
0x61: {  	[spmem:s3] =	stream.indirect.scatter.add.f32 [tilespmem:s17], [sflag:$0x5], $0x80, s20, s20, $0xb8;
	[tilespmem:$0x1D000] =	vst v63  }
0x62: {  	_ =	swait.ge [sflag:s18], $0x4000  }
0x63: {  	[sflag:s18] =	ssyncset.done $0x0  }
0x64: {  	s13 =	simm.s32 $0x200;
	[sflag:s18] =	ssyncadd.s32 $0xFFFFC000  }
0x65: {  	[tilespmem:s17], [sflag:$0x3] =	stream.indirect.gather [hbm4b:s5+s20], $0x80, s13, s20, $0xb8;
	[tilespmem:$0x1D000] =	vst v63  }
0x66: {  	_ =	swait.ge [sflag:s25], $0x4000  }
0x67: {  	[sflag:s25] =	ssyncset.done $0x0  }
0x68: {  	s14 =	simm.s32 $0x180;
	[sflag:s25] =	ssyncadd.s32 $0xFFFFC000  }
0x69: {  	[spmem:s3] =	stream.indirect.scatter.add.f32 [tilespmem:s22], [sflag:$0x5], $0x80, s14, s20, $0xb8;
	[tilespmem:$0x1D000] =	vst v63  }
0x6a: {  	_ =	swait.ge [sflag:s18], $0x4000  }
0x6b: {  	[sflag:s18] =	ssyncset.done $0x0  }
0x6c: {  	s14 =	simm.s32 $0x300;
	[sflag:s18] =	ssyncadd.s32 $0xFFFFC000  }
0x6d: {  	[tilespmem:s22], [sflag:$0x4] =	stream.indirect.gather [hbm4b:s5+s20], $0x80, s14, s20, $0xb8;
	[tilespmem:$0x1D000] =	vst v63  }
0x6e: {  	_ =	swait.ge [sflag:s23], $0x4000  }
0x6f: {  	[sflag:s23] =	ssyncset.done $0x0  }
0x70: {  	s14 =	simm.s32 $0x280;
	[sflag:s23] =	ssyncadd.s32 $0xFFFFC000  }
0x71: {  	[spmem:s3] =	stream.indirect.scatter.add.f32 [tilespmem:s17], [sflag:$0x5], $0x80, s14, s20, $0xb8;
	[tilespmem:$0x1D000] =	vst v63  }
0x72: {  	_ =	swait.ge [sflag:s18], $0x4000  }
0x73: {  	[sflag:s18] =	ssyncset.done $0x0  }
0x74: {  	s14 =	simm.s32 $0x400;
	[sflag:s18] =	ssyncadd.s32 $0xFFFFC000  }
0x75: {  	[tilespmem:s17], [sflag:$0x3] =	stream.indirect.gather [hbm4b:s5+s20], $0x80, s14, s20, $0xb8;
	[tilespmem:$0x1D000] =	vst v63  }
0x76: {  	_ =	swait.ge [sflag:s25], $0x4000  }
0x77: {  	[sflag:s25] =	ssyncset.done $0x0  }
0x78: {  	s14 =	simm.s32 $0x380;
	[sflag:s25] =	ssyncadd.s32 $0xFFFFC000  }
0x79: {  	[spmem:s3] =	stream.indirect.scatter.add.f32 [tilespmem:s22], [sflag:$0x5], $0x80, s14, s20, $0xb8;
	[tilespmem:$0x1D000] =	vst v63  }
0x7a: {  	_ =	swait.ge [sflag:s18], $0x4000  }
0x7b: {  	[sflag:s18] =	ssyncset.done $0x0  }
0x7c: {  	s14 =	simm.s32 $0x500;
	[sflag:s18] =	ssyncadd.s32 $0xFFFFC000  }
0x7d: {  	[tilespmem:s22], [sflag:$0x4] =	stream.indirect.gather [hbm4b:s5+s20], $0x80, s14, s20, $0xb8;
	[tilespmem:$0x1D000] =	vst v63  }
0x7e: {  	_ =	swait.ge [sflag:s23], $0x4000  }
0x7f: {  	[sflag:s23] =	ssyncset.done $0x0  }
0x80: {  	s14 =	simm.s32 $0x480;
	[sflag:s23] =	ssyncadd.s32 $0xFFFFC000  }
0x81: {  	[spmem:s3] =	stream.indirect.scatter.add.f32 [tilespmem:s17], [sflag:$0x5], $0x80, s14, s20, $0xb8;
	[tilespmem:$0x1D000] =	vst v63  }
0x82: {  	_ =	swait.ge [sflag:s18], $0x4000  }
0x83: {  	[sflag:s18] =	ssyncset.done $0x0  }
0x84: {  	s14 =	simm.s32 $0x600;
	[sflag:s18] =	ssyncadd.s32 $0xFFFFC000  }
0x85: {  	[tilespmem:s17], [sflag:$0x3] =	stream.indirect.gather [hbm4b:s5+s20], $0x80, s14, s20, $0xb8;
	[tilespmem:$0x1D000] =	vst v63  }
0x86: {  	_ =	swait.ge [sflag:s25], $0x4000  }
0x87: {  	[sflag:s25] =	ssyncset.done $0x0  }
0x88: {  	s14 =	simm.s32 $0x580;
	[sflag:s25] =	ssyncadd.s32 $0xFFFFC000  }
0x89: {  	[spmem:s3] =	stream.indirect.scatter.add.f32 [tilespmem:s22], [sflag:$0x5], $0x80, s14, s20, $0xb8;
	[tilespmem:$0x1D000] =	vst v63  }
0x8a: {  	_ =	swait.ge [sflag:s18], $0x4000  }
0x8b: {  	[sflag:s18] =	ssyncset.done $0x0  }
0x8c: {  	s14 =	simm.s32 $0x700;
	[sflag:s18] =	ssyncadd.s32 $0xFFFFC000  }
0x8d: {  	[tilespmem:s22], [sflag:$0x4] =	stream.indirect.gather [hbm4b:s5+s20], $0x80, s14, s20, $0xb8;
	[tilespmem:$0x1D000] =	vst v63  }
0x8e: {  	_ =	swait.ge [sflag:s23], $0x4000  }
0x8f: {  	[sflag:s23] =	ssyncset.done $0x0  }
0x90: {  	s14 =	simm.s32 $0x680;
	[sflag:s23] =	ssyncadd.s32 $0xFFFFC000  }
0x91: {  	[spmem:s3] =	stream.indirect.scatter.add.f32 [tilespmem:s17], [sflag:$0x5], $0x80, s14, s20, $0xb8;
	[tilespmem:$0x1D000] =	vst v63  }
0x92: {  	_ =	swait.ge [sflag:s18], $0x4000  }
0x93: {  	[sflag:s18] =	ssyncset.done $0x0  }
0x94: {  	[sflag:s18] =	ssyncadd.s32 $0xFFFFC000  }
0x95: {  	_ =	swait.ge [sflag:s12], $0x800  }
0x96: {  	[sflag:s12] =	ssyncset.done $0x0  }
0x97: {  	[sflag:s12] =	ssyncadd.s32 $0xFFFFF800  }
0x98: {  	[tilespmem:s17], [sflag:$0x3] =	stream.indirect.gather [hbm4b:s5+s20], $0x80, s19, s20, $0xb8;
	[tilespmem:$0x1D000] =	vst v63  }
0x99: {  	_ =	swait.ge [sflag:s25], $0x4000  }
0x9a: {  	[sflag:s25] =	ssyncset.done $0x0  }
0x9b: {  	s14 =	simm.s32 $0x780;
	[sflag:s25] =	ssyncadd.s32 $0xFFFFC000  }
0x9c: {  	[spmem:s3] =	stream.indirect.scatter.add.f32 [tilespmem:s22], [sflag:$0x5], $0x80, s14, s20, $0xb8;
	[tilespmem:$0x1D000] =	vst v63  }
0x9d: {  	_ =	swait.ge [sflag:s18], $0x4000  }
0x9e: {  	[sflag:s18] =	ssyncset.done $0x0  }
0x9f: {  	p0 =	seq.s32 s9, $0x800;
	[sflag:s18] =	ssyncadd.s32 $0xFFFFC000  }
0xa0: {  	s13 =	sshrl.u32 @!p0 s10, $0x3;
	s14 =	rddreg [dreg:$0x1]  }
0xa1: {  	s13 =	sadd.s32 @!p0 s14, s13;
	s14 =	simm.s32 @!p0 $0x0  }
0xa2: {  	[tilespmem:s14], [sflag:$0x1] =	stream.linear.gather @!p0 [hbm4b:s13+s14], $0x800, $0x38;
	[tilespmem:$0x1D000] =	vst v63  }
0xa3: {  	s14 =	simm.s32 $0x900  }
0xa4: {  	[tilespmem:s22], [sflag:$0x4] =	stream.indirect.gather [hbm4b:s5+s20], $0x80, s14, s20, $0xb8;
	[tilespmem:$0x1D000] =	vst v63  }
0xa5: {  	_ =	swait.ge [sflag:s23], $0x4000  }
0xa6: {  	[sflag:s23] =	ssyncset.done $0x0  }
0xa7: {  	[sflag:s23] =	ssyncadd.s32 $0xFFFFC000  }
0xa8: {  	[spmem:s3] =	stream.indirect.scatter.add.f32 [tilespmem:s17], [sflag:$0x5], $0x80, s11, s20, $0xb8;
	[tilespmem:$0x1D000] =	vst v63  }
0xa9: {  	_ =	swait.ge [sflag:s18], $0x4000  }
0xaa: {  	[sflag:s18] =	ssyncset.done $0x0  }
0xab: {  	[sflag:s18] =	ssyncadd.s32 $0xFFFFC000  }
0xac: {  	[tilespmem:s17], [sflag:$0x3] =	stream.indirect.gather [hbm4b:s5+s20], $0x80, s16, s20, $0xb8;
	[tilespmem:$0x1D000] =	vst v63  }
0xad: {  	_ =	swait.ge [sflag:s25], $0x4000  }
0xae: {  	[sflag:s25] =	ssyncset.done $0x0  }
0xaf: {  	[sflag:s25] =	ssyncadd.s32 $0xFFFFC000  }
0xb0: {  	[spmem:s3] =	stream.indirect.scatter.add.f32 [tilespmem:s22], [sflag:$0x5], $0x80, s6, s20, $0xb8;
	[tilespmem:$0x1D000] =	vst v63  }
0xb1: {  	_ =	swait.ge [sflag:s18], $0x4000  }
0xb2: {  	[sflag:s18] =	ssyncset.done $0x0  }
0xb3: {  	[sflag:s18] =	ssyncadd.s32 $0xFFFFC000  }
0xb4: {  	[tilespmem:s22], [sflag:$0x4] =	stream.indirect.gather [hbm4b:s5+s20], $0x80, s2, s20, $0xb8;
	[tilespmem:$0x1D000] =	vst v63  }
0xb5: {  	_ =	swait.ge [sflag:s23], $0x4000  }
0xb6: {  	[sflag:s23] =	ssyncset.done $0x0  }
0xb7: {  	[sflag:s23] =	ssyncadd.s32 $0xFFFFC000  }
0xb8: {  	[spmem:s3] =	stream.indirect.scatter.add.f32 [tilespmem:s17], [sflag:$0x5], $0x80, s21, s20, $0xb8;
	[tilespmem:$0x1D000] =	vst v63  }
0xb9: {  	_ =	swait.ge [sflag:s18], $0x4000  }
0xba: {  	[sflag:s18] =	ssyncset.done $0x0  }
0xbb: {  	[sflag:s18] =	ssyncadd.s32 $0xFFFFC000  }
0xbc: {  	[tilespmem:s17], [sflag:$0x3] =	stream.indirect.gather [hbm4b:s5+s20], $0x80, s24, s20, $0xb8;
	[tilespmem:$0x1D000] =	vst v63  }
0xbd: {  	_ =	swait.ge [sflag:s25], $0x4000  }
0xbe: {  	[sflag:s25] =	ssyncset.done $0x0  }
0xbf: {  	[sflag:s25] =	ssyncadd.s32 $0xFFFFC000  }
0xc0: {  	[spmem:s3] =	stream.indirect.scatter.add.f32 [tilespmem:s22], [sflag:$0x5], $0x80, s26, s20, $0xb8;
	[tilespmem:$0x1D000] =	vst v63  }
0xc1: {  	_ =	swait.ge [sflag:s18], $0x4000  }
0xc2: {  	[sflag:s18] =	ssyncset.done $0x0  }
0xc3: {  	[sflag:s18] =	ssyncadd.s32 $0xFFFFC000  }
0xc4: {  	[tilespmem:s22], [sflag:$0x4] =	stream.indirect.gather [hbm4b:s5+s20], $0x80, s28, s20, $0xb8;
	[tilespmem:$0x1D000] =	vst v63  }
0xc5: {  	_ =	swait.ge [sflag:s23], $0x4000  }
0xc6: {  	[sflag:s23] =	ssyncset.done $0x0  }
0xc7: {  	[sflag:s23] =	ssyncadd.s32 $0xFFFFC000  }
0xc8: {  	[spmem:s3] =	stream.indirect.scatter.add.f32 [tilespmem:s17], [sflag:$0x5], $0x80, s29, s20, $0xb8;
	[tilespmem:$0x1D000] =	vst v63  }
0xc9: {  	_ =	swait.ge [sflag:s18], $0x4000  }
0xca: {  	[sflag:s18] =	ssyncset.done $0x0  }
0xcb: {  	[sflag:s18] =	ssyncadd.s32 $0xFFFFC000  }
0xcc: {  	[tilespmem:s17], [sflag:$0x3] =	stream.indirect.gather [hbm4b:s5+s20], $0x80, s30, s20, $0xb8;
	[tilespmem:$0x1D000] =	vst v63  }
0xcd: {  	_ =	swait.ge [sflag:s25], $0x4000  }
0xce: {  	[sflag:s25] =	ssyncset.done $0x0  }
0xcf: {  	[sflag:s25] =	ssyncadd.s32 $0xFFFFC000  }
0xd0: {  	[spmem:s3] =	stream.indirect.scatter.add.f32 [tilespmem:s22], [sflag:$0x5], $0x80, s31, s20, $0xb8;
	[tilespmem:$0x1D000] =	vst v63  }
0xd1: {  	_ =	swait.ge [sflag:s18], $0x4000  }
0xd2: {  	[sflag:s18] =	ssyncset.done $0x0  }
0xd3: {  	[sflag:s18] =	ssyncadd.s32 $0xFFFFC000  }
0xd4: {  	[tilespmem:s22], [sflag:$0x4] =	stream.indirect.gather [hbm4b:s5+s20], $0x80, s0, s20, $0xb8;
	[tilespmem:$0x1D000] =	vst v63  }
0xd5: {  	_ =	swait.ge [sflag:s23], $0x4000  }
0xd6: {  	[sflag:s23] =	ssyncset.done $0x0  }
.Ltmp3:
0xd7: {  	[sflag:s23] =	ssyncadd.s32 $0xFFFFC000;
	(pc) =	sbr.rel @p0 .LBB2_6-.Ltmp3, $4  }
0xd8: {  	[spmem:s3] =	stream.indirect.scatter.add.f32 [tilespmem:s17], [sflag:$0x5], $0x80, s1, s20, $0xb8;
	[tilespmem:$0x1D000] =	vst v63  }
0xd9: {  	_ =	swait.ge [sflag:s18], $0x4000  }
0xda: {  	[sflag:s18] =	ssyncset.done $0x0  }
0xdb: {  	[sflag:s18] =	ssyncadd.s32 $0xFFFFC000  }
0xdc: {  	_ =	swait.ge [sflag:s8], $0x800  }
0xdd: {  	[sflag:s8] =	ssyncset.done $0x0  }
0xde: {  	[sflag:s8] =	ssyncadd.s32 $0xFFFFF800  }
0xdf: {  	[tilespmem:s17], [sflag:$0x3] =	stream.indirect.gather [hbm4b:s5+s20], $0x80, s4, s20, $0xb8;
	[tilespmem:$0x1D000] =	vst v63  }
0xe0: {  	_ =	swait.ge [sflag:s25], $0x4000  }
0xe1: {  	[sflag:s25] =	ssyncset.done $0x0  }
0xe2: {  	[sflag:s25] =	ssyncadd.s32 $0xFFFFC000  }
0xe3: {  	[spmem:s3] =	stream.indirect.scatter.add.f32 [tilespmem:s22], [sflag:$0x5], $0x80, s7, s20, $0xb8;
	[tilespmem:$0x1D000] =	vst v63  }
0xe4: {  	_ =	swait.ge [sflag:s18], $0x4000  }
.Ltmp4:
0xe5: {  	[sflag:s18] =	ssyncset.done $0x0;
	(pc) =	sbr.rel .LBB2_4-.Ltmp4, $4  }
0xe6: {  	s13 =	simm.s32 $0x100;
	[sflag:s18] =	ssyncadd.s32 $0xFFFFC000  }
0xe7: {  	[tilespmem:s22], [sflag:$0x4] =	stream.indirect.gather [hbm4b:s5+s20], $0x80, s13, s20, $0xb8;
	[tilespmem:$0x1D000] =	vst v63  }
0xe8: {  	s14 =	sadd.s32 s9, s15;
	s9 =	sadd.s32 $0x200, s9;
	s10 =	sadd.s32 $0x1000, s10  }
0xe9: {  	[tilespmem:s19], [sflag:$0x2] =	stream.linear.gather [hbm4b:s14+s4], $0x800, $0x38;
	[tilespmem:$0x1D000] =	vst v63  }
.LBB2_7:
0xea: {  	_ =	sfence.sel $0x180000  }
0xeb: {  	[bflag:$0x0] =	sbarrier.arrive $0xFFFF  }
0xec: {  	_ =	strace $0x9000004A  }
0xed: {  	s0 =	stileid.u32;
	[bflag:$0x2] =	sbarrier.arrive $0xFFFF  }
0xee: {  	p0 =	sne.s32 s0, $0x0;
	s0 =	rddreg [dreg:$0x3]  }
0xef: {  	s0 =	sadd.s32 @!p0 $0x100000, s0  }
0xf0: {  	[sflag:s0] =	ssyncadd.tile.s32 @!p0 $0x1;
	_ =	shalt  }
.Lfunc_end2:
_tile_overlayer_lowered:
.L_overlay_start_2:
0xf1: {  	(tag) =	ssettag $0x2  }
0xf2: {  	s0 =	rddreg [dreg:$0x0];
	s2 =	stileid.u32  }
0xf3: {  	s1 =	rddreg [dreg:$0x1];
	p0 =	sne.s32 s2, $0x0  }
0xf4: {  	s3 =	rddreg [dreg:$0x2];
	[bflag:$0x3] =	sbarrier.arrive $0xFFFF;
	s2 =	simm.s32 @!p0 $0x1C05  }
0xf5: {  	[timem:s3], [sflag:s2] =	dma.local @!p0 [hbm:s0], s1  }
0xf6: {  	s0 =	simm.s32 @!p0 $0x5  }
0xf7: {  	_ =	swait.ge @!p0 [sflag:s0], s1  }
0xf8: {  	s1 =	ssub.s32 @!p0 $0x0, s1;
	[sflag:s0] =	ssyncset.done @!p0 $0x0  }
0xf9: {  	[sflag:s0] =	ssyncadd.s32 @!p0 s1  }
0xfa: {  	[bflag:$0x3] =	sbarrier.arrive $0xFFFF  }
0xfb: {  	_ =	shalt  }

</sc_bundles>
